<compile_context>
chip_gen: v7x
topology: tpu7x:2x2x1
jax: 0.10.2.dev20260603
libtpu: 0.0.44.dev20260713+nightly
codegen_flags: <defaults>
</compile_context>

<pallas_src>
import functools

import jax
import jax.numpy as jnp
from jax import lax
from jax.experimental import pallas as pl
from jax.experimental.pallas import tpu as pltpu
from jax.experimental.pallas import tpu_sc as plsc

B = 1024
DIM = 128
H1 = 256
H2 = 256
N = 10000
E = 160000
EPS = 1e-15

NC = 2
NS = 16
CHUNK = 128
EP = 163840
EC1 = EP // NS
CQ1 = EC1 // CHUNK
NPT = 624

_INTERP = False


def _artanh(z):
    z = jnp.clip(z, -1.0 + 1e-7, 1.0 - 1e-7)
    return 0.5 * jnp.log((1.0 + z) / (1.0 - z))


def _rownorm(sq):
    return jnp.clip(jnp.sqrt(sq), EPS, None)



def _tc1_body(x_ref, w_ref, b_ref, asrc_ref, adst_ref, c_ref, h_ref, als_ref, ald_ref):
    x = x_ref[...]
    c = c_ref[0]
    sc = jnp.sqrt(c)
    n = _rownorm(jnp.sum(x * x, axis=1, keepdims=True))
    maxn = (1.0 - 1e-5) / sc
    p = jnp.where(n > maxn, x / n * maxn, x)
    pn = _rownorm(jnp.sum(p * p, axis=1, keepdims=True))
    xt = _artanh(sc * pn) * p / (sc * pn)
    h = jnp.dot(xt, w_ref[...], preferred_element_type=jnp.float32) + b_ref[...]
    h_ref[...] = h
    als_ref[...] = jnp.sum(h * asrc_ref[...], axis=1, keepdims=True)
    ald_ref[...] = jnp.sum(h * adst_ref[...], axis=1, keepdims=True)


def _tc1(x, W1, b1, a1s, a1d, c_in):
    RB = 400
    grid = (N // RB,)
    return pl.pallas_call(
        _tc1_body,
        grid=grid,
        in_specs=[
            pl.BlockSpec((RB, H1), lambda i: (i, 0)),
            pl.BlockSpec((H1, H2), lambda i: (0, 0)),
            pl.BlockSpec((1, H2), lambda i: (0, 0)),
            pl.BlockSpec((1, H2), lambda i: (0, 0)),
            pl.BlockSpec((1, H2), lambda i: (0, 0)),
            pl.BlockSpec(memory_space=pltpu.SMEM),
        ],
        out_specs=[
            pl.BlockSpec((RB, H2), lambda i: (i, 0)),
            pl.BlockSpec((RB, 1), lambda i: (i, 0)),
            pl.BlockSpec((RB, 1), lambda i: (i, 0)),
        ],
        out_shape=[
            jax.ShapeDtypeStruct((N, H2), jnp.float32),
            jax.ShapeDtypeStruct((N, 1), jnp.float32),
            jax.ShapeDtypeStruct((N, 1), jnp.float32),
        ],
        interpret=_INTERP,
    )(x, W1, b1.reshape(1, H2), a1s.reshape(1, H2), a1d.reshape(1, H2), c_in)



def _tc2_body(q0_ref, q1_ref, q2_ref, q3_ref, ws_ref, w2_ref, b2_ref,
              asrc_ref, adst_ref, cin_ref, cout_ref, h_ref, als_ref, ald_ref):
    w = ws_ref[...] + 1e-16
    qs = [jnp.maximum(q_ref[...] / w, 0.0)
          for q_ref in (q0_ref, q1_ref, q2_ref, q3_ref)]
    co = cout_ref[0]
    sco = jnp.sqrt(co)
    sq = sum(jnp.sum(q * q, axis=1, keepdims=True) for q in qs)
    un = _rownorm(sq)
    gs = jnp.tanh(sco * un) / (sco * un)
    gn = _rownorm(sq * gs * gs)
    maxn_o = (1.0 - 1e-5) / sco
    scale = gs * jnp.where(gn > maxn_o, maxn_o / gn, 1.0)
    gsq = sq * scale * scale
    ci = cin_ref[0]
    sci = jnp.sqrt(ci)
    n = _rownorm(gsq)
    maxn_i = (1.0 - 1e-5) / sci
    pscale = jnp.where(n > maxn_i, maxn_i / n, 1.0)
    pn = _rownorm(gsq * pscale * pscale)
    ls = scale * pscale * (_artanh(sci * pn) / (sci * pn))
    h = b2_ref[...]
    for qi, q in enumerate(qs):
        h = h + jnp.dot(q * ls, w2_ref[qi * FW:(qi + 1) * FW, :],
                        preferred_element_type=jnp.float32)
    h_ref[...] = h
    als_ref[...] = jnp.sum(h * asrc_ref[...], axis=1, keepdims=True)
    ald_ref[...] = jnp.sum(h * adst_ref[...], axis=1, keepdims=True)


def _tc2(agg_slabs, wsum, W2, b2, a2s, a2d, c_in, c_out):
    RB = 400
    grid = (N // RB,)
    nb = N // RB
    return pl.pallas_call(
        _tc2_body,
        grid=grid,
        in_specs=[
            pl.BlockSpec((RB, FW), lambda i: (i, 0)),
            pl.BlockSpec((RB, FW), lambda i: (i + nb, 0)),
            pl.BlockSpec((RB, FW), lambda i: (i + 2 * nb, 0)),
            pl.BlockSpec((RB, FW), lambda i: (i + 3 * nb, 0)),
            pl.BlockSpec((RB, 1), lambda i: (i, 0)),
            pl.BlockSpec((H2, DIM), lambda i: (0, 0)),
            pl.BlockSpec((1, DIM), lambda i: (0, 0)),
            pl.BlockSpec((1, DIM), lambda i: (0, 0)),
            pl.BlockSpec((1, DIM), lambda i: (0, 0)),
            pl.BlockSpec(memory_space=pltpu.SMEM),
            pl.BlockSpec(memory_space=pltpu.SMEM),
        ],
        out_specs=[
            pl.BlockSpec((RB, DIM), lambda i: (i, 0)),
            pl.BlockSpec((RB, 1), lambda i: (i, 0)),
            pl.BlockSpec((RB, 1), lambda i: (i, 0)),
        ],
        out_shape=[
            jax.ShapeDtypeStruct((N, DIM), jnp.float32),
            jax.ShapeDtypeStruct((N, 1), jnp.float32),
            jax.ShapeDtypeStruct((N, 1), jnp.float32),
        ],
        interpret=_INTERP,
    )(agg_slabs, agg_slabs, agg_slabs, agg_slabs, wsum.reshape(N, 1), W2,
      b2.reshape(1, DIM), a2s.reshape(1, DIM), a2d.reshape(1, DIM),
      c_in, c_out)



def _tc3a_body(p0_ref, p1_ref, w_ref, co_ref, h_ref):
    co = co_ref[0]
    sco = jnp.sqrt(co)
    w = w_ref[...] + 1e-16
    r0 = jnp.maximum(p0_ref[...] / w, 0.0)
    r1 = jnp.maximum(p1_ref[...] / w, 0.0)
    sq = (jnp.sum(r0 * r0, axis=1, keepdims=True)
          + jnp.sum(r1 * r1, axis=1, keepdims=True))
    un = _rownorm(sq)
    gs = jnp.tanh(sco * un) / (sco * un)
    gn = _rownorm(sq * gs * gs)
    maxn = (1.0 - 1e-5) / sco
    scale = gs * jnp.where(gn > maxn, maxn / gn, 1.0)
    h_ref[:, 0:FW] = r0 * scale
    h_ref[:, FW:DIM] = r1 * scale


def _tc3a(p_slabs, w, c_out):
    RB = 400
    nb = N // RB
    return pl.pallas_call(
        _tc3a_body,
        grid=(N // RB,),
        in_specs=[
            pl.BlockSpec((RB, FW), lambda k: (k, 0)),
            pl.BlockSpec((RB, FW), lambda k: (k + nb, 0)),
            pl.BlockSpec((RB, 1), lambda k: (k, 0)),
            pl.BlockSpec(memory_space=pltpu.SMEM),
        ],
        out_specs=pl.BlockSpec((RB, DIM), lambda k: (k, 0)),
        out_shape=jax.ShapeDtypeStruct((N, DIM), jnp.float32),
        interpret=_INTERP,
    )(p_slabs, p_slabs, w, c_out)


def _tc3b_body(i_ref, h_ref, u_ref, co_ref, r_ref, t_ref, o_ref):
    co = co_ref[0]
    sco = jnp.sqrt(co)
    maxn = (1.0 - 1e-5) / sco
    ih = jnp.dot(i_ref[...], h_ref[...], preferred_element_type=jnp.float32)
    inorm = _rownorm(jnp.sum(ih * ih, axis=1, keepdims=True))
    ih = jnp.where(inorm > maxn, ih / inorm * maxn, ih)
    u = u_ref[...]
    un2 = _rownorm(jnp.sum(u * u, axis=1, keepdims=True))
    uh = jnp.tanh(sco * un2) / (sco * un2) * u
    uhn = _rownorm(jnp.sum(uh * uh, axis=1, keepdims=True))
    uh = jnp.where(uhn > maxn, uh / uhn * maxn, uh)
    x = -uh
    x2 = jnp.sum(x * x, axis=1, keepdims=True)
    y2 = jnp.sum(ih * ih, axis=1, keepdims=True)
    xy = jnp.sum(x * ih, axis=1, keepdims=True)
    num = (1.0 + 2.0 * co * xy + co * y2) * x + (1.0 - co * x2) * ih
    den = 1.0 + 2.0 * co * xy + (co * co) * x2 * y2
    m = num / jnp.clip(den, EPS, None)
    d = jnp.sqrt(jnp.clip(jnp.sum(m * m, axis=1, keepdims=True), 0.0, None))
    dist = 2.0 / sco * _artanh(sco * d)
    o_ref[...] = 1.0 / (jnp.exp((dist - r_ref[0]) / t_ref[0]) + 1.0)


def _tc3b(i_mat, h2, u_emb, c_out, r, t):
    MB = 256
    return pl.pallas_call(
        _tc3b_body,
        grid=(B // MB,),
        in_specs=[
            pl.BlockSpec((MB, N), lambda m: (m, 0)),
            pl.BlockSpec((N, DIM), lambda m: (0, 0)),
            pl.BlockSpec((MB, DIM), lambda m: (m, 0)),
            pl.BlockSpec(memory_space=pltpu.SMEM),
            pl.BlockSpec(memory_space=pltpu.SMEM),
            pl.BlockSpec(memory_space=pltpu.SMEM),
        ],
        out_specs=pl.BlockSpec((MB, 1), lambda m: (m, 0)),
        out_shape=jax.ShapeDtypeStruct((B, 1), jnp.float32),
        interpret=_INTERP,
    )(i_mat, h2, u_emb, c_out, r, t)



def _mesh():
    return plsc.VectorSubcoreMesh(core_axis_name="c", subcore_axis_name="s",
                                  num_cores=NC, num_subcores=NS)

FW = 64


def _zero_fill(buf, nvec):
    zv = jnp.zeros((16,), jnp.float32)
    rows = buf.shape[-1] // 16 if len(buf.shape) == 2 else 0

    def zb(j, carry):
        if len(buf.shape) == 2:
            buf[j // rows, pl.ds((j % rows) * 16, 16)] = zv
        else:
            buf[pl.ds(j * 16, 16)] = zv
        return carry

    lax.fori_loop(0, nvec, zb, 0)


def _zero_agg(zrows_v, agg_sp, s):
    def zc(kk, carry):
        pltpu.sync_copy(zrows_v, agg_sp.at[pl.ds(s * NPT + kk * 16, 16)])
        return carry

    lax.fori_loop(0, NPT // 16, zc, 0)

    @pl.when(s == NS - 1)
    def _():
        pltpu.sync_copy(zrows_v, agg_sp.at[pl.ds(NS * NPT, 16)])


def _sc_edge(h_slabs, alv, src1d, dst1d, nslab):

    spc = nslab // NC

    @functools.partial(
        pl.kernel,
        out_type=[jax.ShapeDtypeStruct((nslab * N, FW), jnp.float32),
                  jax.ShapeDtypeStruct((NC, N), jnp.float32)],
        mesh=_mesh(),
        compiler_params=pltpu.CompilerParams(use_tc_tiling_on_sc=False),
        scratch_types=[
            pltpu.VMEM((2 * EC1,), jnp.int32),
            pltpu.VMEM((CQ1, CHUNK), jnp.int32),
            pltpu.VMEM((2 * EC1,), jnp.float32),
            pltpu.VMEM((EC1 + 16,), jnp.float32),
            pltpu.VMEM((CQ1, CHUNK), jnp.int32),
            pltpu.VMEM((CHUNK, FW), jnp.float32),
            pltpu.VMEM((16, FW), jnp.float32),
            pltpu.VMEM((2000,), jnp.float32),
            pltpu.VMEM_SHARED((N, FW), jnp.float32),
            pltpu.VMEM_SHARED((N,), jnp.float32),
            pltpu.SemaphoreType.DMA,
            pltpu.SemaphoreType.DMA,
        ],
    )
    def k(h_hbm, al_hbm, src_hbm, dst_hbm, agg_out, ws_out,
          sdx_v, dstq_v, ag_v, w_v, idxq_v, rows_a,
          zrows_v, zw_v, agg_sp, wsum_sp, gs_a, gs_b):
        c = lax.axis_index("c")
        s = lax.axis_index("s")
        eb = s * EC1
        lanes = lax.iota(jnp.int32, 16)
        pltpu.sync_copy(src_hbm.at[pl.ds(eb, EC1)], sdx_v.at[pl.ds(0, EC1)])
        pltpu.sync_copy(dst_hbm.at[pl.ds(eb, EC1)],
                        sdx_v.at[pl.ds(EC1, EC1)])

        def db(j, carry):
            dv = sdx_v[pl.ds(EC1 + j * 16, 16)]
            dstq_v[j // 8, pl.ds((j % 8) * 16, 16)] = dv
            sdx_v[pl.ds(EC1 + j * 16, 16)] = dv + N
            return carry

        lax.fori_loop(0, EC1 // 16, db, 0)
        pltpu.async_copy(al_hbm.at[sdx_v], ag_v, gs_a).wait()

        def wb(j, carry):
            o = j * 16
            av = ag_v[pl.ds(o, 16)] + ag_v[pl.ds(EC1 + o, 16)]
            e = jnp.where(av > 0, av, 0.2 * av)
            w = jnp.exp(e)
            gid = eb + o + lanes
            w_v[pl.ds(o, 16)] = jnp.where(gid < E, w, 0.0)
            return carry

        lax.fori_loop(0, EC1 // 16, wb, 0)
        _zero_fill(zrows_v, 16 * FW // 16)

        @pl.when(s == 0)
        def _():
            _zero_fill(zw_v, 125)

            def zw2(kk, carry):
                pltpu.sync_copy(zw_v, wsum_sp.at[pl.ds(kk * 2000, 2000)])
                return carry

            lax.fori_loop(0, 5, zw2, 0)

        def scale(rows, qbase):
            def erow(e4, carry2):
                for u in range(4):
                    e2 = e4 * 4 + u
                    wsp = jnp.full((16,), w_v[pl.ds(qbase + e2, 16)][0])
                    for f in range(FW // 16):
                        rows[e2, pl.ds(f * 16, 16)] = (
                            rows[e2, pl.ds(f * 16, 16)] * wsp)
                return carry2

            lax.fori_loop(0, CHUNK // 4, erow, 0)

        for kq in range(spc):
            slab = c * spc + kq

            def ib(j, carry):
                o = j * 16
                idxq_v[j // 8, pl.ds((j % 8) * 16, 16)] = (
                    nslab * sdx_v[pl.ds(o, 16)] + slab)
                return carry

            lax.fori_loop(0, EC1 // 16, ib, 0)
            _zero_agg(zrows_v, agg_sp, s)
            plsc.subcore_barrier()

            def rb(q, carry):
                g0 = pltpu.async_copy(h_hbm.at[idxq_v.at[q]], rows_a, gs_a)
                if kq == 0:
                    pltpu.sync_copy(w_v.at[pl.ds(q * CHUNK, CHUNK)],
                                    wsum_sp.at[dstq_v.at[q]], add=True)
                g0.wait()
                scale(rows_a, q * CHUNK)
                pltpu.sync_copy(rows_a, agg_sp.at[dstq_v.at[q]], add=True)
                return carry

            lax.fori_loop(0, CQ1, rb, 0)
            plsc.subcore_barrier()

            pltpu.sync_copy(agg_sp.at[pl.ds(s * NPT, NPT)],
                            agg_out.at[pl.ds(slab * N + s * NPT, NPT)])

            @pl.when(s == NS - 1)
            def _():
                pltpu.sync_copy(agg_sp.at[pl.ds(NS * NPT, 16)],
                                agg_out.at[pl.ds(slab * N + NS * NPT, 16)])

        @pl.when(s == 0)
        def _():
            pltpu.sync_copy(wsum_sp, ws_out.at[c])

    return k(h_slabs, alv, src1d, dst1d)


def _sc_ugather(table, idx):
    bpw = B // (NC * NS)

    @functools.partial(
        pl.kernel,
        out_type=jax.ShapeDtypeStruct((B, DIM), jnp.float32),
        mesh=_mesh(),
        scratch_types=[
            pltpu.VMEM((bpw,), jnp.int32),
            pltpu.VMEM((bpw, DIM), jnp.float32),
            pltpu.SemaphoreType.DMA,
        ],
    )
    def k(table_hbm, idx_hbm, out_hbm, idx_v, rows_v, sem):
        wid = lax.axis_index("s") * NC + lax.axis_index("c")
        base = wid * bpw
        pltpu.sync_copy(idx_hbm.at[pl.ds(base, bpw)], idx_v)
        pltpu.async_copy(table_hbm.at[idx_v], rows_v, sem).wait()
        pltpu.sync_copy(rows_v, out_hbm.at[pl.ds(base, bpw)])

    return k(table, idx)


def kernel(u, i, graph_x, edge_index, user_emb, item_emb, W1, a1_src, a1_dst,
           b1, W2, a2_src, a2_dst, b2, c_in, c_out, r, t):
    src = edge_index[0].astype(jnp.int32)
    dst = edge_index[1].astype(jnp.int32)
    srcp = jnp.pad(src, (0, EP - E))
    dstp = jnp.pad(dst, (0, EP - E))
    x0 = jnp.take(item_emb, graph_x, axis=0)

    h1, al1s, al1d = _tc1(x0, W1, b1, a1_src, a1_dst, c_in)
    al1 = jnp.concatenate([al1s, al1d]).reshape(2 * N)
    agg1, ws1 = _sc_edge(h1.reshape(4 * N, FW), al1, srcp, dstp, 4)
    h2, al2s, al2d = _tc2(agg1, ws1[0], W2, b2, a2_src, a2_dst, c_in, c_out)
    al2 = jnp.concatenate([al2s, al2d]).reshape(2 * N)
    agg2, ws2 = _sc_edge(h2.reshape(2 * N, FW), al2, srcp, dstp, 2)
    u_emb = _sc_ugather(user_emb, u.astype(jnp.int32))
    h2f = _tc3a(agg2, ws2[0].reshape(N, 1), c_out)
    out = _tc3b(i, h2f, u_emb, c_out, r, t)
    return out[:, 0]

# --- scband reference (transcript-rebuilt; emitter-appended) ---
"""Pipeline reference for scband-hgatmodel-59974923321569 (READ-ONLY COPY).

The authoritative reference and input builder live on the scoring server;
editing this copy changes nothing except your own understanding.
"""

import jax, jax.numpy as jnp
import numpy as np

B = 1024
DIM = 128
H1 = 256
H2 = 256
U_NODES = 100000
I_NODES = 10000
N_EDGES = 160000
EPS = 1e-15


def artanh(x):
    return jnp.arctanh(jnp.clip(x, -1.0 + 1e-7, 1.0 - 1e-7))


def proj(x, c):
    norm = jnp.clip(jnp.linalg.norm(x, axis=-1, keepdims=True), EPS, None)
    maxnorm = (1.0 - 1e-5) / jnp.sqrt(c)
    return jnp.where(norm > maxnorm, x / norm * maxnorm, x)


def expmap0(u, c):
    sqrt_c = jnp.sqrt(c)
    norm = jnp.clip(jnp.linalg.norm(u, axis=-1, keepdims=True), EPS, None)
    gamma = jnp.tanh(sqrt_c * norm) * u / (sqrt_c * norm)
    return proj(gamma, c)


def logmap0(p, c):
    p = proj(p, c)
    sqrt_c = jnp.sqrt(c)
    norm = jnp.clip(jnp.linalg.norm(p, axis=-1, keepdims=True), EPS, None)
    return artanh(sqrt_c * norm) * p / (sqrt_c * norm)


def mobius_add(x, y, c):
    x2 = jnp.sum(x * x, axis=-1, keepdims=True)
    y2 = jnp.sum(y * y, axis=-1, keepdims=True)
    xy = jnp.sum(x * y, axis=-1, keepdims=True)
    num = (1.0 + 2.0 * c * xy + c * y2) * x + (1.0 - c * x2) * y
    denom = 1.0 + 2.0 * c * xy + (c ** 2) * x2 * y2
    return num / jnp.clip(denom, EPS, None)


def pdist(x, y, c):
    sqrt_c = jnp.sqrt(c)
    d = jnp.linalg.norm(mobius_add(-x, y, c), axis=-1)
    return 2.0 / sqrt_c * artanh(sqrt_c * d)


def hgat_layer(x, src, dst, W, a_src, a_dst, b, c_in, c_out, n_nodes):
    xt = logmap0(x, c_in)
    h = jnp.dot(xt, W) + b
    alpha_src = jnp.dot(h, a_src)
    alpha_dst = jnp.dot(h, a_dst)
    e = jax.nn.leaky_relu(alpha_src[src] + alpha_dst[dst], negative_slope=0.2)
    e_max = jax.ops.segment_max(e, dst, num_segments=n_nodes)
    e_max = jnp.where(jnp.isfinite(e_max), e_max, 0.0)
    ee = jnp.exp(e - e_max[dst])
    denom = jax.ops.segment_sum(ee, dst, num_segments=n_nodes)
    attn = ee / (denom[dst] + 1e-16)
    agg = jax.ops.segment_sum(attn[:, None] * h[src], dst, num_segments=n_nodes)
    return expmap0(jax.nn.relu(agg), c_out)


def setup_inputs(seed: int = 0):
    key = jax.random.key(seed)
    ks = jax.random.split(key, 12)
    u = jax.random.randint(ks[0], (B,), 0, U_NODES)
    graph_x = jnp.arange(I_NODES)
    edge_index = jax.random.randint(ks[1], (2, N_EDGES), 0, I_NODES)
    i = jax.random.uniform(ks[2], (B, I_NODES), dtype=jnp.float32) / I_NODES
    user_emb = 0.05 * jax.random.normal(ks[3], (U_NODES, DIM), dtype=jnp.float32)
    item_emb = 0.05 * jax.random.normal(ks[4], (I_NODES, H1), dtype=jnp.float32)
    W1 = jax.random.normal(ks[5], (H1, H2), dtype=jnp.float32) / np.sqrt(H1)
    a1_src = 0.1 * jax.random.normal(ks[6], (H2,), dtype=jnp.float32)
    a1_dst = 0.1 * jax.random.normal(ks[7], (H2,), dtype=jnp.float32)
    b1 = jnp.zeros((H2,), dtype=jnp.float32)
    W2 = jax.random.normal(ks[8], (H2, DIM), dtype=jnp.float32) / np.sqrt(H2)
    a2_src = 0.1 * jax.random.normal(ks[9], (DIM,), dtype=jnp.float32)
    a2_dst = 0.1 * jax.random.normal(ks[10], (DIM,), dtype=jnp.float32)
    b2 = jnp.zeros((DIM,), dtype=jnp.float32)
    c_in = jnp.array([1.0], dtype=jnp.float32)
    c_out = jnp.array([1.0], dtype=jnp.float32)
    r = jnp.array([2.0], dtype=jnp.float32)
    t = jnp.array([1.0], dtype=jnp.float32)
    return {"u": u, "i": i, "graph_x": graph_x, "edge_index": edge_index,
            "user_emb": user_emb, "item_emb": item_emb,
            "W1": W1, "a1_src": a1_src, "a1_dst": a1_dst, "b1": b1,
            "W2": W2, "a2_src": a2_src, "a2_dst": a2_dst, "b2": b2,
            "c_in": c_in, "c_out": c_out, "r": r, "t": t}


def reference(u, i, graph_x, edge_index, user_emb, item_emb, W1, a1_src, a1_dst, b1,
              W2, a2_src, a2_dst, b2, c_in, c_out, r, t):
    src = edge_index[0]
    dst = edge_index[1]
    u_embedding = user_emb[u]
    x0 = item_emb[graph_x]
    h1 = hgat_layer(x0, src, dst, W1, a1_src, a1_dst, b1, c_in, c_out, I_NODES)
    h2 = hgat_layer(h1, src, dst, W2, a2_src, a2_dst, b2, c_in, c_out, I_NODES)
    i_embedding = jnp.squeeze(jnp.matmul(i, h2))
    u_h = expmap0(u_embedding, c_out)
    i_h = proj(i_embedding, c_out)
    d = pdist(u_h, i_h, c_out)
    out = 1.0 / (jnp.exp((d - r) / t) + 1.0)
    return out

if __name__ == "__main__":
    import jax
    _d = setup_inputs()
    print(jax.jit(kernel)(*tuple(_d.values())))

</pallas_src>

<mosaic_0001>
#map = affine_map<(d0, d1) -> (0, 0)>
#map1 = affine_map<(d0, d1) -> (0)>
module attributes {stable_mosaic.version = 14 : i64} {
  func.func @k(%arg0: i32, %arg1: i32, %arg2: memref<20000x64xf32, #tpu.memory_space<hbm>>, %arg3: memref<20000xf32, #tpu.memory_space<hbm>>, %arg4: memref<163840xi32, #tpu.memory_space<hbm>>, %arg5: memref<163840xi32, #tpu.memory_space<hbm>>, %arg6: memref<20000x64xf32, #tpu.memory_space<hbm>>, %arg7: memref<2x10000xf32, #tpu.memory_space<hbm>>, %arg8: memref<20480xi32, #tpu.memory_space<vmem>>, %arg9: memref<80x128xi32, #tpu.memory_space<vmem>>, %arg10: memref<20480xf32, #tpu.memory_space<vmem>>, %arg11: memref<10256xf32, #tpu.memory_space<vmem>>, %arg12: memref<80x128xi32, #tpu.memory_space<vmem>>, %arg13: memref<128x64xf32, #tpu.memory_space<vmem>>, %arg14: memref<16x64xf32, #tpu.memory_space<vmem>>, %arg15: memref<2000xf32, #tpu.memory_space<vmem>>, %arg16: memref<10000x64xf32, #tpu.memory_space<vmem_shared>>, %arg17: memref<10000xf32, #tpu.memory_space<vmem_shared>>, %arg18: memref<!tpu.dma_semaphore, #tpu.memory_space<semaphore_mem>>, %arg19: memref<!tpu.dma_semaphore, #tpu.memory_space<semaphore_mem>>) attributes {dimension_semantics = [#tpu.dimension_semantics<core_parallel>, #tpu.dimension_semantics<subcore_parallel>], iteration_bounds = array<i64: 2, 16>, scalar_prefetch = 0 : i64, scratch_operands = 12 : i64, tpu.core_type = #tpu.core_type<sc_vector_subcore>, window_params = [{transform_indices = #map}, {transform_indices = #map1}, {transform_indices = #map1}, {transform_indices = #map1}, {transform_indices = #map}, {transform_indices = #map}]} {
    %mul3A = arith.constant 10240 : i32
    %mul3A_0 = arith.muli %arg1, %mul3A : i32
    %iota3A = tpu.iota {dimensions = array<i32: 0>} : vector<16xi32>
    "tpu.region"() ({
      %run_scoped3A = tpu.sem_alloc : memref<!tpu.dma_semaphore, #tpu.memory_space<semaphore_mem>>
      %dma_start3A_67 = arith.constant 0 : i32
      %dma_start3A_68 = tpu.memref_slice %arg8[%dma_start3A_67] : memref<20480xi32, #tpu.memory_space<vmem>> -> memref<10240xi32, #tpu.memory_space<vmem>>
      %dma_start3A_69 = tpu.memref_slice %arg4[%mul3A_0] : memref<163840xi32, #tpu.memory_space<hbm>> -> memref<10240xi32, #tpu.memory_space<hbm>>
      %dma_start3A_70 = arith.constant 0 : i32
      %dma_start3A_71 = tpu.memref_slice %arg8[%dma_start3A_70] : memref<20480xi32, #tpu.memory_space<vmem>> -> memref<10240xi32, #tpu.memory_space<vmem>>
      %dma_start3A_72 = tpu.memref_slice %arg4[%mul3A_0] : memref<163840xi32, #tpu.memory_space<hbm>> -> memref<10240xi32, #tpu.memory_space<hbm>>
      tpu.enqueue_dma source(%dma_start3A_72 : memref<10240xi32, #tpu.memory_space<hbm>>) target(%dma_start3A_71 : memref<10240xi32, #tpu.memory_space<vmem>>) target_semaphore(%run_scoped3A : memref<!tpu.dma_semaphore, #tpu.memory_space<semaphore_mem>>)
      %dma_wait3A_73 = arith.constant 0 : i32
      %dma_wait3A_74 = tpu.memref_slice %arg8[%dma_wait3A_73] : memref<20480xi32, #tpu.memory_space<vmem>> -> memref<10240xi32, #tpu.memory_space<vmem>>
      %dma_wait3A_75 = tpu.memref_slice %arg4[%mul3A_0] : memref<163840xi32, #tpu.memory_space<hbm>> -> memref<10240xi32, #tpu.memory_space<hbm>>
      %dma_wait3A_76 = arith.constant 0 : i32
      %dma_wait3A_77 = tpu.memref_slice %arg8[%dma_wait3A_76] : memref<20480xi32, #tpu.memory_space<vmem>> -> memref<10240xi32, #tpu.memory_space<vmem>>
      %dma_wait3A_78 = tpu.memref_slice %arg4[%mul3A_0] : memref<163840xi32, #tpu.memory_space<hbm>> -> memref<10240xi32, #tpu.memory_space<hbm>>
      tpu.wait_dma2 semaphore(%run_scoped3A : memref<!tpu.dma_semaphore, #tpu.memory_space<semaphore_mem>>) src(%dma_wait3A_78 : memref<10240xi32, #tpu.memory_space<hbm>>) dst(%dma_wait3A_77 : memref<10240xi32, #tpu.memory_space<vmem>>)
      tpu.yield
    }) : () -> ()
    "tpu.region"() ({
      %run_scoped3A = tpu.sem_alloc : memref<!tpu.dma_semaphore, #tpu.memory_space<semaphore_mem>>
      %dma_start3A_67 = arith.constant 10240 : i32
      %dma_start3A_68 = tpu.memref_slice %arg8[%dma_start3A_67] : memref<20480xi32, #tpu.memory_space<vmem>> -> memref<10240xi32, #tpu.memory_space<vmem>>
      %dma_start3A_69 = tpu.memref_slice %arg5[%mul3A_0] : memref<163840xi32, #tpu.memory_space<hbm>> -> memref<10240xi32, #tpu.memory_space<hbm>>
      %dma_start3A_70 = arith.constant 10240 : i32
      %dma_start3A_71 = tpu.memref_slice %arg8[%dma_start3A_70] : memref<20480xi32, #tpu.memory_space<vmem>> -> memref<10240xi32, #tpu.memory_space<vmem>>
      %dma_start3A_72 = tpu.memref_slice %arg5[%mul3A_0] : memref<163840xi32, #tpu.memory_space<hbm>> -> memref<10240xi32, #tpu.memory_space<hbm>>
      tpu.enqueue_dma source(%dma_start3A_72 : memref<10240xi32, #tpu.memory_space<hbm>>) target(%dma_start3A_71 : memref<10240xi32, #tpu.memory_space<vmem>>) target_semaphore(%run_scoped3A : memref<!tpu.dma_semaphore, #tpu.memory_space<semaphore_mem>>)
      %dma_wait3A_73 = arith.constant 10240 : i32
      %dma_wait3A_74 = tpu.memref_slice %arg8[%dma_wait3A_73] : memref<20480xi32, #tpu.memory_space<vmem>> -> memref<10240xi32, #tpu.memory_space<vmem>>
      %dma_wait3A_75 = tpu.memref_slice %arg5[%mul3A_0] : memref<163840xi32, #tpu.memory_space<hbm>> -> memref<10240xi32, #tpu.memory_space<hbm>>
      %dma_wait3A_76 = arith.constant 10240 : i32
      %dma_wait3A_77 = tpu.memref_slice %arg8[%dma_wait3A_76] : memref<20480xi32, #tpu.memory_space<vmem>> -> memref<10240xi32, #tpu.memory_space<vmem>>
      %dma_wait3A_78 = tpu.memref_slice %arg5[%mul3A_0] : memref<163840xi32, #tpu.memory_space<hbm>> -> memref<10240xi32, #tpu.memory_space<hbm>>
      tpu.wait_dma2 semaphore(%run_scoped3A : memref<!tpu.dma_semaphore, #tpu.memory_space<semaphore_mem>>) src(%dma_wait3A_78 : memref<10240xi32, #tpu.memory_space<hbm>>) dst(%dma_wait3A_77 : memref<10240xi32, #tpu.memory_space<vmem>>)
      tpu.yield
    }) : () -> ()
    %scan3A = arith.constant 0 : i32
    %scan3A_1 = arith.constant 0 : i32
    %scan3A_2 = arith.constant 640 : i32
    %scan3A_3 = arith.addi %scan3A_1, %scan3A_2 : i32
    %scan3A_4 = arith.constant 1 : i32
    scf.for %scan3A_67 = %scan3A_1 to %scan3A_3 step %scan3A_4  : i32 {
      %mul3A_68 = arith.constant 16 : i32
      %mul3A_69 = arith.muli %scan3A_67, %mul3A_68 : i32
      %add3A_70 = arith.constant 10240 : i32
      %add3A_71 = arith.addi %add3A_70, %mul3A_69 : i32
      %get3A = arith.index_cast %add3A_71 : i32 to index
      %get3A_72 = tpu.vector_load %arg8[%get3A] {strides = array<i32>} : memref<20480xi32, #tpu.memory_space<vmem>>, vector<16xi32>,
      %get3A_73 = vector.shape_cast %get3A_72 : vector<16xi32> to vector<16xi32>
      %jit3A = arith.constant 8 : i32
      %div3A = arith.divsi %scan3A_67, %jit3A : i32
      %sign3A = arith.constant 0 : i32
      %sign3A_74 = arith.cmpi sgt, %scan3A_67, %sign3A : i32
      %sign3A_75 = arith.extui %sign3A_74 : i1 to i32
      %sign3A_76 = arith.constant 0 : i32
      %sign3A_77 = arith.cmpi slt, %scan3A_67, %sign3A_76 : i32
      %sign3A_78 = arith.extui %sign3A_77 : i1 to i32
      %sign3A_79 = arith.subi %sign3A_75, %sign3A_78 : i32
      %sign3A_80 = arith.constant 0 : i32
      %sign3A_81 = arith.cmpi sgt, %jit3A, %sign3A_80 : i32
      %sign3A_82 = arith.extui %sign3A_81 : i1 to i32
      %sign3A_83 = arith.constant 0 : i32
      %sign3A_84 = arith.cmpi slt, %jit3A, %sign3A_83 : i32
      %sign3A_85 = arith.extui %sign3A_84 : i1 to i32
      %sign3A_86 = arith.subi %sign3A_82, %sign3A_85 : i32
      %ne3A = arith.cmpi ne, %sign3A_79, %sign3A_86 : i32
      %rem3A = arith.remsi %scan3A_67, %jit3A : i32
      %ne3A_87 = arith.constant 0 : i32
      %ne3A_88 = arith.cmpi ne, %rem3A, %ne3A_87 : i32
      %and3A = arith.andi %ne3A, %ne3A_88 : i1
      %sub3A = arith.constant 1 : i32
      %sub3A_89 = arith.subi %div3A, %sub3A : i32
      %select_n3A = arith.select %and3A, %sub3A_89, %div3A : i32
      %jit3A_90 = arith.constant 8 : i32
      %eq3A_91 = arith.constant 0 : i32
      %eq3A_92 = arith.cmpi eq, %jit3A_90, %eq3A_91 : i32
      %jit3A_93 = arith.constant 1 : i32
      %select_n3A_94 = arith.select %eq3A_92, %jit3A_93, %jit3A_90 : i32
      %rem3A_95 = arith.remsi %scan3A_67, %select_n3A_94 : i32
      %ne3A_96 = arith.constant 0 : i32
      %ne3A_97 = arith.cmpi ne, %rem3A_95, %ne3A_96 : i32
      %lt3A = arith.constant 0 : i32
      %lt3A_98 = arith.cmpi slt, %rem3A_95, %lt3A : i32
      %lt3A_99 = arith.constant 0 : i32
      %lt3A_100 = arith.cmpi slt, %select_n3A_94, %lt3A_99 : i32
      %ne3A_101 = arith.xori %lt3A_98, %lt3A_100 : i1
      %and3A_102 = arith.andi %ne3A_101, %ne3A_97 : i1
      %add3A_103 = arith.addi %rem3A_95, %select_n3A_94 : i32
      %select_n3A_104 = arith.select %and3A_102, %add3A_103, %rem3A_95 : i32
      %mul3A_105 = arith.constant 16 : i32
      %mul3A_106 = arith.muli %select_n3A_104, %mul3A_105 : i32
      %swap3A = arith.index_cast %select_n3A : i32 to index
      %swap3A_107 = arith.index_cast %mul3A_106 : i32 to index
      %swap3A_108 = tpu.vector_load %arg9[%swap3A, %swap3A_107] {strides = array<i32>} : memref<80x128xi32, #tpu.memory_space<vmem>>, vector<1x16xi32>,
      %swap3A_109 = vector.shape_cast %swap3A_108 : vector<1x16xi32> to vector<16xi32>
      %swap3A_110 = vector.shape_cast %get3A_73 : vector<16xi32> to vector<1x16xi32>
      tpu.vector_store %arg9[%swap3A, %swap3A_107], %swap3A_110 {strides = array<i32>} : memref<80x128xi32, #tpu.memory_space<vmem>>, vector<1x16xi32>,
      %add3A_111 = arith.constant 10000 : i32
      %add3A_112 = vector.broadcast %add3A_111 : i32 to vector<16xi32>
      %add3A_113 = arith.addi %get3A_73, %add3A_112 : vector<16xi32>
      %mul3A_114 = arith.constant 16 : i32
      %mul3A_115 = arith.muli %scan3A_67, %mul3A_114 : i32
      %add3A_116 = arith.constant 10240 : i32
      %add3A_117 = arith.addi %add3A_116, %mul3A_115 : i32
      %swap3A_118 = arith.index_cast %add3A_117 : i32 to index
      %swap3A_119 = tpu.vector_load %arg8[%swap3A_118] {strides = array<i32>} : memref<20480xi32, #tpu.memory_space<vmem>>, vector<16xi32>,
      %swap3A_120 = vector.shape_cast %swap3A_119 : vector<16xi32> to vector<16xi32>
      %swap3A_121 = vector.shape_cast %add3A_113 : vector<16xi32> to vector<16xi32>
      tpu.vector_store %arg8[%swap3A_118], %swap3A_121 {strides = array<i32>} : memref<20480xi32, #tpu.memory_space<vmem>>, vector<16xi32>,
    }
    %scan3A_5 = arith.constant 640 : i32
    %dma_start3A = arith.constant 0 : i32
    %dma_start3A_6 = tpu.memref_slice %arg3[%dma_start3A] : memref<20000xf32, #tpu.memory_space<hbm>> -> memref<20000xf32, #tpu.memory_space<hbm>>
    tpu.enqueue_indirect_dma source(%dma_start3A_6 : memref<20000xf32, #tpu.memory_space<hbm>>) target(%arg10 : memref<20480xf32, #tpu.memory_space<vmem>>) offsets(%arg8 : memref<20480xi32, #tpu.memory_space<vmem>>) semaphore(%arg18 : memref<!tpu.dma_semaphore, #tpu.memory_space<semaphore_mem>>)
    %dma_wait3A = arith.constant 0 : i32
    %dma_wait3A_7 = tpu.memref_slice %arg3[%dma_wait3A] : memref<20000xf32, #tpu.memory_space<hbm>> -> memref<20000xf32, #tpu.memory_space<hbm>>
    tpu.wait_indirect_dma semaphore(%arg18 : memref<!tpu.dma_semaphore, #tpu.memory_space<semaphore_mem>>) src(%dma_wait3A_7 : memref<20000xf32, #tpu.memory_space<hbm>>) dst(%arg10 : memref<20480xf32, #tpu.memory_space<vmem>>)
    %scan3A_8 = arith.constant 0 : i32
    %scan3A_9 = arith.constant 0 : i32
    %scan3A_10 = arith.constant 640 : i32
    %scan3A_11 = arith.addi %scan3A_9, %scan3A_10 : i32
    %scan3A_12 = arith.constant 1 : i32
    scf.for %scan3A_67 = %scan3A_9 to %scan3A_11 step %scan3A_12  : i32 {
      %mul3A_68 = arith.constant 16 : i32
      %mul3A_69 = arith.muli %scan3A_67, %mul3A_68 : i32
      %get3A = arith.index_cast %mul3A_69 : i32 to index
      %get3A_70 = tpu.vector_load %arg10[%get3A] {strides = array<i32>} : memref<20480xf32, #tpu.memory_space<vmem>>, vector<16xf32>,
      %get3A_71 = vector.shape_cast %get3A_70 : vector<16xf32> to vector<16xf32>
      %add3A_72 = arith.constant 10240 : i32
      %add3A_73 = arith.addi %add3A_72, %mul3A_69 : i32
      %get3A_74 = arith.index_cast %add3A_73 : i32 to index
      %get3A_75 = tpu.vector_load %arg10[%get3A_74] {strides = array<i32>} : memref<20480xf32, #tpu.memory_space<vmem>>, vector<16xf32>,
      %get3A_76 = vector.shape_cast %get3A_75 : vector<16xf32> to vector<16xf32>
      %add3A_77 = arith.addf %get3A_71, %get3A_76 : vector<16xf32>
      %gt3A = arith.constant 0.000000e+00 : f32
      %gt3A_78 = vector.broadcast %gt3A : f32 to vector<16xf32>
      %gt3A_79 = arith.cmpf ogt, %add3A_77, %gt3A_78 : vector<16xf32>
      %mul3A_80 = arith.constant 2.000000e-01 : f32
      %mul3A_81 = vector.broadcast %mul3A_80 : f32 to vector<16xf32>
      %mul3A_82 = arith.mulf %mul3A_81, %add3A_77 : vector<16xf32>
      %select_n3A = arith.select %gt3A_79, %add3A_77, %mul3A_82 : vector<16xi1>, vector<16xf32>
      %exp3A = math.exp %select_n3A : vector<16xf32>
      %add3A_83 = arith.addi %mul3A_0, %mul3A_69 : i32
      %add3A_84 = vector.broadcast %add3A_83 : i32 to vector<16xi32>
      %add3A_85 = arith.addi %add3A_84, %iota3A : vector<16xi32>
      %lt3A = arith.constant 160000 : i32
      %lt3A_86 = vector.broadcast %lt3A : i32 to vector<16xi32>
      %lt3A_87 = arith.cmpi slt, %add3A_85, %lt3A_86 : vector<16xi32>
      %jit3A = arith.constant 0.000000e+00 : f32
      %broadcast_in_dim3A_88 = vector.broadcast %jit3A : f32 to vector<16xf32>
      %select_n3A_89 = arith.select %lt3A_87, %exp3A, %broadcast_in_dim3A_88 : vector<16xi1>, vector<16xf32>
      %swap3A = arith.index_cast %mul3A_69 : i32 to index
      %swap3A_90 = tpu.vector_load %arg11[%swap3A] {strides = array<i32>} : memref<10256xf32, #tpu.memory_space<vmem>>, vector<16xf32>,
      %swap3A_91 = vector.shape_cast %swap3A_90 : vector<16xf32> to vector<16xf32>
      %swap3A_92 = vector.shape_cast %select_n3A_89 : vector<16xf32> to vector<16xf32>
      tpu.vector_store %arg11[%swap3A], %swap3A_92 {strides = array<i32>} : memref<10256xf32, #tpu.memory_space<vmem>>, vector<16xf32>,
    }
    %scan3A_13 = arith.constant 640 : i32
    %broadcast_in_dim3A = arith.constant 0.000000e+00 : f32
    %broadcast_in_dim3A_14 = vector.broadcast %broadcast_in_dim3A : f32 to vector<16xf32>
    %scan3A_15 = arith.constant 0 : i32
    %scan3A_16 = arith.constant 0 : i32
    %scan3A_17 = arith.constant 64 : i32
    %scan3A_18 = arith.addi %scan3A_16, %scan3A_17 : i32
    %scan3A_19 = arith.constant 1 : i32
    scf.for %scan3A_67 = %scan3A_16 to %scan3A_18 step %scan3A_19  : i32 {
      %jit3A = arith.constant 4 : i32
      %div3A = arith.divsi %scan3A_67, %jit3A : i32
      %sign3A = arith.constant 0 : i32
      %sign3A_68 = arith.cmpi sgt, %scan3A_67, %sign3A : i32
      %sign3A_69 = arith.extui %sign3A_68 : i1 to i32
      %sign3A_70 = arith.constant 0 : i32
      %sign3A_71 = arith.cmpi slt, %scan3A_67, %sign3A_70 : i32
      %sign3A_72 = arith.extui %sign3A_71 : i1 to i32
      %sign3A_73 = arith.subi %sign3A_69, %sign3A_72 : i32
      %sign3A_74 = arith.constant 0 : i32
      %sign3A_75 = arith.cmpi sgt, %jit3A, %sign3A_74 : i32
      %sign3A_76 = arith.extui %sign3A_75 : i1 to i32
      %sign3A_77 = arith.constant 0 : i32
      %sign3A_78 = arith.cmpi slt, %jit3A, %sign3A_77 : i32
      %sign3A_79 = arith.extui %sign3A_78 : i1 to i32
      %sign3A_80 = arith.subi %sign3A_76, %sign3A_79 : i32
      %ne3A = arith.cmpi ne, %sign3A_73, %sign3A_80 : i32
      %rem3A = arith.remsi %scan3A_67, %jit3A : i32
      %ne3A_81 = arith.constant 0 : i32
      %ne3A_82 = arith.cmpi ne, %rem3A, %ne3A_81 : i32
      %and3A = arith.andi %ne3A, %ne3A_82 : i1
      %sub3A = arith.constant 1 : i32
      %sub3A_83 = arith.subi %div3A, %sub3A : i32
      %select_n3A = arith.select %and3A, %sub3A_83, %div3A : i32
      %jit3A_84 = arith.constant 4 : i32
      %eq3A_85 = arith.constant 0 : i32
      %eq3A_86 = arith.cmpi eq, %jit3A_84, %eq3A_85 : i32
      %jit3A_87 = arith.constant 1 : i32
      %select_n3A_88 = arith.select %eq3A_86, %jit3A_87, %jit3A_84 : i32
      %rem3A_89 = arith.remsi %scan3A_67, %select_n3A_88 : i32
      %ne3A_90 = arith.constant 0 : i32
      %ne3A_91 = arith.cmpi ne, %rem3A_89, %ne3A_90 : i32
      %lt3A = arith.constant 0 : i32
      %lt3A_92 = arith.cmpi slt, %rem3A_89, %lt3A : i32
      %lt3A_93 = arith.constant 0 : i32
      %lt3A_94 = arith.cmpi slt, %select_n3A_88, %lt3A_93 : i32
      %ne3A_95 = arith.xori %lt3A_92, %lt3A_94 : i1
      %and3A_96 = arith.andi %ne3A_95, %ne3A_91 : i1
      %add3A_97 = arith.addi %rem3A_89, %select_n3A_88 : i32
      %select_n3A_98 = arith.select %and3A_96, %add3A_97, %rem3A_89 : i32
      %mul3A_99 = arith.constant 16 : i32
      %mul3A_100 = arith.muli %select_n3A_98, %mul3A_99 : i32
      %swap3A = arith.index_cast %select_n3A : i32 to index
      %swap3A_101 = arith.index_cast %mul3A_100 : i32 to index
      %swap3A_102 = tpu.vector_load %arg14[%swap3A, %swap3A_101] {strides = array<i32>} : memref<16x64xf32, #tpu.memory_space<vmem>>, vector<1x16xf32>,
      %swap3A_103 = vector.shape_cast %swap3A_102 : vector<1x16xf32> to vector<16xf32>
      %swap3A_104 = vector.shape_cast %broadcast_in_dim3A_14 : vector<16xf32> to vector<1x16xf32>
      tpu.vector_store %arg14[%swap3A, %swap3A_101], %swap3A_104 {strides = array<i32>} : memref<16x64xf32, #tpu.memory_space<vmem>>, vector<1x16xf32>,
    }
    %scan3A_20 = arith.constant 64 : i32
    %eq3A = arith.constant 0 : i32
    %eq3A_21 = arith.cmpi eq, %arg1, %eq3A : i32
    %convert_element_type3A = arith.extui %eq3A_21 : i1 to i32
    %cond3A = arith.constant 0 : i32
    %cond3A_22 = arith.cmpi ne, %convert_element_type3A, %cond3A : i32
    scf.if %cond3A_22 {
      %broadcast_in_dim3A_67 = arith.constant 0.000000e+00 : f32
      %broadcast_in_dim3A_68 = vector.broadcast %broadcast_in_dim3A_67 : f32 to vector<16xf32>
      %scan3A_69 = arith.constant 0 : i32
      %scan3A_70 = arith.constant 0 : i32
      %scan3A_71 = arith.constant 125 : i32
      %scan3A_72 = arith.addi %scan3A_70, %scan3A_71 : i32
      %scan3A_73 = arith.constant 1 : i32
      scf.for %scan3A_81 = %scan3A_70 to %scan3A_72 step %scan3A_73  : i32 {
        %mul3A_82 = arith.constant 16 : i32
        %mul3A_83 = arith.muli %scan3A_81, %mul3A_82 : i32
        %swap3A = arith.index_cast %mul3A_83 : i32 to index
        %swap3A_84 = tpu.vector_load %arg15[%swap3A] {strides = array<i32>} : memref<2000xf32, #tpu.memory_space<vmem>>, vector<16xf32>,
        %swap3A_85 = vector.shape_cast %swap3A_84 : vector<16xf32> to vector<16xf32>
        %swap3A_86 = vector.shape_cast %broadcast_in_dim3A_68 : vector<16xf32> to vector<16xf32>
        tpu.vector_store %arg15[%swap3A], %swap3A_86 {strides = array<i32>} : memref<2000xf32, #tpu.memory_space<vmem>>, vector<16xf32>,
      }
      %scan3A_74 = arith.constant 125 : i32
      %scan3A_75 = arith.constant 0 : i32
      %scan3A_76 = arith.constant 0 : i32
      %scan3A_77 = arith.constant 5 : i32
      %scan3A_78 = arith.addi %scan3A_76, %scan3A_77 : i32
      %scan3A_79 = arith.constant 1 : i32
      scf.for %scan3A_81 = %scan3A_76 to %scan3A_78 step %scan3A_79  : i32 {
        %mul3A_82 = arith.constant 2000 : i32
        %mul3A_83 = arith.muli %scan3A_81, %mul3A_82 : i32
        "tpu.region"() ({
          %run_scoped3A = tpu.sem_alloc : memref<!tpu.dma_semaphore, #tpu.memory_space<semaphore_mem>>
          %dma_start3A_84 = tpu.memref_slice %arg17[%mul3A_83] : memref<10000xf32, #tpu.memory_space<vmem_shared>> -> memref<2000xf32, #tpu.memory_space<vmem_shared>>
          %dma_start3A_85 = tpu.memref_slice %arg17[%mul3A_83] : memref<10000xf32, #tpu.memory_space<vmem_shared>> -> memref<2000xf32, #tpu.memory_space<vmem_shared>>
          tpu.enqueue_dma source(%arg15 : memref<2000xf32, #tpu.memory_space<vmem>>) target(%dma_start3A_85 : memref<2000xf32, #tpu.memory_space<vmem_shared>>) target_semaphore(%run_scoped3A : memref<!tpu.dma_semaphore, #tpu.memory_space<semaphore_mem>>)
          %dma_wait3A_86 = tpu.memref_slice %arg17[%mul3A_83] : memref<10000xf32, #tpu.memory_space<vmem_shared>> -> memref<2000xf32, #tpu.memory_space<vmem_shared>>
          %dma_wait3A_87 = tpu.memref_slice %arg17[%mul3A_83] : memref<10000xf32, #tpu.memory_space<vmem_shared>> -> memref<2000xf32, #tpu.memory_space<vmem_shared>>
          tpu.wait_dma2 semaphore(%run_scoped3A : memref<!tpu.dma_semaphore, #tpu.memory_space<semaphore_mem>>) src(%arg15 : memref<2000xf32, #tpu.memory_space<vmem>>) dst(%dma_wait3A_87 : memref<2000xf32, #tpu.memory_space<vmem_shared>>)
          tpu.yield
        }) : () -> ()
      }
      %scan3A_80 = arith.constant 5 : i32
    } else {
    }
    %mul3A_23 = arith.constant 1 : i32
    %mul3A_24 = arith.muli %arg0, %mul3A_23 : i32
    %add3A = arith.constant 0 : i32
    %add3A_25 = arith.addi %mul3A_24, %add3A : i32
    %scan3A_26 = arith.constant 0 : i32
    %scan3A_27 = arith.constant 0 : i32
    %scan3A_28 = arith.constant 640 : i32
    %scan3A_29 = arith.addi %scan3A_27, %scan3A_28 : i32
    %scan3A_30 = arith.constant 1 : i32
    scf.for %scan3A_67 = %scan3A_27 to %scan3A_29 step %scan3A_30  : i32 {
      %mul3A_68 = arith.constant 16 : i32
      %mul3A_69 = arith.muli %scan3A_67, %mul3A_68 : i32
      %get3A = arith.index_cast %mul3A_69 : i32 to index
      %get3A_70 = tpu.vector_load %arg8[%get3A] {strides = array<i32>} : memref<20480xi32, #tpu.memory_space<vmem>>, vector<16xi32>,
      %get3A_71 = vector.shape_cast %get3A_70 : vector<16xi32> to vector<16xi32>
      %mul3A_72 = arith.constant 2 : i32
      %mul3A_73 = vector.broadcast %mul3A_72 : i32 to vector<16xi32>
      %mul3A_74 = arith.muli %mul3A_73, %get3A_71 : vector<16xi32>
      %add3A_75 = vector.broadcast %add3A_25 : i32 to vector<16xi32>
      %add3A_76 = arith.addi %mul3A_74, %add3A_75 : vector<16xi32>
      %jit3A = arith.constant 8 : i32
      %div3A = arith.divsi %scan3A_67, %jit3A : i32
      %sign3A = arith.constant 0 : i32
      %sign3A_77 = arith.cmpi sgt, %scan3A_67, %sign3A : i32
      %sign3A_78 = arith.extui %sign3A_77 : i1 to i32
      %sign3A_79 = arith.constant 0 : i32
      %sign3A_80 = arith.cmpi slt, %scan3A_67, %sign3A_79 : i32
      %sign3A_81 = arith.extui %sign3A_80 : i1 to i32
      %sign3A_82 = arith.subi %sign3A_78, %sign3A_81 : i32
      %sign3A_83 = arith.constant 0 : i32
      %sign3A_84 = arith.cmpi sgt, %jit3A, %sign3A_83 : i32
      %sign3A_85 = arith.extui %sign3A_84 : i1 to i32
      %sign3A_86 = arith.constant 0 : i32
      %sign3A_87 = arith.cmpi slt, %jit3A, %sign3A_86 : i32
      %sign3A_88 = arith.extui %sign3A_87 : i1 to i32
      %sign3A_89 = arith.subi %sign3A_85, %sign3A_88 : i32
      %ne3A = arith.cmpi ne, %sign3A_82, %sign3A_89 : i32
      %rem3A = arith.remsi %scan3A_67, %jit3A : i32
      %ne3A_90 = arith.constant 0 : i32
      %ne3A_91 = arith.cmpi ne, %rem3A, %ne3A_90 : i32
      %and3A = arith.andi %ne3A, %ne3A_91 : i1
      %sub3A = arith.constant 1 : i32
      %sub3A_92 = arith.subi %div3A, %sub3A : i32
      %select_n3A = arith.select %and3A, %sub3A_92, %div3A : i32
      %jit3A_93 = arith.constant 8 : i32
      %eq3A_94 = arith.constant 0 : i32
      %eq3A_95 = arith.cmpi eq, %jit3A_93, %eq3A_94 : i32
      %jit3A_96 = arith.constant 1 : i32
      %select_n3A_97 = arith.select %eq3A_95, %jit3A_96, %jit3A_93 : i32
      %rem3A_98 = arith.remsi %scan3A_67, %select_n3A_97 : i32
      %ne3A_99 = arith.constant 0 : i32
      %ne3A_100 = arith.cmpi ne, %rem3A_98, %ne3A_99 : i32
      %lt3A = arith.constant 0 : i32
      %lt3A_101 = arith.cmpi slt, %rem3A_98, %lt3A : i32
      %lt3A_102 = arith.constant 0 : i32
      %lt3A_103 = arith.cmpi slt, %select_n3A_97, %lt3A_102 : i32
      %ne3A_104 = arith.xori %lt3A_101, %lt3A_103 : i1
      %and3A_105 = arith.andi %ne3A_104, %ne3A_100 : i1
      %add3A_106 = arith.addi %rem3A_98, %select_n3A_97 : i32
      %select_n3A_107 = arith.select %and3A_105, %add3A_106, %rem3A_98 : i32
      %mul3A_108 = arith.constant 16 : i32
      %mul3A_109 = arith.muli %select_n3A_107, %mul3A_108 : i32
      %swap3A = arith.index_cast %select_n3A : i32 to index
      %swap3A_110 = arith.index_cast %mul3A_109 : i32 to index
      %swap3A_111 = tpu.vector_load %arg12[%swap3A, %swap3A_110] {strides = array<i32>} : memref<80x128xi32, #tpu.memory_space<vmem>>, vector<1x16xi32>,
      %swap3A_112 = vector.shape_cast %swap3A_111 : vector<1x16xi32> to vector<16xi32>
      %swap3A_113 = vector.shape_cast %add3A_76 : vector<16xi32> to vector<1x16xi32>
      tpu.vector_store %arg12[%swap3A, %swap3A_110], %swap3A_113 {strides = array<i32>} : memref<80x128xi32, #tpu.memory_space<vmem>>, vector<1x16xi32>,
    }
    %scan3A_31 = arith.constant 640 : i32
    %scan3A_32 = arith.constant 0 : i32
    %scan3A_33 = arith.constant 0 : i32
    %scan3A_34 = arith.constant 39 : i32
    %scan3A_35 = arith.addi %scan3A_33, %scan3A_34 : i32
    %scan3A_36 = arith.constant 1 : i32
    scf.for %scan3A_67 = %scan3A_33 to %scan3A_35 step %scan3A_36  : i32 {
      %mul3A_68 = arith.constant 624 : i32
      %mul3A_69 = arith.muli %arg1, %mul3A_68 : i32
      %mul3A_70 = arith.constant 16 : i32
      %mul3A_71 = arith.muli %scan3A_67, %mul3A_70 : i32
      %add3A_72 = arith.addi %mul3A_69, %mul3A_71 : i32
      "tpu.region"() ({
        %run_scoped3A = tpu.sem_alloc : memref<!tpu.dma_semaphore, #tpu.memory_space<semaphore_mem>>
        %dma_start3A_73 = arith.constant 0 : i32
        %dma_start3A_74 = tpu.memref_slice %arg16[%add3A_72, %dma_start3A_73] : memref<10000x64xf32, #tpu.memory_space<vmem_shared>> -> memref<16x64xf32, #tpu.memory_space<vmem_shared>>
        %dma_start3A_75 = arith.constant 0 : i32
        %dma_start3A_76 = tpu.memref_slice %arg16[%add3A_72, %dma_start3A_75] : memref<10000x64xf32, #tpu.memory_space<vmem_shared>> -> memref<16x64xf32, #tpu.memory_space<vmem_shared>>
        tpu.enqueue_dma source(%arg14 : memref<16x64xf32, #tpu.memory_space<vmem>>) target(%dma_start3A_76 : memref<16x64xf32, #tpu.memory_space<vmem_shared>>) target_semaphore(%run_scoped3A : memref<!tpu.dma_semaphore, #tpu.memory_space<semaphore_mem>>)
        %dma_wait3A_77 = arith.constant 0 : i32
        %dma_wait3A_78 = tpu.memref_slice %arg16[%add3A_72, %dma_wait3A_77] : memref<10000x64xf32, #tpu.memory_space<vmem_shared>> -> memref<16x64xf32, #tpu.memory_space<vmem_shared>>
        %dma_wait3A_79 = arith.constant 0 : i32
        %dma_wait3A_80 = tpu.memref_slice %arg16[%add3A_72, %dma_wait3A_79] : memref<10000x64xf32, #tpu.memory_space<vmem_shared>> -> memref<16x64xf32, #tpu.memory_space<vmem_shared>>
        tpu.wait_dma2 semaphore(%run_scoped3A : memref<!tpu.dma_semaphore, #tpu.memory_space<semaphore_mem>>) src(%arg14 : memref<16x64xf32, #tpu.memory_space<vmem>>) dst(%dma_wait3A_80 : memref<16x64xf32, #tpu.memory_space<vmem_shared>>)
        tpu.yield
      }) : () -> ()
    }
    %scan3A_37 = arith.constant 39 : i32
    %eq3A_38 = arith.constant 15 : i32
    %eq3A_39 = arith.cmpi eq, %arg1, %eq3A_38 : i32
    %convert_element_type3A_40 = arith.extui %eq3A_39 : i1 to i32
    %cond3A_41 = arith.constant 0 : i32
    %cond3A_42 = arith.cmpi ne, %convert_element_type3A_40, %cond3A_41 : i32
    scf.if %cond3A_42 {
      "tpu.region"() ({
        %run_scoped3A = tpu.sem_alloc : memref<!tpu.dma_semaphore, #tpu.memory_space<semaphore_mem>>
        %dma_start3A_67 = arith.constant 9984 : i32
        %dma_start3A_68 = arith.constant 0 : i32
        %dma_start3A_69 = tpu.memref_slice %arg16[%dma_start3A_67, %dma_start3A_68] : memref<10000x64xf32, #tpu.memory_space<vmem_shared>> -> memref<16x64xf32, #tpu.memory_space<vmem_shared>>
        %dma_start3A_70 = arith.constant 9984 : i32
        %dma_start3A_71 = arith.constant 0 : i32
        %dma_start3A_72 = tpu.memref_slice %arg16[%dma_start3A_70, %dma_start3A_71] : memref<10000x64xf32, #tpu.memory_space<vmem_shared>> -> memref<16x64xf32, #tpu.memory_space<vmem_shared>>
        tpu.enqueue_dma source(%arg14 : memref<16x64xf32, #tpu.memory_space<vmem>>) target(%dma_start3A_72 : memref<16x64xf32, #tpu.memory_space<vmem_shared>>) target_semaphore(%run_scoped3A : memref<!tpu.dma_semaphore, #tpu.memory_space<semaphore_mem>>)
        %dma_wait3A_73 = arith.constant 9984 : i32
        %dma_wait3A_74 = arith.constant 0 : i32
        %dma_wait3A_75 = tpu.memref_slice %arg16[%dma_wait3A_73, %dma_wait3A_74] : memref<10000x64xf32, #tpu.memory_space<vmem_shared>> -> memref<16x64xf32, #tpu.memory_space<vmem_shared>>
        %dma_wait3A_76 = arith.constant 9984 : i32
        %dma_wait3A_77 = arith.constant 0 : i32
        %dma_wait3A_78 = tpu.memref_slice %arg16[%dma_wait3A_76, %dma_wait3A_77] : memref<10000x64xf32, #tpu.memory_space<vmem_shared>> -> memref<16x64xf32, #tpu.memory_space<vmem_shared>>
        tpu.wait_dma2 semaphore(%run_scoped3A : memref<!tpu.dma_semaphore, #tpu.memory_space<semaphore_mem>>) src(%arg14 : memref<16x64xf32, #tpu.memory_space<vmem>>) dst(%dma_wait3A_78 : memref<16x64xf32, #tpu.memory_space<vmem_shared>>)
        tpu.yield
      }) : () -> ()
    } else {
    }
    %barrier3A = arith.constant 0 : index
    tpu.barrier barrier_id(%barrier3A)
    %scan3A_43 = arith.constant 0 : i32
    %scan3A_44 = arith.constant 0 : i32
    %scan3A_45 = arith.constant 80 : i32
    %scan3A_46 = arith.addi %scan3A_44, %scan3A_45 : i32
    %scan3A_47 = arith.constant 1 : i32
    scf.for %scan3A_67 = %scan3A_44 to %scan3A_46 step %scan3A_47  : i32 {
      %dma_start3A_68 = arith.constant 0 : i32
      %dma_start3A_69 = tpu.memref_slice %arg12[%scan3A_67, %dma_start3A_68] : memref<80x128xi32, #tpu.memory_space<vmem>> -> memref<1x128xi32, #tpu.memory_space<vmem>>
      %dma_start3A_70 = tpu.memref_squeeze %dma_start3A_69 : memref<1x128xi32, #tpu.memory_space<vmem>> -> memref<128xi32, #tpu.memory_space<vmem>>
      %dma_start3A_71 = arith.constant 0 : i32
      %dma_start3A_72 = arith.constant 0 : i32
      %dma_start3A_73 = tpu.memref_slice %arg2[%dma_start3A_71, %dma_start3A_72] : memref<20000x64xf32, #tpu.memory_space<hbm>> -> memref<20000x64xf32, #tpu.memory_space<hbm>>
      tpu.enqueue_indirect_dma source(%dma_start3A_73 : memref<20000x64xf32, #tpu.memory_space<hbm>>) target(%arg13 : memref<128x64xf32, #tpu.memory_space<vmem>>) offsets(%dma_start3A_70 : memref<128xi32, #tpu.memory_space<vmem>>) semaphore(%arg18 : memref<!tpu.dma_semaphore, #tpu.memory_space<semaphore_mem>>)
      %mul3A_74 = arith.constant 128 : i32
      %mul3A_75 = arith.muli %scan3A_67, %mul3A_74 : i32
      "tpu.region"() ({
        %run_scoped3A = tpu.sem_alloc : memref<!tpu.dma_semaphore, #tpu.memory_space<semaphore_mem>>
        %dma_start3A_90 = tpu.memref_slice %arg11[%mul3A_75] : memref<10256xf32, #tpu.memory_space<vmem>> -> memref<128xf32, #tpu.memory_space<vmem>>
        %dma_start3A_91 = arith.constant 0 : i32
        %dma_start3A_92 = tpu.memref_slice %arg9[%scan3A_67, %dma_start3A_91] : memref<80x128xi32, #tpu.memory_space<vmem>> -> memref<1x128xi32, #tpu.memory_space<vmem>>
        %dma_start3A_93 = tpu.memref_squeeze %dma_start3A_92 : memref<1x128xi32, #tpu.memory_space<vmem>> -> memref<128xi32, #tpu.memory_space<vmem>>
        %dma_start3A_94 = arith.constant 0 : i32
        %dma_start3A_95 = tpu.memref_slice %arg17[%dma_start3A_94] : memref<10000xf32, #tpu.memory_space<vmem_shared>> -> memref<10000xf32, #tpu.memory_space<vmem_shared>>
        tpu.enqueue_indirect_dma source(%dma_start3A_90 : memref<128xf32, #tpu.memory_space<vmem>>) target(%dma_start3A_95 : memref<10000xf32, #tpu.memory_space<vmem_shared>>) offsets(%dma_start3A_93 : memref<128xi32, #tpu.memory_space<vmem>>) semaphore(%run_scoped3A : memref<!tpu.dma_semaphore, #tpu.memory_space<semaphore_mem>>) {add = true}
        %dma_wait3A_96 = tpu.memref_slice %arg11[%mul3A_75] : memref<10256xf32, #tpu.memory_space<vmem>> -> memref<128xf32, #tpu.memory_space<vmem>>
        %dma_wait3A_97 = arith.constant 0 : i32
        %dma_wait3A_98 = tpu.memref_slice %arg9[%scan3A_67, %dma_wait3A_97] : memref<80x128xi32, #tpu.memory_space<vmem>> -> memref<1x128xi32, #tpu.memory_space<vmem>>
        %dma_wait3A_99 = tpu.memref_squeeze %dma_wait3A_98 : memref<1x128xi32, #tpu.memory_space<vmem>> -> memref<128xi32, #tpu.memory_space<vmem>>
        %dma_wait3A_100 = arith.constant 0 : i32
        %dma_wait3A_101 = tpu.memref_slice %arg17[%dma_wait3A_100] : memref<10000xf32, #tpu.memory_space<vmem_shared>> -> memref<10000xf32, #tpu.memory_space<vmem_shared>>
        tpu.wait_indirect_dma semaphore(%run_scoped3A : memref<!tpu.dma_semaphore, #tpu.memory_space<semaphore_mem>>) src(%dma_wait3A_96 : memref<128xf32, #tpu.memory_space<vmem>>) dst(%dma_wait3A_101 : memref<10000xf32, #tpu.memory_space<vmem_shared>>)
        tpu.yield
      }) : () -> ()
      %dma_wait3A_76 = arith.constant 0 : i32
      %dma_wait3A_77 = tpu.memref_slice %arg12[%scan3A_67, %dma_wait3A_76] : memref<80x128xi32, #tpu.memory_space<vmem>> -> memref<1x128xi32, #tpu.memory_space<vmem>>
      %dma_wait3A_78 = tpu.memref_squeeze %dma_wait3A_77 : memref<1x128xi32, #tpu.memory_space<vmem>> -> memref<128xi32, #tpu.memory_space<vmem>>
      %dma_wait3A_79 = arith.constant 0 : i32
      %dma_wait3A_80 = arith.constant 0 : i32
      %dma_wait3A_81 = tpu.memref_slice %arg2[%dma_wait3A_79, %dma_wait3A_80] : memref<20000x64xf32, #tpu.memory_space<hbm>> -> memref<20000x64xf32, #tpu.memory_space<hbm>>
      tpu.wait_indirect_dma semaphore(%arg18 : memref<!tpu.dma_semaphore, #tpu.memory_space<semaphore_mem>>) src(%dma_wait3A_81 : memref<20000x64xf32, #tpu.memory_space<hbm>>) dst(%arg13 : memref<128x64xf32, #tpu.memory_space<vmem>>)
      %mul3A_82 = arith.constant 128 : i32
      %mul3A_83 = arith.muli %scan3A_67, %mul3A_82 : i32
      %scan3A_84 = arith.constant 0 : i32
      %scan3A_85 = arith.constant 0 : i32
      %scan3A_86 = arith.constant 32 : i32
      %scan3A_87 = arith.addi %scan3A_85, %scan3A_86 : i32
      %scan3A_88 = arith.constant 1 : i32
      scf.for %scan3A_90 = %scan3A_85 to %scan3A_87 step %scan3A_88  : i32 {
        %mul3A_91 = arith.constant 4 : i32
        %mul3A_92 = arith.muli %scan3A_90, %mul3A_91 : i32
        %add3A_93 = arith.constant 0 : i32
        %add3A_94 = arith.addi %mul3A_92, %add3A_93 : i32
        %add3A_95 = arith.addi %mul3A_83, %add3A_94 : i32
        %get3A = arith.index_cast %add3A_95 : i32 to index
        %get3A_96 = tpu.vector_load %arg11[%get3A] {strides = array<i32>} : memref<10256xf32, #tpu.memory_space<vmem>>, vector<16xf32>,
        %get3A_97 = vector.shape_cast %get3A_96 : vector<16xf32> to vector<16xf32>
        %slice3A = vector.extract_strided_slice %get3A_97 {offsets = [0], sizes = [1], strides = [1]} : vector<16xf32> to vector<1xf32>
        %squeeze3A = vector.extract %slice3A[0] : f32 from vector<1xf32>
        %broadcast_in_dim3A_98 = vector.broadcast %squeeze3A : f32 to vector<16xf32>
        %get3A_99 = arith.index_cast %add3A_94 : i32 to index
        %get3A_100 = arith.constant 0 : index
        %get3A_101 = tpu.vector_load %arg13[%get3A_99, %get3A_100] {strides = array<i32>} : memref<128x64xf32, #tpu.memory_space<vmem>>, vector<1x16xf32>,
        %get3A_102 = vector.shape_cast %get3A_101 : vector<1x16xf32> to vector<16xf32>
        %mul3A_103 = arith.mulf %get3A_102, %broadcast_in_dim3A_98 : vector<16xf32>
        %swap3A = arith.index_cast %add3A_94 : i32 to index
        %swap3A_104 = arith.constant 0 : index
        %swap3A_105 = tpu.vector_load %arg13[%swap3A, %swap3A_104] {strides = array<i32>} : memref<128x64xf32, #tpu.memory_space<vmem>>, vector<1x16xf32>,
        %swap3A_106 = vector.shape_cast %swap3A_105 : vector<1x16xf32> to vector<16xf32>
        %swap3A_107 = vector.shape_cast %mul3A_103 : vector<16xf32> to vector<1x16xf32>
        tpu.vector_store %arg13[%swap3A, %swap3A_104], %swap3A_107 {strides = array<i32>} : memref<128x64xf32, #tpu.memory_space<vmem>>, vector<1x16xf32>,
        %get3A_108 = arith.index_cast %add3A_94 : i32 to index
        %get3A_109 = arith.constant 16 : index
        %get3A_110 = tpu.vector_load %arg13[%get3A_108, %get3A_109] {strides = array<i32>} : memref<128x64xf32, #tpu.memory_space<vmem>>, vector<1x16xf32>,
        %get3A_111 = vector.shape_cast %get3A_110 : vector<1x16xf32> to vector<16xf32>
        %mul3A_112 = arith.mulf %get3A_111, %broadcast_in_dim3A_98 : vector<16xf32>
        %swap3A_113 = arith.index_cast %add3A_94 : i32 to index
        %swap3A_114 = arith.constant 16 : index
        %swap3A_115 = tpu.vector_load %arg13[%swap3A_113, %swap3A_114] {strides = array<i32>} : memref<128x64xf32, #tpu.memory_space<vmem>>, vector<1x16xf32>,
        %swap3A_116 = vector.shape_cast %swap3A_115 : vector<1x16xf32> to vector<16xf32>
        %swap3A_117 = vector.shape_cast %mul3A_112 : vector<16xf32> to vector<1x16xf32>
        tpu.vector_store %arg13[%swap3A_113, %swap3A_114], %swap3A_117 {strides = array<i32>} : memref<128x64xf32, #tpu.memory_space<vmem>>, vector<1x16xf32>,
        %get3A_118 = arith.index_cast %add3A_94 : i32 to index
        %get3A_119 = arith.constant 32 : index
        %get3A_120 = tpu.vector_load %arg13[%get3A_118, %get3A_119] {strides = array<i32>} : memref<128x64xf32, #tpu.memory_space<vmem>>, vector<1x16xf32>,
        %get3A_121 = vector.shape_cast %get3A_120 : vector<1x16xf32> to vector<16xf32>
        %mul3A_122 = arith.mulf %get3A_121, %broadcast_in_dim3A_98 : vector<16xf32>
        %swap3A_123 = arith.index_cast %add3A_94 : i32 to index
        %swap3A_124 = arith.constant 32 : index
        %swap3A_125 = tpu.vector_load %arg13[%swap3A_123, %swap3A_124] {strides = array<i32>} : memref<128x64xf32, #tpu.memory_space<vmem>>, vector<1x16xf32>,
        %swap3A_126 = vector.shape_cast %swap3A_125 : vector<1x16xf32> to vector<16xf32>
        %swap3A_127 = vector.shape_cast %mul3A_122 : vector<16xf32> to vector<1x16xf32>
        tpu.vector_store %arg13[%swap3A_123, %swap3A_124], %swap3A_127 {strides = array<i32>} : memref<128x64xf32, #tpu.memory_space<vmem>>, vector<1x16xf32>,
        %get3A_128 = arith.index_cast %add3A_94 : i32 to index
        %get3A_129 = arith.constant 48 : index
        %get3A_130 = tpu.vector_load %arg13[%get3A_128, %get3A_129] {strides = array<i32>} : memref<128x64xf32, #tpu.memory_space<vmem>>, vector<1x16xf32>,
        %get3A_131 = vector.shape_cast %get3A_130 : vector<1x16xf32> to vector<16xf32>
        %mul3A_132 = arith.mulf %get3A_131, %broadcast_in_dim3A_98 : vector<16xf32>
        %swap3A_133 = arith.index_cast %add3A_94 : i32 to index
        %swap3A_134 = arith.constant 48 : index
        %swap3A_135 = tpu.vector_load %arg13[%swap3A_133, %swap3A_134] {strides = array<i32>} : memref<128x64xf32, #tpu.memory_space<vmem>>, vector<1x16xf32>,
        %swap3A_136 = vector.shape_cast %swap3A_135 : vector<1x16xf32> to vector<16xf32>
        %swap3A_137 = vector.shape_cast %mul3A_132 : vector<16xf32> to vector<1x16xf32>
        tpu.vector_store %arg13[%swap3A_133, %swap3A_134], %swap3A_137 {strides = array<i32>} : memref<128x64xf32, #tpu.memory_space<vmem>>, vector<1x16xf32>,
        %mul3A_138 = arith.constant 4 : i32
        %mul3A_139 = arith.muli %scan3A_90, %mul3A_138 : i32
        %add3A_140 = arith.constant 1 : i32
        %add3A_141 = arith.addi %mul3A_139, %add3A_140 : i32
        %add3A_142 = arith.addi %mul3A_83, %add3A_141 : i32
        %get3A_143 = arith.index_cast %add3A_142 : i32 to index
        %get3A_144 = tpu.vector_load %arg11[%get3A_143] {strides = array<i32>} : memref<10256xf32, #tpu.memory_space<vmem>>, vector<16xf32>,
        %get3A_145 = vector.shape_cast %get3A_144 : vector<16xf32> to vector<16xf32>
        %slice3A_146 = vector.extract_strided_slice %get3A_145 {offsets = [0], sizes = [1], strides = [1]} : vector<16xf32> to vector<1xf32>
        %squeeze3A_147 = vector.extract %slice3A_146[0] : f32 from vector<1xf32>
        %broadcast_in_dim3A_148 = vector.broadcast %squeeze3A_147 : f32 to vector<16xf32>
        %get3A_149 = arith.index_cast %add3A_141 : i32 to index
        %get3A_150 = arith.constant 0 : index
        %get3A_151 = tpu.vector_load %arg13[%get3A_149, %get3A_150] {strides = array<i32>} : memref<128x64xf32, #tpu.memory_space<vmem>>, vector<1x16xf32>,
        %get3A_152 = vector.shape_cast %get3A_151 : vector<1x16xf32> to vector<16xf32>
        %mul3A_153 = arith.mulf %get3A_152, %broadcast_in_dim3A_148 : vector<16xf32>
        %swap3A_154 = arith.index_cast %add3A_141 : i32 to index
        %swap3A_155 = arith.constant 0 : index
        %swap3A_156 = tpu.vector_load %arg13[%swap3A_154, %swap3A_155] {strides = array<i32>} : memref<128x64xf32, #tpu.memory_space<vmem>>, vector<1x16xf32>,
        %swap3A_157 = vector.shape_cast %swap3A_156 : vector<1x16xf32> to vector<16xf32>
        %swap3A_158 = vector.shape_cast %mul3A_153 : vector<16xf32> to vector<1x16xf32>
        tpu.vector_store %arg13[%swap3A_154, %swap3A_155], %swap3A_158 {strides = array<i32>} : memref<128x64xf32, #tpu.memory_space<vmem>>, vector<1x16xf32>,
        %get3A_159 = arith.index_cast %add3A_141 : i32 to index
        %get3A_160 = arith.constant 16 : index
        %get3A_161 = tpu.vector_load %arg13[%get3A_159, %get3A_160] {strides = array<i32>} : memref<128x64xf32, #tpu.memory_space<vmem>>, vector<1x16xf32>,
        %get3A_162 = vector.shape_cast %get3A_161 : vector<1x16xf32> to vector<16xf32>
        %mul3A_163 = arith.mulf %get3A_162, %broadcast_in_dim3A_148 : vector<16xf32>
        %swap3A_164 = arith.index_cast %add3A_141 : i32 to index
        %swap3A_165 = arith.constant 16 : index
        %swap3A_166 = tpu.vector_load %arg13[%swap3A_164, %swap3A_165] {strides = array<i32>} : memref<128x64xf32, #tpu.memory_space<vmem>>, vector<1x16xf32>,
        %swap3A_167 = vector.shape_cast %swap3A_166 : vector<1x16xf32> to vector<16xf32>
        %swap3A_168 = vector.shape_cast %mul3A_163 : vector<16xf32> to vector<1x16xf32>
        tpu.vector_store %arg13[%swap3A_164, %swap3A_165], %swap3A_168 {strides = array<i32>} : memref<128x64xf32, #tpu.memory_space<vmem>>, vector<1x16xf32>,
        %get3A_169 = arith.index_cast %add3A_141 : i32 to index
        %get3A_170 = arith.constant 32 : index
        %get3A_171 = tpu.vector_load %arg13[%get3A_169, %get3A_170] {strides = array<i32>} : memref<128x64xf32, #tpu.memory_space<vmem>>, vector<1x16xf32>,
        %get3A_172 = vector.shape_cast %get3A_171 : vector<1x16xf32> to vector<16xf32>
        %mul3A_173 = arith.mulf %get3A_172, %broadcast_in_dim3A_148 : vector<16xf32>
        %swap3A_174 = arith.index_cast %add3A_141 : i32 to index
        %swap3A_175 = arith.constant 32 : index
        %swap3A_176 = tpu.vector_load %arg13[%swap3A_174, %swap3A_175] {strides = array<i32>} : memref<128x64xf32, #tpu.memory_space<vmem>>, vector<1x16xf32>,
        %swap3A_177 = vector.shape_cast %swap3A_176 : vector<1x16xf32> to vector<16xf32>
        %swap3A_178 = vector.shape_cast %mul3A_173 : vector<16xf32> to vector<1x16xf32>
        tpu.vector_store %arg13[%swap3A_174, %swap3A_175], %swap3A_178 {strides = array<i32>} : memref<128x64xf32, #tpu.memory_space<vmem>>, vector<1x16xf32>,
        %get3A_179 = arith.index_cast %add3A_141 : i32 to index
        %get3A_180 = arith.constant 48 : index
        %get3A_181 = tpu.vector_load %arg13[%get3A_179, %get3A_180] {strides = array<i32>} : memref<128x64xf32, #tpu.memory_space<vmem>>, vector<1x16xf32>,
        %get3A_182 = vector.shape_cast %get3A_181 : vector<1x16xf32> to vector<16xf32>
        %mul3A_183 = arith.mulf %get3A_182, %broadcast_in_dim3A_148 : vector<16xf32>
        %swap3A_184 = arith.index_cast %add3A_141 : i32 to index
        %swap3A_185 = arith.constant 48 : index
        %swap3A_186 = tpu.vector_load %arg13[%swap3A_184, %swap3A_185] {strides = array<i32>} : memref<128x64xf32, #tpu.memory_space<vmem>>, vector<1x16xf32>,
        %swap3A_187 = vector.shape_cast %swap3A_186 : vector<1x16xf32> to vector<16xf32>
        %swap3A_188 = vector.shape_cast %mul3A_183 : vector<16xf32> to vector<1x16xf32>
        tpu.vector_store %arg13[%swap3A_184, %swap3A_185], %swap3A_188 {strides = array<i32>} : memref<128x64xf32, #tpu.memory_space<vmem>>, vector<1x16xf32>,
        %mul3A_189 = arith.constant 4 : i32
        %mul3A_190 = arith.muli %scan3A_90, %mul3A_189 : i32
        %add3A_191 = arith.constant 2 : i32
        %add3A_192 = arith.addi %mul3A_190, %add3A_191 : i32
        %add3A_193 = arith.addi %mul3A_83, %add3A_192 : i32
        %get3A_194 = arith.index_cast %add3A_193 : i32 to index
        %get3A_195 = tpu.vector_load %arg11[%get3A_194] {strides = array<i32>} : memref<10256xf32, #tpu.memory_space<vmem>>, vector<16xf32>,
        %get3A_196 = vector.shape_cast %get3A_195 : vector<16xf32> to vector<16xf32>
        %slice3A_197 = vector.extract_strided_slice %get3A_196 {offsets = [0], sizes = [1], strides = [1]} : vector<16xf32> to vector<1xf32>
        %squeeze3A_198 = vector.extract %slice3A_197[0] : f32 from vector<1xf32>
        %broadcast_in_dim3A_199 = vector.broadcast %squeeze3A_198 : f32 to vector<16xf32>
        %get3A_200 = arith.index_cast %add3A_192 : i32 to index
        %get3A_201 = arith.constant 0 : index
        %get3A_202 = tpu.vector_load %arg13[%get3A_200, %get3A_201] {strides = array<i32>} : memref<128x64xf32, #tpu.memory_space<vmem>>, vector<1x16xf32>,
        %get3A_203 = vector.shape_cast %get3A_202 : vector<1x16xf32> to vector<16xf32>
        %mul3A_204 = arith.mulf %get3A_203, %broadcast_in_dim3A_199 : vector<16xf32>
        %swap3A_205 = arith.index_cast %add3A_192 : i32 to index
        %swap3A_206 = arith.constant 0 : index
        %swap3A_207 = tpu.vector_load %arg13[%swap3A_205, %swap3A_206] {strides = array<i32>} : memref<128x64xf32, #tpu.memory_space<vmem>>, vector<1x16xf32>,
        %swap3A_208 = vector.shape_cast %swap3A_207 : vector<1x16xf32> to vector<16xf32>
        %swap3A_209 = vector.shape_cast %mul3A_204 : vector<16xf32> to vector<1x16xf32>
        tpu.vector_store %arg13[%swap3A_205, %swap3A_206], %swap3A_209 {strides = array<i32>} : memref<128x64xf32, #tpu.memory_space<vmem>>, vector<1x16xf32>,
        %get3A_210 = arith.index_cast %add3A_192 : i32 to index
        %get3A_211 = arith.constant 16 : index
        %get3A_212 = tpu.vector_load %arg13[%get3A_210, %get3A_211] {strides = array<i32>} : memref<128x64xf32, #tpu.memory_space<vmem>>, vector<1x16xf32>,
        %get3A_213 = vector.shape_cast %get3A_212 : vector<1x16xf32> to vector<16xf32>
        %mul3A_214 = arith.mulf %get3A_213, %broadcast_in_dim3A_199 : vector<16xf32>
        %swap3A_215 = arith.index_cast %add3A_192 : i32 to index
        %swap3A_216 = arith.constant 16 : index
        %swap3A_217 = tpu.vector_load %arg13[%swap3A_215, %swap3A_216] {strides = array<i32>} : memref<128x64xf32, #tpu.memory_space<vmem>>, vector<1x16xf32>,
        %swap3A_218 = vector.shape_cast %swap3A_217 : vector<1x16xf32> to vector<16xf32>
        %swap3A_219 = vector.shape_cast %mul3A_214 : vector<16xf32> to vector<1x16xf32>
        tpu.vector_store %arg13[%swap3A_215, %swap3A_216], %swap3A_219 {strides = array<i32>} : memref<128x64xf32, #tpu.memory_space<vmem>>, vector<1x16xf32>,
        %get3A_220 = arith.index_cast %add3A_192 : i32 to index
        %get3A_221 = arith.constant 32 : index
        %get3A_222 = tpu.vector_load %arg13[%get3A_220, %get3A_221] {strides = array<i32>} : memref<128x64xf32, #tpu.memory_space<vmem>>, vector<1x16xf32>,
        %get3A_223 = vector.shape_cast %get3A_222 : vector<1x16xf32> to vector<16xf32>
        %mul3A_224 = arith.mulf %get3A_223, %broadcast_in_dim3A_199 : vector<16xf32>
        %swap3A_225 = arith.index_cast %add3A_192 : i32 to index
        %swap3A_226 = arith.constant 32 : index
        %swap3A_227 = tpu.vector_load %arg13[%swap3A_225, %swap3A_226] {strides = array<i32>} : memref<128x64xf32, #tpu.memory_space<vmem>>, vector<1x16xf32>,
        %swap3A_228 = vector.shape_cast %swap3A_227 : vector<1x16xf32> to vector<16xf32>
        %swap3A_229 = vector.shape_cast %mul3A_224 : vector<16xf32> to vector<1x16xf32>
        tpu.vector_store %arg13[%swap3A_225, %swap3A_226], %swap3A_229 {strides = array<i32>} : memref<128x64xf32, #tpu.memory_space<vmem>>, vector<1x16xf32>,
        %get3A_230 = arith.index_cast %add3A_192 : i32 to index
        %get3A_231 = arith.constant 48 : index
        %get3A_232 = tpu.vector_load %arg13[%get3A_230, %get3A_231] {strides = array<i32>} : memref<128x64xf32, #tpu.memory_space<vmem>>, vector<1x16xf32>,
        %get3A_233 = vector.shape_cast %get3A_232 : vector<1x16xf32> to vector<16xf32>
        %mul3A_234 = arith.mulf %get3A_233, %broadcast_in_dim3A_199 : vector<16xf32>
        %swap3A_235 = arith.index_cast %add3A_192 : i32 to index
        %swap3A_236 = arith.constant 48 : index
        %swap3A_237 = tpu.vector_load %arg13[%swap3A_235, %swap3A_236] {strides = array<i32>} : memref<128x64xf32, #tpu.memory_space<vmem>>, vector<1x16xf32>,
        %swap3A_238 = vector.shape_cast %swap3A_237 : vector<1x16xf32> to vector<16xf32>
        %swap3A_239 = vector.shape_cast %mul3A_234 : vector<16xf32> to vector<1x16xf32>
        tpu.vector_store %arg13[%swap3A_235, %swap3A_236], %swap3A_239 {strides = array<i32>} : memref<128x64xf32, #tpu.memory_space<vmem>>, vector<1x16xf32>,
        %mul3A_240 = arith.constant 4 : i32
        %mul3A_241 = arith.muli %scan3A_90, %mul3A_240 : i32
        %add3A_242 = arith.constant 3 : i32
        %add3A_243 = arith.addi %mul3A_241, %add3A_242 : i32
        %add3A_244 = arith.addi %mul3A_83, %add3A_243 : i32
        %get3A_245 = arith.index_cast %add3A_244 : i32 to index
        %get3A_246 = tpu.vector_load %arg11[%get3A_245] {strides = array<i32>} : memref<10256xf32, #tpu.memory_space<vmem>>, vector<16xf32>,
        %get3A_247 = vector.shape_cast %get3A_246 : vector<16xf32> to vector<16xf32>
        %slice3A_248 = vector.extract_strided_slice %get3A_247 {offsets = [0], sizes = [1], strides = [1]} : vector<16xf32> to vector<1xf32>
        %squeeze3A_249 = vector.extract %slice3A_248[0] : f32 from vector<1xf32>
        %broadcast_in_dim3A_250 = vector.broadcast %squeeze3A_249 : f32 to vector<16xf32>
        %get3A_251 = arith.index_cast %add3A_243 : i32 to index
        %get3A_252 = arith.constant 0 : index
        %get3A_253 = tpu.vector_load %arg13[%get3A_251, %get3A_252] {strides = array<i32>} : memref<128x64xf32, #tpu.memory_space<vmem>>, vector<1x16xf32>,
        %get3A_254 = vector.shape_cast %get3A_253 : vector<1x16xf32> to vector<16xf32>
        %mul3A_255 = arith.mulf %get3A_254, %broadcast_in_dim3A_250 : vector<16xf32>
        %swap3A_256 = arith.index_cast %add3A_243 : i32 to index
        %swap3A_257 = arith.constant 0 : index
        %swap3A_258 = tpu.vector_load %arg13[%swap3A_256, %swap3A_257] {strides = array<i32>} : memref<128x64xf32, #tpu.memory_space<vmem>>, vector<1x16xf32>,
        %swap3A_259 = vector.shape_cast %swap3A_258 : vector<1x16xf32> to vector<16xf32>
        %swap3A_260 = vector.shape_cast %mul3A_255 : vector<16xf32> to vector<1x16xf32>
        tpu.vector_store %arg13[%swap3A_256, %swap3A_257], %swap3A_260 {strides = array<i32>} : memref<128x64xf32, #tpu.memory_space<vmem>>, vector<1x16xf32>,
        %get3A_261 = arith.index_cast %add3A_243 : i32 to index
        %get3A_262 = arith.constant 16 : index
        %get3A_263 = tpu.vector_load %arg13[%get3A_261, %get3A_262] {strides = array<i32>} : memref<128x64xf32, #tpu.memory_space<vmem>>, vector<1x16xf32>,
        %get3A_264 = vector.shape_cast %get3A_263 : vector<1x16xf32> to vector<16xf32>
        %mul3A_265 = arith.mulf %get3A_264, %broadcast_in_dim3A_250 : vector<16xf32>
        %swap3A_266 = arith.index_cast %add3A_243 : i32 to index
        %swap3A_267 = arith.constant 16 : index
        %swap3A_268 = tpu.vector_load %arg13[%swap3A_266, %swap3A_267] {strides = array<i32>} : memref<128x64xf32, #tpu.memory_space<vmem>>, vector<1x16xf32>,
        %swap3A_269 = vector.shape_cast %swap3A_268 : vector<1x16xf32> to vector<16xf32>
        %swap3A_270 = vector.shape_cast %mul3A_265 : vector<16xf32> to vector<1x16xf32>
        tpu.vector_store %arg13[%swap3A_266, %swap3A_267], %swap3A_270 {strides = array<i32>} : memref<128x64xf32, #tpu.memory_space<vmem>>, vector<1x16xf32>,
        %get3A_271 = arith.index_cast %add3A_243 : i32 to index
        %get3A_272 = arith.constant 32 : index
        %get3A_273 = tpu.vector_load %arg13[%get3A_271, %get3A_272] {strides = array<i32>} : memref<128x64xf32, #tpu.memory_space<vmem>>, vector<1x16xf32>,
        %get3A_274 = vector.shape_cast %get3A_273 : vector<1x16xf32> to vector<16xf32>
        %mul3A_275 = arith.mulf %get3A_274, %broadcast_in_dim3A_250 : vector<16xf32>
        %swap3A_276 = arith.index_cast %add3A_243 : i32 to index
        %swap3A_277 = arith.constant 32 : index
        %swap3A_278 = tpu.vector_load %arg13[%swap3A_276, %swap3A_277] {strides = array<i32>} : memref<128x64xf32, #tpu.memory_space<vmem>>, vector<1x16xf32>,
        %swap3A_279 = vector.shape_cast %swap3A_278 : vector<1x16xf32> to vector<16xf32>
        %swap3A_280 = vector.shape_cast %mul3A_275 : vector<16xf32> to vector<1x16xf32>
        tpu.vector_store %arg13[%swap3A_276, %swap3A_277], %swap3A_280 {strides = array<i32>} : memref<128x64xf32, #tpu.memory_space<vmem>>, vector<1x16xf32>,
        %get3A_281 = arith.index_cast %add3A_243 : i32 to index
        %get3A_282 = arith.constant 48 : index
        %get3A_283 = tpu.vector_load %arg13[%get3A_281, %get3A_282] {strides = array<i32>} : memref<128x64xf32, #tpu.memory_space<vmem>>, vector<1x16xf32>,
        %get3A_284 = vector.shape_cast %get3A_283 : vector<1x16xf32> to vector<16xf32>
        %mul3A_285 = arith.mulf %get3A_284, %broadcast_in_dim3A_250 : vector<16xf32>
        %swap3A_286 = arith.index_cast %add3A_243 : i32 to index
        %swap3A_287 = arith.constant 48 : index
        %swap3A_288 = tpu.vector_load %arg13[%swap3A_286, %swap3A_287] {strides = array<i32>} : memref<128x64xf32, #tpu.memory_space<vmem>>, vector<1x16xf32>,
        %swap3A_289 = vector.shape_cast %swap3A_288 : vector<1x16xf32> to vector<16xf32>
        %swap3A_290 = vector.shape_cast %mul3A_285 : vector<16xf32> to vector<1x16xf32>
        tpu.vector_store %arg13[%swap3A_286, %swap3A_287], %swap3A_290 {strides = array<i32>} : memref<128x64xf32, #tpu.memory_space<vmem>>, vector<1x16xf32>,
      }
      %scan3A_89 = arith.constant 32 : i32
      "tpu.region"() ({
        %run_scoped3A = tpu.sem_alloc : memref<!tpu.dma_semaphore, #tpu.memory_space<semaphore_mem>>
        %dma_start3A_90 = arith.constant 0 : i32
        %dma_start3A_91 = tpu.memref_slice %arg9[%scan3A_67, %dma_start3A_90] : memref<80x128xi32, #tpu.memory_space<vmem>> -> memref<1x128xi32, #tpu.memory_space<vmem>>
        %dma_start3A_92 = tpu.memref_squeeze %dma_start3A_91 : memref<1x128xi32, #tpu.memory_space<vmem>> -> memref<128xi32, #tpu.memory_space<vmem>>
        %dma_start3A_93 = arith.constant 0 : i32
        %dma_start3A_94 = arith.constant 0 : i32
        %dma_start3A_95 = tpu.memref_slice %arg16[%dma_start3A_93, %dma_start3A_94] : memref<10000x64xf32, #tpu.memory_space<vmem_shared>> -> memref<10000x64xf32, #tpu.memory_space<vmem_shared>>
        tpu.enqueue_indirect_dma source(%arg13 : memref<128x64xf32, #tpu.memory_space<vmem>>) target(%dma_start3A_95 : memref<10000x64xf32, #tpu.memory_space<vmem_shared>>) offsets(%dma_start3A_92 : memref<128xi32, #tpu.memory_space<vmem>>) semaphore(%run_scoped3A : memref<!tpu.dma_semaphore, #tpu.memory_space<semaphore_mem>>) {add = true}
        %dma_wait3A_96 = arith.constant 0 : i32
        %dma_wait3A_97 = tpu.memref_slice %arg9[%scan3A_67, %dma_wait3A_96] : memref<80x128xi32, #tpu.memory_space<vmem>> -> memref<1x128xi32, #tpu.memory_space<vmem>>
        %dma_wait3A_98 = tpu.memref_squeeze %dma_wait3A_97 : memref<1x128xi32, #tpu.memory_space<vmem>> -> memref<128xi32, #tpu.memory_space<vmem>>
        %dma_wait3A_99 = arith.constant 0 : i32
        %dma_wait3A_100 = arith.constant 0 : i32
        %dma_wait3A_101 = tpu.memref_slice %arg16[%dma_wait3A_99, %dma_wait3A_100] : memref<10000x64xf32, #tpu.memory_space<vmem_shared>> -> memref<10000x64xf32, #tpu.memory_space<vmem_shared>>
        tpu.wait_indirect_dma semaphore(%run_scoped3A : memref<!tpu.dma_semaphore, #tpu.memory_space<semaphore_mem>>) src(%arg13 : memref<128x64xf32, #tpu.memory_space<vmem>>) dst(%dma_wait3A_101 : memref<10000x64xf32, #tpu.memory_space<vmem_shared>>)
        tpu.yield
      }) : () -> ()
    }
    %scan3A_48 = arith.constant 80 : i32
    %barrier3A_49 = arith.constant 0 : index
    tpu.barrier barrier_id(%barrier3A_49)
    %mul3A_50 = arith.constant 624 : i32
    %mul3A_51 = arith.muli %arg1, %mul3A_50 : i32
    %mul3A_52 = arith.constant 10000 : i32
    %mul3A_53 = arith.muli %add3A_25, %mul3A_52 : i32
    %mul3A_54 = arith.constant 624 : i32
    %mul3A_55 = arith.muli %arg1, %mul3A_54 : i32
    %add3A_56 = arith.addi %mul3A_53, %mul3A_55 : i32
    "tpu.region"() ({
      %run_scoped3A = tpu.sem_alloc : memref<!tpu.dma_semaphore, #tpu.memory_space<semaphore_mem>>
      %dma_start3A_67 = arith.constant 0 : i32
      %dma_start3A_68 = tpu.memref_slice %arg6[%add3A_56, %dma_start3A_67] : memref<20000x64xf32, #tpu.memory_space<hbm>> -> memref<624x64xf32, #tpu.memory_space<hbm>>
      %dma_start3A_69 = arith.constant 0 : i32
      %dma_start3A_70 = tpu.memref_slice %arg16[%mul3A_51, %dma_start3A_69] : memref<10000x64xf32, #tpu.memory_space<vmem_shared>> -> memref<624x64xf32, #tpu.memory_space<vmem_shared>>
      tpu.enqueue_dma source(%dma_start3A_70 : memref<624x64xf32, #tpu.memory_space<vmem_shared>>) target(%dma_start3A_68 : memref<624x64xf32, #tpu.memory_space<hbm>>) target_semaphore(%run_scoped3A : memref<!tpu.dma_semaphore, #tpu.memory_space<semaphore_mem>>)
      %dma_wait3A_71 = arith.constant 0 : i32
      %dma_wait3A_72 = tpu.memref_slice %arg6[%add3A_56, %dma_wait3A_71] : memref<20000x64xf32, #tpu.memory_space<hbm>> -> memref<624x64xf32, #tpu.memory_space<hbm>>
      %dma_wait3A_73 = arith.constant 0 : i32
      %dma_wait3A_74 = tpu.memref_slice %arg16[%mul3A_51, %dma_wait3A_73] : memref<10000x64xf32, #tpu.memory_space<vmem_shared>> -> memref<624x64xf32, #tpu.memory_space<vmem_shared>>
      tpu.wait_dma2 semaphore(%run_scoped3A : memref<!tpu.dma_semaphore, #tpu.memory_space<semaphore_mem>>) src(%dma_wait3A_74 : memref<624x64xf32, #tpu.memory_space<vmem_shared>>) dst(%dma_wait3A_72 : memref<624x64xf32, #tpu.memory_space<hbm>>)
      tpu.yield
    }) : () -> ()
    %eq3A_57 = arith.constant 15 : i32
    %eq3A_58 = arith.cmpi eq, %arg1, %eq3A_57 : i32
    %convert_element_type3A_59 = arith.extui %eq3A_58 : i1 to i32
    %cond3A_60 = arith.constant 0 : i32
    %cond3A_61 = arith.cmpi ne, %convert_element_type3A_59, %cond3A_60 : i32
    scf.if %cond3A_61 {
      %mul3A_67 = arith.constant 10000 : i32
      %mul3A_68 = arith.muli %add3A_25, %mul3A_67 : i32
      %add3A_69 = arith.constant 9984 : i32
      %add3A_70 = arith.addi %mul3A_68, %add3A_69 : i32
      "tpu.region"() ({
        %run_scoped3A = tpu.sem_alloc : memref<!tpu.dma_semaphore, #tpu.memory_space<semaphore_mem>>
        %dma_start3A_71 = arith.constant 0 : i32
        %dma_start3A_72 = tpu.memref_slice %arg6[%add3A_70, %dma_start3A_71] : memref<20000x64xf32, #tpu.memory_space<hbm>> -> memref<16x64xf32, #tpu.memory_space<hbm>>
        %dma_start3A_73 = arith.constant 9984 : i32
        %dma_start3A_74 = arith.constant 0 : i32
        %dma_start3A_75 = tpu.memref_slice %arg16[%dma_start3A_73, %dma_start3A_74] : memref<10000x64xf32, #tpu.memory_space<vmem_shared>> -> memref<16x64xf32, #tpu.memory_space<vmem_shared>>
        tpu.enqueue_dma source(%dma_start3A_75 : memref<16x64xf32, #tpu.memory_space<vmem_shared>>) target(%dma_start3A_72 : memref<16x64xf32, #tpu.memory_space<hbm>>) target_semaphore(%run_scoped3A : memref<!tpu.dma_semaphore, #tpu.memory_space<semaphore_mem>>)
        %dma_wait3A_76 = arith.constant 0 : i32
        %dma_wait3A_77 = tpu.memref_slice %arg6[%add3A_70, %dma_wait3A_76] : memref<20000x64xf32, #tpu.memory_space<hbm>> -> memref<16x64xf32, #tpu.memory_space<hbm>>
        %dma_wait3A_78 = arith.constant 9984 : i32
        %dma_wait3A_79 = arith.constant 0 : i32
        %dma_wait3A_80 = tpu.memref_slice %arg16[%dma_wait3A_78, %dma_wait3A_79] : memref<10000x64xf32, #tpu.memory_space<vmem_shared>> -> memref<16x64xf32, #tpu.memory_space<vmem_shared>>
        tpu.wait_dma2 semaphore(%run_scoped3A : memref<!tpu.dma_semaphore, #tpu.memory_space<semaphore_mem>>) src(%dma_wait3A_80 : memref<16x64xf32, #tpu.memory_space<vmem_shared>>) dst(%dma_wait3A_77 : memref<16x64xf32, #tpu.memory_space<hbm>>)
        tpu.yield
      }) : () -> ()
    } else {
    }
    %eq3A_62 = arith.constant 0 : i32
    %eq3A_63 = arith.cmpi eq, %arg1, %eq3A_62 : i32
    %convert_element_type3A_64 = arith.extui %eq3A_63 : i1 to i32
    %cond3A_65 = arith.constant 0 : i32
    %cond3A_66 = arith.cmpi ne, %convert_element_type3A_64, %cond3A_65 : i32
    scf.if %cond3A_66 {
      "tpu.region"() ({
        %run_scoped3A = tpu.sem_alloc : memref<!tpu.dma_semaphore, #tpu.memory_space<semaphore_mem>>
        %dma_start3A_67 = arith.constant 0 : i32
        %dma_start3A_68 = tpu.memref_slice %arg7[%arg0, %dma_start3A_67] : memref<2x10000xf32, #tpu.memory_space<hbm>> -> memref<1x10000xf32, #tpu.memory_space<hbm>>
        %dma_start3A_69 = tpu.memref_squeeze %dma_start3A_68 : memref<1x10000xf32, #tpu.memory_space<hbm>> -> memref<10000xf32, #tpu.memory_space<hbm>>
        tpu.enqueue_dma source(%arg17 : memref<10000xf32, #tpu.memory_space<vmem_shared>>) target(%dma_start3A_69 : memref<10000xf32, #tpu.memory_space<hbm>>) target_semaphore(%run_scoped3A : memref<!tpu.dma_semaphore, #tpu.memory_space<semaphore_mem>>)
        %dma_wait3A_70 = arith.constant 0 : i32
        %dma_wait3A_71 = tpu.memref_slice %arg7[%arg0, %dma_wait3A_70] : memref<2x10000xf32, #tpu.memory_space<hbm>> -> memref<1x10000xf32, #tpu.memory_space<hbm>>
        %dma_wait3A_72 = tpu.memref_squeeze %dma_wait3A_71 : memref<1x10000xf32, #tpu.memory_space<hbm>> -> memref<10000xf32, #tpu.memory_space<hbm>>
        tpu.wait_dma2 semaphore(%run_scoped3A : memref<!tpu.dma_semaphore, #tpu.memory_space<semaphore_mem>>) src(%arg17 : memref<10000xf32, #tpu.memory_space<vmem_shared>>) dst(%dma_wait3A_72 : memref<10000xf32, #tpu.memory_space<hbm>>)
        tpu.yield
      }) : () -> ()
    } else {
    }
    return
  }
}

#map = affine_map<(d0, d1) -> (0, 0)>
#map1 = affine_map<(d0, d1) -> (0)>
module attributes {stable_mosaic.version = 14 : i64} {
  func.func @k(%arg0: i32, %arg1: i32, %arg2: memref<100000x128xf32, #tpu.memory_space<hbm>>, %arg3: memref<1024xi32, #tpu.memory_space<hbm>>, %arg4: memref<1024x128xf32, #tpu.memory_space<hbm>>, %arg5: memref<32xi32, #tpu.memory_space<vmem>>, %arg6: memref<32x128xf32, #tpu.memory_space<vmem>>, %arg7: memref<!tpu.dma_semaphore, #tpu.memory_space<semaphore_mem>>) attributes {dimension_semantics = [#tpu.dimension_semantics<core_parallel>, #tpu.dimension_semantics<subcore_parallel>], iteration_bounds = array<i64: 2, 16>, scalar_prefetch = 0 : i64, scratch_operands = 3 : i64, tpu.core_type = #tpu.core_type<sc_vector_subcore>, window_params = [{transform_indices = #map}, {transform_indices = #map1}, {transform_indices = #map}]} {
    %mul3A = arith.constant 2 : i32
    %mul3A_0 = arith.muli %arg1, %mul3A : i32
    %add3A = arith.addi %mul3A_0, %arg0 : i32
    %mul3A_1 = arith.constant 32 : i32
    %mul3A_2 = arith.muli %add3A, %mul3A_1 : i32
    "tpu.region"() ({
      %run_scoped3A = tpu.sem_alloc : memref<!tpu.dma_semaphore, #tpu.memory_space<semaphore_mem>>
      %dma_start3A_7 = tpu.memref_slice %arg3[%mul3A_2] : memref<1024xi32, #tpu.memory_space<hbm>> -> memref<32xi32, #tpu.memory_space<hbm>>
      %dma_start3A_8 = tpu.memref_slice %arg3[%mul3A_2] : memref<1024xi32, #tpu.memory_space<hbm>> -> memref<32xi32, #tpu.memory_space<hbm>>
      tpu.enqueue_dma source(%dma_start3A_8 : memref<32xi32, #tpu.memory_space<hbm>>) target(%arg5 : memref<32xi32, #tpu.memory_space<vmem>>) target_semaphore(%run_scoped3A : memref<!tpu.dma_semaphore, #tpu.memory_space<semaphore_mem>>)
      %dma_wait3A_9 = tpu.memref_slice %arg3[%mul3A_2] : memref<1024xi32, #tpu.memory_space<hbm>> -> memref<32xi32, #tpu.memory_space<hbm>>
      %dma_wait3A_10 = tpu.memref_slice %arg3[%mul3A_2] : memref<1024xi32, #tpu.memory_space<hbm>> -> memref<32xi32, #tpu.memory_space<hbm>>
      tpu.wait_dma2 semaphore(%run_scoped3A : memref<!tpu.dma_semaphore, #tpu.memory_space<semaphore_mem>>) src(%dma_wait3A_10 : memref<32xi32, #tpu.memory_space<hbm>>) dst(%arg5 : memref<32xi32, #tpu.memory_space<vmem>>)
      tpu.yield
    }) : () -> ()
    %dma_start3A = arith.constant 0 : i32
    %dma_start3A_3 = arith.constant 0 : i32
    %dma_start3A_4 = tpu.memref_slice %arg2[%dma_start3A, %dma_start3A_3] : memref<100000x128xf32, #tpu.memory_space<hbm>> -> memref<100000x128xf32, #tpu.memory_space<hbm>>
    tpu.enqueue_indirect_dma source(%dma_start3A_4 : memref<100000x128xf32, #tpu.memory_space<hbm>>) target(%arg6 : memref<32x128xf32, #tpu.memory_space<vmem>>) offsets(%arg5 : memref<32xi32, #tpu.memory_space<vmem>>) semaphore(%arg7 : memref<!tpu.dma_semaphore, #tpu.memory_space<semaphore_mem>>)
    %dma_wait3A = arith.constant 0 : i32
    %dma_wait3A_5 = arith.constant 0 : i32
    %dma_wait3A_6 = tpu.memref_slice %arg2[%dma_wait3A, %dma_wait3A_5] : memref<100000x128xf32, #tpu.memory_space<hbm>> -> memref<100000x128xf32, #tpu.memory_space<hbm>>
    tpu.wait_indirect_dma semaphore(%arg7 : memref<!tpu.dma_semaphore, #tpu.memory_space<semaphore_mem>>) src(%dma_wait3A_6 : memref<100000x128xf32, #tpu.memory_space<hbm>>) dst(%arg6 : memref<32x128xf32, #tpu.memory_space<vmem>>)
    "tpu.region"() ({
      %run_scoped3A = tpu.sem_alloc : memref<!tpu.dma_semaphore, #tpu.memory_space<semaphore_mem>>
      %dma_start3A_7 = arith.constant 0 : i32
      %dma_start3A_8 = tpu.memref_slice %arg4[%mul3A_2, %dma_start3A_7] : memref<1024x128xf32, #tpu.memory_space<hbm>> -> memref<32x128xf32, #tpu.memory_space<hbm>>
      %dma_start3A_9 = arith.constant 0 : i32
      %dma_start3A_10 = tpu.memref_slice %arg4[%mul3A_2, %dma_start3A_9] : memref<1024x128xf32, #tpu.memory_space<hbm>> -> memref<32x128xf32, #tpu.memory_space<hbm>>
      tpu.enqueue_dma source(%arg6 : memref<32x128xf32, #tpu.memory_space<vmem>>) target(%dma_start3A_10 : memref<32x128xf32, #tpu.memory_space<hbm>>) target_semaphore(%run_scoped3A : memref<!tpu.dma_semaphore, #tpu.memory_space<semaphore_mem>>)
      %dma_wait3A_11 = arith.constant 0 : i32
      %dma_wait3A_12 = tpu.memref_slice %arg4[%mul3A_2, %dma_wait3A_11] : memref<1024x128xf32, #tpu.memory_space<hbm>> -> memref<32x128xf32, #tpu.memory_space<hbm>>
      %dma_wait3A_13 = arith.constant 0 : i32
      %dma_wait3A_14 = tpu.memref_slice %arg4[%mul3A_2, %dma_wait3A_13] : memref<1024x128xf32, #tpu.memory_space<hbm>> -> memref<32x128xf32, #tpu.memory_space<hbm>>
      tpu.wait_dma2 semaphore(%run_scoped3A : memref<!tpu.dma_semaphore, #tpu.memory_space<semaphore_mem>>) src(%arg6 : memref<32x128xf32, #tpu.memory_space<vmem>>) dst(%dma_wait3A_14 : memref<32x128xf32, #tpu.memory_space<hbm>>)
      tpu.yield
    }) : () -> ()
    return
  }
}

#map = affine_map<(d0, d1) -> (0, 0)>
#map1 = affine_map<(d0, d1) -> (0)>
module attributes {stable_mosaic.version = 14 : i64} {
  func.func @k(%arg0: i32, %arg1: i32, %arg2: memref<40000x64xf32, #tpu.memory_space<hbm>>, %arg3: memref<20000xf32, #tpu.memory_space<hbm>>, %arg4: memref<163840xi32, #tpu.memory_space<hbm>>, %arg5: memref<163840xi32, #tpu.memory_space<hbm>>, %arg6: memref<40000x64xf32, #tpu.memory_space<hbm>>, %arg7: memref<2x10000xf32, #tpu.memory_space<hbm>>, %arg8: memref<20480xi32, #tpu.memory_space<vmem>>, %arg9: memref<80x128xi32, #tpu.memory_space<vmem>>, %arg10: memref<20480xf32, #tpu.memory_space<vmem>>, %arg11: memref<10256xf32, #tpu.memory_space<vmem>>, %arg12: memref<80x128xi32, #tpu.memory_space<vmem>>, %arg13: memref<128x64xf32, #tpu.memory_space<vmem>>, %arg14: memref<16x64xf32, #tpu.memory_space<vmem>>, %arg15: memref<2000xf32, #tpu.memory_space<vmem>>, %arg16: memref<10000x64xf32, #tpu.memory_space<vmem_shared>>, %arg17: memref<10000xf32, #tpu.memory_space<vmem_shared>>, %arg18: memref<!tpu.dma_semaphore, #tpu.memory_space<semaphore_mem>>, %arg19: memref<!tpu.dma_semaphore, #tpu.memory_space<semaphore_mem>>) attributes {dimension_semantics = [#tpu.dimension_semantics<core_parallel>, #tpu.dimension_semantics<subcore_parallel>], iteration_bounds = array<i64: 2, 16>, scalar_prefetch = 0 : i64, scratch_operands = 12 : i64, tpu.core_type = #tpu.core_type<sc_vector_subcore>, window_params = [{transform_indices = #map}, {transform_indices = #map1}, {transform_indices = #map1}, {transform_indices = #map1}, {transform_indices = #map}, {transform_indices = #map}]} {
    %mul3A = arith.constant 10240 : i32
    %mul3A_0 = arith.muli %arg1, %mul3A : i32
    %iota3A = tpu.iota {dimensions = array<i32: 0>} : vector<16xi32>
    "tpu.region"() ({
      %run_scoped3A = tpu.sem_alloc : memref<!tpu.dma_semaphore, #tpu.memory_space<semaphore_mem>>
      %dma_start3A_108 = arith.constant 0 : i32
      %dma_start3A_109 = tpu.memref_slice %arg8[%dma_start3A_108] : memref<20480xi32, #tpu.memory_space<vmem>> -> memref<10240xi32, #tpu.memory_space<vmem>>
      %dma_start3A_110 = tpu.memref_slice %arg4[%mul3A_0] : memref<163840xi32, #tpu.memory_space<hbm>> -> memref<10240xi32, #tpu.memory_space<hbm>>
      %dma_start3A_111 = arith.constant 0 : i32
      %dma_start3A_112 = tpu.memref_slice %arg8[%dma_start3A_111] : memref<20480xi32, #tpu.memory_space<vmem>> -> memref<10240xi32, #tpu.memory_space<vmem>>
      %dma_start3A_113 = tpu.memref_slice %arg4[%mul3A_0] : memref<163840xi32, #tpu.memory_space<hbm>> -> memref<10240xi32, #tpu.memory_space<hbm>>
      tpu.enqueue_dma source(%dma_start3A_113 : memref<10240xi32, #tpu.memory_space<hbm>>) target(%dma_start3A_112 : memref<10240xi32, #tpu.memory_space<vmem>>) target_semaphore(%run_scoped3A : memref<!tpu.dma_semaphore, #tpu.memory_space<semaphore_mem>>)
      %dma_wait3A_114 = arith.constant 0 : i32
      %dma_wait3A_115 = tpu.memref_slice %arg8[%dma_wait3A_114] : memref<20480xi32, #tpu.memory_space<vmem>> -> memref<10240xi32, #tpu.memory_space<vmem>>
      %dma_wait3A_116 = tpu.memref_slice %arg4[%mul3A_0] : memref<163840xi32, #tpu.memory_space<hbm>> -> memref<10240xi32, #tpu.memory_space<hbm>>
      %dma_wait3A_117 = arith.constant 0 : i32
      %dma_wait3A_118 = tpu.memref_slice %arg8[%dma_wait3A_117] : memref<20480xi32, #tpu.memory_space<vmem>> -> memref<10240xi32, #tpu.memory_space<vmem>>
      %dma_wait3A_119 = tpu.memref_slice %arg4[%mul3A_0] : memref<163840xi32, #tpu.memory_space<hbm>> -> memref<10240xi32, #tpu.memory_space<hbm>>
      tpu.wait_dma2 semaphore(%run_scoped3A : memref<!tpu.dma_semaphore, #tpu.memory_space<semaphore_mem>>) src(%dma_wait3A_119 : memref<10240xi32, #tpu.memory_space<hbm>>) dst(%dma_wait3A_118 : memref<10240xi32, #tpu.memory_space<vmem>>)
      tpu.yield
    }) : () -> ()
    "tpu.region"() ({
      %run_scoped3A = tpu.sem_alloc : memref<!tpu.dma_semaphore, #tpu.memory_space<semaphore_mem>>
      %dma_start3A_108 = arith.constant 10240 : i32
      %dma_start3A_109 = tpu.memref_slice %arg8[%dma_start3A_108] : memref<20480xi32, #tpu.memory_space<vmem>> -> memref<10240xi32, #tpu.memory_space<vmem>>
      %dma_start3A_110 = tpu.memref_slice %arg5[%mul3A_0] : memref<163840xi32, #tpu.memory_space<hbm>> -> memref<10240xi32, #tpu.memory_space<hbm>>
      %dma_start3A_111 = arith.constant 10240 : i32
      %dma_start3A_112 = tpu.memref_slice %arg8[%dma_start3A_111] : memref<20480xi32, #tpu.memory_space<vmem>> -> memref<10240xi32, #tpu.memory_space<vmem>>
      %dma_start3A_113 = tpu.memref_slice %arg5[%mul3A_0] : memref<163840xi32, #tpu.memory_space<hbm>> -> memref<10240xi32, #tpu.memory_space<hbm>>
      tpu.enqueue_dma source(%dma_start3A_113 : memref<10240xi32, #tpu.memory_space<hbm>>) target(%dma_start3A_112 : memref<10240xi32, #tpu.memory_space<vmem>>) target_semaphore(%run_scoped3A : memref<!tpu.dma_semaphore, #tpu.memory_space<semaphore_mem>>)
      %dma_wait3A_114 = arith.constant 10240 : i32
      %dma_wait3A_115 = tpu.memref_slice %arg8[%dma_wait3A_114] : memref<20480xi32, #tpu.memory_space<vmem>> -> memref<10240xi32, #tpu.memory_space<vmem>>
      %dma_wait3A_116 = tpu.memref_slice %arg5[%mul3A_0] : memref<163840xi32, #tpu.memory_space<hbm>> -> memref<10240xi32, #tpu.memory_space<hbm>>
      %dma_wait3A_117 = arith.constant 10240 : i32
      %dma_wait3A_118 = tpu.memref_slice %arg8[%dma_wait3A_117] : memref<20480xi32, #tpu.memory_space<vmem>> -> memref<10240xi32, #tpu.memory_space<vmem>>
      %dma_wait3A_119 = tpu.memref_slice %arg5[%mul3A_0] : memref<163840xi32, #tpu.memory_space<hbm>> -> memref<10240xi32, #tpu.memory_space<hbm>>
      tpu.wait_dma2 semaphore(%run_scoped3A : memref<!tpu.dma_semaphore, #tpu.memory_space<semaphore_mem>>) src(%dma_wait3A_119 : memref<10240xi32, #tpu.memory_space<hbm>>) dst(%dma_wait3A_118 : memref<10240xi32, #tpu.memory_space<vmem>>)
      tpu.yield
    }) : () -> ()
    %scan3A = arith.constant 0 : i32
    %scan3A_1 = arith.constant 0 : i32
    %scan3A_2 = arith.constant 640 : i32
    %scan3A_3 = arith.addi %scan3A_1, %scan3A_2 : i32
    %scan3A_4 = arith.constant 1 : i32
    scf.for %scan3A_108 = %scan3A_1 to %scan3A_3 step %scan3A_4  : i32 {
      %mul3A_109 = arith.constant 16 : i32
      %mul3A_110 = arith.muli %scan3A_108, %mul3A_109 : i32
      %add3A_111 = arith.constant 10240 : i32
      %add3A_112 = arith.addi %add3A_111, %mul3A_110 : i32
      %get3A = arith.index_cast %add3A_112 : i32 to index
      %get3A_113 = tpu.vector_load %arg8[%get3A] {strides = array<i32>} : memref<20480xi32, #tpu.memory_space<vmem>>, vector<16xi32>,
      %get3A_114 = vector.shape_cast %get3A_113 : vector<16xi32> to vector<16xi32>
      %jit3A = arith.constant 8 : i32
      %div3A = arith.divsi %scan3A_108, %jit3A : i32
      %sign3A = arith.constant 0 : i32
      %sign3A_115 = arith.cmpi sgt, %scan3A_108, %sign3A : i32
      %sign3A_116 = arith.extui %sign3A_115 : i1 to i32
      %sign3A_117 = arith.constant 0 : i32
      %sign3A_118 = arith.cmpi slt, %scan3A_108, %sign3A_117 : i32
      %sign3A_119 = arith.extui %sign3A_118 : i1 to i32
      %sign3A_120 = arith.subi %sign3A_116, %sign3A_119 : i32
      %sign3A_121 = arith.constant 0 : i32
      %sign3A_122 = arith.cmpi sgt, %jit3A, %sign3A_121 : i32
      %sign3A_123 = arith.extui %sign3A_122 : i1 to i32
      %sign3A_124 = arith.constant 0 : i32
      %sign3A_125 = arith.cmpi slt, %jit3A, %sign3A_124 : i32
      %sign3A_126 = arith.extui %sign3A_125 : i1 to i32
      %sign3A_127 = arith.subi %sign3A_123, %sign3A_126 : i32
      %ne3A = arith.cmpi ne, %sign3A_120, %sign3A_127 : i32
      %rem3A = arith.remsi %scan3A_108, %jit3A : i32
      %ne3A_128 = arith.constant 0 : i32
      %ne3A_129 = arith.cmpi ne, %rem3A, %ne3A_128 : i32
      %and3A = arith.andi %ne3A, %ne3A_129 : i1
      %sub3A = arith.constant 1 : i32
      %sub3A_130 = arith.subi %div3A, %sub3A : i32
      %select_n3A = arith.select %and3A, %sub3A_130, %div3A : i32
      %jit3A_131 = arith.constant 8 : i32
      %eq3A_132 = arith.constant 0 : i32
      %eq3A_133 = arith.cmpi eq, %jit3A_131, %eq3A_132 : i32
      %jit3A_134 = arith.constant 1 : i32
      %select_n3A_135 = arith.select %eq3A_133, %jit3A_134, %jit3A_131 : i32
      %rem3A_136 = arith.remsi %scan3A_108, %select_n3A_135 : i32
      %ne3A_137 = arith.constant 0 : i32
      %ne3A_138 = arith.cmpi ne, %rem3A_136, %ne3A_137 : i32
      %lt3A = arith.constant 0 : i32
      %lt3A_139 = arith.cmpi slt, %rem3A_136, %lt3A : i32
      %lt3A_140 = arith.constant 0 : i32
      %lt3A_141 = arith.cmpi slt, %select_n3A_135, %lt3A_140 : i32
      %ne3A_142 = arith.xori %lt3A_139, %lt3A_141 : i1
      %and3A_143 = arith.andi %ne3A_142, %ne3A_138 : i1
      %add3A_144 = arith.addi %rem3A_136, %select_n3A_135 : i32
      %select_n3A_145 = arith.select %and3A_143, %add3A_144, %rem3A_136 : i32
      %mul3A_146 = arith.constant 16 : i32
      %mul3A_147 = arith.muli %select_n3A_145, %mul3A_146 : i32
      %swap3A = arith.index_cast %select_n3A : i32 to index
      %swap3A_148 = arith.index_cast %mul3A_147 : i32 to index
      %swap3A_149 = tpu.vector_load %arg9[%swap3A, %swap3A_148] {strides = array<i32>} : memref<80x128xi32, #tpu.memory_space<vmem>>, vector<1x16xi32>,
      %swap3A_150 = vector.shape_cast %swap3A_149 : vector<1x16xi32> to vector<16xi32>
      %swap3A_151 = vector.shape_cast %get3A_114 : vector<16xi32> to vector<1x16xi32>
      tpu.vector_store %arg9[%swap3A, %swap3A_148], %swap3A_151 {strides = array<i32>} : memref<80x128xi32, #tpu.memory_space<vmem>>, vector<1x16xi32>,
      %add3A_152 = arith.constant 10000 : i32
      %add3A_153 = vector.broadcast %add3A_152 : i32 to vector<16xi32>
      %add3A_154 = arith.addi %get3A_114, %add3A_153 : vector<16xi32>
      %mul3A_155 = arith.constant 16 : i32
      %mul3A_156 = arith.muli %scan3A_108, %mul3A_155 : i32
      %add3A_157 = arith.constant 10240 : i32
      %add3A_158 = arith.addi %add3A_157, %mul3A_156 : i32
      %swap3A_159 = arith.index_cast %add3A_158 : i32 to index
      %swap3A_160 = tpu.vector_load %arg8[%swap3A_159] {strides = array<i32>} : memref<20480xi32, #tpu.memory_space<vmem>>, vector<16xi32>,
      %swap3A_161 = vector.shape_cast %swap3A_160 : vector<16xi32> to vector<16xi32>
      %swap3A_162 = vector.shape_cast %add3A_154 : vector<16xi32> to vector<16xi32>
      tpu.vector_store %arg8[%swap3A_159], %swap3A_162 {strides = array<i32>} : memref<20480xi32, #tpu.memory_space<vmem>>, vector<16xi32>,
    }
    %scan3A_5 = arith.constant 640 : i32
    %dma_start3A = arith.constant 0 : i32
    %dma_start3A_6 = tpu.memref_slice %arg3[%dma_start3A] : memref<20000xf32, #tpu.memory_space<hbm>> -> memref<20000xf32, #tpu.memory_space<hbm>>
    tpu.enqueue_indirect_dma source(%dma_start3A_6 : memref<20000xf32, #tpu.memory_space<hbm>>) target(%arg10 : memref<20480xf32, #tpu.memory_space<vmem>>) offsets(%arg8 : memref<20480xi32, #tpu.memory_space<vmem>>) semaphore(%arg18 : memref<!tpu.dma_semaphore, #tpu.memory_space<semaphore_mem>>)
    %dma_wait3A = arith.constant 0 : i32
    %dma_wait3A_7 = tpu.memref_slice %arg3[%dma_wait3A] : memref<20000xf32, #tpu.memory_space<hbm>> -> memref<20000xf32, #tpu.memory_space<hbm>>
    tpu.wait_indirect_dma semaphore(%arg18 : memref<!tpu.dma_semaphore, #tpu.memory_space<semaphore_mem>>) src(%dma_wait3A_7 : memref<20000xf32, #tpu.memory_space<hbm>>) dst(%arg10 : memref<20480xf32, #tpu.memory_space<vmem>>)
    %scan3A_8 = arith.constant 0 : i32
    %scan3A_9 = arith.constant 0 : i32
    %scan3A_10 = arith.constant 640 : i32
    %scan3A_11 = arith.addi %scan3A_9, %scan3A_10 : i32
    %scan3A_12 = arith.constant 1 : i32
    scf.for %scan3A_108 = %scan3A_9 to %scan3A_11 step %scan3A_12  : i32 {
      %mul3A_109 = arith.constant 16 : i32
      %mul3A_110 = arith.muli %scan3A_108, %mul3A_109 : i32
      %get3A = arith.index_cast %mul3A_110 : i32 to index
      %get3A_111 = tpu.vector_load %arg10[%get3A] {strides = array<i32>} : memref<20480xf32, #tpu.memory_space<vmem>>, vector<16xf32>,
      %get3A_112 = vector.shape_cast %get3A_111 : vector<16xf32> to vector<16xf32>
      %add3A_113 = arith.constant 10240 : i32
      %add3A_114 = arith.addi %add3A_113, %mul3A_110 : i32
      %get3A_115 = arith.index_cast %add3A_114 : i32 to index
      %get3A_116 = tpu.vector_load %arg10[%get3A_115] {strides = array<i32>} : memref<20480xf32, #tpu.memory_space<vmem>>, vector<16xf32>,
      %get3A_117 = vector.shape_cast %get3A_116 : vector<16xf32> to vector<16xf32>
      %add3A_118 = arith.addf %get3A_112, %get3A_117 : vector<16xf32>
      %gt3A = arith.constant 0.000000e+00 : f32
      %gt3A_119 = vector.broadcast %gt3A : f32 to vector<16xf32>
      %gt3A_120 = arith.cmpf ogt, %add3A_118, %gt3A_119 : vector<16xf32>
      %mul3A_121 = arith.constant 2.000000e-01 : f32
      %mul3A_122 = vector.broadcast %mul3A_121 : f32 to vector<16xf32>
      %mul3A_123 = arith.mulf %mul3A_122, %add3A_118 : vector<16xf32>
      %select_n3A = arith.select %gt3A_120, %add3A_118, %mul3A_123 : vector<16xi1>, vector<16xf32>
      %exp3A = math.exp %select_n3A : vector<16xf32>
      %add3A_124 = arith.addi %mul3A_0, %mul3A_110 : i32
      %add3A_125 = vector.broadcast %add3A_124 : i32 to vector<16xi32>
      %add3A_126 = arith.addi %add3A_125, %iota3A : vector<16xi32>
      %lt3A = arith.constant 160000 : i32
      %lt3A_127 = vector.broadcast %lt3A : i32 to vector<16xi32>
      %lt3A_128 = arith.cmpi slt, %add3A_126, %lt3A_127 : vector<16xi32>
      %jit3A = arith.constant 0.000000e+00 : f32
      %broadcast_in_dim3A_129 = vector.broadcast %jit3A : f32 to vector<16xf32>
      %select_n3A_130 = arith.select %lt3A_128, %exp3A, %broadcast_in_dim3A_129 : vector<16xi1>, vector<16xf32>
      %swap3A = arith.index_cast %mul3A_110 : i32 to index
      %swap3A_131 = tpu.vector_load %arg11[%swap3A] {strides = array<i32>} : memref<10256xf32, #tpu.memory_space<vmem>>, vector<16xf32>,
      %swap3A_132 = vector.shape_cast %swap3A_131 : vector<16xf32> to vector<16xf32>
      %swap3A_133 = vector.shape_cast %select_n3A_130 : vector<16xf32> to vector<16xf32>
      tpu.vector_store %arg11[%swap3A], %swap3A_133 {strides = array<i32>} : memref<10256xf32, #tpu.memory_space<vmem>>, vector<16xf32>,
    }
    %scan3A_13 = arith.constant 640 : i32
    %broadcast_in_dim3A = arith.constant 0.000000e+00 : f32
    %broadcast_in_dim3A_14 = vector.broadcast %broadcast_in_dim3A : f32 to vector<16xf32>
    %scan3A_15 = arith.constant 0 : i32
    %scan3A_16 = arith.constant 0 : i32
    %scan3A_17 = arith.constant 64 : i32
    %scan3A_18 = arith.addi %scan3A_16, %scan3A_17 : i32
    %scan3A_19 = arith.constant 1 : i32
    scf.for %scan3A_108 = %scan3A_16 to %scan3A_18 step %scan3A_19  : i32 {
      %jit3A = arith.constant 4 : i32
      %div3A = arith.divsi %scan3A_108, %jit3A : i32
      %sign3A = arith.constant 0 : i32
      %sign3A_109 = arith.cmpi sgt, %scan3A_108, %sign3A : i32
      %sign3A_110 = arith.extui %sign3A_109 : i1 to i32
      %sign3A_111 = arith.constant 0 : i32
      %sign3A_112 = arith.cmpi slt, %scan3A_108, %sign3A_111 : i32
      %sign3A_113 = arith.extui %sign3A_112 : i1 to i32
      %sign3A_114 = arith.subi %sign3A_110, %sign3A_113 : i32
      %sign3A_115 = arith.constant 0 : i32
      %sign3A_116 = arith.cmpi sgt, %jit3A, %sign3A_115 : i32
      %sign3A_117 = arith.extui %sign3A_116 : i1 to i32
      %sign3A_118 = arith.constant 0 : i32
      %sign3A_119 = arith.cmpi slt, %jit3A, %sign3A_118 : i32
      %sign3A_120 = arith.extui %sign3A_119 : i1 to i32
      %sign3A_121 = arith.subi %sign3A_117, %sign3A_120 : i32
      %ne3A = arith.cmpi ne, %sign3A_114, %sign3A_121 : i32
      %rem3A = arith.remsi %scan3A_108, %jit3A : i32
      %ne3A_122 = arith.constant 0 : i32
      %ne3A_123 = arith.cmpi ne, %rem3A, %ne3A_122 : i32
      %and3A = arith.andi %ne3A, %ne3A_123 : i1
      %sub3A = arith.constant 1 : i32
      %sub3A_124 = arith.subi %div3A, %sub3A : i32
      %select_n3A = arith.select %and3A, %sub3A_124, %div3A : i32
      %jit3A_125 = arith.constant 4 : i32
      %eq3A_126 = arith.constant 0 : i32
      %eq3A_127 = arith.cmpi eq, %jit3A_125, %eq3A_126 : i32
      %jit3A_128 = arith.constant 1 : i32
      %select_n3A_129 = arith.select %eq3A_127, %jit3A_128, %jit3A_125 : i32
      %rem3A_130 = arith.remsi %scan3A_108, %select_n3A_129 : i32
      %ne3A_131 = arith.constant 0 : i32
      %ne3A_132 = arith.cmpi ne, %rem3A_130, %ne3A_131 : i32
      %lt3A = arith.constant 0 : i32
      %lt3A_133 = arith.cmpi slt, %rem3A_130, %lt3A : i32
      %lt3A_134 = arith.constant 0 : i32
      %lt3A_135 = arith.cmpi slt, %select_n3A_129, %lt3A_134 : i32
      %ne3A_136 = arith.xori %lt3A_133, %lt3A_135 : i1
      %and3A_137 = arith.andi %ne3A_136, %ne3A_132 : i1
      %add3A_138 = arith.addi %rem3A_130, %select_n3A_129 : i32
      %select_n3A_139 = arith.select %and3A_137, %add3A_138, %rem3A_130 : i32
      %mul3A_140 = arith.constant 16 : i32
      %mul3A_141 = arith.muli %select_n3A_139, %mul3A_140 : i32
      %swap3A = arith.index_cast %select_n3A : i32 to index
      %swap3A_142 = arith.index_cast %mul3A_141 : i32 to index
      %swap3A_143 = tpu.vector_load %arg14[%swap3A, %swap3A_142] {strides = array<i32>} : memref<16x64xf32, #tpu.memory_space<vmem>>, vector<1x16xf32>,
      %swap3A_144 = vector.shape_cast %swap3A_143 : vector<1x16xf32> to vector<16xf32>
      %swap3A_145 = vector.shape_cast %broadcast_in_dim3A_14 : vector<16xf32> to vector<1x16xf32>
      tpu.vector_store %arg14[%swap3A, %swap3A_142], %swap3A_145 {strides = array<i32>} : memref<16x64xf32, #tpu.memory_space<vmem>>, vector<1x16xf32>,
    }
    %scan3A_20 = arith.constant 64 : i32
    %eq3A = arith.constant 0 : i32
    %eq3A_21 = arith.cmpi eq, %arg1, %eq3A : i32
    %convert_element_type3A = arith.extui %eq3A_21 : i1 to i32
    %cond3A = arith.constant 0 : i32
    %cond3A_22 = arith.cmpi ne, %convert_element_type3A, %cond3A : i32
    scf.if %cond3A_22 {
      %broadcast_in_dim3A_108 = arith.constant 0.000000e+00 : f32
      %broadcast_in_dim3A_109 = vector.broadcast %broadcast_in_dim3A_108 : f32 to vector<16xf32>
      %scan3A_110 = arith.constant 0 : i32
      %scan3A_111 = arith.constant 0 : i32
      %scan3A_112 = arith.constant 125 : i32
      %scan3A_113 = arith.addi %scan3A_111, %scan3A_112 : i32
      %scan3A_114 = arith.constant 1 : i32
      scf.for %scan3A_122 = %scan3A_111 to %scan3A_113 step %scan3A_114  : i32 {
        %mul3A_123 = arith.constant 16 : i32
        %mul3A_124 = arith.muli %scan3A_122, %mul3A_123 : i32
        %swap3A = arith.index_cast %mul3A_124 : i32 to index
        %swap3A_125 = tpu.vector_load %arg15[%swap3A] {strides = array<i32>} : memref<2000xf32, #tpu.memory_space<vmem>>, vector<16xf32>,
        %swap3A_126 = vector.shape_cast %swap3A_125 : vector<16xf32> to vector<16xf32>
        %swap3A_127 = vector.shape_cast %broadcast_in_dim3A_109 : vector<16xf32> to vector<16xf32>
        tpu.vector_store %arg15[%swap3A], %swap3A_127 {strides = array<i32>} : memref<2000xf32, #tpu.memory_space<vmem>>, vector<16xf32>,
      }
      %scan3A_115 = arith.constant 125 : i32
      %scan3A_116 = arith.constant 0 : i32
      %scan3A_117 = arith.constant 0 : i32
      %scan3A_118 = arith.constant 5 : i32
      %scan3A_119 = arith.addi %scan3A_117, %scan3A_118 : i32
      %scan3A_120 = arith.constant 1 : i32
      scf.for %scan3A_122 = %scan3A_117 to %scan3A_119 step %scan3A_120  : i32 {
        %mul3A_123 = arith.constant 2000 : i32
        %mul3A_124 = arith.muli %scan3A_122, %mul3A_123 : i32
        "tpu.region"() ({
          %run_scoped3A = tpu.sem_alloc : memref<!tpu.dma_semaphore, #tpu.memory_space<semaphore_mem>>
          %dma_start3A_125 = tpu.memref_slice %arg17[%mul3A_124] : memref<10000xf32, #tpu.memory_space<vmem_shared>> -> memref<2000xf32, #tpu.memory_space<vmem_shared>>
          %dma_start3A_126 = tpu.memref_slice %arg17[%mul3A_124] : memref<10000xf32, #tpu.memory_space<vmem_shared>> -> memref<2000xf32, #tpu.memory_space<vmem_shared>>
          tpu.enqueue_dma source(%arg15 : memref<2000xf32, #tpu.memory_space<vmem>>) target(%dma_start3A_126 : memref<2000xf32, #tpu.memory_space<vmem_shared>>) target_semaphore(%run_scoped3A : memref<!tpu.dma_semaphore, #tpu.memory_space<semaphore_mem>>)
          %dma_wait3A_127 = tpu.memref_slice %arg17[%mul3A_124] : memref<10000xf32, #tpu.memory_space<vmem_shared>> -> memref<2000xf32, #tpu.memory_space<vmem_shared>>
          %dma_wait3A_128 = tpu.memref_slice %arg17[%mul3A_124] : memref<10000xf32, #tpu.memory_space<vmem_shared>> -> memref<2000xf32, #tpu.memory_space<vmem_shared>>
          tpu.wait_dma2 semaphore(%run_scoped3A : memref<!tpu.dma_semaphore, #tpu.memory_space<semaphore_mem>>) src(%arg15 : memref<2000xf32, #tpu.memory_space<vmem>>) dst(%dma_wait3A_128 : memref<2000xf32, #tpu.memory_space<vmem_shared>>)
          tpu.yield
        }) : () -> ()
      }
      %scan3A_121 = arith.constant 5 : i32
    } else {
    }
    %mul3A_23 = arith.constant 2 : i32
    %mul3A_24 = arith.muli %arg0, %mul3A_23 : i32
    %add3A = arith.constant 0 : i32
    %add3A_25 = arith.addi %mul3A_24, %add3A : i32
    %scan3A_26 = arith.constant 0 : i32
    %scan3A_27 = arith.constant 0 : i32
    %scan3A_28 = arith.constant 640 : i32
    %scan3A_29 = arith.addi %scan3A_27, %scan3A_28 : i32
    %scan3A_30 = arith.constant 1 : i32
    scf.for %scan3A_108 = %scan3A_27 to %scan3A_29 step %scan3A_30  : i32 {
      %mul3A_109 = arith.constant 16 : i32
      %mul3A_110 = arith.muli %scan3A_108, %mul3A_109 : i32
      %get3A = arith.index_cast %mul3A_110 : i32 to index
      %get3A_111 = tpu.vector_load %arg8[%get3A] {strides = array<i32>} : memref<20480xi32, #tpu.memory_space<vmem>>, vector<16xi32>,
      %get3A_112 = vector.shape_cast %get3A_111 : vector<16xi32> to vector<16xi32>
      %mul3A_113 = arith.constant 4 : i32
      %mul3A_114 = vector.broadcast %mul3A_113 : i32 to vector<16xi32>
      %mul3A_115 = arith.muli %mul3A_114, %get3A_112 : vector<16xi32>
      %add3A_116 = vector.broadcast %add3A_25 : i32 to vector<16xi32>
      %add3A_117 = arith.addi %mul3A_115, %add3A_116 : vector<16xi32>
      %jit3A = arith.constant 8 : i32
      %div3A = arith.divsi %scan3A_108, %jit3A : i32
      %sign3A = arith.constant 0 : i32
      %sign3A_118 = arith.cmpi sgt, %scan3A_108, %sign3A : i32
      %sign3A_119 = arith.extui %sign3A_118 : i1 to i32
      %sign3A_120 = arith.constant 0 : i32
      %sign3A_121 = arith.cmpi slt, %scan3A_108, %sign3A_120 : i32
      %sign3A_122 = arith.extui %sign3A_121 : i1 to i32
      %sign3A_123 = arith.subi %sign3A_119, %sign3A_122 : i32
      %sign3A_124 = arith.constant 0 : i32
      %sign3A_125 = arith.cmpi sgt, %jit3A, %sign3A_124 : i32
      %sign3A_126 = arith.extui %sign3A_125 : i1 to i32
      %sign3A_127 = arith.constant 0 : i32
      %sign3A_128 = arith.cmpi slt, %jit3A, %sign3A_127 : i32
      %sign3A_129 = arith.extui %sign3A_128 : i1 to i32
      %sign3A_130 = arith.subi %sign3A_126, %sign3A_129 : i32
      %ne3A = arith.cmpi ne, %sign3A_123, %sign3A_130 : i32
      %rem3A = arith.remsi %scan3A_108, %jit3A : i32
      %ne3A_131 = arith.constant 0 : i32
      %ne3A_132 = arith.cmpi ne, %rem3A, %ne3A_131 : i32
      %and3A = arith.andi %ne3A, %ne3A_132 : i1
      %sub3A = arith.constant 1 : i32
      %sub3A_133 = arith.subi %div3A, %sub3A : i32
      %select_n3A = arith.select %and3A, %sub3A_133, %div3A : i32
      %jit3A_134 = arith.constant 8 : i32
      %eq3A_135 = arith.constant 0 : i32
      %eq3A_136 = arith.cmpi eq, %jit3A_134, %eq3A_135 : i32
      %jit3A_137 = arith.constant 1 : i32
      %select_n3A_138 = arith.select %eq3A_136, %jit3A_137, %jit3A_134 : i32
      %rem3A_139 = arith.remsi %scan3A_108, %select_n3A_138 : i32
      %ne3A_140 = arith.constant 0 : i32
      %ne3A_141 = arith.cmpi ne, %rem3A_139, %ne3A_140 : i32
      %lt3A = arith.constant 0 : i32
      %lt3A_142 = arith.cmpi slt, %rem3A_139, %lt3A : i32
      %lt3A_143 = arith.constant 0 : i32
      %lt3A_144 = arith.cmpi slt, %select_n3A_138, %lt3A_143 : i32
      %ne3A_145 = arith.xori %lt3A_142, %lt3A_144 : i1
      %and3A_146 = arith.andi %ne3A_145, %ne3A_141 : i1
      %add3A_147 = arith.addi %rem3A_139, %select_n3A_138 : i32
      %select_n3A_148 = arith.select %and3A_146, %add3A_147, %rem3A_139 : i32
      %mul3A_149 = arith.constant 16 : i32
      %mul3A_150 = arith.muli %select_n3A_148, %mul3A_149 : i32
      %swap3A = arith.index_cast %select_n3A : i32 to index
      %swap3A_151 = arith.index_cast %mul3A_150 : i32 to index
      %swap3A_152 = tpu.vector_load %arg12[%swap3A, %swap3A_151] {strides = array<i32>} : memref<80x128xi32, #tpu.memory_space<vmem>>, vector<1x16xi32>,
      %swap3A_153 = vector.shape_cast %swap3A_152 : vector<1x16xi32> to vector<16xi32>
      %swap3A_154 = vector.shape_cast %add3A_117 : vector<16xi32> to vector<1x16xi32>
      tpu.vector_store %arg12[%swap3A, %swap3A_151], %swap3A_154 {strides = array<i32>} : memref<80x128xi32, #tpu.memory_space<vmem>>, vector<1x16xi32>,
    }
    %scan3A_31 = arith.constant 640 : i32
    %scan3A_32 = arith.constant 0 : i32
    %scan3A_33 = arith.constant 0 : i32
    %scan3A_34 = arith.constant 39 : i32
    %scan3A_35 = arith.addi %scan3A_33, %scan3A_34 : i32
    %scan3A_36 = arith.constant 1 : i32
    scf.for %scan3A_108 = %scan3A_33 to %scan3A_35 step %scan3A_36  : i32 {
      %mul3A_109 = arith.constant 624 : i32
      %mul3A_110 = arith.muli %arg1, %mul3A_109 : i32
      %mul3A_111 = arith.constant 16 : i32
      %mul3A_112 = arith.muli %scan3A_108, %mul3A_111 : i32
      %add3A_113 = arith.addi %mul3A_110, %mul3A_112 : i32
      "tpu.region"() ({
        %run_scoped3A = tpu.sem_alloc : memref<!tpu.dma_semaphore, #tpu.memory_space<semaphore_mem>>
        %dma_start3A_114 = arith.constant 0 : i32
        %dma_start3A_115 = tpu.memref_slice %arg16[%add3A_113, %dma_start3A_114] : memref<10000x64xf32, #tpu.memory_space<vmem_shared>> -> memref<16x64xf32, #tpu.memory_space<vmem_shared>>
        %dma_start3A_116 = arith.constant 0 : i32
        %dma_start3A_117 = tpu.memref_slice %arg16[%add3A_113, %dma_start3A_116] : memref<10000x64xf32, #tpu.memory_space<vmem_shared>> -> memref<16x64xf32, #tpu.memory_space<vmem_shared>>
        tpu.enqueue_dma source(%arg14 : memref<16x64xf32, #tpu.memory_space<vmem>>) target(%dma_start3A_117 : memref<16x64xf32, #tpu.memory_space<vmem_shared>>) target_semaphore(%run_scoped3A : memref<!tpu.dma_semaphore, #tpu.memory_space<semaphore_mem>>)
        %dma_wait3A_118 = arith.constant 0 : i32
        %dma_wait3A_119 = tpu.memref_slice %arg16[%add3A_113, %dma_wait3A_118] : memref<10000x64xf32, #tpu.memory_space<vmem_shared>> -> memref<16x64xf32, #tpu.memory_space<vmem_shared>>
        %dma_wait3A_120 = arith.constant 0 : i32
        %dma_wait3A_121 = tpu.memref_slice %arg16[%add3A_113, %dma_wait3A_120] : memref<10000x64xf32, #tpu.memory_space<vmem_shared>> -> memref<16x64xf32, #tpu.memory_space<vmem_shared>>
        tpu.wait_dma2 semaphore(%run_scoped3A : memref<!tpu.dma_semaphore, #tpu.memory_space<semaphore_mem>>) src(%arg14 : memref<16x64xf32, #tpu.memory_space<vmem>>) dst(%dma_wait3A_121 : memref<16x64xf32, #tpu.memory_space<vmem_shared>>)
        tpu.yield
      }) : () -> ()
    }
    %scan3A_37 = arith.constant 39 : i32
    %eq3A_38 = arith.constant 15 : i32
    %eq3A_39 = arith.cmpi eq, %arg1, %eq3A_38 : i32
    %convert_element_type3A_40 = arith.extui %eq3A_39 : i1 to i32
    %cond3A_41 = arith.constant 0 : i32
    %cond3A_42 = arith.cmpi ne, %convert_element_type3A_40, %cond3A_41 : i32
    scf.if %cond3A_42 {
      "tpu.region"() ({
        %run_scoped3A = tpu.sem_alloc : memref<!tpu.dma_semaphore, #tpu.memory_space<semaphore_mem>>
        %dma_start3A_108 = arith.constant 9984 : i32
        %dma_start3A_109 = arith.constant 0 : i32
        %dma_start3A_110 = tpu.memref_slice %arg16[%dma_start3A_108, %dma_start3A_109] : memref<10000x64xf32, #tpu.memory_space<vmem_shared>> -> memref<16x64xf32, #tpu.memory_space<vmem_shared>>
        %dma_start3A_111 = arith.constant 9984 : i32
        %dma_start3A_112 = arith.constant 0 : i32
        %dma_start3A_113 = tpu.memref_slice %arg16[%dma_start3A_111, %dma_start3A_112] : memref<10000x64xf32, #tpu.memory_space<vmem_shared>> -> memref<16x64xf32, #tpu.memory_space<vmem_shared>>
        tpu.enqueue_dma source(%arg14 : memref<16x64xf32, #tpu.memory_space<vmem>>) target(%dma_start3A_113 : memref<16x64xf32, #tpu.memory_space<vmem_shared>>) target_semaphore(%run_scoped3A : memref<!tpu.dma_semaphore, #tpu.memory_space<semaphore_mem>>)
        %dma_wait3A_114 = arith.constant 9984 : i32
        %dma_wait3A_115 = arith.constant 0 : i32
        %dma_wait3A_116 = tpu.memref_slice %arg16[%dma_wait3A_114, %dma_wait3A_115] : memref<10000x64xf32, #tpu.memory_space<vmem_shared>> -> memref<16x64xf32, #tpu.memory_space<vmem_shared>>
        %dma_wait3A_117 = arith.constant 9984 : i32
        %dma_wait3A_118 = arith.constant 0 : i32
        %dma_wait3A_119 = tpu.memref_slice %arg16[%dma_wait3A_117, %dma_wait3A_118] : memref<10000x64xf32, #tpu.memory_space<vmem_shared>> -> memref<16x64xf32, #tpu.memory_space<vmem_shared>>
        tpu.wait_dma2 semaphore(%run_scoped3A : memref<!tpu.dma_semaphore, #tpu.memory_space<semaphore_mem>>) src(%arg14 : memref<16x64xf32, #tpu.memory_space<vmem>>) dst(%dma_wait3A_119 : memref<16x64xf32, #tpu.memory_space<vmem_shared>>)
        tpu.yield
      }) : () -> ()
    } else {
    }
    %barrier3A = arith.constant 0 : index
    tpu.barrier barrier_id(%barrier3A)
    %scan3A_43 = arith.constant 0 : i32
    %scan3A_44 = arith.constant 0 : i32
    %scan3A_45 = arith.constant 80 : i32
    %scan3A_46 = arith.addi %scan3A_44, %scan3A_45 : i32
    %scan3A_47 = arith.constant 1 : i32
    scf.for %scan3A_108 = %scan3A_44 to %scan3A_46 step %scan3A_47  : i32 {
      %dma_start3A_109 = arith.constant 0 : i32
      %dma_start3A_110 = tpu.memref_slice %arg12[%scan3A_108, %dma_start3A_109] : memref<80x128xi32, #tpu.memory_space<vmem>> -> memref<1x128xi32, #tpu.memory_space<vmem>>
      %dma_start3A_111 = tpu.memref_squeeze %dma_start3A_110 : memref<1x128xi32, #tpu.memory_space<vmem>> -> memref<128xi32, #tpu.memory_space<vmem>>
      %dma_start3A_112 = arith.constant 0 : i32
      %dma_start3A_113 = arith.constant 0 : i32
      %dma_start3A_114 = tpu.memref_slice %arg2[%dma_start3A_112, %dma_start3A_113] : memref<40000x64xf32, #tpu.memory_space<hbm>> -> memref<40000x64xf32, #tpu.memory_space<hbm>>
      tpu.enqueue_indirect_dma source(%dma_start3A_114 : memref<40000x64xf32, #tpu.memory_space<hbm>>) target(%arg13 : memref<128x64xf32, #tpu.memory_space<vmem>>) offsets(%dma_start3A_111 : memref<128xi32, #tpu.memory_space<vmem>>) semaphore(%arg18 : memref<!tpu.dma_semaphore, #tpu.memory_space<semaphore_mem>>)
      %mul3A_115 = arith.constant 128 : i32
      %mul3A_116 = arith.muli %scan3A_108, %mul3A_115 : i32
      "tpu.region"() ({
        %run_scoped3A = tpu.sem_alloc : memref<!tpu.dma_semaphore, #tpu.memory_space<semaphore_mem>>
        %dma_start3A_131 = tpu.memref_slice %arg11[%mul3A_116] : memref<10256xf32, #tpu.memory_space<vmem>> -> memref<128xf32, #tpu.memory_space<vmem>>
        %dma_start3A_132 = arith.constant 0 : i32
        %dma_start3A_133 = tpu.memref_slice %arg9[%scan3A_108, %dma_start3A_132] : memref<80x128xi32, #tpu.memory_space<vmem>> -> memref<1x128xi32, #tpu.memory_space<vmem>>
        %dma_start3A_134 = tpu.memref_squeeze %dma_start3A_133 : memref<1x128xi32, #tpu.memory_space<vmem>> -> memref<128xi32, #tpu.memory_space<vmem>>
        %dma_start3A_135 = arith.constant 0 : i32
        %dma_start3A_136 = tpu.memref_slice %arg17[%dma_start3A_135] : memref<10000xf32, #tpu.memory_space<vmem_shared>> -> memref<10000xf32, #tpu.memory_space<vmem_shared>>
        tpu.enqueue_indirect_dma source(%dma_start3A_131 : memref<128xf32, #tpu.memory_space<vmem>>) target(%dma_start3A_136 : memref<10000xf32, #tpu.memory_space<vmem_shared>>) offsets(%dma_start3A_134 : memref<128xi32, #tpu.memory_space<vmem>>) semaphore(%run_scoped3A : memref<!tpu.dma_semaphore, #tpu.memory_space<semaphore_mem>>) {add = true}
        %dma_wait3A_137 = tpu.memref_slice %arg11[%mul3A_116] : memref<10256xf32, #tpu.memory_space<vmem>> -> memref<128xf32, #tpu.memory_space<vmem>>
        %dma_wait3A_138 = arith.constant 0 : i32
        %dma_wait3A_139 = tpu.memref_slice %arg9[%scan3A_108, %dma_wait3A_138] : memref<80x128xi32, #tpu.memory_space<vmem>> -> memref<1x128xi32, #tpu.memory_space<vmem>>
        %dma_wait3A_140 = tpu.memref_squeeze %dma_wait3A_139 : memref<1x128xi32, #tpu.memory_space<vmem>> -> memref<128xi32, #tpu.memory_space<vmem>>
        %dma_wait3A_141 = arith.constant 0 : i32
        %dma_wait3A_142 = tpu.memref_slice %arg17[%dma_wait3A_141] : memref<10000xf32, #tpu.memory_space<vmem_shared>> -> memref<10000xf32, #tpu.memory_space<vmem_shared>>
        tpu.wait_indirect_dma semaphore(%run_scoped3A : memref<!tpu.dma_semaphore, #tpu.memory_space<semaphore_mem>>) src(%dma_wait3A_137 : memref<128xf32, #tpu.memory_space<vmem>>) dst(%dma_wait3A_142 : memref<10000xf32, #tpu.memory_space<vmem_shared>>)
        tpu.yield
      }) : () -> ()
      %dma_wait3A_117 = arith.constant 0 : i32
      %dma_wait3A_118 = tpu.memref_slice %arg12[%scan3A_108, %dma_wait3A_117] : memref<80x128xi32, #tpu.memory_space<vmem>> -> memref<1x128xi32, #tpu.memory_space<vmem>>
      %dma_wait3A_119 = tpu.memref_squeeze %dma_wait3A_118 : memref<1x128xi32, #tpu.memory_space<vmem>> -> memref<128xi32, #tpu.memory_space<vmem>>
      %dma_wait3A_120 = arith.constant 0 : i32
      %dma_wait3A_121 = arith.constant 0 : i32
      %dma_wait3A_122 = tpu.memref_slice %arg2[%dma_wait3A_120, %dma_wait3A_121] : memref<40000x64xf32, #tpu.memory_space<hbm>> -> memref<40000x64xf32, #tpu.memory_space<hbm>>
      tpu.wait_indirect_dma semaphore(%arg18 : memref<!tpu.dma_semaphore, #tpu.memory_space<semaphore_mem>>) src(%dma_wait3A_122 : memref<40000x64xf32, #tpu.memory_space<hbm>>) dst(%arg13 : memref<128x64xf32, #tpu.memory_space<vmem>>)
      %mul3A_123 = arith.constant 128 : i32
      %mul3A_124 = arith.muli %scan3A_108, %mul3A_123 : i32
      %scan3A_125 = arith.constant 0 : i32
      %scan3A_126 = arith.constant 0 : i32
      %scan3A_127 = arith.constant 32 : i32
      %scan3A_128 = arith.addi %scan3A_126, %scan3A_127 : i32
      %scan3A_129 = arith.constant 1 : i32
      scf.for %scan3A_131 = %scan3A_126 to %scan3A_128 step %scan3A_129  : i32 {
        %mul3A_132 = arith.constant 4 : i32
        %mul3A_133 = arith.muli %scan3A_131, %mul3A_132 : i32
        %add3A_134 = arith.constant 0 : i32
        %add3A_135 = arith.addi %mul3A_133, %add3A_134 : i32
        %add3A_136 = arith.addi %mul3A_124, %add3A_135 : i32
        %get3A = arith.index_cast %add3A_136 : i32 to index
        %get3A_137 = tpu.vector_load %arg11[%get3A] {strides = array<i32>} : memref<10256xf32, #tpu.memory_space<vmem>>, vector<16xf32>,
        %get3A_138 = vector.shape_cast %get3A_137 : vector<16xf32> to vector<16xf32>
        %slice3A = vector.extract_strided_slice %get3A_138 {offsets = [0], sizes = [1], strides = [1]} : vector<16xf32> to vector<1xf32>
        %squeeze3A = vector.extract %slice3A[0] : f32 from vector<1xf32>
        %broadcast_in_dim3A_139 = vector.broadcast %squeeze3A : f32 to vector<16xf32>
        %get3A_140 = arith.index_cast %add3A_135 : i32 to index
        %get3A_141 = arith.constant 0 : index
        %get3A_142 = tpu.vector_load %arg13[%get3A_140, %get3A_141] {strides = array<i32>} : memref<128x64xf32, #tpu.memory_space<vmem>>, vector<1x16xf32>,
        %get3A_143 = vector.shape_cast %get3A_142 : vector<1x16xf32> to vector<16xf32>
        %mul3A_144 = arith.mulf %get3A_143, %broadcast_in_dim3A_139 : vector<16xf32>
        %swap3A = arith.index_cast %add3A_135 : i32 to index
        %swap3A_145 = arith.constant 0 : index
        %swap3A_146 = tpu.vector_load %arg13[%swap3A, %swap3A_145] {strides = array<i32>} : memref<128x64xf32, #tpu.memory_space<vmem>>, vector<1x16xf32>,
        %swap3A_147 = vector.shape_cast %swap3A_146 : vector<1x16xf32> to vector<16xf32>
        %swap3A_148 = vector.shape_cast %mul3A_144 : vector<16xf32> to vector<1x16xf32>
        tpu.vector_store %arg13[%swap3A, %swap3A_145], %swap3A_148 {strides = array<i32>} : memref<128x64xf32, #tpu.memory_space<vmem>>, vector<1x16xf32>,
        %get3A_149 = arith.index_cast %add3A_135 : i32 to index
        %get3A_150 = arith.constant 16 : index
        %get3A_151 = tpu.vector_load %arg13[%get3A_149, %get3A_150] {strides = array<i32>} : memref<128x64xf32, #tpu.memory_space<vmem>>, vector<1x16xf32>,
        %get3A_152 = vector.shape_cast %get3A_151 : vector<1x16xf32> to vector<16xf32>
        %mul3A_153 = arith.mulf %get3A_152, %broadcast_in_dim3A_139 : vector<16xf32>
        %swap3A_154 = arith.index_cast %add3A_135 : i32 to index
        %swap3A_155 = arith.constant 16 : index
        %swap3A_156 = tpu.vector_load %arg13[%swap3A_154, %swap3A_155] {strides = array<i32>} : memref<128x64xf32, #tpu.memory_space<vmem>>, vector<1x16xf32>,
        %swap3A_157 = vector.shape_cast %swap3A_156 : vector<1x16xf32> to vector<16xf32>
        %swap3A_158 = vector.shape_cast %mul3A_153 : vector<16xf32> to vector<1x16xf32>
        tpu.vector_store %arg13[%swap3A_154, %swap3A_155], %swap3A_158 {strides = array<i32>} : memref<128x64xf32, #tpu.memory_space<vmem>>, vector<1x16xf32>,
        %get3A_159 = arith.index_cast %add3A_135 : i32 to index
        %get3A_160 = arith.constant 32 : index
        %get3A_161 = tpu.vector_load %arg13[%get3A_159, %get3A_160] {strides = array<i32>} : memref<128x64xf32, #tpu.memory_space<vmem>>, vector<1x16xf32>,
        %get3A_162 = vector.shape_cast %get3A_161 : vector<1x16xf32> to vector<16xf32>
        %mul3A_163 = arith.mulf %get3A_162, %broadcast_in_dim3A_139 : vector<16xf32>
        %swap3A_164 = arith.index_cast %add3A_135 : i32 to index
        %swap3A_165 = arith.constant 32 : index
        %swap3A_166 = tpu.vector_load %arg13[%swap3A_164, %swap3A_165] {strides = array<i32>} : memref<128x64xf32, #tpu.memory_space<vmem>>, vector<1x16xf32>,
        %swap3A_167 = vector.shape_cast %swap3A_166 : vector<1x16xf32> to vector<16xf32>
        %swap3A_168 = vector.shape_cast %mul3A_163 : vector<16xf32> to vector<1x16xf32>
        tpu.vector_store %arg13[%swap3A_164, %swap3A_165], %swap3A_168 {strides = array<i32>} : memref<128x64xf32, #tpu.memory_space<vmem>>, vector<1x16xf32>,
        %get3A_169 = arith.index_cast %add3A_135 : i32 to index
        %get3A_170 = arith.constant 48 : index
        %get3A_171 = tpu.vector_load %arg13[%get3A_169, %get3A_170] {strides = array<i32>} : memref<128x64xf32, #tpu.memory_space<vmem>>, vector<1x16xf32>,
        %get3A_172 = vector.shape_cast %get3A_171 : vector<1x16xf32> to vector<16xf32>
        %mul3A_173 = arith.mulf %get3A_172, %broadcast_in_dim3A_139 : vector<16xf32>
        %swap3A_174 = arith.index_cast %add3A_135 : i32 to index
        %swap3A_175 = arith.constant 48 : index
        %swap3A_176 = tpu.vector_load %arg13[%swap3A_174, %swap3A_175] {strides = array<i32>} : memref<128x64xf32, #tpu.memory_space<vmem>>, vector<1x16xf32>,
        %swap3A_177 = vector.shape_cast %swap3A_176 : vector<1x16xf32> to vector<16xf32>
        %swap3A_178 = vector.shape_cast %mul3A_173 : vector<16xf32> to vector<1x16xf32>
        tpu.vector_store %arg13[%swap3A_174, %swap3A_175], %swap3A_178 {strides = array<i32>} : memref<128x64xf32, #tpu.memory_space<vmem>>, vector<1x16xf32>,
        %mul3A_179 = arith.constant 4 : i32
        %mul3A_180 = arith.muli %scan3A_131, %mul3A_179 : i32
        %add3A_181 = arith.constant 1 : i32
        %add3A_182 = arith.addi %mul3A_180, %add3A_181 : i32
        %add3A_183 = arith.addi %mul3A_124, %add3A_182 : i32
        %get3A_184 = arith.index_cast %add3A_183 : i32 to index
        %get3A_185 = tpu.vector_load %arg11[%get3A_184] {strides = array<i32>} : memref<10256xf32, #tpu.memory_space<vmem>>, vector<16xf32>,
        %get3A_186 = vector.shape_cast %get3A_185 : vector<16xf32> to vector<16xf32>
        %slice3A_187 = vector.extract_strided_slice %get3A_186 {offsets = [0], sizes = [1], strides = [1]} : vector<16xf32> to vector<1xf32>
        %squeeze3A_188 = vector.extract %slice3A_187[0] : f32 from vector<1xf32>
        %broadcast_in_dim3A_189 = vector.broadcast %squeeze3A_188 : f32 to vector<16xf32>
        %get3A_190 = arith.index_cast %add3A_182 : i32 to index
        %get3A_191 = arith.constant 0 : index
        %get3A_192 = tpu.vector_load %arg13[%get3A_190, %get3A_191] {strides = array<i32>} : memref<128x64xf32, #tpu.memory_space<vmem>>, vector<1x16xf32>,
        %get3A_193 = vector.shape_cast %get3A_192 : vector<1x16xf32> to vector<16xf32>
        %mul3A_194 = arith.mulf %get3A_193, %broadcast_in_dim3A_189 : vector<16xf32>
        %swap3A_195 = arith.index_cast %add3A_182 : i32 to index
        %swap3A_196 = arith.constant 0 : index
        %swap3A_197 = tpu.vector_load %arg13[%swap3A_195, %swap3A_196] {strides = array<i32>} : memref<128x64xf32, #tpu.memory_space<vmem>>, vector<1x16xf32>,
        %swap3A_198 = vector.shape_cast %swap3A_197 : vector<1x16xf32> to vector<16xf32>
        %swap3A_199 = vector.shape_cast %mul3A_194 : vector<16xf32> to vector<1x16xf32>
        tpu.vector_store %arg13[%swap3A_195, %swap3A_196], %swap3A_199 {strides = array<i32>} : memref<128x64xf32, #tpu.memory_space<vmem>>, vector<1x16xf32>,
        %get3A_200 = arith.index_cast %add3A_182 : i32 to index
        %get3A_201 = arith.constant 16 : index
        %get3A_202 = tpu.vector_load %arg13[%get3A_200, %get3A_201] {strides = array<i32>} : memref<128x64xf32, #tpu.memory_space<vmem>>, vector<1x16xf32>,
        %get3A_203 = vector.shape_cast %get3A_202 : vector<1x16xf32> to vector<16xf32>
        %mul3A_204 = arith.mulf %get3A_203, %broadcast_in_dim3A_189 : vector<16xf32>
        %swap3A_205 = arith.index_cast %add3A_182 : i32 to index
        %swap3A_206 = arith.constant 16 : index
        %swap3A_207 = tpu.vector_load %arg13[%swap3A_205, %swap3A_206] {strides = array<i32>} : memref<128x64xf32, #tpu.memory_space<vmem>>, vector<1x16xf32>,
        %swap3A_208 = vector.shape_cast %swap3A_207 : vector<1x16xf32> to vector<16xf32>
        %swap3A_209 = vector.shape_cast %mul3A_204 : vector<16xf32> to vector<1x16xf32>
        tpu.vector_store %arg13[%swap3A_205, %swap3A_206], %swap3A_209 {strides = array<i32>} : memref<128x64xf32, #tpu.memory_space<vmem>>, vector<1x16xf32>,
        %get3A_210 = arith.index_cast %add3A_182 : i32 to index
        %get3A_211 = arith.constant 32 : index
        %get3A_212 = tpu.vector_load %arg13[%get3A_210, %get3A_211] {strides = array<i32>} : memref<128x64xf32, #tpu.memory_space<vmem>>, vector<1x16xf32>,
        %get3A_213 = vector.shape_cast %get3A_212 : vector<1x16xf32> to vector<16xf32>
        %mul3A_214 = arith.mulf %get3A_213, %broadcast_in_dim3A_189 : vector<16xf32>
        %swap3A_215 = arith.index_cast %add3A_182 : i32 to index
        %swap3A_216 = arith.constant 32 : index
        %swap3A_217 = tpu.vector_load %arg13[%swap3A_215, %swap3A_216] {strides = array<i32>} : memref<128x64xf32, #tpu.memory_space<vmem>>, vector<1x16xf32>,
        %swap3A_218 = vector.shape_cast %swap3A_217 : vector<1x16xf32> to vector<16xf32>
        %swap3A_219 = vector.shape_cast %mul3A_214 : vector<16xf32> to vector<1x16xf32>
        tpu.vector_store %arg13[%swap3A_215, %swap3A_216], %swap3A_219 {strides = array<i32>} : memref<128x64xf32, #tpu.memory_space<vmem>>, vector<1x16xf32>,
        %get3A_220 = arith.index_cast %add3A_182 : i32 to index
        %get3A_221 = arith.constant 48 : index
        %get3A_222 = tpu.vector_load %arg13[%get3A_220, %get3A_221] {strides = array<i32>} : memref<128x64xf32, #tpu.memory_space<vmem>>, vector<1x16xf32>,
        %get3A_223 = vector.shape_cast %get3A_222 : vector<1x16xf32> to vector<16xf32>
        %mul3A_224 = arith.mulf %get3A_223, %broadcast_in_dim3A_189 : vector<16xf32>
        %swap3A_225 = arith.index_cast %add3A_182 : i32 to index
        %swap3A_226 = arith.constant 48 : index
        %swap3A_227 = tpu.vector_load %arg13[%swap3A_225, %swap3A_226] {strides = array<i32>} : memref<128x64xf32, #tpu.memory_space<vmem>>, vector<1x16xf32>,
        %swap3A_228 = vector.shape_cast %swap3A_227 : vector<1x16xf32> to vector<16xf32>
        %swap3A_229 = vector.shape_cast %mul3A_224 : vector<16xf32> to vector<1x16xf32>
        tpu.vector_store %arg13[%swap3A_225, %swap3A_226], %swap3A_229 {strides = array<i32>} : memref<128x64xf32, #tpu.memory_space<vmem>>, vector<1x16xf32>,
        %mul3A_230 = arith.constant 4 : i32
        %mul3A_231 = arith.muli %scan3A_131, %mul3A_230 : i32
        %add3A_232 = arith.constant 2 : i32
        %add3A_233 = arith.addi %mul3A_231, %add3A_232 : i32
        %add3A_234 = arith.addi %mul3A_124, %add3A_233 : i32
        %get3A_235 = arith.index_cast %add3A_234 : i32 to index
        %get3A_236 = tpu.vector_load %arg11[%get3A_235] {strides = array<i32>} : memref<10256xf32, #tpu.memory_space<vmem>>, vector<16xf32>,
        %get3A_237 = vector.shape_cast %get3A_236 : vector<16xf32> to vector<16xf32>
        %slice3A_238 = vector.extract_strided_slice %get3A_237 {offsets = [0], sizes = [1], strides = [1]} : vector<16xf32> to vector<1xf32>
        %squeeze3A_239 = vector.extract %slice3A_238[0] : f32 from vector<1xf32>
        %broadcast_in_dim3A_240 = vector.broadcast %squeeze3A_239 : f32 to vector<16xf32>
        %get3A_241 = arith.index_cast %add3A_233 : i32 to index
        %get3A_242 = arith.constant 0 : index
        %get3A_243 = tpu.vector_load %arg13[%get3A_241, %get3A_242] {strides = array<i32>} : memref<128x64xf32, #tpu.memory_space<vmem>>, vector<1x16xf32>,
        %get3A_244 = vector.shape_cast %get3A_243 : vector<1x16xf32> to vector<16xf32>
        %mul3A_245 = arith.mulf %get3A_244, %broadcast_in_dim3A_240 : vector<16xf32>
        %swap3A_246 = arith.index_cast %add3A_233 : i32 to index
        %swap3A_247 = arith.constant 0 : index
        %swap3A_248 = tpu.vector_load %arg13[%swap3A_246, %swap3A_247] {strides = array<i32>} : memref<128x64xf32, #tpu.memory_space<vmem>>, vector<1x16xf32>,
        %swap3A_249 = vector.shape_cast %swap3A_248 : vector<1x16xf32> to vector<16xf32>
        %swap3A_250 = vector.shape_cast %mul3A_245 : vector<16xf32> to vector<1x16xf32>
        tpu.vector_store %arg13[%swap3A_246, %swap3A_247], %swap3A_250 {strides = array<i32>} : memref<128x64xf32, #tpu.memory_space<vmem>>, vector<1x16xf32>,
        %get3A_251 = arith.index_cast %add3A_233 : i32 to index
        %get3A_252 = arith.constant 16 : index
        %get3A_253 = tpu.vector_load %arg13[%get3A_251, %get3A_252] {strides = array<i32>} : memref<128x64xf32, #tpu.memory_space<vmem>>, vector<1x16xf32>,
        %get3A_254 = vector.shape_cast %get3A_253 : vector<1x16xf32> to vector<16xf32>
        %mul3A_255 = arith.mulf %get3A_254, %broadcast_in_dim3A_240 : vector<16xf32>
        %swap3A_256 = arith.index_cast %add3A_233 : i32 to index
        %swap3A_257 = arith.constant 16 : index
        %swap3A_258 = tpu.vector_load %arg13[%swap3A_256, %swap3A_257] {strides = array<i32>} : memref<128x64xf32, #tpu.memory_space<vmem>>, vector<1x16xf32>,
        %swap3A_259 = vector.shape_cast %swap3A_258 : vector<1x16xf32> to vector<16xf32>
        %swap3A_260 = vector.shape_cast %mul3A_255 : vector<16xf32> to vector<1x16xf32>
        tpu.vector_store %arg13[%swap3A_256, %swap3A_257], %swap3A_260 {strides = array<i32>} : memref<128x64xf32, #tpu.memory_space<vmem>>, vector<1x16xf32>,
        %get3A_261 = arith.index_cast %add3A_233 : i32 to index
        %get3A_262 = arith.constant 32 : index
        %get3A_263 = tpu.vector_load %arg13[%get3A_261, %get3A_262] {strides = array<i32>} : memref<128x64xf32, #tpu.memory_space<vmem>>, vector<1x16xf32>,
        %get3A_264 = vector.shape_cast %get3A_263 : vector<1x16xf32> to vector<16xf32>
        %mul3A_265 = arith.mulf %get3A_264, %broadcast_in_dim3A_240 : vector<16xf32>
        %swap3A_266 = arith.index_cast %add3A_233 : i32 to index
        %swap3A_267 = arith.constant 32 : index
        %swap3A_268 = tpu.vector_load %arg13[%swap3A_266, %swap3A_267] {strides = array<i32>} : memref<128x64xf32, #tpu.memory_space<vmem>>, vector<1x16xf32>,
        %swap3A_269 = vector.shape_cast %swap3A_268 : vector<1x16xf32> to vector<16xf32>
        %swap3A_270 = vector.shape_cast %mul3A_265 : vector<16xf32> to vector<1x16xf32>
        tpu.vector_store %arg13[%swap3A_266, %swap3A_267], %swap3A_270 {strides = array<i32>} : memref<128x64xf32, #tpu.memory_space<vmem>>, vector<1x16xf32>,
        %get3A_271 = arith.index_cast %add3A_233 : i32 to index
        %get3A_272 = arith.constant 48 : index
        %get3A_273 = tpu.vector_load %arg13[%get3A_271, %get3A_272] {strides = array<i32>} : memref<128x64xf32, #tpu.memory_space<vmem>>, vector<1x16xf32>,
        %get3A_274 = vector.shape_cast %get3A_273 : vector<1x16xf32> to vector<16xf32>
        %mul3A_275 = arith.mulf %get3A_274, %broadcast_in_dim3A_240 : vector<16xf32>
        %swap3A_276 = arith.index_cast %add3A_233 : i32 to index
        %swap3A_277 = arith.constant 48 : index
        %swap3A_278 = tpu.vector_load %arg13[%swap3A_276, %swap3A_277] {strides = array<i32>} : memref<128x64xf32, #tpu.memory_space<vmem>>, vector<1x16xf32>,
        %swap3A_279 = vector.shape_cast %swap3A_278 : vector<1x16xf32> to vector<16xf32>
        %swap3A_280 = vector.shape_cast %mul3A_275 : vector<16xf32> to vector<1x16xf32>
        tpu.vector_store %arg13[%swap3A_276, %swap3A_277], %swap3A_280 {strides = array<i32>} : memref<128x64xf32, #tpu.memory_space<vmem>>, vector<1x16xf32>,
        %mul3A_281 = arith.constant 4 : i32
        %mul3A_282 = arith.muli %scan3A_131, %mul3A_281 : i32
        %add3A_283 = arith.constant 3 : i32
        %add3A_284 = arith.addi %mul3A_282, %add3A_283 : i32
        %add3A_285 = arith.addi %mul3A_124, %add3A_284 : i32
        %get3A_286 = arith.index_cast %add3A_285 : i32 to index
        %get3A_287 = tpu.vector_load %arg11[%get3A_286] {strides = array<i32>} : memref<10256xf32, #tpu.memory_space<vmem>>, vector<16xf32>,
        %get3A_288 = vector.shape_cast %get3A_287 : vector<16xf32> to vector<16xf32>
        %slice3A_289 = vector.extract_strided_slice %get3A_288 {offsets = [0], sizes = [1], strides = [1]} : vector<16xf32> to vector<1xf32>
        %squeeze3A_290 = vector.extract %slice3A_289[0] : f32 from vector<1xf32>
        %broadcast_in_dim3A_291 = vector.broadcast %squeeze3A_290 : f32 to vector<16xf32>
        %get3A_292 = arith.index_cast %add3A_284 : i32 to index
        %get3A_293 = arith.constant 0 : index
        %get3A_294 = tpu.vector_load %arg13[%get3A_292, %get3A_293] {strides = array<i32>} : memref<128x64xf32, #tpu.memory_space<vmem>>, vector<1x16xf32>,
        %get3A_295 = vector.shape_cast %get3A_294 : vector<1x16xf32> to vector<16xf32>
        %mul3A_296 = arith.mulf %get3A_295, %broadcast_in_dim3A_291 : vector<16xf32>
        %swap3A_297 = arith.index_cast %add3A_284 : i32 to index
        %swap3A_298 = arith.constant 0 : index
        %swap3A_299 = tpu.vector_load %arg13[%swap3A_297, %swap3A_298] {strides = array<i32>} : memref<128x64xf32, #tpu.memory_space<vmem>>, vector<1x16xf32>,
        %swap3A_300 = vector.shape_cast %swap3A_299 : vector<1x16xf32> to vector<16xf32>
        %swap3A_301 = vector.shape_cast %mul3A_296 : vector<16xf32> to vector<1x16xf32>
        tpu.vector_store %arg13[%swap3A_297, %swap3A_298], %swap3A_301 {strides = array<i32>} : memref<128x64xf32, #tpu.memory_space<vmem>>, vector<1x16xf32>,
        %get3A_302 = arith.index_cast %add3A_284 : i32 to index
        %get3A_303 = arith.constant 16 : index
        %get3A_304 = tpu.vector_load %arg13[%get3A_302, %get3A_303] {strides = array<i32>} : memref<128x64xf32, #tpu.memory_space<vmem>>, vector<1x16xf32>,
        %get3A_305 = vector.shape_cast %get3A_304 : vector<1x16xf32> to vector<16xf32>
        %mul3A_306 = arith.mulf %get3A_305, %broadcast_in_dim3A_291 : vector<16xf32>
        %swap3A_307 = arith.index_cast %add3A_284 : i32 to index
        %swap3A_308 = arith.constant 16 : index
        %swap3A_309 = tpu.vector_load %arg13[%swap3A_307, %swap3A_308] {strides = array<i32>} : memref<128x64xf32, #tpu.memory_space<vmem>>, vector<1x16xf32>,
        %swap3A_310 = vector.shape_cast %swap3A_309 : vector<1x16xf32> to vector<16xf32>
        %swap3A_311 = vector.shape_cast %mul3A_306 : vector<16xf32> to vector<1x16xf32>
        tpu.vector_store %arg13[%swap3A_307, %swap3A_308], %swap3A_311 {strides = array<i32>} : memref<128x64xf32, #tpu.memory_space<vmem>>, vector<1x16xf32>,
        %get3A_312 = arith.index_cast %add3A_284 : i32 to index
        %get3A_313 = arith.constant 32 : index
        %get3A_314 = tpu.vector_load %arg13[%get3A_312, %get3A_313] {strides = array<i32>} : memref<128x64xf32, #tpu.memory_space<vmem>>, vector<1x16xf32>,
        %get3A_315 = vector.shape_cast %get3A_314 : vector<1x16xf32> to vector<16xf32>
        %mul3A_316 = arith.mulf %get3A_315, %broadcast_in_dim3A_291 : vector<16xf32>
        %swap3A_317 = arith.index_cast %add3A_284 : i32 to index
        %swap3A_318 = arith.constant 32 : index
        %swap3A_319 = tpu.vector_load %arg13[%swap3A_317, %swap3A_318] {strides = array<i32>} : memref<128x64xf32, #tpu.memory_space<vmem>>, vector<1x16xf32>,
        %swap3A_320 = vector.shape_cast %swap3A_319 : vector<1x16xf32> to vector<16xf32>
        %swap3A_321 = vector.shape_cast %mul3A_316 : vector<16xf32> to vector<1x16xf32>
        tpu.vector_store %arg13[%swap3A_317, %swap3A_318], %swap3A_321 {strides = array<i32>} : memref<128x64xf32, #tpu.memory_space<vmem>>, vector<1x16xf32>,
        %get3A_322 = arith.index_cast %add3A_284 : i32 to index
        %get3A_323 = arith.constant 48 : index
        %get3A_324 = tpu.vector_load %arg13[%get3A_322, %get3A_323] {strides = array<i32>} : memref<128x64xf32, #tpu.memory_space<vmem>>, vector<1x16xf32>,
        %get3A_325 = vector.shape_cast %get3A_324 : vector<1x16xf32> to vector<16xf32>
        %mul3A_326 = arith.mulf %get3A_325, %broadcast_in_dim3A_291 : vector<16xf32>
        %swap3A_327 = arith.index_cast %add3A_284 : i32 to index
        %swap3A_328 = arith.constant 48 : index
        %swap3A_329 = tpu.vector_load %arg13[%swap3A_327, %swap3A_328] {strides = array<i32>} : memref<128x64xf32, #tpu.memory_space<vmem>>, vector<1x16xf32>,
        %swap3A_330 = vector.shape_cast %swap3A_329 : vector<1x16xf32> to vector<16xf32>
        %swap3A_331 = vector.shape_cast %mul3A_326 : vector<16xf32> to vector<1x16xf32>
        tpu.vector_store %arg13[%swap3A_327, %swap3A_328], %swap3A_331 {strides = array<i32>} : memref<128x64xf32, #tpu.memory_space<vmem>>, vector<1x16xf32>,
      }
      %scan3A_130 = arith.constant 32 : i32
      "tpu.region"() ({
        %run_scoped3A = tpu.sem_alloc : memref<!tpu.dma_semaphore, #tpu.memory_space<semaphore_mem>>
        %dma_start3A_131 = arith.constant 0 : i32
        %dma_start3A_132 = tpu.memref_slice %arg9[%scan3A_108, %dma_start3A_131] : memref<80x128xi32, #tpu.memory_space<vmem>> -> memref<1x128xi32, #tpu.memory_space<vmem>>
        %dma_start3A_133 = tpu.memref_squeeze %dma_start3A_132 : memref<1x128xi32, #tpu.memory_space<vmem>> -> memref<128xi32, #tpu.memory_space<vmem>>
        %dma_start3A_134 = arith.constant 0 : i32
        %dma_start3A_135 = arith.constant 0 : i32
        %dma_start3A_136 = tpu.memref_slice %arg16[%dma_start3A_134, %dma_start3A_135] : memref<10000x64xf32, #tpu.memory_space<vmem_shared>> -> memref<10000x64xf32, #tpu.memory_space<vmem_shared>>
        tpu.enqueue_indirect_dma source(%arg13 : memref<128x64xf32, #tpu.memory_space<vmem>>) target(%dma_start3A_136 : memref<10000x64xf32, #tpu.memory_space<vmem_shared>>) offsets(%dma_start3A_133 : memref<128xi32, #tpu.memory_space<vmem>>) semaphore(%run_scoped3A : memref<!tpu.dma_semaphore, #tpu.memory_space<semaphore_mem>>) {add = true}
        %dma_wait3A_137 = arith.constant 0 : i32
        %dma_wait3A_138 = tpu.memref_slice %arg9[%scan3A_108, %dma_wait3A_137] : memref<80x128xi32, #tpu.memory_space<vmem>> -> memref<1x128xi32, #tpu.memory_space<vmem>>
        %dma_wait3A_139 = tpu.memref_squeeze %dma_wait3A_138 : memref<1x128xi32, #tpu.memory_space<vmem>> -> memref<128xi32, #tpu.memory_space<vmem>>
        %dma_wait3A_140 = arith.constant 0 : i32
        %dma_wait3A_141 = arith.constant 0 : i32
        %dma_wait3A_142 = tpu.memref_slice %arg16[%dma_wait3A_140, %dma_wait3A_141] : memref<10000x64xf32, #tpu.memory_space<vmem_shared>> -> memref<10000x64xf32, #tpu.memory_space<vmem_shared>>
        tpu.wait_indirect_dma semaphore(%run_scoped3A : memref<!tpu.dma_semaphore, #tpu.memory_space<semaphore_mem>>) src(%arg13 : memref<128x64xf32, #tpu.memory_space<vmem>>) dst(%dma_wait3A_142 : memref<10000x64xf32, #tpu.memory_space<vmem_shared>>)
        tpu.yield
      }) : () -> ()
    }
    %scan3A_48 = arith.constant 80 : i32
    %barrier3A_49 = arith.constant 0 : index
    tpu.barrier barrier_id(%barrier3A_49)
    %mul3A_50 = arith.constant 624 : i32
    %mul3A_51 = arith.muli %arg1, %mul3A_50 : i32
    %mul3A_52 = arith.constant 10000 : i32
    %mul3A_53 = arith.muli %add3A_25, %mul3A_52 : i32
    %mul3A_54 = arith.constant 624 : i32
    %mul3A_55 = arith.muli %arg1, %mul3A_54 : i32
    %add3A_56 = arith.addi %mul3A_53, %mul3A_55 : i32
    "tpu.region"() ({
      %run_scoped3A = tpu.sem_alloc : memref<!tpu.dma_semaphore, #tpu.memory_space<semaphore_mem>>
      %dma_start3A_108 = arith.constant 0 : i32
      %dma_start3A_109 = tpu.memref_slice %arg6[%add3A_56, %dma_start3A_108] : memref<40000x64xf32, #tpu.memory_space<hbm>> -> memref<624x64xf32, #tpu.memory_space<hbm>>
      %dma_start3A_110 = arith.constant 0 : i32
      %dma_start3A_111 = tpu.memref_slice %arg16[%mul3A_51, %dma_start3A_110] : memref<10000x64xf32, #tpu.memory_space<vmem_shared>> -> memref<624x64xf32, #tpu.memory_space<vmem_shared>>
      tpu.enqueue_dma source(%dma_start3A_111 : memref<624x64xf32, #tpu.memory_space<vmem_shared>>) target(%dma_start3A_109 : memref<624x64xf32, #tpu.memory_space<hbm>>) target_semaphore(%run_scoped3A : memref<!tpu.dma_semaphore, #tpu.memory_space<semaphore_mem>>)
      %dma_wait3A_112 = arith.constant 0 : i32
      %dma_wait3A_113 = tpu.memref_slice %arg6[%add3A_56, %dma_wait3A_112] : memref<40000x64xf32, #tpu.memory_space<hbm>> -> memref<624x64xf32, #tpu.memory_space<hbm>>
      %dma_wait3A_114 = arith.constant 0 : i32
      %dma_wait3A_115 = tpu.memref_slice %arg16[%mul3A_51, %dma_wait3A_114] : memref<10000x64xf32, #tpu.memory_space<vmem_shared>> -> memref<624x64xf32, #tpu.memory_space<vmem_shared>>
      tpu.wait_dma2 semaphore(%run_scoped3A : memref<!tpu.dma_semaphore, #tpu.memory_space<semaphore_mem>>) src(%dma_wait3A_115 : memref<624x64xf32, #tpu.memory_space<vmem_shared>>) dst(%dma_wait3A_113 : memref<624x64xf32, #tpu.memory_space<hbm>>)
      tpu.yield
    }) : () -> ()
    %eq3A_57 = arith.constant 15 : i32
    %eq3A_58 = arith.cmpi eq, %arg1, %eq3A_57 : i32
    %convert_element_type3A_59 = arith.extui %eq3A_58 : i1 to i32
    %cond3A_60 = arith.constant 0 : i32
    %cond3A_61 = arith.cmpi ne, %convert_element_type3A_59, %cond3A_60 : i32
    scf.if %cond3A_61 {
      %mul3A_108 = arith.constant 10000 : i32
      %mul3A_109 = arith.muli %add3A_25, %mul3A_108 : i32
      %add3A_110 = arith.constant 9984 : i32
      %add3A_111 = arith.addi %mul3A_109, %add3A_110 : i32
      "tpu.region"() ({
        %run_scoped3A = tpu.sem_alloc : memref<!tpu.dma_semaphore, #tpu.memory_space<semaphore_mem>>
        %dma_start3A_112 = arith.constant 0 : i32
        %dma_start3A_113 = tpu.memref_slice %arg6[%add3A_111, %dma_start3A_112] : memref<40000x64xf32, #tpu.memory_space<hbm>> -> memref<16x64xf32, #tpu.memory_space<hbm>>
        %dma_start3A_114 = arith.constant 9984 : i32
        %dma_start3A_115 = arith.constant 0 : i32
        %dma_start3A_116 = tpu.memref_slice %arg16[%dma_start3A_114, %dma_start3A_115] : memref<10000x64xf32, #tpu.memory_space<vmem_shared>> -> memref<16x64xf32, #tpu.memory_space<vmem_shared>>
        tpu.enqueue_dma source(%dma_start3A_116 : memref<16x64xf32, #tpu.memory_space<vmem_shared>>) target(%dma_start3A_113 : memref<16x64xf32, #tpu.memory_space<hbm>>) target_semaphore(%run_scoped3A : memref<!tpu.dma_semaphore, #tpu.memory_space<semaphore_mem>>)
        %dma_wait3A_117 = arith.constant 0 : i32
        %dma_wait3A_118 = tpu.memref_slice %arg6[%add3A_111, %dma_wait3A_117] : memref<40000x64xf32, #tpu.memory_space<hbm>> -> memref<16x64xf32, #tpu.memory_space<hbm>>
        %dma_wait3A_119 = arith.constant 9984 : i32
        %dma_wait3A_120 = arith.constant 0 : i32
        %dma_wait3A_121 = tpu.memref_slice %arg16[%dma_wait3A_119, %dma_wait3A_120] : memref<10000x64xf32, #tpu.memory_space<vmem_shared>> -> memref<16x64xf32, #tpu.memory_space<vmem_shared>>
        tpu.wait_dma2 semaphore(%run_scoped3A : memref<!tpu.dma_semaphore, #tpu.memory_space<semaphore_mem>>) src(%dma_wait3A_121 : memref<16x64xf32, #tpu.memory_space<vmem_shared>>) dst(%dma_wait3A_118 : memref<16x64xf32, #tpu.memory_space<hbm>>)
        tpu.yield
      }) : () -> ()
    } else {
    }
    %mul3A_62 = arith.constant 2 : i32
    %mul3A_63 = arith.muli %arg0, %mul3A_62 : i32
    %add3A_64 = arith.constant 1 : i32
    %add3A_65 = arith.addi %mul3A_63, %add3A_64 : i32
    %scan3A_66 = arith.constant 0 : i32
    %scan3A_67 = arith.constant 0 : i32
    %scan3A_68 = arith.constant 640 : i32
    %scan3A_69 = arith.addi %scan3A_67, %scan3A_68 : i32
    %scan3A_70 = arith.constant 1 : i32
    scf.for %scan3A_108 = %scan3A_67 to %scan3A_69 step %scan3A_70  : i32 {
      %mul3A_109 = arith.constant 16 : i32
      %mul3A_110 = arith.muli %scan3A_108, %mul3A_109 : i32
      %get3A = arith.index_cast %mul3A_110 : i32 to index
      %get3A_111 = tpu.vector_load %arg8[%get3A] {strides = array<i32>} : memref<20480xi32, #tpu.memory_space<vmem>>, vector<16xi32>,
      %get3A_112 = vector.shape_cast %get3A_111 : vector<16xi32> to vector<16xi32>
      %mul3A_113 = arith.constant 4 : i32
      %mul3A_114 = vector.broadcast %mul3A_113 : i32 to vector<16xi32>
      %mul3A_115 = arith.muli %mul3A_114, %get3A_112 : vector<16xi32>
      %add3A_116 = vector.broadcast %add3A_65 : i32 to vector<16xi32>
      %add3A_117 = arith.addi %mul3A_115, %add3A_116 : vector<16xi32>
      %jit3A = arith.constant 8 : i32
      %div3A = arith.divsi %scan3A_108, %jit3A : i32
      %sign3A = arith.constant 0 : i32
      %sign3A_118 = arith.cmpi sgt, %scan3A_108, %sign3A : i32
      %sign3A_119 = arith.extui %sign3A_118 : i1 to i32
      %sign3A_120 = arith.constant 0 : i32
      %sign3A_121 = arith.cmpi slt, %scan3A_108, %sign3A_120 : i32
      %sign3A_122 = arith.extui %sign3A_121 : i1 to i32
      %sign3A_123 = arith.subi %sign3A_119, %sign3A_122 : i32
      %sign3A_124 = arith.constant 0 : i32
      %sign3A_125 = arith.cmpi sgt, %jit3A, %sign3A_124 : i32
      %sign3A_126 = arith.extui %sign3A_125 : i1 to i32
      %sign3A_127 = arith.constant 0 : i32
      %sign3A_128 = arith.cmpi slt, %jit3A, %sign3A_127 : i32
      %sign3A_129 = arith.extui %sign3A_128 : i1 to i32
      %sign3A_130 = arith.subi %sign3A_126, %sign3A_129 : i32
      %ne3A = arith.cmpi ne, %sign3A_123, %sign3A_130 : i32
      %rem3A = arith.remsi %scan3A_108, %jit3A : i32
      %ne3A_131 = arith.constant 0 : i32
      %ne3A_132 = arith.cmpi ne, %rem3A, %ne3A_131 : i32
      %and3A = arith.andi %ne3A, %ne3A_132 : i1
      %sub3A = arith.constant 1 : i32
      %sub3A_133 = arith.subi %div3A, %sub3A : i32
      %select_n3A = arith.select %and3A, %sub3A_133, %div3A : i32
      %jit3A_134 = arith.constant 8 : i32
      %eq3A_135 = arith.constant 0 : i32
      %eq3A_136 = arith.cmpi eq, %jit3A_134, %eq3A_135 : i32
      %jit3A_137 = arith.constant 1 : i32
      %select_n3A_138 = arith.select %eq3A_136, %jit3A_137, %jit3A_134 : i32
      %rem3A_139 = arith.remsi %scan3A_108, %select_n3A_138 : i32
      %ne3A_140 = arith.constant 0 : i32
      %ne3A_141 = arith.cmpi ne, %rem3A_139, %ne3A_140 : i32
      %lt3A = arith.constant 0 : i32
      %lt3A_142 = arith.cmpi slt, %rem3A_139, %lt3A : i32
      %lt3A_143 = arith.constant 0 : i32
      %lt3A_144 = arith.cmpi slt, %select_n3A_138, %lt3A_143 : i32
      %ne3A_145 = arith.xori %lt3A_142, %lt3A_144 : i1
      %and3A_146 = arith.andi %ne3A_145, %ne3A_141 : i1
      %add3A_147 = arith.addi %rem3A_139, %select_n3A_138 : i32
      %select_n3A_148 = arith.select %and3A_146, %add3A_147, %rem3A_139 : i32
      %mul3A_149 = arith.constant 16 : i32
      %mul3A_150 = arith.muli %select_n3A_148, %mul3A_149 : i32
      %swap3A = arith.index_cast %select_n3A : i32 to index
      %swap3A_151 = arith.index_cast %mul3A_150 : i32 to index
      %swap3A_152 = tpu.vector_load %arg12[%swap3A, %swap3A_151] {strides = array<i32>} : memref<80x128xi32, #tpu.memory_space<vmem>>, vector<1x16xi32>,
      %swap3A_153 = vector.shape_cast %swap3A_152 : vector<1x16xi32> to vector<16xi32>
      %swap3A_154 = vector.shape_cast %add3A_117 : vector<16xi32> to vector<1x16xi32>
      tpu.vector_store %arg12[%swap3A, %swap3A_151], %swap3A_154 {strides = array<i32>} : memref<80x128xi32, #tpu.memory_space<vmem>>, vector<1x16xi32>,
    }
    %scan3A_71 = arith.constant 640 : i32
    %scan3A_72 = arith.constant 0 : i32
    %scan3A_73 = arith.constant 0 : i32
    %scan3A_74 = arith.constant 39 : i32
    %scan3A_75 = arith.addi %scan3A_73, %scan3A_74 : i32
    %scan3A_76 = arith.constant 1 : i32
    scf.for %scan3A_108 = %scan3A_73 to %scan3A_75 step %scan3A_76  : i32 {
      %mul3A_109 = arith.constant 624 : i32
      %mul3A_110 = arith.muli %arg1, %mul3A_109 : i32
      %mul3A_111 = arith.constant 16 : i32
      %mul3A_112 = arith.muli %scan3A_108, %mul3A_111 : i32
      %add3A_113 = arith.addi %mul3A_110, %mul3A_112 : i32
      "tpu.region"() ({
        %run_scoped3A = tpu.sem_alloc : memref<!tpu.dma_semaphore, #tpu.memory_space<semaphore_mem>>
        %dma_start3A_114 = arith.constant 0 : i32
        %dma_start3A_115 = tpu.memref_slice %arg16[%add3A_113, %dma_start3A_114] : memref<10000x64xf32, #tpu.memory_space<vmem_shared>> -> memref<16x64xf32, #tpu.memory_space<vmem_shared>>
        %dma_start3A_116 = arith.constant 0 : i32
        %dma_start3A_117 = tpu.memref_slice %arg16[%add3A_113, %dma_start3A_116] : memref<10000x64xf32, #tpu.memory_space<vmem_shared>> -> memref<16x64xf32, #tpu.memory_space<vmem_shared>>
        tpu.enqueue_dma source(%arg14 : memref<16x64xf32, #tpu.memory_space<vmem>>) target(%dma_start3A_117 : memref<16x64xf32, #tpu.memory_space<vmem_shared>>) target_semaphore(%run_scoped3A : memref<!tpu.dma_semaphore, #tpu.memory_space<semaphore_mem>>)
        %dma_wait3A_118 = arith.constant 0 : i32
        %dma_wait3A_119 = tpu.memref_slice %arg16[%add3A_113, %dma_wait3A_118] : memref<10000x64xf32, #tpu.memory_space<vmem_shared>> -> memref<16x64xf32, #tpu.memory_space<vmem_shared>>
        %dma_wait3A_120 = arith.constant 0 : i32
        %dma_wait3A_121 = tpu.memref_slice %arg16[%add3A_113, %dma_wait3A_120] : memref<10000x64xf32, #tpu.memory_space<vmem_shared>> -> memref<16x64xf32, #tpu.memory_space<vmem_shared>>
        tpu.wait_dma2 semaphore(%run_scoped3A : memref<!tpu.dma_semaphore, #tpu.memory_space<semaphore_mem>>) src(%arg14 : memref<16x64xf32, #tpu.memory_space<vmem>>) dst(%dma_wait3A_121 : memref<16x64xf32, #tpu.memory_space<vmem_shared>>)
        tpu.yield
      }) : () -> ()
    }
    %scan3A_77 = arith.constant 39 : i32
    %eq3A_78 = arith.constant 15 : i32
    %eq3A_79 = arith.cmpi eq, %arg1, %eq3A_78 : i32
    %convert_element_type3A_80 = arith.extui %eq3A_79 : i1 to i32
    %cond3A_81 = arith.constant 0 : i32
    %cond3A_82 = arith.cmpi ne, %convert_element_type3A_80, %cond3A_81 : i32
    scf.if %cond3A_82 {
      "tpu.region"() ({
        %run_scoped3A = tpu.sem_alloc : memref<!tpu.dma_semaphore, #tpu.memory_space<semaphore_mem>>
        %dma_start3A_108 = arith.constant 9984 : i32
        %dma_start3A_109 = arith.constant 0 : i32
        %dma_start3A_110 = tpu.memref_slice %arg16[%dma_start3A_108, %dma_start3A_109] : memref<10000x64xf32, #tpu.memory_space<vmem_shared>> -> memref<16x64xf32, #tpu.memory_space<vmem_shared>>
        %dma_start3A_111 = arith.constant 9984 : i32
        %dma_start3A_112 = arith.constant 0 : i32
        %dma_start3A_113 = tpu.memref_slice %arg16[%dma_start3A_111, %dma_start3A_112] : memref<10000x64xf32, #tpu.memory_space<vmem_shared>> -> memref<16x64xf32, #tpu.memory_space<vmem_shared>>
        tpu.enqueue_dma source(%arg14 : memref<16x64xf32, #tpu.memory_space<vmem>>) target(%dma_start3A_113 : memref<16x64xf32, #tpu.memory_space<vmem_shared>>) target_semaphore(%run_scoped3A : memref<!tpu.dma_semaphore, #tpu.memory_space<semaphore_mem>>)
        %dma_wait3A_114 = arith.constant 9984 : i32
        %dma_wait3A_115 = arith.constant 0 : i32
        %dma_wait3A_116 = tpu.memref_slice %arg16[%dma_wait3A_114, %dma_wait3A_115] : memref<10000x64xf32, #tpu.memory_space<vmem_shared>> -> memref<16x64xf32, #tpu.memory_space<vmem_shared>>
        %dma_wait3A_117 = arith.constant 9984 : i32
        %dma_wait3A_118 = arith.constant 0 : i32
        %dma_wait3A_119 = tpu.memref_slice %arg16[%dma_wait3A_117, %dma_wait3A_118] : memref<10000x64xf32, #tpu.memory_space<vmem_shared>> -> memref<16x64xf32, #tpu.memory_space<vmem_shared>>
        tpu.wait_dma2 semaphore(%run_scoped3A : memref<!tpu.dma_semaphore, #tpu.memory_space<semaphore_mem>>) src(%arg14 : memref<16x64xf32, #tpu.memory_space<vmem>>) dst(%dma_wait3A_119 : memref<16x64xf32, #tpu.memory_space<vmem_shared>>)
        tpu.yield
      }) : () -> ()
    } else {
    }
    %barrier3A_83 = arith.constant 0 : index
    tpu.barrier barrier_id(%barrier3A_83)
    %scan3A_84 = arith.constant 0 : i32
    %scan3A_85 = arith.constant 0 : i32
    %scan3A_86 = arith.constant 80 : i32
    %scan3A_87 = arith.addi %scan3A_85, %scan3A_86 : i32
    %scan3A_88 = arith.constant 1 : i32
    scf.for %scan3A_108 = %scan3A_85 to %scan3A_87 step %scan3A_88  : i32 {
      %dma_start3A_109 = arith.constant 0 : i32
      %dma_start3A_110 = tpu.memref_slice %arg12[%scan3A_108, %dma_start3A_109] : memref<80x128xi32, #tpu.memory_space<vmem>> -> memref<1x128xi32, #tpu.memory_space<vmem>>
      %dma_start3A_111 = tpu.memref_squeeze %dma_start3A_110 : memref<1x128xi32, #tpu.memory_space<vmem>> -> memref<128xi32, #tpu.memory_space<vmem>>
      %dma_start3A_112 = arith.constant 0 : i32
      %dma_start3A_113 = arith.constant 0 : i32
      %dma_start3A_114 = tpu.memref_slice %arg2[%dma_start3A_112, %dma_start3A_113] : memref<40000x64xf32, #tpu.memory_space<hbm>> -> memref<40000x64xf32, #tpu.memory_space<hbm>>
      tpu.enqueue_indirect_dma source(%dma_start3A_114 : memref<40000x64xf32, #tpu.memory_space<hbm>>) target(%arg13 : memref<128x64xf32, #tpu.memory_space<vmem>>) offsets(%dma_start3A_111 : memref<128xi32, #tpu.memory_space<vmem>>) semaphore(%arg18 : memref<!tpu.dma_semaphore, #tpu.memory_space<semaphore_mem>>)
      %dma_wait3A_115 = arith.constant 0 : i32
      %dma_wait3A_116 = tpu.memref_slice %arg12[%scan3A_108, %dma_wait3A_115] : memref<80x128xi32, #tpu.memory_space<vmem>> -> memref<1x128xi32, #tpu.memory_space<vmem>>
      %dma_wait3A_117 = tpu.memref_squeeze %dma_wait3A_116 : memref<1x128xi32, #tpu.memory_space<vmem>> -> memref<128xi32, #tpu.memory_space<vmem>>
      %dma_wait3A_118 = arith.constant 0 : i32
      %dma_wait3A_119 = arith.constant 0 : i32
      %dma_wait3A_120 = tpu.memref_slice %arg2[%dma_wait3A_118, %dma_wait3A_119] : memref<40000x64xf32, #tpu.memory_space<hbm>> -> memref<40000x64xf32, #tpu.memory_space<hbm>>
      tpu.wait_indirect_dma semaphore(%arg18 : memref<!tpu.dma_semaphore, #tpu.memory_space<semaphore_mem>>) src(%dma_wait3A_120 : memref<40000x64xf32, #tpu.memory_space<hbm>>) dst(%arg13 : memref<128x64xf32, #tpu.memory_space<vmem>>)
      %mul3A_121 = arith.constant 128 : i32
      %mul3A_122 = arith.muli %scan3A_108, %mul3A_121 : i32
      %scan3A_123 = arith.constant 0 : i32
      %scan3A_124 = arith.constant 0 : i32
      %scan3A_125 = arith.constant 32 : i32
      %scan3A_126 = arith.addi %scan3A_124, %scan3A_125 : i32
      %scan3A_127 = arith.constant 1 : i32
      scf.for %scan3A_129 = %scan3A_124 to %scan3A_126 step %scan3A_127  : i32 {
        %mul3A_130 = arith.constant 4 : i32
        %mul3A_131 = arith.muli %scan3A_129, %mul3A_130 : i32
        %add3A_132 = arith.constant 0 : i32
        %add3A_133 = arith.addi %mul3A_131, %add3A_132 : i32
        %add3A_134 = arith.addi %mul3A_122, %add3A_133 : i32
        %get3A = arith.index_cast %add3A_134 : i32 to index
        %get3A_135 = tpu.vector_load %arg11[%get3A] {strides = array<i32>} : memref<10256xf32, #tpu.memory_space<vmem>>, vector<16xf32>,
        %get3A_136 = vector.shape_cast %get3A_135 : vector<16xf32> to vector<16xf32>
        %slice3A = vector.extract_strided_slice %get3A_136 {offsets = [0], sizes = [1], strides = [1]} : vector<16xf32> to vector<1xf32>
        %squeeze3A = vector.extract %slice3A[0] : f32 from vector<1xf32>
        %broadcast_in_dim3A_137 = vector.broadcast %squeeze3A : f32 to vector<16xf32>
        %get3A_138 = arith.index_cast %add3A_133 : i32 to index
        %get3A_139 = arith.constant 0 : index
        %get3A_140 = tpu.vector_load %arg13[%get3A_138, %get3A_139] {strides = array<i32>} : memref<128x64xf32, #tpu.memory_space<vmem>>, vector<1x16xf32>,
        %get3A_141 = vector.shape_cast %get3A_140 : vector<1x16xf32> to vector<16xf32>
        %mul3A_142 = arith.mulf %get3A_141, %broadcast_in_dim3A_137 : vector<16xf32>
        %swap3A = arith.index_cast %add3A_133 : i32 to index
        %swap3A_143 = arith.constant 0 : index
        %swap3A_144 = tpu.vector_load %arg13[%swap3A, %swap3A_143] {strides = array<i32>} : memref<128x64xf32, #tpu.memory_space<vmem>>, vector<1x16xf32>,
        %swap3A_145 = vector.shape_cast %swap3A_144 : vector<1x16xf32> to vector<16xf32>
        %swap3A_146 = vector.shape_cast %mul3A_142 : vector<16xf32> to vector<1x16xf32>
        tpu.vector_store %arg13[%swap3A, %swap3A_143], %swap3A_146 {strides = array<i32>} : memref<128x64xf32, #tpu.memory_space<vmem>>, vector<1x16xf32>,
        %get3A_147 = arith.index_cast %add3A_133 : i32 to index
        %get3A_148 = arith.constant 16 : index
        %get3A_149 = tpu.vector_load %arg13[%get3A_147, %get3A_148] {strides = array<i32>} : memref<128x64xf32, #tpu.memory_space<vmem>>, vector<1x16xf32>,
        %get3A_150 = vector.shape_cast %get3A_149 : vector<1x16xf32> to vector<16xf32>
        %mul3A_151 = arith.mulf %get3A_150, %broadcast_in_dim3A_137 : vector<16xf32>
        %swap3A_152 = arith.index_cast %add3A_133 : i32 to index
        %swap3A_153 = arith.constant 16 : index
        %swap3A_154 = tpu.vector_load %arg13[%swap3A_152, %swap3A_153] {strides = array<i32>} : memref<128x64xf32, #tpu.memory_space<vmem>>, vector<1x16xf32>,
        %swap3A_155 = vector.shape_cast %swap3A_154 : vector<1x16xf32> to vector<16xf32>
        %swap3A_156 = vector.shape_cast %mul3A_151 : vector<16xf32> to vector<1x16xf32>
        tpu.vector_store %arg13[%swap3A_152, %swap3A_153], %swap3A_156 {strides = array<i32>} : memref<128x64xf32, #tpu.memory_space<vmem>>, vector<1x16xf32>,
        %get3A_157 = arith.index_cast %add3A_133 : i32 to index
        %get3A_158 = arith.constant 32 : index
        %get3A_159 = tpu.vector_load %arg13[%get3A_157, %get3A_158] {strides = array<i32>} : memref<128x64xf32, #tpu.memory_space<vmem>>, vector<1x16xf32>,
        %get3A_160 = vector.shape_cast %get3A_159 : vector<1x16xf32> to vector<16xf32>
        %mul3A_161 = arith.mulf %get3A_160, %broadcast_in_dim3A_137 : vector<16xf32>
        %swap3A_162 = arith.index_cast %add3A_133 : i32 to index
        %swap3A_163 = arith.constant 32 : index
        %swap3A_164 = tpu.vector_load %arg13[%swap3A_162, %swap3A_163] {strides = array<i32>} : memref<128x64xf32, #tpu.memory_space<vmem>>, vector<1x16xf32>,
        %swap3A_165 = vector.shape_cast %swap3A_164 : vector<1x16xf32> to vector<16xf32>
        %swap3A_166 = vector.shape_cast %mul3A_161 : vector<16xf32> to vector<1x16xf32>
        tpu.vector_store %arg13[%swap3A_162, %swap3A_163], %swap3A_166 {strides = array<i32>} : memref<128x64xf32, #tpu.memory_space<vmem>>, vector<1x16xf32>,
        %get3A_167 = arith.index_cast %add3A_133 : i32 to index
        %get3A_168 = arith.constant 48 : index
        %get3A_169 = tpu.vector_load %arg13[%get3A_167, %get3A_168] {strides = array<i32>} : memref<128x64xf32, #tpu.memory_space<vmem>>, vector<1x16xf32>,
        %get3A_170 = vector.shape_cast %get3A_169 : vector<1x16xf32> to vector<16xf32>
        %mul3A_171 = arith.mulf %get3A_170, %broadcast_in_dim3A_137 : vector<16xf32>
        %swap3A_172 = arith.index_cast %add3A_133 : i32 to index
        %swap3A_173 = arith.constant 48 : index
        %swap3A_174 = tpu.vector_load %arg13[%swap3A_172, %swap3A_173] {strides = array<i32>} : memref<128x64xf32, #tpu.memory_space<vmem>>, vector<1x16xf32>,
        %swap3A_175 = vector.shape_cast %swap3A_174 : vector<1x16xf32> to vector<16xf32>
        %swap3A_176 = vector.shape_cast %mul3A_171 : vector<16xf32> to vector<1x16xf32>
        tpu.vector_store %arg13[%swap3A_172, %swap3A_173], %swap3A_176 {strides = array<i32>} : memref<128x64xf32, #tpu.memory_space<vmem>>, vector<1x16xf32>,
        %mul3A_177 = arith.constant 4 : i32
        %mul3A_178 = arith.muli %scan3A_129, %mul3A_177 : i32
        %add3A_179 = arith.constant 1 : i32
        %add3A_180 = arith.addi %mul3A_178, %add3A_179 : i32
        %add3A_181 = arith.addi %mul3A_122, %add3A_180 : i32
        %get3A_182 = arith.index_cast %add3A_181 : i32 to index
        %get3A_183 = tpu.vector_load %arg11[%get3A_182] {strides = array<i32>} : memref<10256xf32, #tpu.memory_space<vmem>>, vector<16xf32>,
        %get3A_184 = vector.shape_cast %get3A_183 : vector<16xf32> to vector<16xf32>
        %slice3A_185 = vector.extract_strided_slice %get3A_184 {offsets = [0], sizes = [1], strides = [1]} : vector<16xf32> to vector<1xf32>
        %squeeze3A_186 = vector.extract %slice3A_185[0] : f32 from vector<1xf32>
        %broadcast_in_dim3A_187 = vector.broadcast %squeeze3A_186 : f32 to vector<16xf32>
        %get3A_188 = arith.index_cast %add3A_180 : i32 to index
        %get3A_189 = arith.constant 0 : index
        %get3A_190 = tpu.vector_load %arg13[%get3A_188, %get3A_189] {strides = array<i32>} : memref<128x64xf32, #tpu.memory_space<vmem>>, vector<1x16xf32>,
        %get3A_191 = vector.shape_cast %get3A_190 : vector<1x16xf32> to vector<16xf32>
        %mul3A_192 = arith.mulf %get3A_191, %broadcast_in_dim3A_187 : vector<16xf32>
        %swap3A_193 = arith.index_cast %add3A_180 : i32 to index
        %swap3A_194 = arith.constant 0 : index
        %swap3A_195 = tpu.vector_load %arg13[%swap3A_193, %swap3A_194] {strides = array<i32>} : memref<128x64xf32, #tpu.memory_space<vmem>>, vector<1x16xf32>,
        %swap3A_196 = vector.shape_cast %swap3A_195 : vector<1x16xf32> to vector<16xf32>
        %swap3A_197 = vector.shape_cast %mul3A_192 : vector<16xf32> to vector<1x16xf32>
        tpu.vector_store %arg13[%swap3A_193, %swap3A_194], %swap3A_197 {strides = array<i32>} : memref<128x64xf32, #tpu.memory_space<vmem>>, vector<1x16xf32>,
        %get3A_198 = arith.index_cast %add3A_180 : i32 to index
        %get3A_199 = arith.constant 16 : index
        %get3A_200 = tpu.vector_load %arg13[%get3A_198, %get3A_199] {strides = array<i32>} : memref<128x64xf32, #tpu.memory_space<vmem>>, vector<1x16xf32>,
        %get3A_201 = vector.shape_cast %get3A_200 : vector<1x16xf32> to vector<16xf32>
        %mul3A_202 = arith.mulf %get3A_201, %broadcast_in_dim3A_187 : vector<16xf32>
        %swap3A_203 = arith.index_cast %add3A_180 : i32 to index
        %swap3A_204 = arith.constant 16 : index
        %swap3A_205 = tpu.vector_load %arg13[%swap3A_203, %swap3A_204] {strides = array<i32>} : memref<128x64xf32, #tpu.memory_space<vmem>>, vector<1x16xf32>,
        %swap3A_206 = vector.shape_cast %swap3A_205 : vector<1x16xf32> to vector<16xf32>
        %swap3A_207 = vector.shape_cast %mul3A_202 : vector<16xf32> to vector<1x16xf32>
        tpu.vector_store %arg13[%swap3A_203, %swap3A_204], %swap3A_207 {strides = array<i32>} : memref<128x64xf32, #tpu.memory_space<vmem>>, vector<1x16xf32>,
        %get3A_208 = arith.index_cast %add3A_180 : i32 to index
        %get3A_209 = arith.constant 32 : index
        %get3A_210 = tpu.vector_load %arg13[%get3A_208, %get3A_209] {strides = array<i32>} : memref<128x64xf32, #tpu.memory_space<vmem>>, vector<1x16xf32>,
        %get3A_211 = vector.shape_cast %get3A_210 : vector<1x16xf32> to vector<16xf32>
        %mul3A_212 = arith.mulf %get3A_211, %broadcast_in_dim3A_187 : vector<16xf32>
        %swap3A_213 = arith.index_cast %add3A_180 : i32 to index
        %swap3A_214 = arith.constant 32 : index
        %swap3A_215 = tpu.vector_load %arg13[%swap3A_213, %swap3A_214] {strides = array<i32>} : memref<128x64xf32, #tpu.memory_space<vmem>>, vector<1x16xf32>,
        %swap3A_216 = vector.shape_cast %swap3A_215 : vector<1x16xf32> to vector<16xf32>
        %swap3A_217 = vector.shape_cast %mul3A_212 : vector<16xf32> to vector<1x16xf32>
        tpu.vector_store %arg13[%swap3A_213, %swap3A_214], %swap3A_217 {strides = array<i32>} : memref<128x64xf32, #tpu.memory_space<vmem>>, vector<1x16xf32>,
        %get3A_218 = arith.index_cast %add3A_180 : i32 to index
        %get3A_219 = arith.constant 48 : index
        %get3A_220 = tpu.vector_load %arg13[%get3A_218, %get3A_219] {strides = array<i32>} : memref<128x64xf32, #tpu.memory_space<vmem>>, vector<1x16xf32>,
        %get3A_221 = vector.shape_cast %get3A_220 : vector<1x16xf32> to vector<16xf32>
        %mul3A_222 = arith.mulf %get3A_221, %broadcast_in_dim3A_187 : vector<16xf32>
        %swap3A_223 = arith.index_cast %add3A_180 : i32 to index
        %swap3A_224 = arith.constant 48 : index
        %swap3A_225 = tpu.vector_load %arg13[%swap3A_223, %swap3A_224] {strides = array<i32>} : memref<128x64xf32, #tpu.memory_space<vmem>>, vector<1x16xf32>,
        %swap3A_226 = vector.shape_cast %swap3A_225 : vector<1x16xf32> to vector<16xf32>
        %swap3A_227 = vector.shape_cast %mul3A_222 : vector<16xf32> to vector<1x16xf32>
        tpu.vector_store %arg13[%swap3A_223, %swap3A_224], %swap3A_227 {strides = array<i32>} : memref<128x64xf32, #tpu.memory_space<vmem>>, vector<1x16xf32>,
        %mul3A_228 = arith.constant 4 : i32
        %mul3A_229 = arith.muli %scan3A_129, %mul3A_228 : i32
        %add3A_230 = arith.constant 2 : i32
        %add3A_231 = arith.addi %mul3A_229, %add3A_230 : i32
        %add3A_232 = arith.addi %mul3A_122, %add3A_231 : i32
        %get3A_233 = arith.index_cast %add3A_232 : i32 to index
        %get3A_234 = tpu.vector_load %arg11[%get3A_233] {strides = array<i32>} : memref<10256xf32, #tpu.memory_space<vmem>>, vector<16xf32>,
        %get3A_235 = vector.shape_cast %get3A_234 : vector<16xf32> to vector<16xf32>
        %slice3A_236 = vector.extract_strided_slice %get3A_235 {offsets = [0], sizes = [1], strides = [1]} : vector<16xf32> to vector<1xf32>
        %squeeze3A_237 = vector.extract %slice3A_236[0] : f32 from vector<1xf32>
        %broadcast_in_dim3A_238 = vector.broadcast %squeeze3A_237 : f32 to vector<16xf32>
        %get3A_239 = arith.index_cast %add3A_231 : i32 to index
        %get3A_240 = arith.constant 0 : index
        %get3A_241 = tpu.vector_load %arg13[%get3A_239, %get3A_240] {strides = array<i32>} : memref<128x64xf32, #tpu.memory_space<vmem>>, vector<1x16xf32>,
        %get3A_242 = vector.shape_cast %get3A_241 : vector<1x16xf32> to vector<16xf32>
        %mul3A_243 = arith.mulf %get3A_242, %broadcast_in_dim3A_238 : vector<16xf32>
        %swap3A_244 = arith.index_cast %add3A_231 : i32 to index
        %swap3A_245 = arith.constant 0 : index
        %swap3A_246 = tpu.vector_load %arg13[%swap3A_244, %swap3A_245] {strides = array<i32>} : memref<128x64xf32, #tpu.memory_space<vmem>>, vector<1x16xf32>,
        %swap3A_247 = vector.shape_cast %swap3A_246 : vector<1x16xf32> to vector<16xf32>
        %swap3A_248 = vector.shape_cast %mul3A_243 : vector<16xf32> to vector<1x16xf32>
        tpu.vector_store %arg13[%swap3A_244, %swap3A_245], %swap3A_248 {strides = array<i32>} : memref<128x64xf32, #tpu.memory_space<vmem>>, vector<1x16xf32>,
        %get3A_249 = arith.index_cast %add3A_231 : i32 to index
        %get3A_250 = arith.constant 16 : index
        %get3A_251 = tpu.vector_load %arg13[%get3A_249, %get3A_250] {strides = array<i32>} : memref<128x64xf32, #tpu.memory_space<vmem>>, vector<1x16xf32>,
        %get3A_252 = vector.shape_cast %get3A_251 : vector<1x16xf32> to vector<16xf32>
        %mul3A_253 = arith.mulf %get3A_252, %broadcast_in_dim3A_238 : vector<16xf32>
        %swap3A_254 = arith.index_cast %add3A_231 : i32 to index
        %swap3A_255 = arith.constant 16 : index
        %swap3A_256 = tpu.vector_load %arg13[%swap3A_254, %swap3A_255] {strides = array<i32>} : memref<128x64xf32, #tpu.memory_space<vmem>>, vector<1x16xf32>,
        %swap3A_257 = vector.shape_cast %swap3A_256 : vector<1x16xf32> to vector<16xf32>
        %swap3A_258 = vector.shape_cast %mul3A_253 : vector<16xf32> to vector<1x16xf32>
        tpu.vector_store %arg13[%swap3A_254, %swap3A_255], %swap3A_258 {strides = array<i32>} : memref<128x64xf32, #tpu.memory_space<vmem>>, vector<1x16xf32>,
        %get3A_259 = arith.index_cast %add3A_231 : i32 to index
        %get3A_260 = arith.constant 32 : index
        %get3A_261 = tpu.vector_load %arg13[%get3A_259, %get3A_260] {strides = array<i32>} : memref<128x64xf32, #tpu.memory_space<vmem>>, vector<1x16xf32>,
        %get3A_262 = vector.shape_cast %get3A_261 : vector<1x16xf32> to vector<16xf32>
        %mul3A_263 = arith.mulf %get3A_262, %broadcast_in_dim3A_238 : vector<16xf32>
        %swap3A_264 = arith.index_cast %add3A_231 : i32 to index
        %swap3A_265 = arith.constant 32 : index
        %swap3A_266 = tpu.vector_load %arg13[%swap3A_264, %swap3A_265] {strides = array<i32>} : memref<128x64xf32, #tpu.memory_space<vmem>>, vector<1x16xf32>,
        %swap3A_267 = vector.shape_cast %swap3A_266 : vector<1x16xf32> to vector<16xf32>
        %swap3A_268 = vector.shape_cast %mul3A_263 : vector<16xf32> to vector<1x16xf32>
        tpu.vector_store %arg13[%swap3A_264, %swap3A_265], %swap3A_268 {strides = array<i32>} : memref<128x64xf32, #tpu.memory_space<vmem>>, vector<1x16xf32>,
        %get3A_269 = arith.index_cast %add3A_231 : i32 to index
        %get3A_270 = arith.constant 48 : index
        %get3A_271 = tpu.vector_load %arg13[%get3A_269, %get3A_270] {strides = array<i32>} : memref<128x64xf32, #tpu.memory_space<vmem>>, vector<1x16xf32>,
        %get3A_272 = vector.shape_cast %get3A_271 : vector<1x16xf32> to vector<16xf32>
        %mul3A_273 = arith.mulf %get3A_272, %broadcast_in_dim3A_238 : vector<16xf32>
        %swap3A_274 = arith.index_cast %add3A_231 : i32 to index
        %swap3A_275 = arith.constant 48 : index
        %swap3A_276 = tpu.vector_load %arg13[%swap3A_274, %swap3A_275] {strides = array<i32>} : memref<128x64xf32, #tpu.memory_space<vmem>>, vector<1x16xf32>,
        %swap3A_277 = vector.shape_cast %swap3A_276 : vector<1x16xf32> to vector<16xf32>
        %swap3A_278 = vector.shape_cast %mul3A_273 : vector<16xf32> to vector<1x16xf32>
        tpu.vector_store %arg13[%swap3A_274, %swap3A_275], %swap3A_278 {strides = array<i32>} : memref<128x64xf32, #tpu.memory_space<vmem>>, vector<1x16xf32>,
        %mul3A_279 = arith.constant 4 : i32
        %mul3A_280 = arith.muli %scan3A_129, %mul3A_279 : i32
        %add3A_281 = arith.constant 3 : i32
        %add3A_282 = arith.addi %mul3A_280, %add3A_281 : i32
        %add3A_283 = arith.addi %mul3A_122, %add3A_282 : i32
        %get3A_284 = arith.index_cast %add3A_283 : i32 to index
        %get3A_285 = tpu.vector_load %arg11[%get3A_284] {strides = array<i32>} : memref<10256xf32, #tpu.memory_space<vmem>>, vector<16xf32>,
        %get3A_286 = vector.shape_cast %get3A_285 : vector<16xf32> to vector<16xf32>
        %slice3A_287 = vector.extract_strided_slice %get3A_286 {offsets = [0], sizes = [1], strides = [1]} : vector<16xf32> to vector<1xf32>
        %squeeze3A_288 = vector.extract %slice3A_287[0] : f32 from vector<1xf32>
        %broadcast_in_dim3A_289 = vector.broadcast %squeeze3A_288 : f32 to vector<16xf32>
        %get3A_290 = arith.index_cast %add3A_282 : i32 to index
        %get3A_291 = arith.constant 0 : index
        %get3A_292 = tpu.vector_load %arg13[%get3A_290, %get3A_291] {strides = array<i32>} : memref<128x64xf32, #tpu.memory_space<vmem>>, vector<1x16xf32>,
        %get3A_293 = vector.shape_cast %get3A_292 : vector<1x16xf32> to vector<16xf32>
        %mul3A_294 = arith.mulf %get3A_293, %broadcast_in_dim3A_289 : vector<16xf32>
        %swap3A_295 = arith.index_cast %add3A_282 : i32 to index
        %swap3A_296 = arith.constant 0 : index
        %swap3A_297 = tpu.vector_load %arg13[%swap3A_295, %swap3A_296] {strides = array<i32>} : memref<128x64xf32, #tpu.memory_space<vmem>>, vector<1x16xf32>,
        %swap3A_298 = vector.shape_cast %swap3A_297 : vector<1x16xf32> to vector<16xf32>
        %swap3A_299 = vector.shape_cast %mul3A_294 : vector<16xf32> to vector<1x16xf32>
        tpu.vector_store %arg13[%swap3A_295, %swap3A_296], %swap3A_299 {strides = array<i32>} : memref<128x64xf32, #tpu.memory_space<vmem>>, vector<1x16xf32>,
        %get3A_300 = arith.index_cast %add3A_282 : i32 to index
        %get3A_301 = arith.constant 16 : index
        %get3A_302 = tpu.vector_load %arg13[%get3A_300, %get3A_301] {strides = array<i32>} : memref<128x64xf32, #tpu.memory_space<vmem>>, vector<1x16xf32>,
        %get3A_303 = vector.shape_cast %get3A_302 : vector<1x16xf32> to vector<16xf32>
        %mul3A_304 = arith.mulf %get3A_303, %broadcast_in_dim3A_289 : vector<16xf32>
        %swap3A_305 = arith.index_cast %add3A_282 : i32 to index
        %swap3A_306 = arith.constant 16 : index
        %swap3A_307 = tpu.vector_load %arg13[%swap3A_305, %swap3A_306] {strides = array<i32>} : memref<128x64xf32, #tpu.memory_space<vmem>>, vector<1x16xf32>,
        %swap3A_308 = vector.shape_cast %swap3A_307 : vector<1x16xf32> to vector<16xf32>
        %swap3A_309 = vector.shape_cast %mul3A_304 : vector<16xf32> to vector<1x16xf32>
        tpu.vector_store %arg13[%swap3A_305, %swap3A_306], %swap3A_309 {strides = array<i32>} : memref<128x64xf32, #tpu.memory_space<vmem>>, vector<1x16xf32>,
        %get3A_310 = arith.index_cast %add3A_282 : i32 to index
        %get3A_311 = arith.constant 32 : index
        %get3A_312 = tpu.vector_load %arg13[%get3A_310, %get3A_311] {strides = array<i32>} : memref<128x64xf32, #tpu.memory_space<vmem>>, vector<1x16xf32>,
        %get3A_313 = vector.shape_cast %get3A_312 : vector<1x16xf32> to vector<16xf32>
        %mul3A_314 = arith.mulf %get3A_313, %broadcast_in_dim3A_289 : vector<16xf32>
        %swap3A_315 = arith.index_cast %add3A_282 : i32 to index
        %swap3A_316 = arith.constant 32 : index
        %swap3A_317 = tpu.vector_load %arg13[%swap3A_315, %swap3A_316] {strides = array<i32>} : memref<128x64xf32, #tpu.memory_space<vmem>>, vector<1x16xf32>,
        %swap3A_318 = vector.shape_cast %swap3A_317 : vector<1x16xf32> to vector<16xf32>
        %swap3A_319 = vector.shape_cast %mul3A_314 : vector<16xf32> to vector<1x16xf32>
        tpu.vector_store %arg13[%swap3A_315, %swap3A_316], %swap3A_319 {strides = array<i32>} : memref<128x64xf32, #tpu.memory_space<vmem>>, vector<1x16xf32>,
        %get3A_320 = arith.index_cast %add3A_282 : i32 to index
        %get3A_321 = arith.constant 48 : index
        %get3A_322 = tpu.vector_load %arg13[%get3A_320, %get3A_321] {strides = array<i32>} : memref<128x64xf32, #tpu.memory_space<vmem>>, vector<1x16xf32>,
        %get3A_323 = vector.shape_cast %get3A_322 : vector<1x16xf32> to vector<16xf32>
        %mul3A_324 = arith.mulf %get3A_323, %broadcast_in_dim3A_289 : vector<16xf32>
        %swap3A_325 = arith.index_cast %add3A_282 : i32 to index
        %swap3A_326 = arith.constant 48 : index
        %swap3A_327 = tpu.vector_load %arg13[%swap3A_325, %swap3A_326] {strides = array<i32>} : memref<128x64xf32, #tpu.memory_space<vmem>>, vector<1x16xf32>,
        %swap3A_328 = vector.shape_cast %swap3A_327 : vector<1x16xf32> to vector<16xf32>
        %swap3A_329 = vector.shape_cast %mul3A_324 : vector<16xf32> to vector<1x16xf32>
        tpu.vector_store %arg13[%swap3A_325, %swap3A_326], %swap3A_329 {strides = array<i32>} : memref<128x64xf32, #tpu.memory_space<vmem>>, vector<1x16xf32>,
      }
      %scan3A_128 = arith.constant 32 : i32
      "tpu.region"() ({
        %run_scoped3A = tpu.sem_alloc : memref<!tpu.dma_semaphore, #tpu.memory_space<semaphore_mem>>
        %dma_start3A_129 = arith.constant 0 : i32
        %dma_start3A_130 = tpu.memref_slice %arg9[%scan3A_108, %dma_start3A_129] : memref<80x128xi32, #tpu.memory_space<vmem>> -> memref<1x128xi32, #tpu.memory_space<vmem>>
        %dma_start3A_131 = tpu.memref_squeeze %dma_start3A_130 : memref<1x128xi32, #tpu.memory_space<vmem>> -> memref<128xi32, #tpu.memory_space<vmem>>
        %dma_start3A_132 = arith.constant 0 : i32
        %dma_start3A_133 = arith.constant 0 : i32
        %dma_start3A_134 = tpu.memref_slice %arg16[%dma_start3A_132, %dma_start3A_133] : memref<10000x64xf32, #tpu.memory_space<vmem_shared>> -> memref<10000x64xf32, #tpu.memory_space<vmem_shared>>
        tpu.enqueue_indirect_dma source(%arg13 : memref<128x64xf32, #tpu.memory_space<vmem>>) target(%dma_start3A_134 : memref<10000x64xf32, #tpu.memory_space<vmem_shared>>) offsets(%dma_start3A_131 : memref<128xi32, #tpu.memory_space<vmem>>) semaphore(%run_scoped3A : memref<!tpu.dma_semaphore, #tpu.memory_space<semaphore_mem>>) {add = true}
        %dma_wait3A_135 = arith.constant 0 : i32
        %dma_wait3A_136 = tpu.memref_slice %arg9[%scan3A_108, %dma_wait3A_135] : memref<80x128xi32, #tpu.memory_space<vmem>> -> memref<1x128xi32, #tpu.memory_space<vmem>>
        %dma_wait3A_137 = tpu.memref_squeeze %dma_wait3A_136 : memref<1x128xi32, #tpu.memory_space<vmem>> -> memref<128xi32, #tpu.memory_space<vmem>>
        %dma_wait3A_138 = arith.constant 0 : i32
        %dma_wait3A_139 = arith.constant 0 : i32
        %dma_wait3A_140 = tpu.memref_slice %arg16[%dma_wait3A_138, %dma_wait3A_139] : memref<10000x64xf32, #tpu.memory_space<vmem_shared>> -> memref<10000x64xf32, #tpu.memory_space<vmem_shared>>
        tpu.wait_indirect_dma semaphore(%run_scoped3A : memref<!tpu.dma_semaphore, #tpu.memory_space<semaphore_mem>>) src(%arg13 : memref<128x64xf32, #tpu.memory_space<vmem>>) dst(%dma_wait3A_140 : memref<10000x64xf32, #tpu.memory_space<vmem_shared>>)
        tpu.yield
      }) : () -> ()
    }
    %scan3A_89 = arith.constant 80 : i32
    %barrier3A_90 = arith.constant 0 : index
    tpu.barrier barrier_id(%barrier3A_90)
    %mul3A_91 = arith.constant 624 : i32
    %mul3A_92 = arith.muli %arg1, %mul3A_91 : i32
    %mul3A_93 = arith.constant 10000 : i32
    %mul3A_94 = arith.muli %add3A_65, %mul3A_93 : i32
    %mul3A_95 = arith.constant 624 : i32
    %mul3A_96 = arith.muli %arg1, %mul3A_95 : i32
    %add3A_97 = arith.addi %mul3A_94, %mul3A_96 : i32
    "tpu.region"() ({
      %run_scoped3A = tpu.sem_alloc : memref<!tpu.dma_semaphore, #tpu.memory_space<semaphore_mem>>
      %dma_start3A_108 = arith.constant 0 : i32
      %dma_start3A_109 = tpu.memref_slice %arg6[%add3A_97, %dma_start3A_108] : memref<40000x64xf32, #tpu.memory_space<hbm>> -> memref<624x64xf32, #tpu.memory_space<hbm>>
      %dma_start3A_110 = arith.constant 0 : i32
      %dma_start3A_111 = tpu.memref_slice %arg16[%mul3A_92, %dma_start3A_110] : memref<10000x64xf32, #tpu.memory_space<vmem_shared>> -> memref<624x64xf32, #tpu.memory_space<vmem_shared>>
      tpu.enqueue_dma source(%dma_start3A_111 : memref<624x64xf32, #tpu.memory_space<vmem_shared>>) target(%dma_start3A_109 : memref<624x64xf32, #tpu.memory_space<hbm>>) target_semaphore(%run_scoped3A : memref<!tpu.dma_semaphore, #tpu.memory_space<semaphore_mem>>)
      %dma_wait3A_112 = arith.constant 0 : i32
      %dma_wait3A_113 = tpu.memref_slice %arg6[%add3A_97, %dma_wait3A_112] : memref<40000x64xf32, #tpu.memory_space<hbm>> -> memref<624x64xf32, #tpu.memory_space<hbm>>
      %dma_wait3A_114 = arith.constant 0 : i32
      %dma_wait3A_115 = tpu.memref_slice %arg16[%mul3A_92, %dma_wait3A_114] : memref<10000x64xf32, #tpu.memory_space<vmem_shared>> -> memref<624x64xf32, #tpu.memory_space<vmem_shared>>
      tpu.wait_dma2 semaphore(%run_scoped3A : memref<!tpu.dma_semaphore, #tpu.memory_space<semaphore_mem>>) src(%dma_wait3A_115 : memref<624x64xf32, #tpu.memory_space<vmem_shared>>) dst(%dma_wait3A_113 : memref<624x64xf32, #tpu.memory_space<hbm>>)
      tpu.yield
    }) : () -> ()
    %eq3A_98 = arith.constant 15 : i32
    %eq3A_99 = arith.cmpi eq, %arg1, %eq3A_98 : i32
    %convert_element_type3A_100 = arith.extui %eq3A_99 : i1 to i32
    %cond3A_101 = arith.constant 0 : i32
    %cond3A_102 = arith.cmpi ne, %convert_element_type3A_100, %cond3A_101 : i32
    scf.if %cond3A_102 {
      %mul3A_108 = arith.constant 10000 : i32
      %mul3A_109 = arith.muli %add3A_65, %mul3A_108 : i32
      %add3A_110 = arith.constant 9984 : i32
      %add3A_111 = arith.addi %mul3A_109, %add3A_110 : i32
      "tpu.region"() ({
        %run_scoped3A = tpu.sem_alloc : memref<!tpu.dma_semaphore, #tpu.memory_space<semaphore_mem>>
        %dma_start3A_112 = arith.constant 0 : i32
        %dma_start3A_113 = tpu.memref_slice %arg6[%add3A_111, %dma_start3A_112] : memref<40000x64xf32, #tpu.memory_space<hbm>> -> memref<16x64xf32, #tpu.memory_space<hbm>>
        %dma_start3A_114 = arith.constant 9984 : i32
        %dma_start3A_115 = arith.constant 0 : i32
        %dma_start3A_116 = tpu.memref_slice %arg16[%dma_start3A_114, %dma_start3A_115] : memref<10000x64xf32, #tpu.memory_space<vmem_shared>> -> memref<16x64xf32, #tpu.memory_space<vmem_shared>>
        tpu.enqueue_dma source(%dma_start3A_116 : memref<16x64xf32, #tpu.memory_space<vmem_shared>>) target(%dma_start3A_113 : memref<16x64xf32, #tpu.memory_space<hbm>>) target_semaphore(%run_scoped3A : memref<!tpu.dma_semaphore, #tpu.memory_space<semaphore_mem>>)
        %dma_wait3A_117 = arith.constant 0 : i32
        %dma_wait3A_118 = tpu.memref_slice %arg6[%add3A_111, %dma_wait3A_117] : memref<40000x64xf32, #tpu.memory_space<hbm>> -> memref<16x64xf32, #tpu.memory_space<hbm>>
        %dma_wait3A_119 = arith.constant 9984 : i32
        %dma_wait3A_120 = arith.constant 0 : i32
        %dma_wait3A_121 = tpu.memref_slice %arg16[%dma_wait3A_119, %dma_wait3A_120] : memref<10000x64xf32, #tpu.memory_space<vmem_shared>> -> memref<16x64xf32, #tpu.memory_space<vmem_shared>>
        tpu.wait_dma2 semaphore(%run_scoped3A : memref<!tpu.dma_semaphore, #tpu.memory_space<semaphore_mem>>) src(%dma_wait3A_121 : memref<16x64xf32, #tpu.memory_space<vmem_shared>>) dst(%dma_wait3A_118 : memref<16x64xf32, #tpu.memory_space<hbm>>)
        tpu.yield
      }) : () -> ()
    } else {
    }
    %eq3A_103 = arith.constant 0 : i32
    %eq3A_104 = arith.cmpi eq, %arg1, %eq3A_103 : i32
    %convert_element_type3A_105 = arith.extui %eq3A_104 : i1 to i32
    %cond3A_106 = arith.constant 0 : i32
    %cond3A_107 = arith.cmpi ne, %convert_element_type3A_105, %cond3A_106 : i32
    scf.if %cond3A_107 {
      "tpu.region"() ({
        %run_scoped3A = tpu.sem_alloc : memref<!tpu.dma_semaphore, #tpu.memory_space<semaphore_mem>>
        %dma_start3A_108 = arith.constant 0 : i32
        %dma_start3A_109 = tpu.memref_slice %arg7[%arg0, %dma_start3A_108] : memref<2x10000xf32, #tpu.memory_space<hbm>> -> memref<1x10000xf32, #tpu.memory_space<hbm>>
        %dma_start3A_110 = tpu.memref_squeeze %dma_start3A_109 : memref<1x10000xf32, #tpu.memory_space<hbm>> -> memref<10000xf32, #tpu.memory_space<hbm>>
        tpu.enqueue_dma source(%arg17 : memref<10000xf32, #tpu.memory_space<vmem_shared>>) target(%dma_start3A_110 : memref<10000xf32, #tpu.memory_space<hbm>>) target_semaphore(%run_scoped3A : memref<!tpu.dma_semaphore, #tpu.memory_space<semaphore_mem>>)
        %dma_wait3A_111 = arith.constant 0 : i32
        %dma_wait3A_112 = tpu.memref_slice %arg7[%arg0, %dma_wait3A_111] : memref<2x10000xf32, #tpu.memory_space<hbm>> -> memref<1x10000xf32, #tpu.memory_space<hbm>>
        %dma_wait3A_113 = tpu.memref_squeeze %dma_wait3A_112 : memref<1x10000xf32, #tpu.memory_space<hbm>> -> memref<10000xf32, #tpu.memory_space<hbm>>
        tpu.wait_dma2 semaphore(%run_scoped3A : memref<!tpu.dma_semaphore, #tpu.memory_space<semaphore_mem>>) src(%arg17 : memref<10000xf32, #tpu.memory_space<vmem_shared>>) dst(%dma_wait3A_113 : memref<10000xf32, #tpu.memory_space<hbm>>)
        tpu.yield
      }) : () -> ()
    } else {
    }
    return
  }
}

module attributes {stable_mosaic.version = 14 : i64} {
  func.func @_tc1_body(%arg0: i32, %arg1: memref<400x256xf32, #tpu.memory_space<vmem>>, %arg2: memref<256x256xf32, #tpu.memory_space<vmem>>, %arg3: memref<1x256xf32, #tpu.memory_space<vmem>>, %arg4: memref<1x256xf32, #tpu.memory_space<vmem>>, %arg5: memref<1x256xf32, #tpu.memory_space<vmem>>, %arg6: memref<1xf32, #tpu.memory_space<smem>>, %arg7: memref<400x256xf32, #tpu.memory_space<vmem>>, %arg8: memref<400x1xf32, #tpu.memory_space<vmem>>, %arg9: memref<400x1xf32, #tpu.memory_space<vmem>>) attributes {dimension_semantics = [#tpu.dimension_semantics<arbitrary>], iteration_bounds = array<i64: 25>, scalar_prefetch = 0 : i64, scratch_operands = 0 : i64, tpu.core_type = #tpu.core_type<tc>, window_params = [{transform_indices = @transform_0, window_bounds = array<i64: 400, 256>}, {pipeline_mode = #tpu.pipeline_mode<synchronous>, transform_indices = @transform_1, window_bounds = array<i64: 256, 256>}, {pipeline_mode = #tpu.pipeline_mode<synchronous>, transform_indices = @transform_2, window_bounds = array<i64: 1, 256>}, {pipeline_mode = #tpu.pipeline_mode<synchronous>, transform_indices = @transform_3, window_bounds = array<i64: 1, 256>}, {pipeline_mode = #tpu.pipeline_mode<synchronous>, transform_indices = @transform_4, window_bounds = array<i64: 1, 256>}, {transform_indices = @transform_5, window_bounds = array<i64: 1>}, {transform_indices = @transform_6, window_bounds = array<i64: 400, 256>}, {transform_indices = @transform_7, window_bounds = array<i64: 400, 1>}, {transform_indices = @transform_8, window_bounds = array<i64: 400, 1>}]} {
    %get3A = arith.constant 0 : index
    %get3A_0 = arith.constant 0 : index
    %get3A_1 = vector.load %arg1[%get3A, %get3A_0] : memref<400x256xf32, #tpu.memory_space<vmem>>, vector<400x256xf32>
    %get3A_2 = arith.constant 0 : index
    %get3A_3 = memref.load %arg6[%get3A_2] : memref<1xf32, #tpu.memory_space<smem>>
    %sqrt3A = math.sqrt %get3A_3 : f32
    %mul3A = arith.mulf %get3A_1, %get3A_1 : vector<400x256xf32>
    %reduce_sum3A = arith.constant dense<0.000000e+00> : vector<400xf32>
    %reduce_sum3A_4 = vector.multi_reduction <add>, %mul3A, %reduce_sum3A [1] : vector<400x256xf32> to vector<400xf32>
    %broadcast_in_dim3A = vector.shape_cast %reduce_sum3A_4 : vector<400xf32> to vector<400x1xf32>
    %sqrt3A_5 = math.sqrt %broadcast_in_dim3A : vector<400x1xf32>
    %jit3A = arith.constant 1.000000e-15 : f32
    %max3A = vector.broadcast %jit3A : f32 to vector<400x1xf32>
    %max3A_6 = arith.maximumf %max3A, %sqrt3A_5 : vector<400x1xf32>
    %div3A = arith.constant 0.999989986 : f32
    %div3A_7 = arith.divf %div3A, %sqrt3A : f32
    %gt3A = vector.broadcast %div3A_7 : f32 to vector<400x1xf32>
    %gt3A_8 = arith.cmpf ogt, %max3A_6, %gt3A : vector<400x1xf32>
    %div3A_9 = vector.broadcast %max3A_6 : vector<400x1xf32> to vector<400x256xf32>
    %div3A_10 = arith.divf %get3A_1, %div3A_9 : vector<400x256xf32>
    %mul3A_11 = vector.broadcast %div3A_7 : f32 to vector<400x256xf32>
    %mul3A_12 = arith.mulf %div3A_10, %mul3A_11 : vector<400x256xf32>
    %broadcast_in_dim3A_13 = vector.shape_cast %gt3A_8 : vector<400x1xi1> to vector<400x1xi1>
    %broadcast_in_dim3A_14 = vector.broadcast %broadcast_in_dim3A_13 : vector<400x1xi1> to vector<400x256xi1>
    %select_n3A = arith.select %broadcast_in_dim3A_14, %mul3A_12, %get3A_1 : vector<400x256xi1>, vector<400x256xf32>
    %mul3A_15 = arith.mulf %select_n3A, %select_n3A : vector<400x256xf32>
    %reduce_sum3A_16 = arith.constant dense<0.000000e+00> : vector<400xf32>
    %reduce_sum3A_17 = vector.multi_reduction <add>, %mul3A_15, %reduce_sum3A_16 [1] : vector<400x256xf32> to vector<400xf32>
    %broadcast_in_dim3A_18 = vector.shape_cast %reduce_sum3A_17 : vector<400xf32> to vector<400x1xf32>
    %sqrt3A_19 = math.sqrt %broadcast_in_dim3A_18 : vector<400x1xf32>
    %jit3A_20 = arith.constant 1.000000e-15 : f32
    %max3A_21 = vector.broadcast %jit3A_20 : f32 to vector<400x1xf32>
    %max3A_22 = arith.maximumf %max3A_21, %sqrt3A_19 : vector<400x1xf32>
    %mul3A_23 = vector.broadcast %sqrt3A : f32 to vector<400x1xf32>
    %mul3A_24 = arith.mulf %mul3A_23, %max3A_22 : vector<400x1xf32>
    %jit3A_25 = arith.constant -0.99999988 : f32
    %jit3A_26 = arith.constant 0.99999988 : f32
    %max3A_27 = vector.broadcast %jit3A_25 : f32 to vector<400x1xf32>
    %max3A_28 = arith.maximumf %max3A_27, %mul3A_24 : vector<400x1xf32>
    %min3A = vector.broadcast %jit3A_26 : f32 to vector<400x1xf32>
    %min3A_29 = arith.minimumf %min3A, %max3A_28 : vector<400x1xf32>
    %add3A = arith.constant 1.000000e+00 : f32
    %add3A_30 = vector.broadcast %add3A : f32 to vector<400x1xf32>
    %add3A_31 = arith.addf %add3A_30, %min3A_29 : vector<400x1xf32>
    %sub3A = arith.constant 1.000000e+00 : f32
    %sub3A_32 = vector.broadcast %sub3A : f32 to vector<400x1xf32>
    %sub3A_33 = arith.subf %sub3A_32, %min3A_29 : vector<400x1xf32>
    %div3A_34 = arith.divf %add3A_31, %sub3A_33 : vector<400x1xf32>
    %log3A = math.log %div3A_34 : vector<400x1xf32>
    %mul3A_35 = arith.constant 5.000000e-01 : f32
    %mul3A_36 = vector.broadcast %mul3A_35 : f32 to vector<400x1xf32>
    %mul3A_37 = arith.mulf %mul3A_36, %log3A : vector<400x1xf32>
    %mul3A_38 = vector.broadcast %mul3A_37 : vector<400x1xf32> to vector<400x256xf32>
    %mul3A_39 = arith.mulf %mul3A_38, %select_n3A : vector<400x256xf32>
    %mul3A_40 = vector.broadcast %sqrt3A : f32 to vector<400x1xf32>
    %mul3A_41 = arith.mulf %mul3A_40, %max3A_22 : vector<400x1xf32>
    %div3A_42 = vector.broadcast %mul3A_41 : vector<400x1xf32> to vector<400x256xf32>
    %div3A_43 = arith.divf %mul3A_39, %div3A_42 : vector<400x256xf32>
    %get3A_44 = arith.constant 0 : index
    %get3A_45 = arith.constant 0 : index
    %get3A_46 = vector.load %arg2[%get3A_44, %get3A_45] : memref<256x256xf32, #tpu.memory_space<vmem>>, vector<256x256xf32>
    %dot_general3A = arith.constant dense<0.000000e+00> : vector<400x256xf32>
    %dot_general3A_47 = tpu.matmul %div3A_43, %get3A_46, %dot_general3A {dimension_numbers = #tpu.dot_dimension_numbers<[1], [0], [0], [1], [0, 0, 1, 1], [], []>, transpose_lhs_hint = false} : vector<400x256xf32>, vector<256x256xf32>, vector<400x256xf32> -> vector<400x256xf32>
    %get3A_48 = arith.constant 0 : index
    %get3A_49 = arith.constant 0 : index
    %get3A_50 = vector.load %arg3[%get3A_48, %get3A_49] : memref<1x256xf32, #tpu.memory_space<vmem>>, vector<1x256xf32>
    %add3A_51 = vector.broadcast %get3A_50 : vector<1x256xf32> to vector<400x256xf32>
    %add3A_52 = arith.addf %dot_general3A_47, %add3A_51 : vector<400x256xf32>
    %swap3A = arith.constant 0 : index
    %swap3A_53 = arith.constant 0 : index
    %swap3A_54 = vector.load %arg7[%swap3A, %swap3A_53] : memref<400x256xf32, #tpu.memory_space<vmem>>, vector<400x256xf32>
    tpu.vector_store %arg7[%swap3A, %swap3A_53], %add3A_52 {strides = array<i32>} : memref<400x256xf32, #tpu.memory_space<vmem>>, vector<400x256xf32>,
    %get3A_55 = arith.constant 0 : index
    %get3A_56 = arith.constant 0 : index
    %get3A_57 = vector.load %arg4[%get3A_55, %get3A_56] : memref<1x256xf32, #tpu.memory_space<vmem>>, vector<1x256xf32>
    %mul3A_58 = vector.broadcast %get3A_57 : vector<1x256xf32> to vector<400x256xf32>
    %mul3A_59 = arith.mulf %add3A_52, %mul3A_58 : vector<400x256xf32>
    %reduce_sum3A_60 = arith.constant dense<0.000000e+00> : vector<400xf32>
    %reduce_sum3A_61 = vector.multi_reduction <add>, %mul3A_59, %reduce_sum3A_60 [1] : vector<400x256xf32> to vector<400xf32>
    %broadcast_in_dim3A_62 = vector.shape_cast %reduce_sum3A_61 : vector<400xf32> to vector<400x1xf32>
    %swap3A_63 = arith.constant 0 : index
    %swap3A_64 = arith.constant 0 : index
    %swap3A_65 = vector.load %arg8[%swap3A_63, %swap3A_64] : memref<400x1xf32, #tpu.memory_space<vmem>>, vector<400x1xf32>
    tpu.vector_store %arg8[%swap3A_63, %swap3A_64], %broadcast_in_dim3A_62 {strides = array<i32>} : memref<400x1xf32, #tpu.memory_space<vmem>>, vector<400x1xf32>,
    %get3A_66 = arith.constant 0 : index
    %get3A_67 = arith.constant 0 : index
    %get3A_68 = vector.load %arg5[%get3A_66, %get3A_67] : memref<1x256xf32, #tpu.memory_space<vmem>>, vector<1x256xf32>
    %mul3A_69 = vector.broadcast %get3A_68 : vector<1x256xf32> to vector<400x256xf32>
    %mul3A_70 = arith.mulf %add3A_52, %mul3A_69 : vector<400x256xf32>
    %reduce_sum3A_71 = arith.constant dense<0.000000e+00> : vector<400xf32>
    %reduce_sum3A_72 = vector.multi_reduction <add>, %mul3A_70, %reduce_sum3A_71 [1] : vector<400x256xf32> to vector<400xf32>
    %broadcast_in_dim3A_73 = vector.shape_cast %reduce_sum3A_72 : vector<400xf32> to vector<400x1xf32>
    %swap3A_74 = arith.constant 0 : index
    %swap3A_75 = arith.constant 0 : index
    %swap3A_76 = vector.load %arg9[%swap3A_74, %swap3A_75] : memref<400x1xf32, #tpu.memory_space<vmem>>, vector<400x1xf32>
    tpu.vector_store %arg9[%swap3A_74, %swap3A_75], %broadcast_in_dim3A_73 {strides = array<i32>} : memref<400x1xf32, #tpu.memory_space<vmem>>, vector<400x1xf32>,
    return
  }
  func.func @transform_0(%arg0: i32) -> (i32, i32) {
    %c0_i32 = arith.constant 0 : i32
    %c0_i32_0 = arith.constant 0 : i32
    return %arg0, %c0_i32 : i32, i32
  }
  func.func @transform_1(%arg0: i32) -> (i32, i32) {
    %c0_i32 = arith.constant 0 : i32
    %c0_i32_0 = arith.constant 0 : i32
    %c0_i32_1 = arith.constant 0 : i32
    return %c0_i32, %c0_i32_0 : i32, i32
  }
  func.func @transform_2(%arg0: i32) -> (i32, i32) {
    %c0_i32 = arith.constant 0 : i32
    %c0_i32_0 = arith.constant 0 : i32
    %c0_i32_1 = arith.constant 0 : i32
    return %c0_i32, %c0_i32_0 : i32, i32
  }
  func.func @transform_3(%arg0: i32) -> (i32, i32) {
    %c0_i32 = arith.constant 0 : i32
    %c0_i32_0 = arith.constant 0 : i32
    %c0_i32_1 = arith.constant 0 : i32
    return %c0_i32, %c0_i32_0 : i32, i32
  }
  func.func @transform_4(%arg0: i32) -> (i32, i32) {
    %c0_i32 = arith.constant 0 : i32
    %c0_i32_0 = arith.constant 0 : i32
    %c0_i32_1 = arith.constant 0 : i32
    return %c0_i32, %c0_i32_0 : i32, i32
  }
  func.func @transform_5(%arg0: i32) -> i32 {
    %c0_i32 = arith.constant 0 : i32
    %c0_i32_0 = arith.constant 0 : i32
    return %c0_i32 : i32
  }
  func.func @transform_6(%arg0: i32) -> (i32, i32) {
    %c0_i32 = arith.constant 0 : i32
    %c0_i32_0 = arith.constant 0 : i32
    return %arg0, %c0_i32 : i32, i32
  }
  func.func @transform_7(%arg0: i32) -> (i32, i32) {
    %c0_i32 = arith.constant 0 : i32
    %c0_i32_0 = arith.constant 0 : i32
    return %arg0, %c0_i32 : i32, i32
  }
  func.func @transform_8(%arg0: i32) -> (i32, i32) {
    %c0_i32 = arith.constant 0 : i32
    %c0_i32_0 = arith.constant 0 : i32
    return %arg0, %c0_i32 : i32, i32
  }
}

module attributes {stable_mosaic.version = 14 : i64} {
  func.func @_tc2_body(%arg0: i32, %arg1: memref<400x64xf32, #tpu.memory_space<vmem>>, %arg2: memref<400x64xf32, #tpu.memory_space<vmem>>, %arg3: memref<400x64xf32, #tpu.memory_space<vmem>>, %arg4: memref<400x64xf32, #tpu.memory_space<vmem>>, %arg5: memref<400x1xf32, #tpu.memory_space<vmem>>, %arg6: memref<256x128xf32, #tpu.memory_space<vmem>>, %arg7: memref<1x128xf32, #tpu.memory_space<vmem>>, %arg8: memref<1x128xf32, #tpu.memory_space<vmem>>, %arg9: memref<1x128xf32, #tpu.memory_space<vmem>>, %arg10: memref<1xf32, #tpu.memory_space<smem>>, %arg11: memref<1xf32, #tpu.memory_space<smem>>, %arg12: memref<400x128xf32, #tpu.memory_space<vmem>>, %arg13: memref<400x1xf32, #tpu.memory_space<vmem>>, %arg14: memref<400x1xf32, #tpu.memory_space<vmem>>) attributes {dimension_semantics = [#tpu.dimension_semantics<arbitrary>], iteration_bounds = array<i64: 25>, scalar_prefetch = 0 : i64, scratch_operands = 0 : i64, tpu.core_type = #tpu.core_type<tc>, window_params = [{transform_indices = @transform_0, window_bounds = array<i64: 400, 64>}, {transform_indices = @transform_1, window_bounds = array<i64: 400, 64>}, {transform_indices = @transform_2, window_bounds = array<i64: 400, 64>}, {transform_indices = @transform_3, window_bounds = array<i64: 400, 64>}, {transform_indices = @transform_4, window_bounds = array<i64: 400, 1>}, {pipeline_mode = #tpu.pipeline_mode<synchronous>, transform_indices = @transform_5, window_bounds = array<i64: 256, 128>}, {pipeline_mode = #tpu.pipeline_mode<synchronous>, transform_indices = @transform_6, window_bounds = array<i64: 1, 128>}, {pipeline_mode = #tpu.pipeline_mode<synchronous>, transform_indices = @transform_7, window_bounds = array<i64: 1, 128>}, {pipeline_mode = #tpu.pipeline_mode<synchronous>, transform_indices = @transform_8, window_bounds = array<i64: 1, 128>}, {transform_indices = @transform_9, window_bounds = array<i64: 1>}, {transform_indices = @transform_10, window_bounds = array<i64: 1>}, {transform_indices = @transform_11, window_bounds = array<i64: 400, 128>}, {transform_indices = @transform_12, window_bounds = array<i64: 400, 1>}, {transform_indices = @transform_13, window_bounds = array<i64: 400, 1>}]} {
    %get3A = arith.constant 0 : index
    %get3A_0 = arith.constant 0 : index
    %get3A_1 = vector.load %arg5[%get3A, %get3A_0] : memref<400x1xf32, #tpu.memory_space<vmem>>, vector<400x1xf32>
    %add3A = arith.constant 1.000000e-16 : f32
    %add3A_2 = vector.broadcast %add3A : f32 to vector<400x1xf32>
    %add3A_3 = arith.addf %get3A_1, %add3A_2 : vector<400x1xf32>
    %get3A_4 = arith.constant 0 : index
    %get3A_5 = arith.constant 0 : index
    %get3A_6 = vector.load %arg1[%get3A_4, %get3A_5] : memref<400x64xf32, #tpu.memory_space<vmem>>, vector<400x64xf32>
    %div3A = vector.broadcast %add3A_3 : vector<400x1xf32> to vector<400x64xf32>
    %div3A_7 = arith.divf %get3A_6, %div3A : vector<400x64xf32>
    %max3A = arith.constant 0.000000e+00 : f32
    %max3A_8 = vector.broadcast %max3A : f32 to vector<400x64xf32>
    %max3A_9 = arith.maximumf %div3A_7, %max3A_8 : vector<400x64xf32>
    %get3A_10 = arith.constant 0 : index
    %get3A_11 = arith.constant 0 : index
    %get3A_12 = vector.load %arg2[%get3A_10, %get3A_11] : memref<400x64xf32, #tpu.memory_space<vmem>>, vector<400x64xf32>
    %div3A_13 = vector.broadcast %add3A_3 : vector<400x1xf32> to vector<400x64xf32>
    %div3A_14 = arith.divf %get3A_12, %div3A_13 : vector<400x64xf32>
    %max3A_15 = arith.constant 0.000000e+00 : f32
    %max3A_16 = vector.broadcast %max3A_15 : f32 to vector<400x64xf32>
    %max3A_17 = arith.maximumf %div3A_14, %max3A_16 : vector<400x64xf32>
    %get3A_18 = arith.constant 0 : index
    %get3A_19 = arith.constant 0 : index
    %get3A_20 = vector.load %arg3[%get3A_18, %get3A_19] : memref<400x64xf32, #tpu.memory_space<vmem>>, vector<400x64xf32>
    %div3A_21 = vector.broadcast %add3A_3 : vector<400x1xf32> to vector<400x64xf32>
    %div3A_22 = arith.divf %get3A_20, %div3A_21 : vector<400x64xf32>
    %max3A_23 = arith.constant 0.000000e+00 : f32
    %max3A_24 = vector.broadcast %max3A_23 : f32 to vector<400x64xf32>
    %max3A_25 = arith.maximumf %div3A_22, %max3A_24 : vector<400x64xf32>
    %get3A_26 = arith.constant 0 : index
    %get3A_27 = arith.constant 0 : index
    %get3A_28 = vector.load %arg4[%get3A_26, %get3A_27] : memref<400x64xf32, #tpu.memory_space<vmem>>, vector<400x64xf32>
    %div3A_29 = vector.broadcast %add3A_3 : vector<400x1xf32> to vector<400x64xf32>
    %div3A_30 = arith.divf %get3A_28, %div3A_29 : vector<400x64xf32>
    %max3A_31 = arith.constant 0.000000e+00 : f32
    %max3A_32 = vector.broadcast %max3A_31 : f32 to vector<400x64xf32>
    %max3A_33 = arith.maximumf %div3A_30, %max3A_32 : vector<400x64xf32>
    %get3A_34 = arith.constant 0 : index
    %get3A_35 = memref.load %arg11[%get3A_34] : memref<1xf32, #tpu.memory_space<smem>>
    %sqrt3A = math.sqrt %get3A_35 : f32
    %mul3A = arith.mulf %max3A_9, %max3A_9 : vector<400x64xf32>
    %reduce_sum3A = arith.constant dense<0.000000e+00> : vector<400xf32>
    %reduce_sum3A_36 = vector.multi_reduction <add>, %mul3A, %reduce_sum3A [1] : vector<400x64xf32> to vector<400xf32>
    %broadcast_in_dim3A = vector.shape_cast %reduce_sum3A_36 : vector<400xf32> to vector<400x1xf32>
    %add3A_37 = arith.constant 0.000000e+00 : f32
    %add3A_38 = vector.broadcast %add3A_37 : f32 to vector<400x1xf32>
    %add3A_39 = arith.addf %add3A_38, %broadcast_in_dim3A : vector<400x1xf32>
    %mul3A_40 = arith.mulf %max3A_17, %max3A_17 : vector<400x64xf32>
    %reduce_sum3A_41 = arith.constant dense<0.000000e+00> : vector<400xf32>
    %reduce_sum3A_42 = vector.multi_reduction <add>, %mul3A_40, %reduce_sum3A_41 [1] : vector<400x64xf32> to vector<400xf32>
    %broadcast_in_dim3A_43 = vector.shape_cast %reduce_sum3A_42 : vector<400xf32> to vector<400x1xf32>
    %add3A_44 = arith.addf %add3A_39, %broadcast_in_dim3A_43 : vector<400x1xf32>
    %mul3A_45 = arith.mulf %max3A_25, %max3A_25 : vector<400x64xf32>
    %reduce_sum3A_46 = arith.constant dense<0.000000e+00> : vector<400xf32>
    %reduce_sum3A_47 = vector.multi_reduction <add>, %mul3A_45, %reduce_sum3A_46 [1] : vector<400x64xf32> to vector<400xf32>
    %broadcast_in_dim3A_48 = vector.shape_cast %reduce_sum3A_47 : vector<400xf32> to vector<400x1xf32>
    %add3A_49 = arith.addf %add3A_44, %broadcast_in_dim3A_48 : vector<400x1xf32>
    %mul3A_50 = arith.mulf %max3A_33, %max3A_33 : vector<400x64xf32>
    %reduce_sum3A_51 = arith.constant dense<0.000000e+00> : vector<400xf32>
    %reduce_sum3A_52 = vector.multi_reduction <add>, %mul3A_50, %reduce_sum3A_51 [1] : vector<400x64xf32> to vector<400xf32>
    %broadcast_in_dim3A_53 = vector.shape_cast %reduce_sum3A_52 : vector<400xf32> to vector<400x1xf32>
    %add3A_54 = arith.addf %add3A_49, %broadcast_in_dim3A_53 : vector<400x1xf32>
    %sqrt3A_55 = math.sqrt %add3A_54 : vector<400x1xf32>
    %jit3A = arith.constant 1.000000e-15 : f32
    %max3A_56 = vector.broadcast %jit3A : f32 to vector<400x1xf32>
    %max3A_57 = arith.maximumf %max3A_56, %sqrt3A_55 : vector<400x1xf32>
    %mul3A_58 = vector.broadcast %sqrt3A : f32 to vector<400x1xf32>
    %mul3A_59 = arith.mulf %mul3A_58, %max3A_57 : vector<400x1xf32>
    %tanh3A = math.tanh %mul3A_59 : vector<400x1xf32>
    %mul3A_60 = vector.broadcast %sqrt3A : f32 to vector<400x1xf32>
    %mul3A_61 = arith.mulf %mul3A_60, %max3A_57 : vector<400x1xf32>
    %div3A_62 = arith.divf %tanh3A, %mul3A_61 : vector<400x1xf32>
    %mul3A_63 = arith.mulf %add3A_54, %div3A_62 : vector<400x1xf32>
    %mul3A_64 = arith.mulf %mul3A_63, %div3A_62 : vector<400x1xf32>
    %sqrt3A_65 = math.sqrt %mul3A_64 : vector<400x1xf32>
    %jit3A_66 = arith.constant 1.000000e-15 : f32
    %max3A_67 = vector.broadcast %jit3A_66 : f32 to vector<400x1xf32>
    %max3A_68 = arith.maximumf %max3A_67, %sqrt3A_65 : vector<400x1xf32>
    %div3A_69 = arith.constant 0.999989986 : f32
    %div3A_70 = arith.divf %div3A_69, %sqrt3A : f32
    %gt3A = vector.broadcast %div3A_70 : f32 to vector<400x1xf32>
    %gt3A_71 = arith.cmpf ogt, %max3A_68, %gt3A : vector<400x1xf32>
    %div3A_72 = vector.broadcast %div3A_70 : f32 to vector<400x1xf32>
    %div3A_73 = arith.divf %div3A_72, %max3A_68 : vector<400x1xf32>
    %jit3A_74 = arith.constant 1.000000e+00 : f32
    %broadcast_in_dim3A_75 = vector.broadcast %jit3A_74 : f32 to vector<400x1xf32>
    %select_n3A = arith.select %gt3A_71, %div3A_73, %broadcast_in_dim3A_75 : vector<400x1xi1>, vector<400x1xf32>
    %mul3A_76 = arith.mulf %div3A_62, %select_n3A : vector<400x1xf32>
    %mul3A_77 = arith.mulf %add3A_54, %mul3A_76 : vector<400x1xf32>
    %mul3A_78 = arith.mulf %mul3A_77, %mul3A_76 : vector<400x1xf32>
    %get3A_79 = arith.constant 0 : index
    %get3A_80 = memref.load %arg10[%get3A_79] : memref<1xf32, #tpu.memory_space<smem>>
    %sqrt3A_81 = math.sqrt %get3A_80 : f32
    %sqrt3A_82 = math.sqrt %mul3A_78 : vector<400x1xf32>
    %jit3A_83 = arith.constant 1.000000e-15 : f32
    %max3A_84 = vector.broadcast %jit3A_83 : f32 to vector<400x1xf32>
    %max3A_85 = arith.maximumf %max3A_84, %sqrt3A_82 : vector<400x1xf32>
    %div3A_86 = arith.constant 0.999989986 : f32
    %div3A_87 = arith.divf %div3A_86, %sqrt3A_81 : f32
    %gt3A_88 = vector.broadcast %div3A_87 : f32 to vector<400x1xf32>
    %gt3A_89 = arith.cmpf ogt, %max3A_85, %gt3A_88 : vector<400x1xf32>
    %div3A_90 = vector.broadcast %div3A_87 : f32 to vector<400x1xf32>
    %div3A_91 = arith.divf %div3A_90, %max3A_85 : vector<400x1xf32>
    %jit3A_92 = arith.constant 1.000000e+00 : f32
    %broadcast_in_dim3A_93 = vector.broadcast %jit3A_92 : f32 to vector<400x1xf32>
    %select_n3A_94 = arith.select %gt3A_89, %div3A_91, %broadcast_in_dim3A_93 : vector<400x1xi1>, vector<400x1xf32>
    %mul3A_95 = arith.mulf %mul3A_78, %select_n3A_94 : vector<400x1xf32>
    %mul3A_96 = arith.mulf %mul3A_95, %select_n3A_94 : vector<400x1xf32>
    %sqrt3A_97 = math.sqrt %mul3A_96 : vector<400x1xf32>
    %jit3A_98 = arith.constant 1.000000e-15 : f32
    %max3A_99 = vector.broadcast %jit3A_98 : f32 to vector<400x1xf32>
    %max3A_100 = arith.maximumf %max3A_99, %sqrt3A_97 : vector<400x1xf32>
    %mul3A_101 = arith.mulf %mul3A_76, %select_n3A_94 : vector<400x1xf32>
    %mul3A_102 = vector.broadcast %sqrt3A_81 : f32 to vector<400x1xf32>
    %mul3A_103 = arith.mulf %mul3A_102, %max3A_100 : vector<400x1xf32>
    %jit3A_104 = arith.constant -0.99999988 : f32
    %jit3A_105 = arith.constant 0.99999988 : f32
    %max3A_106 = vector.broadcast %jit3A_104 : f32 to vector<400x1xf32>
    %max3A_107 = arith.maximumf %max3A_106, %mul3A_103 : vector<400x1xf32>
    %min3A = vector.broadcast %jit3A_105 : f32 to vector<400x1xf32>
    %min3A_108 = arith.minimumf %min3A, %max3A_107 : vector<400x1xf32>
    %add3A_109 = arith.constant 1.000000e+00 : f32
    %add3A_110 = vector.broadcast %add3A_109 : f32 to vector<400x1xf32>
    %add3A_111 = arith.addf %add3A_110, %min3A_108 : vector<400x1xf32>
    %sub3A = arith.constant 1.000000e+00 : f32
    %sub3A_112 = vector.broadcast %sub3A : f32 to vector<400x1xf32>
    %sub3A_113 = arith.subf %sub3A_112, %min3A_108 : vector<400x1xf32>
    %div3A_114 = arith.divf %add3A_111, %sub3A_113 : vector<400x1xf32>
    %log3A = math.log %div3A_114 : vector<400x1xf32>
    %mul3A_115 = arith.constant 5.000000e-01 : f32
    %mul3A_116 = vector.broadcast %mul3A_115 : f32 to vector<400x1xf32>
    %mul3A_117 = arith.mulf %mul3A_116, %log3A : vector<400x1xf32>
    %mul3A_118 = vector.broadcast %sqrt3A_81 : f32 to vector<400x1xf32>
    %mul3A_119 = arith.mulf %mul3A_118, %max3A_100 : vector<400x1xf32>
    %div3A_120 = arith.divf %mul3A_117, %mul3A_119 : vector<400x1xf32>
    %mul3A_121 = arith.mulf %mul3A_101, %div3A_120 : vector<400x1xf32>
    %get3A_122 = arith.constant 0 : index
    %get3A_123 = arith.constant 0 : index
    %get3A_124 = vector.load %arg7[%get3A_122, %get3A_123] : memref<1x128xf32, #tpu.memory_space<vmem>>, vector<1x128xf32>
    %mul3A_125 = vector.broadcast %mul3A_121 : vector<400x1xf32> to vector<400x64xf32>
    %mul3A_126 = arith.mulf %max3A_9, %mul3A_125 : vector<400x64xf32>
    %get3A_127 = arith.constant 0 : index
    %get3A_128 = arith.constant 0 : index
    %get3A_129 = vector.load %arg6[%get3A_127, %get3A_128] : memref<256x128xf32, #tpu.memory_space<vmem>>, vector<64x128xf32>
    %dot_general3A = arith.constant dense<0.000000e+00> : vector<400x128xf32>
    %dot_general3A_130 = tpu.matmul %mul3A_126, %get3A_129, %dot_general3A {dimension_numbers = #tpu.dot_dimension_numbers<[1], [0], [0], [1], [0, 0, 1, 1], [], []>, transpose_lhs_hint = false} : vector<400x64xf32>, vector<64x128xf32>, vector<400x128xf32> -> vector<400x128xf32>
    %add3A_131 = vector.broadcast %get3A_124 : vector<1x128xf32> to vector<400x128xf32>
    %add3A_132 = arith.addf %add3A_131, %dot_general3A_130 : vector<400x128xf32>
    %mul3A_133 = vector.broadcast %mul3A_121 : vector<400x1xf32> to vector<400x64xf32>
    %mul3A_134 = arith.mulf %max3A_17, %mul3A_133 : vector<400x64xf32>
    %get3A_135 = arith.constant 64 : index
    %get3A_136 = arith.constant 0 : index
    %get3A_137 = vector.load %arg6[%get3A_135, %get3A_136] : memref<256x128xf32, #tpu.memory_space<vmem>>, vector<64x128xf32>
    %dot_general3A_138 = arith.constant dense<0.000000e+00> : vector<400x128xf32>
    %dot_general3A_139 = tpu.matmul %mul3A_134, %get3A_137, %dot_general3A_138 {dimension_numbers = #tpu.dot_dimension_numbers<[1], [0], [0], [1], [0, 0, 1, 1], [], []>, transpose_lhs_hint = false} : vector<400x64xf32>, vector<64x128xf32>, vector<400x128xf32> -> vector<400x128xf32>
    %add3A_140 = arith.addf %add3A_132, %dot_general3A_139 : vector<400x128xf32>
    %mul3A_141 = vector.broadcast %mul3A_121 : vector<400x1xf32> to vector<400x64xf32>
    %mul3A_142 = arith.mulf %max3A_25, %mul3A_141 : vector<400x64xf32>
    %get3A_143 = arith.constant 128 : index
    %get3A_144 = arith.constant 0 : index
    %get3A_145 = vector.load %arg6[%get3A_143, %get3A_144] : memref<256x128xf32, #tpu.memory_space<vmem>>, vector<64x128xf32>
    %dot_general3A_146 = arith.constant dense<0.000000e+00> : vector<400x128xf32>
    %dot_general3A_147 = tpu.matmul %mul3A_142, %get3A_145, %dot_general3A_146 {dimension_numbers = #tpu.dot_dimension_numbers<[1], [0], [0], [1], [0, 0, 1, 1], [], []>, transpose_lhs_hint = false} : vector<400x64xf32>, vector<64x128xf32>, vector<400x128xf32> -> vector<400x128xf32>
    %add3A_148 = arith.addf %add3A_140, %dot_general3A_147 : vector<400x128xf32>
    %mul3A_149 = vector.broadcast %mul3A_121 : vector<400x1xf32> to vector<400x64xf32>
    %mul3A_150 = arith.mulf %max3A_33, %mul3A_149 : vector<400x64xf32>
    %get3A_151 = arith.constant 192 : index
    %get3A_152 = arith.constant 0 : index
    %get3A_153 = vector.load %arg6[%get3A_151, %get3A_152] : memref<256x128xf32, #tpu.memory_space<vmem>>, vector<64x128xf32>
    %dot_general3A_154 = arith.constant dense<0.000000e+00> : vector<400x128xf32>
    %dot_general3A_155 = tpu.matmul %mul3A_150, %get3A_153, %dot_general3A_154 {dimension_numbers = #tpu.dot_dimension_numbers<[1], [0], [0], [1], [0, 0, 1, 1], [], []>, transpose_lhs_hint = false} : vector<400x64xf32>, vector<64x128xf32>, vector<400x128xf32> -> vector<400x128xf32>
    %add3A_156 = arith.addf %add3A_148, %dot_general3A_155 : vector<400x128xf32>
    %swap3A = arith.constant 0 : index
    %swap3A_157 = arith.constant 0 : index
    %swap3A_158 = vector.load %arg12[%swap3A, %swap3A_157] : memref<400x128xf32, #tpu.memory_space<vmem>>, vector<400x128xf32>
    tpu.vector_store %arg12[%swap3A, %swap3A_157], %add3A_156 {strides = array<i32>} : memref<400x128xf32, #tpu.memory_space<vmem>>, vector<400x128xf32>,
    %get3A_159 = arith.constant 0 : index
    %get3A_160 = arith.constant 0 : index
    %get3A_161 = vector.load %arg8[%get3A_159, %get3A_160] : memref<1x128xf32, #tpu.memory_space<vmem>>, vector<1x128xf32>
    %mul3A_162 = vector.broadcast %get3A_161 : vector<1x128xf32> to vector<400x128xf32>
    %mul3A_163 = arith.mulf %add3A_156, %mul3A_162 : vector<400x128xf32>
    %reduce_sum3A_164 = arith.constant dense<0.000000e+00> : vector<400xf32>
    %reduce_sum3A_165 = vector.multi_reduction <add>, %mul3A_163, %reduce_sum3A_164 [1] : vector<400x128xf32> to vector<400xf32>
    %broadcast_in_dim3A_166 = vector.shape_cast %reduce_sum3A_165 : vector<400xf32> to vector<400x1xf32>
    %swap3A_167 = arith.constant 0 : index
    %swap3A_168 = arith.constant 0 : index
    %swap3A_169 = vector.load %arg13[%swap3A_167, %swap3A_168] : memref<400x1xf32, #tpu.memory_space<vmem>>, vector<400x1xf32>
    tpu.vector_store %arg13[%swap3A_167, %swap3A_168], %broadcast_in_dim3A_166 {strides = array<i32>} : memref<400x1xf32, #tpu.memory_space<vmem>>, vector<400x1xf32>,
    %get3A_170 = arith.constant 0 : index
    %get3A_171 = arith.constant 0 : index
    %get3A_172 = vector.load %arg9[%get3A_170, %get3A_171] : memref<1x128xf32, #tpu.memory_space<vmem>>, vector<1x128xf32>
    %mul3A_173 = vector.broadcast %get3A_172 : vector<1x128xf32> to vector<400x128xf32>
    %mul3A_174 = arith.mulf %add3A_156, %mul3A_173 : vector<400x128xf32>
    %reduce_sum3A_175 = arith.constant dense<0.000000e+00> : vector<400xf32>
    %reduce_sum3A_176 = vector.multi_reduction <add>, %mul3A_174, %reduce_sum3A_175 [1] : vector<400x128xf32> to vector<400xf32>
    %broadcast_in_dim3A_177 = vector.shape_cast %reduce_sum3A_176 : vector<400xf32> to vector<400x1xf32>
    %swap3A_178 = arith.constant 0 : index
    %swap3A_179 = arith.constant 0 : index
    %swap3A_180 = vector.load %arg14[%swap3A_178, %swap3A_179] : memref<400x1xf32, #tpu.memory_space<vmem>>, vector<400x1xf32>
    tpu.vector_store %arg14[%swap3A_178, %swap3A_179], %broadcast_in_dim3A_177 {strides = array<i32>} : memref<400x1xf32, #tpu.memory_space<vmem>>, vector<400x1xf32>,
    return
  }
  func.func @transform_0(%arg0: i32) -> (i32, i32) {
    %c0_i32 = arith.constant 0 : i32
    %c0_i32_0 = arith.constant 0 : i32
    return %arg0, %c0_i32 : i32, i32
  }
  func.func @transform_1(%arg0: i32) -> (i32, i32) {
    %add3A = arith.constant 25 : i32
    %add3A_0 = arith.addi %arg0, %add3A : i32
    %c0_i32 = arith.constant 0 : i32
    %c0_i32_1 = arith.constant 0 : i32
    return %add3A_0, %c0_i32 : i32, i32
  }
  func.func @transform_2(%arg0: i32) -> (i32, i32) {
    %add3A = arith.constant 50 : i32
    %add3A_0 = arith.addi %arg0, %add3A : i32
    %c0_i32 = arith.constant 0 : i32
    %c0_i32_1 = arith.constant 0 : i32
    return %add3A_0, %c0_i32 : i32, i32
  }
  func.func @transform_3(%arg0: i32) -> (i32, i32) {
    %add3A = arith.constant 75 : i32
    %add3A_0 = arith.addi %arg0, %add3A : i32
    %c0_i32 = arith.constant 0 : i32
    %c0_i32_1 = arith.constant 0 : i32
    return %add3A_0, %c0_i32 : i32, i32
  }
  func.func @transform_4(%arg0: i32) -> (i32, i32) {
    %c0_i32 = arith.constant 0 : i32
    %c0_i32_0 = arith.constant 0 : i32
    return %arg0, %c0_i32 : i32, i32
  }
  func.func @transform_5(%arg0: i32) -> (i32, i32) {
    %c0_i32 = arith.constant 0 : i32
    %c0_i32_0 = arith.constant 0 : i32
    %c0_i32_1 = arith.constant 0 : i32
    return %c0_i32, %c0_i32_0 : i32, i32
  }
  func.func @transform_6(%arg0: i32) -> (i32, i32) {
    %c0_i32 = arith.constant 0 : i32
    %c0_i32_0 = arith.constant 0 : i32
    %c0_i32_1 = arith.constant 0 : i32
    return %c0_i32, %c0_i32_0 : i32, i32
  }
  func.func @transform_7(%arg0: i32) -> (i32, i32) {
    %c0_i32 = arith.constant 0 : i32
    %c0_i32_0 = arith.constant 0 : i32
    %c0_i32_1 = arith.constant 0 : i32
    return %c0_i32, %c0_i32_0 : i32, i32
  }
  func.func @transform_8(%arg0: i32) -> (i32, i32) {
    %c0_i32 = arith.constant 0 : i32
    %c0_i32_0 = arith.constant 0 : i32
    %c0_i32_1 = arith.constant 0 : i32
    return %c0_i32, %c0_i32_0 : i32, i32
  }
  func.func @transform_9(%arg0: i32) -> i32 {
    %c0_i32 = arith.constant 0 : i32
    %c0_i32_0 = arith.constant 0 : i32
    return %c0_i32 : i32
  }
  func.func @transform_10(%arg0: i32) -> i32 {
    %c0_i32 = arith.constant 0 : i32
    %c0_i32_0 = arith.constant 0 : i32
    return %c0_i32 : i32
  }
  func.func @transform_11(%arg0: i32) -> (i32, i32) {
    %c0_i32 = arith.constant 0 : i32
    %c0_i32_0 = arith.constant 0 : i32
    return %arg0, %c0_i32 : i32, i32
  }
  func.func @transform_12(%arg0: i32) -> (i32, i32) {
    %c0_i32 = arith.constant 0 : i32
    %c0_i32_0 = arith.constant 0 : i32
    return %arg0, %c0_i32 : i32, i32
  }
  func.func @transform_13(%arg0: i32) -> (i32, i32) {
    %c0_i32 = arith.constant 0 : i32
    %c0_i32_0 = arith.constant 0 : i32
    return %arg0, %c0_i32 : i32, i32
  }
}

module attributes {stable_mosaic.version = 14 : i64} {
  func.func @_tc3a_body(%arg0: i32, %arg1: memref<400x64xf32, #tpu.memory_space<vmem>>, %arg2: memref<400x64xf32, #tpu.memory_space<vmem>>, %arg3: memref<400x1xf32, #tpu.memory_space<vmem>>, %arg4: memref<1xf32, #tpu.memory_space<smem>>, %arg5: memref<400x128xf32, #tpu.memory_space<vmem>>) attributes {dimension_semantics = [#tpu.dimension_semantics<arbitrary>], iteration_bounds = array<i64: 25>, scalar_prefetch = 0 : i64, scratch_operands = 0 : i64, tpu.core_type = #tpu.core_type<tc>, window_params = [{transform_indices = @transform_0, window_bounds = array<i64: 400, 64>}, {transform_indices = @transform_1, window_bounds = array<i64: 400, 64>}, {transform_indices = @transform_2, window_bounds = array<i64: 400, 1>}, {transform_indices = @transform_3, window_bounds = array<i64: 1>}, {transform_indices = @transform_4, window_bounds = array<i64: 400, 128>}]} {
    %get3A = arith.constant 0 : index
    %get3A_0 = memref.load %arg4[%get3A] : memref<1xf32, #tpu.memory_space<smem>>
    %sqrt3A = math.sqrt %get3A_0 : f32
    %get3A_1 = arith.constant 0 : index
    %get3A_2 = arith.constant 0 : index
    %get3A_3 = vector.load %arg3[%get3A_1, %get3A_2] : memref<400x1xf32, #tpu.memory_space<vmem>>, vector<400x1xf32>
    %add3A = arith.constant 1.000000e-16 : f32
    %add3A_4 = vector.broadcast %add3A : f32 to vector<400x1xf32>
    %add3A_5 = arith.addf %get3A_3, %add3A_4 : vector<400x1xf32>
    %get3A_6 = arith.constant 0 : index
    %get3A_7 = arith.constant 0 : index
    %get3A_8 = vector.load %arg1[%get3A_6, %get3A_7] : memref<400x64xf32, #tpu.memory_space<vmem>>, vector<400x64xf32>
    %div3A = vector.broadcast %add3A_5 : vector<400x1xf32> to vector<400x64xf32>
    %div3A_9 = arith.divf %get3A_8, %div3A : vector<400x64xf32>
    %max3A = arith.constant 0.000000e+00 : f32
    %max3A_10 = vector.broadcast %max3A : f32 to vector<400x64xf32>
    %max3A_11 = arith.maximumf %div3A_9, %max3A_10 : vector<400x64xf32>
    %get3A_12 = arith.constant 0 : index
    %get3A_13 = arith.constant 0 : index
    %get3A_14 = vector.load %arg2[%get3A_12, %get3A_13] : memref<400x64xf32, #tpu.memory_space<vmem>>, vector<400x64xf32>
    %div3A_15 = vector.broadcast %add3A_5 : vector<400x1xf32> to vector<400x64xf32>
    %div3A_16 = arith.divf %get3A_14, %div3A_15 : vector<400x64xf32>
    %max3A_17 = arith.constant 0.000000e+00 : f32
    %max3A_18 = vector.broadcast %max3A_17 : f32 to vector<400x64xf32>
    %max3A_19 = arith.maximumf %div3A_16, %max3A_18 : vector<400x64xf32>
    %mul3A = arith.mulf %max3A_11, %max3A_11 : vector<400x64xf32>
    %reduce_sum3A = arith.constant dense<0.000000e+00> : vector<400xf32>
    %reduce_sum3A_20 = vector.multi_reduction <add>, %mul3A, %reduce_sum3A [1] : vector<400x64xf32> to vector<400xf32>
    %broadcast_in_dim3A = vector.shape_cast %reduce_sum3A_20 : vector<400xf32> to vector<400x1xf32>
    %mul3A_21 = arith.mulf %max3A_19, %max3A_19 : vector<400x64xf32>
    %reduce_sum3A_22 = arith.constant dense<0.000000e+00> : vector<400xf32>
    %reduce_sum3A_23 = vector.multi_reduction <add>, %mul3A_21, %reduce_sum3A_22 [1] : vector<400x64xf32> to vector<400xf32>
    %broadcast_in_dim3A_24 = vector.shape_cast %reduce_sum3A_23 : vector<400xf32> to vector<400x1xf32>
    %add3A_25 = arith.addf %broadcast_in_dim3A, %broadcast_in_dim3A_24 : vector<400x1xf32>
    %sqrt3A_26 = math.sqrt %add3A_25 : vector<400x1xf32>
    %jit3A = arith.constant 1.000000e-15 : f32
    %max3A_27 = vector.broadcast %jit3A : f32 to vector<400x1xf32>
    %max3A_28 = arith.maximumf %max3A_27, %sqrt3A_26 : vector<400x1xf32>
    %mul3A_29 = vector.broadcast %sqrt3A : f32 to vector<400x1xf32>
    %mul3A_30 = arith.mulf %mul3A_29, %max3A_28 : vector<400x1xf32>
    %tanh3A = math.tanh %mul3A_30 : vector<400x1xf32>
    %mul3A_31 = vector.broadcast %sqrt3A : f32 to vector<400x1xf32>
    %mul3A_32 = arith.mulf %mul3A_31, %max3A_28 : vector<400x1xf32>
    %div3A_33 = arith.divf %tanh3A, %mul3A_32 : vector<400x1xf32>
    %mul3A_34 = arith.mulf %add3A_25, %div3A_33 : vector<400x1xf32>
    %mul3A_35 = arith.mulf %mul3A_34, %div3A_33 : vector<400x1xf32>
    %sqrt3A_36 = math.sqrt %mul3A_35 : vector<400x1xf32>
    %jit3A_37 = arith.constant 1.000000e-15 : f32
    %max3A_38 = vector.broadcast %jit3A_37 : f32 to vector<400x1xf32>
    %max3A_39 = arith.maximumf %max3A_38, %sqrt3A_36 : vector<400x1xf32>
    %div3A_40 = arith.constant 0.999989986 : f32
    %div3A_41 = arith.divf %div3A_40, %sqrt3A : f32
    %gt3A = vector.broadcast %div3A_41 : f32 to vector<400x1xf32>
    %gt3A_42 = arith.cmpf ogt, %max3A_39, %gt3A : vector<400x1xf32>
    %div3A_43 = vector.broadcast %div3A_41 : f32 to vector<400x1xf32>
    %div3A_44 = arith.divf %div3A_43, %max3A_39 : vector<400x1xf32>
    %jit3A_45 = arith.constant 1.000000e+00 : f32
    %broadcast_in_dim3A_46 = vector.broadcast %jit3A_45 : f32 to vector<400x1xf32>
    %select_n3A = arith.select %gt3A_42, %div3A_44, %broadcast_in_dim3A_46 : vector<400x1xi1>, vector<400x1xf32>
    %mul3A_47 = arith.mulf %div3A_33, %select_n3A : vector<400x1xf32>
    %mul3A_48 = vector.broadcast %mul3A_47 : vector<400x1xf32> to vector<400x64xf32>
    %mul3A_49 = arith.mulf %max3A_11, %mul3A_48 : vector<400x64xf32>
    %swap3A = arith.constant 0 : index
    %swap3A_50 = arith.constant 0 : index
    %swap3A_51 = vector.load %arg5[%swap3A, %swap3A_50] : memref<400x128xf32, #tpu.memory_space<vmem>>, vector<400x64xf32>
    tpu.vector_store %arg5[%swap3A, %swap3A_50], %mul3A_49 {strides = array<i32>} : memref<400x128xf32, #tpu.memory_space<vmem>>, vector<400x64xf32>,
    %mul3A_52 = vector.broadcast %mul3A_47 : vector<400x1xf32> to vector<400x64xf32>
    %mul3A_53 = arith.mulf %max3A_19, %mul3A_52 : vector<400x64xf32>
    %swap3A_54 = arith.constant 0 : index
    %swap3A_55 = arith.constant 64 : index
    %swap3A_56 = vector.load %arg5[%swap3A_54, %swap3A_55] : memref<400x128xf32, #tpu.memory_space<vmem>>, vector<400x64xf32>
    tpu.vector_store %arg5[%swap3A_54, %swap3A_55], %mul3A_53 {strides = array<i32>} : memref<400x128xf32, #tpu.memory_space<vmem>>, vector<400x64xf32>,
    return
  }
  func.func @transform_0(%arg0: i32) -> (i32, i32) {
    %c0_i32 = arith.constant 0 : i32
    %c0_i32_0 = arith.constant 0 : i32
    return %arg0, %c0_i32 : i32, i32
  }
  func.func @transform_1(%arg0: i32) -> (i32, i32) {
    %add3A = arith.constant 25 : i32
    %add3A_0 = arith.addi %arg0, %add3A : i32
    %c0_i32 = arith.constant 0 : i32
    %c0_i32_1 = arith.constant 0 : i32
    return %add3A_0, %c0_i32 : i32, i32
  }
  func.func @transform_2(%arg0: i32) -> (i32, i32) {
    %c0_i32 = arith.constant 0 : i32
    %c0_i32_0 = arith.constant 0 : i32
    return %arg0, %c0_i32 : i32, i32
  }
  func.func @transform_3(%arg0: i32) -> i32 {
    %c0_i32 = arith.constant 0 : i32
    %c0_i32_0 = arith.constant 0 : i32
    return %c0_i32 : i32
  }
  func.func @transform_4(%arg0: i32) -> (i32, i32) {
    %c0_i32 = arith.constant 0 : i32
    %c0_i32_0 = arith.constant 0 : i32
    return %arg0, %c0_i32 : i32, i32
  }
}

module attributes {stable_mosaic.version = 14 : i64} {
  func.func @_tc3b_body(%arg0: i32, %arg1: memref<256x10000xf32, #tpu.memory_space<vmem>>, %arg2: memref<10000x128xf32, #tpu.memory_space<vmem>>, %arg3: memref<256x128xf32, #tpu.memory_space<vmem>>, %arg4: memref<1xf32, #tpu.memory_space<smem>>, %arg5: memref<1xf32, #tpu.memory_space<smem>>, %arg6: memref<1xf32, #tpu.memory_space<smem>>, %arg7: memref<256x1xf32, #tpu.memory_space<vmem>>) attributes {dimension_semantics = [#tpu.dimension_semantics<arbitrary>], iteration_bounds = array<i64: 4>, scalar_prefetch = 0 : i64, scratch_operands = 0 : i64, tpu.core_type = #tpu.core_type<tc>, window_params = [{transform_indices = @transform_0, window_bounds = array<i64: 256, 10000>}, {pipeline_mode = #tpu.pipeline_mode<synchronous>, transform_indices = @transform_1, window_bounds = array<i64: 10000, 128>}, {transform_indices = @transform_2, window_bounds = array<i64: 256, 128>}, {transform_indices = @transform_3, window_bounds = array<i64: 1>}, {transform_indices = @transform_4, window_bounds = array<i64: 1>}, {transform_indices = @transform_5, window_bounds = array<i64: 1>}, {transform_indices = @transform_6, window_bounds = array<i64: 256, 1>}]} {
    %get3A = arith.constant 0 : index
    %get3A_0 = memref.load %arg4[%get3A] : memref<1xf32, #tpu.memory_space<smem>>
    %sqrt3A = math.sqrt %get3A_0 : f32
    %div3A = arith.constant 0.999989986 : f32
    %div3A_1 = arith.divf %div3A, %sqrt3A : f32
    %get3A_2 = arith.constant 0 : index
    %get3A_3 = arith.constant 0 : index
    %get3A_4 = vector.load %arg1[%get3A_2, %get3A_3] : memref<256x10000xf32, #tpu.memory_space<vmem>>, vector<256x10000xf32>
    %get3A_5 = arith.constant 0 : index
    %get3A_6 = arith.constant 0 : index
    %get3A_7 = vector.load %arg2[%get3A_5, %get3A_6] : memref<10000x128xf32, #tpu.memory_space<vmem>>, vector<10000x128xf32>
    %dot_general3A = arith.constant dense<0.000000e+00> : vector<256x128xf32>
    %dot_general3A_8 = tpu.matmul %get3A_4, %get3A_7, %dot_general3A {dimension_numbers = #tpu.dot_dimension_numbers<[1], [0], [0], [1], [0, 0, 1, 1], [], []>, transpose_lhs_hint = false} : vector<256x10000xf32>, vector<10000x128xf32>, vector<256x128xf32> -> vector<256x128xf32>
    %mul3A = arith.mulf %dot_general3A_8, %dot_general3A_8 : vector<256x128xf32>
    %reduce_sum3A = arith.constant dense<0.000000e+00> : vector<256xf32>
    %reduce_sum3A_9 = vector.multi_reduction <add>, %mul3A, %reduce_sum3A [1] : vector<256x128xf32> to vector<256xf32>
    %broadcast_in_dim3A = vector.shape_cast %reduce_sum3A_9 : vector<256xf32> to vector<256x1xf32>
    %sqrt3A_10 = math.sqrt %broadcast_in_dim3A : vector<256x1xf32>
    %jit3A = arith.constant 1.000000e-15 : f32
    %max3A = vector.broadcast %jit3A : f32 to vector<256x1xf32>
    %max3A_11 = arith.maximumf %max3A, %sqrt3A_10 : vector<256x1xf32>
    %gt3A = vector.broadcast %div3A_1 : f32 to vector<256x1xf32>
    %gt3A_12 = arith.cmpf ogt, %max3A_11, %gt3A : vector<256x1xf32>
    %div3A_13 = vector.broadcast %max3A_11 : vector<256x1xf32> to vector<256x128xf32>
    %div3A_14 = arith.divf %dot_general3A_8, %div3A_13 : vector<256x128xf32>
    %mul3A_15 = vector.broadcast %div3A_1 : f32 to vector<256x128xf32>
    %mul3A_16 = arith.mulf %div3A_14, %mul3A_15 : vector<256x128xf32>
    %broadcast_in_dim3A_17 = vector.shape_cast %gt3A_12 : vector<256x1xi1> to vector<256x1xi1>
    %broadcast_in_dim3A_18 = vector.broadcast %broadcast_in_dim3A_17 : vector<256x1xi1> to vector<256x128xi1>
    %select_n3A = arith.select %broadcast_in_dim3A_18, %mul3A_16, %dot_general3A_8 : vector<256x128xi1>, vector<256x128xf32>
    %get3A_19 = arith.constant 0 : index
    %get3A_20 = arith.constant 0 : index
    %get3A_21 = vector.load %arg3[%get3A_19, %get3A_20] : memref<256x128xf32, #tpu.memory_space<vmem>>, vector<256x128xf32>
    %mul3A_22 = arith.mulf %get3A_21, %get3A_21 : vector<256x128xf32>
    %reduce_sum3A_23 = arith.constant dense<0.000000e+00> : vector<256xf32>
    %reduce_sum3A_24 = vector.multi_reduction <add>, %mul3A_22, %reduce_sum3A_23 [1] : vector<256x128xf32> to vector<256xf32>
    %broadcast_in_dim3A_25 = vector.shape_cast %reduce_sum3A_24 : vector<256xf32> to vector<256x1xf32>
    %sqrt3A_26 = math.sqrt %broadcast_in_dim3A_25 : vector<256x1xf32>
    %jit3A_27 = arith.constant 1.000000e-15 : f32
    %max3A_28 = vector.broadcast %jit3A_27 : f32 to vector<256x1xf32>
    %max3A_29 = arith.maximumf %max3A_28, %sqrt3A_26 : vector<256x1xf32>
    %mul3A_30 = vector.broadcast %sqrt3A : f32 to vector<256x1xf32>
    %mul3A_31 = arith.mulf %mul3A_30, %max3A_29 : vector<256x1xf32>
    %tanh3A = math.tanh %mul3A_31 : vector<256x1xf32>
    %mul3A_32 = vector.broadcast %sqrt3A : f32 to vector<256x1xf32>
    %mul3A_33 = arith.mulf %mul3A_32, %max3A_29 : vector<256x1xf32>
    %div3A_34 = arith.divf %tanh3A, %mul3A_33 : vector<256x1xf32>
    %mul3A_35 = vector.broadcast %div3A_34 : vector<256x1xf32> to vector<256x128xf32>
    %mul3A_36 = arith.mulf %mul3A_35, %get3A_21 : vector<256x128xf32>
    %mul3A_37 = arith.mulf %mul3A_36, %mul3A_36 : vector<256x128xf32>
    %reduce_sum3A_38 = arith.constant dense<0.000000e+00> : vector<256xf32>
    %reduce_sum3A_39 = vector.multi_reduction <add>, %mul3A_37, %reduce_sum3A_38 [1] : vector<256x128xf32> to vector<256xf32>
    %broadcast_in_dim3A_40 = vector.shape_cast %reduce_sum3A_39 : vector<256xf32> to vector<256x1xf32>
    %sqrt3A_41 = math.sqrt %broadcast_in_dim3A_40 : vector<256x1xf32>
    %jit3A_42 = arith.constant 1.000000e-15 : f32
    %max3A_43 = vector.broadcast %jit3A_42 : f32 to vector<256x1xf32>
    %max3A_44 = arith.maximumf %max3A_43, %sqrt3A_41 : vector<256x1xf32>
    %gt3A_45 = vector.broadcast %div3A_1 : f32 to vector<256x1xf32>
    %gt3A_46 = arith.cmpf ogt, %max3A_44, %gt3A_45 : vector<256x1xf32>
    %div3A_47 = vector.broadcast %max3A_44 : vector<256x1xf32> to vector<256x128xf32>
    %div3A_48 = arith.divf %mul3A_36, %div3A_47 : vector<256x128xf32>
    %mul3A_49 = vector.broadcast %div3A_1 : f32 to vector<256x128xf32>
    %mul3A_50 = arith.mulf %div3A_48, %mul3A_49 : vector<256x128xf32>
    %broadcast_in_dim3A_51 = vector.shape_cast %gt3A_46 : vector<256x1xi1> to vector<256x1xi1>
    %broadcast_in_dim3A_52 = vector.broadcast %broadcast_in_dim3A_51 : vector<256x1xi1> to vector<256x128xi1>
    %select_n3A_53 = arith.select %broadcast_in_dim3A_52, %mul3A_50, %mul3A_36 : vector<256x128xi1>, vector<256x128xf32>
    %neg3A = arith.constant 0.000000e+00 : f32
    %neg3A_54 = vector.broadcast %neg3A : f32 to vector<256x128xf32>
    %neg3A_55 = arith.subf %neg3A_54, %select_n3A_53 : vector<256x128xf32>
    %mul3A_56 = arith.mulf %neg3A_55, %neg3A_55 : vector<256x128xf32>
    %reduce_sum3A_57 = arith.constant dense<0.000000e+00> : vector<256xf32>
    %reduce_sum3A_58 = vector.multi_reduction <add>, %mul3A_56, %reduce_sum3A_57 [1] : vector<256x128xf32> to vector<256xf32>
    %broadcast_in_dim3A_59 = vector.shape_cast %reduce_sum3A_58 : vector<256xf32> to vector<256x1xf32>
    %mul3A_60 = arith.mulf %select_n3A, %select_n3A : vector<256x128xf32>
    %reduce_sum3A_61 = arith.constant dense<0.000000e+00> : vector<256xf32>
    %reduce_sum3A_62 = vector.multi_reduction <add>, %mul3A_60, %reduce_sum3A_61 [1] : vector<256x128xf32> to vector<256xf32>
    %broadcast_in_dim3A_63 = vector.shape_cast %reduce_sum3A_62 : vector<256xf32> to vector<256x1xf32>
    %mul3A_64 = arith.mulf %neg3A_55, %select_n3A : vector<256x128xf32>
    %reduce_sum3A_65 = arith.constant dense<0.000000e+00> : vector<256xf32>
    %reduce_sum3A_66 = vector.multi_reduction <add>, %mul3A_64, %reduce_sum3A_65 [1] : vector<256x128xf32> to vector<256xf32>
    %broadcast_in_dim3A_67 = vector.shape_cast %reduce_sum3A_66 : vector<256xf32> to vector<256x1xf32>
    %mul3A_68 = arith.constant 2.000000e+00 : f32
    %mul3A_69 = arith.mulf %mul3A_68, %get3A_0 : f32
    %mul3A_70 = vector.broadcast %mul3A_69 : f32 to vector<256x1xf32>
    %mul3A_71 = arith.mulf %mul3A_70, %broadcast_in_dim3A_67 : vector<256x1xf32>
    %add3A = arith.constant 1.000000e+00 : f32
    %add3A_72 = vector.broadcast %add3A : f32 to vector<256x1xf32>
    %add3A_73 = arith.addf %add3A_72, %mul3A_71 : vector<256x1xf32>
    %mul3A_74 = vector.broadcast %get3A_0 : f32 to vector<256x1xf32>
    %mul3A_75 = arith.mulf %mul3A_74, %broadcast_in_dim3A_63 : vector<256x1xf32>
    %add3A_76 = arith.addf %add3A_73, %mul3A_75 : vector<256x1xf32>
    %mul3A_77 = vector.broadcast %add3A_76 : vector<256x1xf32> to vector<256x128xf32>
    %mul3A_78 = arith.mulf %mul3A_77, %neg3A_55 : vector<256x128xf32>
    %mul3A_79 = vector.broadcast %get3A_0 : f32 to vector<256x1xf32>
    %mul3A_80 = arith.mulf %mul3A_79, %broadcast_in_dim3A_59 : vector<256x1xf32>
    %sub3A = arith.constant 1.000000e+00 : f32
    %sub3A_81 = vector.broadcast %sub3A : f32 to vector<256x1xf32>
    %sub3A_82 = arith.subf %sub3A_81, %mul3A_80 : vector<256x1xf32>
    %mul3A_83 = vector.broadcast %sub3A_82 : vector<256x1xf32> to vector<256x128xf32>
    %mul3A_84 = arith.mulf %mul3A_83, %select_n3A : vector<256x128xf32>
    %add3A_85 = arith.addf %mul3A_78, %mul3A_84 : vector<256x128xf32>
    %mul3A_86 = arith.constant 2.000000e+00 : f32
    %mul3A_87 = arith.mulf %mul3A_86, %get3A_0 : f32
    %mul3A_88 = vector.broadcast %mul3A_87 : f32 to vector<256x1xf32>
    %mul3A_89 = arith.mulf %mul3A_88, %broadcast_in_dim3A_67 : vector<256x1xf32>
    %add3A_90 = arith.constant 1.000000e+00 : f32
    %add3A_91 = vector.broadcast %add3A_90 : f32 to vector<256x1xf32>
    %add3A_92 = arith.addf %add3A_91, %mul3A_89 : vector<256x1xf32>
    %mul3A_93 = arith.mulf %get3A_0, %get3A_0 : f32
    %mul3A_94 = vector.broadcast %mul3A_93 : f32 to vector<256x1xf32>
    %mul3A_95 = arith.mulf %mul3A_94, %broadcast_in_dim3A_59 : vector<256x1xf32>
    %mul3A_96 = arith.mulf %mul3A_95, %broadcast_in_dim3A_63 : vector<256x1xf32>
    %add3A_97 = arith.addf %add3A_92, %mul3A_96 : vector<256x1xf32>
    %jit3A_98 = arith.constant 1.000000e-15 : f32
    %max3A_99 = vector.broadcast %jit3A_98 : f32 to vector<256x1xf32>
    %max3A_100 = arith.maximumf %max3A_99, %add3A_97 : vector<256x1xf32>
    %div3A_101 = vector.broadcast %max3A_100 : vector<256x1xf32> to vector<256x128xf32>
    %div3A_102 = arith.divf %add3A_85, %div3A_101 : vector<256x128xf32>
    %mul3A_103 = arith.mulf %div3A_102, %div3A_102 : vector<256x128xf32>
    %reduce_sum3A_104 = arith.constant dense<0.000000e+00> : vector<256xf32>
    %reduce_sum3A_105 = vector.multi_reduction <add>, %mul3A_103, %reduce_sum3A_104 [1] : vector<256x128xf32> to vector<256xf32>
    %broadcast_in_dim3A_106 = vector.shape_cast %reduce_sum3A_105 : vector<256xf32> to vector<256x1xf32>
    %jit3A_107 = arith.constant 0.000000e+00 : f32
    %max3A_108 = vector.broadcast %jit3A_107 : f32 to vector<256x1xf32>
    %max3A_109 = arith.maximumf %max3A_108, %broadcast_in_dim3A_106 : vector<256x1xf32>
    %sqrt3A_110 = math.sqrt %max3A_109 : vector<256x1xf32>
    %div3A_111 = arith.constant 2.000000e+00 : f32
    %div3A_112 = arith.divf %div3A_111, %sqrt3A : f32
    %mul3A_113 = vector.broadcast %sqrt3A : f32 to vector<256x1xf32>
    %mul3A_114 = arith.mulf %mul3A_113, %sqrt3A_110 : vector<256x1xf32>
    %jit3A_115 = arith.constant -0.99999988 : f32
    %jit3A_116 = arith.constant 0.99999988 : f32
    %max3A_117 = vector.broadcast %jit3A_115 : f32 to vector<256x1xf32>
    %max3A_118 = arith.maximumf %max3A_117, %mul3A_114 : vector<256x1xf32>
    %min3A = vector.broadcast %jit3A_116 : f32 to vector<256x1xf32>
    %min3A_119 = arith.minimumf %min3A, %max3A_118 : vector<256x1xf32>
    %add3A_120 = arith.constant 1.000000e+00 : f32
    %add3A_121 = vector.broadcast %add3A_120 : f32 to vector<256x1xf32>
    %add3A_122 = arith.addf %add3A_121, %min3A_119 : vector<256x1xf32>
    %sub3A_123 = arith.constant 1.000000e+00 : f32
    %sub3A_124 = vector.broadcast %sub3A_123 : f32 to vector<256x1xf32>
    %sub3A_125 = arith.subf %sub3A_124, %min3A_119 : vector<256x1xf32>
    %div3A_126 = arith.divf %add3A_122, %sub3A_125 : vector<256x1xf32>
    %log3A = math.log %div3A_126 : vector<256x1xf32>
    %mul3A_127 = arith.constant 5.000000e-01 : f32
    %mul3A_128 = vector.broadcast %mul3A_127 : f32 to vector<256x1xf32>
    %mul3A_129 = arith.mulf %mul3A_128, %log3A : vector<256x1xf32>
    %mul3A_130 = vector.broadcast %div3A_112 : f32 to vector<256x1xf32>
    %mul3A_131 = arith.mulf %mul3A_130, %mul3A_129 : vector<256x1xf32>
    %get3A_132 = arith.constant 0 : index
    %get3A_133 = memref.load %arg5[%get3A_132] : memref<1xf32, #tpu.memory_space<smem>>
    %sub3A_134 = vector.broadcast %get3A_133 : f32 to vector<256x1xf32>
    %sub3A_135 = arith.subf %mul3A_131, %sub3A_134 : vector<256x1xf32>
    %get3A_136 = arith.constant 0 : index
    %get3A_137 = memref.load %arg6[%get3A_136] : memref<1xf32, #tpu.memory_space<smem>>
    %div3A_138 = vector.broadcast %get3A_137 : f32 to vector<256x1xf32>
    %div3A_139 = arith.divf %sub3A_135, %div3A_138 : vector<256x1xf32>
    %exp3A = math.exp %div3A_139 : vector<256x1xf32>
    %add3A_140 = arith.constant 1.000000e+00 : f32
    %add3A_141 = vector.broadcast %add3A_140 : f32 to vector<256x1xf32>
    %add3A_142 = arith.addf %exp3A, %add3A_141 : vector<256x1xf32>
    %div3A_143 = arith.constant 1.000000e+00 : f32
    %div3A_144 = vector.broadcast %div3A_143 : f32 to vector<256x1xf32>
    %div3A_145 = arith.divf %div3A_144, %add3A_142 : vector<256x1xf32>
    %swap3A = arith.constant 0 : index
    %swap3A_146 = arith.constant 0 : index
    %swap3A_147 = vector.load %arg7[%swap3A, %swap3A_146] : memref<256x1xf32, #tpu.memory_space<vmem>>, vector<256x1xf32>
    tpu.vector_store %arg7[%swap3A, %swap3A_146], %div3A_145 {strides = array<i32>} : memref<256x1xf32, #tpu.memory_space<vmem>>, vector<256x1xf32>,
    return
  }
  func.func @transform_0(%arg0: i32) -> (i32, i32) {
    %c0_i32 = arith.constant 0 : i32
    %c0_i32_0 = arith.constant 0 : i32
    return %arg0, %c0_i32 : i32, i32
  }
  func.func @transform_1(%arg0: i32) -> (i32, i32) {
    %c0_i32 = arith.constant 0 : i32
    %c0_i32_0 = arith.constant 0 : i32
    %c0_i32_1 = arith.constant 0 : i32
    return %c0_i32, %c0_i32_0 : i32, i32
  }
  func.func @transform_2(%arg0: i32) -> (i32, i32) {
    %c0_i32 = arith.constant 0 : i32
    %c0_i32_0 = arith.constant 0 : i32
    return %arg0, %c0_i32 : i32, i32
  }
  func.func @transform_3(%arg0: i32) -> i32 {
    %c0_i32 = arith.constant 0 : i32
    %c0_i32_0 = arith.constant 0 : i32
    return %c0_i32 : i32
  }
  func.func @transform_4(%arg0: i32) -> i32 {
    %c0_i32 = arith.constant 0 : i32
    %c0_i32_0 = arith.constant 0 : i32
    return %c0_i32 : i32
  }
  func.func @transform_5(%arg0: i32) -> i32 {
    %c0_i32 = arith.constant 0 : i32
    %c0_i32_0 = arith.constant 0 : i32
    return %c0_i32 : i32
  }
  func.func @transform_6(%arg0: i32) -> (i32, i32) {
    %c0_i32 = arith.constant 0 : i32
    %c0_i32_0 = arith.constant 0 : i32
    return %arg0, %c0_i32 : i32, i32
  }
}

</mosaic_0001>

<sc_bundles>
// kernel: gather_offload_async_start
scs
__scs_entry_jumppad:
0x0: {  	(pc) =	sbr.rel $0x88, $3  }
0x1: {  	(tag) =	ssettag $0x0;
	lr =	simm.s32 $0x1  }
0x2: {  	[smem:$0x3F8F] =	sst lr;
	_ =	strace $0xD0000000  }
0x3: {  	_ = 	snop  }
0x4: {  	_ = 	snop  }
0x5: {  	_ = 	snop  }
0x6: {  	_ = 	snop  }
0x7: {  	_ = 	snop  }
__scs_overlays_trampoline_lowered:
0x8: {  	[smem:$0x3F9E] =	sst s0  }
0x9: {  	[smem:$0x3F9F] =	sst s1  }
0xa: {  	[smem:$0x3FA0] =	sst s2  }
0xb: {  	[smem:$0x3FA1] =	sst s3  }
0xc: {  	[smem:$0x3FA2] =	sst s4  }
0xd: {  	[smem:$0x3FA3] =	sst s5  }
0xe: {  	[smem:$0x3FA4] =	sst s6  }
0xf: {  	[smem:$0x3FA5] =	sst s7  }
0x10: {  	[smem:$0x3FA6] =	sst s8  }
0x11: {  	[smem:$0x3FA7] =	sst s9;
	s0 =	simm.s32 @!p0 $0x0  }
0x12: {  	s1 =	sld [smem:$0x3F8D];
	s0 =	simm.s32 @p0 $0x1  }
0x13: {  	[smem:$0x3FA8] =	sst s0;
	s0 =	simm.s32 @!p1 $0x0  }
0x14: {  	s2 =	sld [smem:$0x3F8C];
	s0 =	simm.s32 @p1 $0x1  }
0x15: {  	[smem:$0x3FA9] =	sst s0;
	s0 =	simm.s32 @!p2 $0x0  }
0x16: {  	s3 =	sld [smem:$0x3FDB];
	s0 =	simm.s32 @p2 $0x1  }
0x17: {  	s4 =	simm.s32 $0x1BF5;
	[smem:$0x3FAB] =	sst s0  }
0x18: {  	s0 =	sld [smem:$0x3F8E];
	_ =	swait.ge [sflag:s4], $0x0  }
0x19: {  	s7 =	sld [smem:$0x3F8F]  }
0x1a: {  	s8 =	sadd.s32 $0xFFFFE003, lr  }
0x1b: {  	s9 =	sadd.s32 $0xFFFFFEF7, lr;
	s5 =	simm.s32 $0xFFFFFFFF;
	p2 =	slt.u32 s8, $0xFFFFF086  }
0x1c: {  	p1 =	slt.u32 s9, $0xF7A;
	s5 =	simm.s32 @!p2 $0x0  }
0x1d: {  	s5 =	simm.s32 @p1 $0x1;
	p0 =	seq.s32 s7, s2  }
0x1e: {  	s7 =	smul.u32 @!p0 $0xF7A, s2;
	p2 =	seq.s32 @!p0 s5, $0x0  }
0x1f: {  	s9 =	smul.u32 $0xF7A, s1;
	s8 =	simm.s32 @!p0 $0x1BF5;
	p2 =	por !p2, p0  }
0x20: {  	[sflag:s8] =	ssyncset.s32 @!p0 $0xFFFFF086;
	s6 =	sadd.s32 @!p0 s3, s7;
	s7 =	simm.s32 @!p0 $0x108  }
0x21: {  	s3 =	sadd.s32 s3, s9;
	s6 =	sadd.s32 @!p0 $0x88, s6;
	s7 =	simm.s32 @p2 $0x1082  }
0x22: {  	[simem:s7], [sflag:s8] =	dma.local @!p0 [hbm:s6], $0xF7A  }
0x23: {  	s9 =	sor.u32 $0xD0000000, s2;
	s6 =	simm.s32 $0x108;
	_ =	swait.ge @!p0 [sflag:s8], $0x0  }
0x24: {  	s3 =	sadd.s32 $0x88, s3;
	s6 =	simm.s32 @!p1 $0x1082;
	[sflag:s4] =	ssyncset.s32 $0xFFFFF086  }
0x25: {  	[simem:s6], [sflag:s4] =	dma.local [hbm:s3], $0xF7A  }
0x26: {  	[smem:$0x3F8F] =	sst s1;
	(tag) =	ssettag s2;
	_ =	strace s9  }
0x27: {  	s1 =	sld [smem:$0x3F9F]  }
0x28: {  	s2 =	sld [smem:$0x3FA0]  }
0x29: {  	s4 =	sld [smem:$0x3FA2]  }
0x2a: {  	p0 =	seq.s32 s5, $0x0;
	s5 =	sld [smem:$0x3FA3]  }
0x2b: {  	s6 =	sld [smem:$0x3FA4]  }
0x2c: {  	s7 =	sld [smem:$0x3FA5]  }
0x2d: {  	s3 =	simm.s32 $0x108;
	s8 =	sld [smem:$0x3FA6]  }
0x2e: {  	s3 =	simm.s32 @!p0 $0x1082;
	s9 =	sld [smem:$0x3FA7]  }
0x2f: {  	lr =	sadd.s32 s0, s3;
	s0 =	sld [smem:$0x3F9E]  }
0x30: {  	s3 =	sld [smem:$0x3FA1]  }
0x31: {  	[smem:$0x3FAA] =	sst s10  }
0x32: {  	s10 =	sld [smem:$0x3FA8];
	_ =	sdelay $0x3  }
0x33: {  	p0 =	seq.s32 s10, $0x1;
	s10 =	sld [smem:$0x3FAA];
	_ =	sdelay $0x3  }
0x34: {  	[smem:$0x3FAA] =	sst s10  }
0x35: {  	s10 =	sld [smem:$0x3FA9];
	_ =	sdelay $0x3  }
0x36: {  	p1 =	seq.s32 s10, $0x1;
	s10 =	sld [smem:$0x3FAA];
	_ =	sdelay $0x3  }
0x37: {  	[smem:$0x3FAA] =	sst s10  }
0x38: {  	s10 =	sld [smem:$0x3FAB]  }
0x39: {  	_ = 	snop;
	(pc) =	sbr.ind lr, $3  }
0x3a: {  	_ = 	snop  }
0x3b: {  	_ = 	snop  }
0x3c: {  	p2 =	seq.s32 s10, $0x1;
	s10 =	sld [smem:$0x3FAA]  }
0x3d: {  	_ =	shalt  }
0x3e: {  	_ =	shalt  }
0x3f: {  	_ =	shalt  }
0x40: {  	_ =	shalt  }
0x41: {  	_ =	shalt  }
0x42: {  	_ =	shalt  }
0x43: {  	_ =	shalt  }
0x44: {  	_ =	shalt  }
0x45: {  	_ =	shalt  }
0x46: {  	_ =	shalt  }
0x47: {  	_ =	shalt  }
0x48: {  	_ =	shalt  }
0x49: {  	_ =	shalt  }
0x4a: {  	_ =	shalt  }
0x4b: {  	_ =	shalt  }
0x4c: {  	_ =	shalt  }
0x4d: {  	_ =	shalt  }
0x4e: {  	_ =	shalt  }
0x4f: {  	_ =	shalt  }
0x50: {  	_ =	shalt  }
0x51: {  	_ =	shalt  }
0x52: {  	_ =	shalt  }
0x53: {  	_ =	shalt  }
0x54: {  	_ =	shalt  }
0x55: {  	_ =	shalt  }
0x56: {  	_ =	shalt  }
0x57: {  	_ =	shalt  }
0x58: {  	_ =	shalt  }
0x59: {  	_ =	shalt  }
0x5a: {  	_ =	shalt  }
0x5b: {  	_ =	shalt  }
0x5c: {  	_ =	shalt  }
0x5d: {  	_ =	shalt  }
0x5e: {  	_ =	shalt  }
0x5f: {  	_ =	shalt  }
0x60: {  	_ =	shalt  }
0x61: {  	_ =	shalt  }
0x62: {  	_ =	shalt  }
0x63: {  	_ =	shalt  }
0x64: {  	_ =	shalt  }
0x65: {  	_ =	shalt  }
0x66: {  	_ =	shalt  }
0x67: {  	_ =	shalt  }
0x68: {  	_ =	shalt  }
0x69: {  	_ =	shalt  }
0x6a: {  	_ =	shalt  }
0x6b: {  	_ =	shalt  }
0x6c: {  	_ =	shalt  }
0x6d: {  	_ =	shalt  }
0x6e: {  	_ =	shalt  }
0x6f: {  	_ =	shalt  }
0x70: {  	_ =	shalt  }
0x71: {  	_ =	shalt  }
0x72: {  	_ =	shalt  }
0x73: {  	_ =	shalt  }
0x74: {  	_ =	shalt  }
0x75: {  	_ =	shalt  }
0x76: {  	_ =	shalt  }
0x77: {  	_ =	shalt  }
0x78: {  	_ =	shalt  }
0x79: {  	_ =	shalt  }
0x7a: {  	_ =	shalt  }
0x7b: {  	_ =	shalt  }
0x7c: {  	_ =	shalt  }
0x7d: {  	_ =	shalt  }
0x7e: {  	_ =	shalt  }
0x7f: {  	_ =	shalt  }
0x80: {  	_ =	shalt  }
0x81: {  	_ =	shalt  }
0x82: {  	_ =	shalt  }
0x83: {  	_ =	shalt  }
0x84: {  	_ =	shalt  }
0x85: {  	_ =	shalt  }
0x86: {  	_ =	shalt  }
0x87: {  	_ =	shalt  }
.Lfunc_end0:
.L_simem_size_0:
called_computation_lowered:
.L_overlay_start_0:
0x88: {  	s0 =	sld [smem:$0x3FD9]  }
0x89: {  	s1 =	sld [smem:$0x3FFE];
	_ =	sdelay $0x3  }
0x8a: {  	s0 =	sadd.s32 s1, s0  }
0x8b: {  	[smem:$0x3FB6] =	sst s0  }
0x8c: {  	_ = 	snop  }
0x8d: {  	s0 =	sld [smem:$0x3FC4];
	(tm) =	ssettm $0x1  }
0x8e: {  	s16 =	sld [smem:$0x3FFB];
	_ =	sdelay $0x3  }
0x8f: {  	_ =	strace s16  }
0x90: {  	s1 =	sld [smem:$0x3FFC];
	_ =	sdelay $0x3  }
0x91: {  	_ =	strace s1  }
0x92: {  	s1 =	sld [smem:$0x3FFD];
	_ =	sdelay $0x3  }
0x93: {  	_ =	strace s1  }
0x94: {  	_ =	strace $0x8FFFFFFF  }
0x95: {  	s17 =	sld [smem:$0x3FDB];
	_ =	sdelay $0x1  }
0x96: {  	s2 =	simm.s32 $_scs_section_size  }
0x97: {  	s3 =	simm.s32 $_size__tile_overlayer_lowered;
	s4 =	simm.s32 $_tile_overlayer_lowered  }
0x98: {  	s20 =	simm.s32 $0x1BFF;
	s19 =	sshll.u32 s4, $0x1;
	s1 =	sadd.s32 s2, s17  }
0x99: {  	s5 =	simm.s32 $0x0;
	s18 =	sshll.u32 s3, $0x1;
	s3 =	sadd.s32 s19, s1  }
0x9a: {  	[timem:s5], [sflag:s20] =	dma.local [hbm:s3], s18  }
0x9b: {  	_ =	swait.ge [sflag:s20], s18  }
0x9c: {  	s2 =	ssub.s32 $0x0, s18;
	[sflag:s20] =	ssyncset.done $0x0  }
0x9d: {  	[sflag:s20] =	ssyncadd.s32 s2;
	_ =	sdelay $0x1  }
0x9e: {  	s21 =	simm.s32 $0x1B8B  }
0x9f: {  	_ =	swait.ge [sflag:s21], $0x1  }
0xa0: {  	[sflag:s21] =	ssyncset.done $0x0  }
0xa1: {  	s23 =	simm.s32 $0x1B8E;
	s22 =	sld [smem:$0x3FFE];
	[sflag:s21] =	ssyncadd.s32 $0xFFFFFFFF  }
0xa2: {  	s24 =	simm.s32 $execute0_lowered;
	[smem:$0x3FD2] =	sst s23  }
0xa3: {  	s3 =	sshll.u32 s24, $0x1;
	_ =	strace $0x80000046;
	[dreg:$0x1] =	wrdreg $0xFFFFFFFF  }
0xa4: {  	s25 =	simm.s32 $_size_execute0_lowered;
	s1 =	sadd.s32 s1, s3;
	[dreg:$0x0] =	wrdreg $0x0  }
0xa5: {  	s3 =	sshll.u32 s25, $0x1;
	[dreg:$0x2] =	wrdreg s1  }
0xa6: {  	[dreg:$0x3] =	wrdreg s3  }
0xa7: {  	[dreg:$0x4] =	wrdreg $0xC0  }
0xa8: {  	_ =	task [dreg:s5], $0x5FFFF  }
0xa9: {  	[dreg:$0x1] =	wrdreg $0xFFFFFFFF  }
0xaa: {  	[dreg:$0x0] =	wrdreg $0x60  }
0xab: {  	[dreg:$0x2] =	wrdreg s0  }
0xac: {  	[dreg:$0x3] =	wrdreg s22  }
0xad: {  	[dreg:$0x4] =	wrdreg $0x9  }
0xae: {  	_ =	task.clear_ibuf [dreg:s5], $0x5FFFF;
	_ =	strace $0x90000046  }
0xaf: {  	s26 =	simm.s32 $0x9;
	_ =	strace $0x80000048  }
0xb0: {  	_ =	swait.ge [sflag:s26], $0x1  }
0xb1: {  	[sflag:s26] =	ssyncadd.s32 $0xFFFFFFFF  }
0xb2: {  	_ =	strace $0x90000048  }
0xb3: {  	_ =	sfence  }
0xb4: {  	s28 =	sld [smem:$0x0];
	_ =	sdelay $0x1  }
0xb5: {  	s29 =	srdreg.scid  }
0xb6: {  	s30 =	sshll.u32 s29, $0xD;
	s31 =	sshrl.u32 s29, $0x2  }
0xb7: {  	s2 =	sand.u32 $0x4000, s30;
	s1 =	sand.u32 $0x1, s29;
	s0 =	sadd.s32 s31, s28  }
0xb8: {  	s1 =	sor.u32 s2, s1;
	s0 =	sshll.u32 s0, $0x11  }
0xb9: {  	s0 =	sor.u32 s0, s1  }
0xba: {  	s0 =	sadd.s32 $0x8F2B, s0  }
0xbb: {  	[sflag:s0] =	ssyncadd.remote.s32 $0x1  }
0xbc: {  	_ =	sfence.sel $0xFFFF  }
0xbd: {  	[dreg:$0x0] =	wrdreg $0xFFFFFFFF;
	(pc) =	sbr.abs _section_cstart, $3  }
0xbe: {  	[dreg:$0x1] =	wrdreg $0xFFFFFFFF  }
0xbf: {  	_ =	task.clear_ibuf [dreg:s5], $0x2FFFF;
	_ =	strace $0x9FFFFFFF  }
0xc0: {  	(tm) =	ssettm $0x7FFFFFFF  }
0xc1: {  	_ =	shalt  }
tec
execute0_lowered:
.L_overlay_start_1:
0x0: {  	(tag) =	ssettag $0x1  }
0x1: {  	s0 =	stileid.u32  }
0x2: {  	s1 =	smul.u32 $0x3, s0  }
0x3: {  	s2 =	smin.u32 s0, $0x2  }
0x4: {  	s1 =	sadd.s32 s2, s1  }
0x5: {  	p0 =	slt.u32 s0, $0x2;
	s2 =	simm.s32 $0x320;
	s1 =	smul.u32 $0xC8, s1  }
0x6: {  	s2 =	simm.s32 @!p0 $0x258  }
0x7: {  	s2 =	sadd.s32 s2, s1  }
0x8: {  	s3 =	smin.u32 s2, $0x2710  }
0x9: {  	s7 =	ssub.s32 s3, s1  }
0xa: {  	p0 =	sgt.s32 s7, $0x0  }
0xb: {  	s7 =	simm.s32 @!p0 $0x0  }
0xc: {  	s31 =	sand.u32 $0xFFF8, s7  }
0xd: {  	s2 =	sshrl.u32 s31, $0x3  }
0xe: {  	s4 =	rddreg [dreg:$0x0];
	s2 =	smul.u32 $0x147B, s2  }
0xf: {  	s9 =	rddreg [dreg:$0x1];
	s6 =	simm.s32 $0x1  }
0x10: {  	s11 =	simm.s32 $0x3;
	s13 =	simm.s32 $0x0;
	s8 =	sshrl.u32 s2, $0x11  }
0x11: {  	s12 =	simm.s32 $0x0;
	s5 =	sadd.s32 $0x1A00, s9;
	s10 =	smul.u32 $0xC8, s8  }
.Ltmp0:
0x12: {  	s9 =	sadd.s32 $0x2000, s9;
	s2 =	rddreg [dreg:$0x2];
	(pc) =	sbr.rel .LBB2_1-.Ltmp0, $4  }
0x13: {  	_ =	strace $0x80000047;
	p0 =	sne.s32 s7, s10;
	s10 =	simm.s32 $0x1  }
0x14: {  	[sflag:s6] =	ssyncpa.u1 $0x0;
	s7 =	simm.s32 $0x2;
	s10 =	simm.s32 @!p0 $0x0  }
0x15: {  	[sflag:s7] =	ssyncpa.u1 $0x0;
	p0 =	por $0x0, $0x0;
	s8 =	sadd.s32 s8, s10  }
0x16: {  	vm0 =	vmmov $0xff;
	vm1 =	vcmask $0x3F20;
	[sflag:s11] =	ssyncpa.u1 $0x0;
	s11 =	smov.u32 s1;
	s10 =	sadd.s32 $0x1, s8  }
.LBB2_10:
0x17: {  	[hbm:s17] =	stream.linear.scatter [tilespmem:s14], [sflag:$0x3], $0x800, $0x38;
	[tilespmem:$0x19190] =	vst v63  }
.LBB2_11:
0x18: {  	s13 =	sadd.s32 $0xC8, s11  }
0x19: {  	s15 =	smov.u32 s1;
	p2 =	slt.s32 s13, s3  }
0x1a: {  	s15 =	smov.u32 @p2 s13;
	p2 =	sne.s32 s12, s10  }
.Ltmp1:
0x1b: {  	p1 =	slt.u32 s12, $0x2;
	(pc) =	sbr.rel @!p2 .LBB2_12-.Ltmp1, $4  }
0x1c: {  	s14 =	simm.s32 @!p1 $0x3  }
0x1d: {  	s16 =	sadd.s32 $0x1, s12;
	_ =	swait.ge @!p1 [sflag:s14], $0xC800  }
0x1e: {  	p0 =	por !p0, !p0;
	s13 =	smov.u32 s11;
	[sflag:s14] =	ssyncset.done @!p1 $0x0  }
0x1f: {  	s12 =	smov.u32 s16;
	s11 =	smov.u32 s15;
	[sflag:s14] =	ssyncadd.s32 @!p1 $0xFFFF3800  }
.LBB2_1:
0x20: {  	p1 =	sge.u32 s12, s8  }
0x21: {  	s14 =	sxor.u32 @!p1 $0xFFFFFFFF, s12  }
0x22: {  	s14 =	sand.u32 @!p1 $0x1, s14  }
0x23: {  	s14 =	smul.u32 @!p1 $0x320, s14  }
0x24: {  	s31 =	sadd.s32 $0xFFFFFFFF, s12;
	s15 =	sshrl.u32 @!p1 s11, $0x3  }
0x25: {  	s16 =	sand.u32 @!p1 $0x7, s11;
	s15 =	sadd.s32 @!p1 s5, s15;
	s14 =	sshrl.u32 @!p1 s14, $0x2  }
0x26: {  	[tilespmem:s14], [sflag:$0x2] =	stream.linear.gather @!p1 [hbm4b:s15+s16], $0xC8, $0x38;
	[tilespmem:$0x19190] =	vst v63  }
0x27: {  	p1 =	sge.u32 s31, s8  }
.Ltmp2:
0x28: {  	_ = 	snop;
	(pc) =	sbr.rel @p1 .LBB2_11-.Ltmp2, $1  }
0x29: {  	_ =	sdelay $0x3  }
0x2a: {  	s15 =	sand.u32 $0x1, s12  }
0x2b: {  	s14 =	simm.s32 $0x1;
	s16 =	smul.u32 $0x32000, s15  }
0x2c: {  	_ =	swait.ge [sflag:s7], $0xC8;
	s14 =	simm.s32 @!p0 $0x0;
	s15 =	smul.u32 $0x320, s15  }
0x2d: {  	[sflag:s7] =	ssyncset.done $0x0;
	s14 =	smul.u32 $0x32000, s14  }
0x2e: {  	[sflag:s7] =	ssyncadd.s32 $0xFFFFFF38  }
0x2f: {  	s17 =	sshrl.u32 s16, $0x2;
	s16 =	sshrl.u32 s15, $0x2;
	s14 =	sshrl.u32 s14, $0x2  }
0x30: {  	s15 =	sor.u32 $0x190, s17;
	s17 =	simm.s32 $0x0;
	s14 =	sor.u32 $0x190, s14  }
.LBB2_3:
0x31: {  	s18 =	sshll.u32 s17, $0x4  }
0x32: {  	s18 =	sand.u32 $0x3FFFFFF0, s18  }
0x33: {  	s18 =	sadd.s32 s18, s16  }
0x34: {  	v0 =	vld.msk [tilespmem:s18+$0x0 ss:$0x1], $0xffff;
	_ =	sdelay $0x4  }
0x35: {  	vm2 =	vgt.s32 v0, $0x0  }
0x36: {  	v0 =	vnsel vm2, $0x0, v0  }
0x37: {  	v0 =	vmin.u32 v0, $0x270F  }
0x38: {  	s31 =	sshll.u32 s17, $0xC;
	v1 =	vshll.u32 v0, $0x5;
	v0 =	vshll.u32 v0, $0x4  }
0x39: {  	s18 =	sand.u32 $0x3FFFF000, s31;
	v1 =	vand.u32 $0x7FF00, v1;
	v0 =	vand.u32 $0x70, v0  }
0x3a: {  	p1 =	por $0x1, $0x1;
	s19 =	simm.s32 $0x0;
	s18 =	sadd.s32 s18, s15;
	v0 =	vor.u32 v0, v1  }
.LBB2_4:
0x3b: {  	_ =	sdelay $0x1  }
0x3c: {  	s19 =	sshra.s32 s19, $0x2;
	p2 =	por p1, p1  }
.Ltmp3:
0x3d: {  	s19 =	sadd.s32 s19, s18;
	(pc) =	sbr.rel @p2 .LBB2_4-.Ltmp3, $4  }
0x3e: {  	[tilespmem:s19], [sflag:$0x1] =	stream.indirect_vreg.gather [hbm:s4], $0x80, v0, vm0, $0x38;
	[tilespmem:$0x19190] =	vst v63  }
0x3f: {  	s19 =	sadd.s32 $0x800, s19  }
0x40: {  	[tilespmem:s19], [sflag:$0x1] =	stream.indirect_vreg.gather [hbm:s4], $0x80, v0, vm1, $0x38;
	[tilespmem:$0x19190] =	vst v63  }
0x41: {  	p1 =	por $0x0, $0x0;
	v0 =	vadd.s32 $0x80, v0;
	s19 =	simm.s32 $0x1000  }
0x42: {  	s17 =	sadd.s32 $0x1, s17  }
0x43: {  	p1 =	sne.s32 s17, $0xC  }
.Ltmp4:
0x44: {  	_ = 	snop;
	(pc) =	sbr.rel @p1 .LBB2_3-.Ltmp4, $1  }
0x45: {  	_ =	sdelay $0x3  }
0x46: {  	v0 =	vld.msk [tilespmem:s16+$0xC0 ss:$0x1], $0xff;
	_ =	sdelay $0x4  }
0x47: {  	vm2 =	vgt.s32 v0, $0x0  }
0x48: {  	v0 =	vnsel vm2, $0x0, v0  }
0x49: {  	v0 =	vmin.u32 v0, $0x270F  }
0x4a: {  	v1 =	vshll.u32 v0, $0x5;
	v0 =	vshll.u32 v0, $0x4  }
0x4b: {  	v1 =	vand.u32 $0x7FF00, v1;
	v0 =	vand.u32 $0x70, v0  }
0x4c: {  	s16 =	simm.s32 $0x0;
	p1 =	por $0x1, $0x1;
	v0 =	vor.u32 v0, v1  }
.LBB2_7:
0x4d: {  	p2 =	por p1, p1  }
.Ltmp5:
0x4e: {  	s16 =	sshra.s32 s16, $0x2;
	(pc) =	sbr.rel @p2 .LBB2_7-.Ltmp5, $4  }
0x4f: {  	s16 =	sadd.s32 s16, s15  }
0x50: {  	s16 =	sadd.s32 $0xC000, s16  }
0x51: {  	[tilespmem:s16], [sflag:$0x1] =	stream.indirect_vreg.gather [hbm:s4], $0x80, v0, vm0, $0x38;
	[tilespmem:$0x19190] =	vst v63  }
0x52: {  	p1 =	por $0x0, $0x0;
	v0 =	vadd.s32 $0x80, v0;
	s16 =	simm.s32 $0x1000  }
0x53: {  	s15 =	sshll.u32 s13, $0x5  }
0x54: {  	s31 =	sshll.u32 s13, $0x4;
	s15 =	sand.u32 $0xFFFFFF00, s15  }
0x55: {  	_ =	swait.ge [sflag:s6], $0xC800;
	s13 =	sand.u32 $0x70, s31;
	s15 =	sadd.s32 s15, s9  }
0x56: {  	s16 =	sadd.s32 $0x800, s14;
	[sflag:s6] =	ssyncset.done $0x0;
	s13 =	sadd.s32 s13, s15  }
0x57: {  	[sflag:s6] =	ssyncadd.s32 $0xFFFF3800;
	s15 =	simm.s32 $0x100;
	s17 =	sadd.s32 $0x0, s13  }
.LBB2_9:
0x58: {  	[hbm:s17] =	stream.linear.scatter [tilespmem:s14], [sflag:$0x3], $0x800, $0x38;
	[tilespmem:$0x19190] =	vst v63  }
0x59: {  	s17 =	smov.u32 s15;
	s14 =	smov.u32 s16;
	p1 =	sne.s32 s15, $0x1800  }
.Ltmp6:
0x5a: {  	s15 =	sadd.s32 $0x100, s15;
	(pc) =	sbr.rel @p1 .LBB2_9-.Ltmp6, $2  }
0x5b: {  	_ =	sdelay $0x2  }
0x5c: {  	s16 =	sadd.s32 $0x800, s16;
	s17 =	sadd.s32 s17, s13  }
.Ltmp7:
0x5d: {  	_ = 	snop;
	(pc) =	sbr.rel .LBB2_10-.Ltmp7, $1  }
0x5e: {  	_ =	sdelay $0x3  }
.LBB2_12:
0x5f: {  	_ =	sfence.sel $0x180000  }
0x60: {  	s1 =	simm.s32 $0x2;
	[bflag:$0x0] =	sbarrier.arrive $0xFFFF  }
0x61: {  	s30 =	simm.s32 $0x3;
	[sflag:s1] =	ssyncpa.u1 $0x1  }
0x62: {  	s31 =	simm.s32 $0x1;
	[sflag:s30] =	ssyncpa.u1 $0x1  }
0x63: {  	[sflag:s31] =	ssyncpa.u1 $0x1  }
0x64: {  	p0 =	sne.s32 s0, $0x0;
	_ =	strace $0x90000047  }
0x65: {  	s0 =	sadd.s32 @!p0 $0x100000, s2;
	[bflag:$0x2] =	sbarrier.arrive $0xFFFF  }
0x66: {  	[sflag:s0] =	ssyncadd.tile.s32 @!p0 $0x1;
	_ =	shalt  }
.Lfunc_end2:
_tile_overlayer_lowered:
.L_overlay_start_2:
0x67: {  	(tag) =	ssettag $0x2  }
0x68: {  	s0 =	rddreg [dreg:$0x0];
	s2 =	stileid.u32  }
0x69: {  	s1 =	rddreg [dreg:$0x1];
	p0 =	sne.s32 s2, $0x0  }
0x6a: {  	s3 =	rddreg [dreg:$0x2];
	[bflag:$0x3] =	sbarrier.arrive $0xFFFF;
	s2 =	simm.s32 @!p0 $0x1C01  }
0x6b: {  	[timem:s3], [sflag:s2] =	dma.local @!p0 [hbm:s0], s1  }
0x6c: {  	s0 =	simm.s32 @!p0 $0x1  }
0x6d: {  	_ =	swait.ge @!p0 [sflag:s0], s1  }
0x6e: {  	s1 =	ssub.s32 @!p0 $0x0, s1;
	[sflag:s0] =	ssyncset.done @!p0 $0x0  }
0x6f: {  	[sflag:s0] =	ssyncadd.s32 @!p0 s1  }
0x70: {  	[bflag:$0x3] =	sbarrier.arrive $0xFFFF  }
0x71: {  	_ =	shalt  }

// kernel: kernel.12.cloned.1.call-start
scs
__scs_entry_jumppad:
0x0: {  	(pc) =	sbr.rel $0x88, $3  }
0x1: {  	(tag) =	ssettag $0x0;
	lr =	simm.s32 $0x1  }
0x2: {  	[smem:$0x3F8F] =	sst lr;
	_ =	strace $0xD0000000  }
0x3: {  	_ = 	snop  }
0x4: {  	_ = 	snop  }
0x5: {  	_ = 	snop  }
0x6: {  	_ = 	snop  }
0x7: {  	_ = 	snop  }
__scs_overlays_trampoline_lowered:
0x8: {  	[smem:$0x3F9E] =	sst s0  }
0x9: {  	[smem:$0x3F9F] =	sst s1  }
0xa: {  	[smem:$0x3FA0] =	sst s2  }
0xb: {  	[smem:$0x3FA1] =	sst s3  }
0xc: {  	[smem:$0x3FA2] =	sst s4  }
0xd: {  	[smem:$0x3FA3] =	sst s5  }
0xe: {  	[smem:$0x3FA4] =	sst s6  }
0xf: {  	[smem:$0x3FA5] =	sst s7  }
0x10: {  	[smem:$0x3FA6] =	sst s8  }
0x11: {  	[smem:$0x3FA7] =	sst s9;
	s0 =	simm.s32 @!p0 $0x0  }
0x12: {  	s1 =	sld [smem:$0x3F8D];
	s0 =	simm.s32 @p0 $0x1  }
0x13: {  	[smem:$0x3FA8] =	sst s0;
	s0 =	simm.s32 @!p1 $0x0  }
0x14: {  	s2 =	sld [smem:$0x3F8C];
	s0 =	simm.s32 @p1 $0x1  }
0x15: {  	[smem:$0x3FA9] =	sst s0;
	s0 =	simm.s32 @!p2 $0x0  }
0x16: {  	s3 =	sld [smem:$0x3FDB];
	s0 =	simm.s32 @p2 $0x1  }
0x17: {  	s4 =	simm.s32 $0x1BF5;
	[smem:$0x3FAB] =	sst s0  }
0x18: {  	s0 =	sld [smem:$0x3F8E];
	_ =	swait.ge [sflag:s4], $0x0  }
0x19: {  	s7 =	sld [smem:$0x3F8F]  }
0x1a: {  	s8 =	sadd.s32 $0xFFFFE003, lr  }
0x1b: {  	s9 =	sadd.s32 $0xFFFFFEF7, lr;
	s5 =	simm.s32 $0xFFFFFFFF;
	p2 =	slt.u32 s8, $0xFFFFF086  }
0x1c: {  	p1 =	slt.u32 s9, $0xF7A;
	s5 =	simm.s32 @!p2 $0x0  }
0x1d: {  	s5 =	simm.s32 @p1 $0x1;
	p0 =	seq.s32 s7, s2  }
0x1e: {  	s7 =	smul.u32 @!p0 $0xF7A, s2;
	p2 =	seq.s32 @!p0 s5, $0x0  }
0x1f: {  	s9 =	smul.u32 $0xF7A, s1;
	s8 =	simm.s32 @!p0 $0x1BF5;
	p2 =	por !p2, p0  }
0x20: {  	[sflag:s8] =	ssyncset.s32 @!p0 $0xFFFFF086;
	s6 =	sadd.s32 @!p0 s3, s7;
	s7 =	simm.s32 @!p0 $0x108  }
0x21: {  	s3 =	sadd.s32 s3, s9;
	s6 =	sadd.s32 @!p0 $0x88, s6;
	s7 =	simm.s32 @p2 $0x1082  }
0x22: {  	[simem:s7], [sflag:s8] =	dma.local @!p0 [hbm:s6], $0xF7A  }
0x23: {  	s9 =	sor.u32 $0xD0000000, s2;
	s6 =	simm.s32 $0x108;
	_ =	swait.ge @!p0 [sflag:s8], $0x0  }
0x24: {  	s3 =	sadd.s32 $0x88, s3;
	s6 =	simm.s32 @!p1 $0x1082;
	[sflag:s4] =	ssyncset.s32 $0xFFFFF086  }
0x25: {  	[simem:s6], [sflag:s4] =	dma.local [hbm:s3], $0xF7A  }
0x26: {  	[smem:$0x3F8F] =	sst s1;
	(tag) =	ssettag s2;
	_ =	strace s9  }
0x27: {  	s1 =	sld [smem:$0x3F9F]  }
0x28: {  	s2 =	sld [smem:$0x3FA0]  }
0x29: {  	s4 =	sld [smem:$0x3FA2]  }
0x2a: {  	p0 =	seq.s32 s5, $0x0;
	s5 =	sld [smem:$0x3FA3]  }
0x2b: {  	s6 =	sld [smem:$0x3FA4]  }
0x2c: {  	s7 =	sld [smem:$0x3FA5]  }
0x2d: {  	s3 =	simm.s32 $0x108;
	s8 =	sld [smem:$0x3FA6]  }
0x2e: {  	s3 =	simm.s32 @!p0 $0x1082;
	s9 =	sld [smem:$0x3FA7]  }
0x2f: {  	lr =	sadd.s32 s0, s3;
	s0 =	sld [smem:$0x3F9E]  }
0x30: {  	s3 =	sld [smem:$0x3FA1]  }
0x31: {  	[smem:$0x3FAA] =	sst s10  }
0x32: {  	s10 =	sld [smem:$0x3FA8];
	_ =	sdelay $0x3  }
0x33: {  	p0 =	seq.s32 s10, $0x1;
	s10 =	sld [smem:$0x3FAA];
	_ =	sdelay $0x3  }
0x34: {  	[smem:$0x3FAA] =	sst s10  }
0x35: {  	s10 =	sld [smem:$0x3FA9];
	_ =	sdelay $0x3  }
0x36: {  	p1 =	seq.s32 s10, $0x1;
	s10 =	sld [smem:$0x3FAA];
	_ =	sdelay $0x3  }
0x37: {  	[smem:$0x3FAA] =	sst s10  }
0x38: {  	s10 =	sld [smem:$0x3FAB]  }
0x39: {  	_ = 	snop;
	(pc) =	sbr.ind lr, $3  }
0x3a: {  	_ = 	snop  }
0x3b: {  	_ = 	snop  }
0x3c: {  	p2 =	seq.s32 s10, $0x1;
	s10 =	sld [smem:$0x3FAA]  }
0x3d: {  	_ =	shalt  }
0x3e: {  	_ =	shalt  }
0x3f: {  	_ =	shalt  }
0x40: {  	_ =	shalt  }
0x41: {  	_ =	shalt  }
0x42: {  	_ =	shalt  }
0x43: {  	_ =	shalt  }
0x44: {  	_ =	shalt  }
0x45: {  	_ =	shalt  }
0x46: {  	_ =	shalt  }
0x47: {  	_ =	shalt  }
0x48: {  	_ =	shalt  }
0x49: {  	_ =	shalt  }
0x4a: {  	_ =	shalt  }
0x4b: {  	_ =	shalt  }
0x4c: {  	_ =	shalt  }
0x4d: {  	_ =	shalt  }
0x4e: {  	_ =	shalt  }
0x4f: {  	_ =	shalt  }
0x50: {  	_ =	shalt  }
0x51: {  	_ =	shalt  }
0x52: {  	_ =	shalt  }
0x53: {  	_ =	shalt  }
0x54: {  	_ =	shalt  }
0x55: {  	_ =	shalt  }
0x56: {  	_ =	shalt  }
0x57: {  	_ =	shalt  }
0x58: {  	_ =	shalt  }
0x59: {  	_ =	shalt  }
0x5a: {  	_ =	shalt  }
0x5b: {  	_ =	shalt  }
0x5c: {  	_ =	shalt  }
0x5d: {  	_ =	shalt  }
0x5e: {  	_ =	shalt  }
0x5f: {  	_ =	shalt  }
0x60: {  	_ =	shalt  }
0x61: {  	_ =	shalt  }
0x62: {  	_ =	shalt  }
0x63: {  	_ =	shalt  }
0x64: {  	_ =	shalt  }
0x65: {  	_ =	shalt  }
0x66: {  	_ =	shalt  }
0x67: {  	_ =	shalt  }
0x68: {  	_ =	shalt  }
0x69: {  	_ =	shalt  }
0x6a: {  	_ =	shalt  }
0x6b: {  	_ =	shalt  }
0x6c: {  	_ =	shalt  }
0x6d: {  	_ =	shalt  }
0x6e: {  	_ =	shalt  }
0x6f: {  	_ =	shalt  }
0x70: {  	_ =	shalt  }
0x71: {  	_ =	shalt  }
0x72: {  	_ =	shalt  }
0x73: {  	_ =	shalt  }
0x74: {  	_ =	shalt  }
0x75: {  	_ =	shalt  }
0x76: {  	_ =	shalt  }
0x77: {  	_ =	shalt  }
0x78: {  	_ =	shalt  }
0x79: {  	_ =	shalt  }
0x7a: {  	_ =	shalt  }
0x7b: {  	_ =	shalt  }
0x7c: {  	_ =	shalt  }
0x7d: {  	_ =	shalt  }
0x7e: {  	_ =	shalt  }
0x7f: {  	_ =	shalt  }
0x80: {  	_ =	shalt  }
0x81: {  	_ =	shalt  }
0x82: {  	_ =	shalt  }
0x83: {  	_ =	shalt  }
0x84: {  	_ =	shalt  }
0x85: {  	_ =	shalt  }
0x86: {  	_ =	shalt  }
0x87: {  	_ =	shalt  }
.Lfunc_end0:
.L_simem_size_0:
called_computation.2_lowered:
.L_overlay_start_0:
0x88: {  	s2 =	sld [smem:$0x3FD9]  }
0x89: {  	s3 =	sld [smem:$0x3FFE];
	_ =	sdelay $0x1  }
0x8a: {  	s1 =	srdreg.scid  }
0x8b: {  	s0 =	sand.u32 $0x1, s1  }
0x8c: {  	s16 =	sshll.u32 s0, $0xA;
	s2 =	sadd.s32 s3, s2  }
0x8d: {  	s2 =	sadd.s32 s2, s16  }
0x8e: {  	[smem:$0x3FB6] =	sst s2  }
0x8f: {  	_ = 	snop  }
0x90: {  	(tm) =	ssettm $0x1  }
0x91: {  	s17 =	sld [smem:$0x3FFB];
	_ =	sdelay $0x3  }
0x92: {  	_ =	strace s17  }
0x93: {  	s2 =	sld [smem:$0x3FFC];
	_ =	sdelay $0x3  }
0x94: {  	_ =	strace s2  }
0x95: {  	s2 =	sld [smem:$0x3FFD];
	_ =	sdelay $0x3  }
0x96: {  	_ =	strace s2  }
0x97: {  	_ =	strace $0x8FFFFFFF  }
0x98: {  	s18 =	sld [smem:$0x3FDB];
	_ =	sdelay $0x1  }
0x99: {  	s19 =	simm.s32 $_scs_section_size  }
0x9a: {  	s4 =	simm.s32 $_size__tile_overlayer_lowered;
	s5 =	simm.s32 $_tile_overlayer_lowered  }
0x9b: {  	s22 =	simm.s32 $0x1BFF;
	s21 =	sshll.u32 s5, $0x1;
	s2 =	sadd.s32 s19, s18  }
0x9c: {  	s6 =	simm.s32 $0x0;
	s20 =	sshll.u32 s4, $0x1;
	s4 =	sadd.s32 s21, s2  }
0x9d: {  	[timem:s6], [sflag:s22] =	dma.local [hbm:s4], s20  }
0x9e: {  	_ =	swait.ge [sflag:s22], s20  }
0x9f: {  	s3 =	ssub.s32 $0x0, s20;
	[sflag:s22] =	ssyncset.done $0x0  }
0xa0: {  	[sflag:s22] =	ssyncadd.s32 s3;
	_ =	sdelay $0x1  }
0xa1: {  	s23 =	simm.s32 $0x1B8B  }
0xa2: {  	_ =	swait.ge [sflag:s23], $0x1  }
0xa3: {  	[sflag:s23] =	ssyncset.done $0x0  }
0xa4: {  	s25 =	simm.s32 $0x1B8E;
	s24 =	sld [smem:$0x3FFE];
	[sflag:s23] =	ssyncadd.s32 $0xFFFFFFFF  }
0xa5: {  	s26 =	simm.s32 $execute0_lowered;
	[smem:$0x3FD2] =	sst s25  }
0xa6: {  	s4 =	sshll.u32 s26, $0x1;
	_ =	strace $0x8000004C;
	[dreg:$0x1] =	wrdreg $0xFFFFFFFF  }
0xa7: {  	s28 =	simm.s32 $_size_execute0_lowered;
	s2 =	sadd.s32 s2, s4;
	[dreg:$0x0] =	wrdreg $0x0  }
0xa8: {  	s4 =	sshll.u32 s28, $0x1;
	[dreg:$0x2] =	wrdreg s2  }
0xa9: {  	[dreg:$0x3] =	wrdreg s4  }
0xaa: {  	[dreg:$0x4] =	wrdreg $0xC0  }
0xab: {  	_ =	task [dreg:s6], $0x5FFFF  }
0xac: {  	[dreg:$0x1] =	wrdreg $0xFFFFFFFF  }
0xad: {  	[dreg:$0x0] =	wrdreg $0x60  }
0xae: {  	[dreg:$0x2] =	wrdreg s24  }
0xaf: {  	[dreg:$0x3] =	wrdreg $0x1E0200  }
0xb0: {  	[dreg:$0x4] =	wrdreg $0x143E00  }
0xb1: {  	[dreg:$0x5] =	wrdreg $0x9  }
0xb2: {  	_ =	task.clear_ibuf [dreg:s6], $0x6FFFF;
	_ =	strace $0x9000004C  }
0xb3: {  	s29 =	simm.s32 $0x9;
	_ =	strace $0x8000004E  }
0xb4: {  	_ =	swait.ge [sflag:s29], $0x1  }
0xb5: {  	[sflag:s29] =	ssyncadd.s32 $0xFFFFFFFF  }
0xb6: {  	_ =	strace $0x9000004E  }
0xb7: {  	_ =	sfence  }
0xb8: {  	s30 =	sld [smem:$0x0];
	_ =	sdelay $0x2  }
0xb9: {  	s31 =	sshll.u32 s1, $0xD;
	s1 =	sshrl.u32 s1, $0x2  }
0xba: {  	s3 =	sand.u32 $0x4000, s31;
	s1 =	sadd.s32 s1, s30  }
0xbb: {  	s0 =	sor.u32 s3, s0;
	s1 =	sshll.u32 s1, $0x11  }
0xbc: {  	s0 =	sor.u32 s1, s0  }
0xbd: {  	s0 =	sadd.s32 $0x8F2B, s0  }
0xbe: {  	[sflag:s0] =	ssyncadd.remote.s32 $0x1  }
0xbf: {  	_ =	sfence.sel $0xFFFF  }
0xc0: {  	[dreg:$0x0] =	wrdreg $0xFFFFFFFF;
	(pc) =	sbr.abs _section_cstart, $3  }
0xc1: {  	[dreg:$0x1] =	wrdreg $0xFFFFFFFF  }
0xc2: {  	_ =	task.clear_ibuf [dreg:s6], $0x2FFFF;
	_ =	strace $0x9FFFFFFF  }
0xc3: {  	(tm) =	ssettm $0x7FFFFFFF  }
tec
execute0_lowered:
.L_overlay_start_1:
0x0: {  	(tag) =	ssettag $0x1  }
0x1: {  	s0 =	rddreg [dreg:$0x0]  }
0x2: {  	s1 =	rddreg [dreg:$0x1]  }
0x3: {  	s2 =	rddreg [dreg:$0x2];
	s3 =	simm.s32 $0x0  }
0x4: {  	s7 =	stileid.u32;
	s17 =	srdreg.scid;
	s28 =	simm.s32 $0x80  }
0x5: {  	s29 =	simm.s32 $0x11810;
	s30 =	simm.s32 $0x0;
	s31 =	simm.s32 $0x0  }
0x6: {  	[smem:$0x7FF] =	sst s3;
	s5 =	smul.u32 $0x2800, s7;
	s6 =	sadd.s32 $0x1A00, s0  }
0x7: {  	s3 =	sand.u32 $0x1, s17;
	s4 =	sadd.s32 $0x28C00, s0;
	s12 =	smul.u32 $0x27000, s7  }
0x8: {  	s14 =	sadd.s32 $0x5A200, s0;
	s13 =	smul.u32 $0x270, s7;
	s23 =	sadd.s32 $0x7D0, s1  }
0x9: {  	s24 =	sadd.s32 $0xFA0, s1;
	_ =	strace $0x8000004D;
	[dreg:$0x4] =	wrdreg s4  }
0xa: {  	s25 =	sadd.s32 $0x1770, s1;
	s26 =	sadd.s32 $0x1F40, s1;
	[dreg:$0x5] =	wrdreg s23  }
0xb: {  	p1 =	seq.s32 s7, $0x0;
	p0 =	sne.s32 s7, $0x0;
	[dreg:$0x6] =	wrdreg s24  }
0xc: {  	p2 =	sne.s32 s7, $0xF;
	s11 =	smul.u32 $0x2710, s3;
	[dreg:$0x7] =	wrdreg s25  }
0xd: {  	s8 =	ssub.s32 $0x2, s3;
	s20 =	smul.u32 $0x9C400, s3;
	[dreg:$0x8] =	wrdreg s26  }
0xe: {  	s24 =	simm.s32 $0x1;
	p3 =	sne.s32 @!p1 s7, $0xF;
	s26 =	simm.s32 $0x13810  }
0xf: {  	s18 =	sshrl.u32 s5, $0x3;
	s10 =	sshrl.u32 s8, $0x1;
	s19 =	sshrl.u32 s12, $0x2  }
0x10: {  	p3 =	por p3, p1;
	s4 =	sadd.s32 s18, s0;
	s9 =	sshrl.u32 s11, $0x3  }
0x11: {  	s15 =	ssub.s32 s8, s10;
	s10 =	sadd.s32 s19, s2;
	s21 =	sadd.s32 s13, s11  }
0x12: {  	s11 =	sadd.s32 $0x9C000, s2;
	s16 =	sshrl.u32 s20, $0x3;
	s20 =	simm.s32 $0x2  }
0x13: {  	s0 =	sadd.s32 s9, s0;
	s8 =	sadd.s32 $0x55200, s4;
	s9 =	sadd.s32 $0x50200, s4  }
0x14: {  	s4 =	sshll.u32 s21, $0x3;
	s22 =	sadd.s32 s14, s16;
	s15 =	smax.u32 s15, $0x1  }
0x15: {  	v1 =	vimm.f32 $0.0e+00;
	v0 =	vmov s3;
	s12 =	sadd.s32 s14, s4;
	s13 =	sadd.s32 $0x29600, s0;
	s14 =	sadd.s32 $0x13800, s22  }
.LBB2_1:
0x16: {  	s0 =	simm.s32 $0x0  }
0x17: {  	[tilespmem:s0], [sflag:$0x2] =	stream.linear.gather [hbm4b:s8+s0], $0x2800, $0x38;
	[tilespmem:$0x1E298] =	vst v63  }
0x18: {  	_ =	swait.ge [sflag:s20], $0x2800  }
0x19: {  	[sflag:s20] =	ssyncset.done $0x0  }
0x1a: {  	s3 =	simm.s32 $0x2800;
	[sflag:s20] =	ssyncadd.s32 $0xFFFFD800  }
0x1b: {  	[tilespmem:s3], [sflag:$0x2] =	stream.linear.gather [hbm4b:s9+s0], $0x2800, $0x38;
	[tilespmem:$0x1E298] =	vst v63  }
0x1c: {  	_ =	swait.ge [sflag:s20], $0x2800  }
0x1d: {  	s4 =	simm.s32 $0x10;
	s16 =	simm.s32 $0x0;
	[sflag:s20] =	ssyncset.done $0x0  }
0x1e: {  	s0 =	simm.s32 $0x0;
	s3 =	simm.s32 $0x0;
	[sflag:s20] =	ssyncadd.s32 $0xFFFFD800  }
.LBB2_2:
0x1f: {  	p4 =	sne.s32 s4, $0x27F0;
	v2 =	vld [tilespmem:s0+$0x2800];
	_ =	sdelay $0x1  }
.Ltmp0:
0x20: {  	s17 =	sand.u32 $0xFE00, s3;
	(pc) =	sbr.rel @p4 .LBB2_2-.Ltmp0, $4  }
0x21: {  	s18 =	sand.u32 $0x70, s16;
	s16 =	smov.u32 s4;
	s17 =	sshrl.u32 s17, $0x2  }
0x22: {  	s17 =	sor.u32 s18, s17  }
0x23: {  	s3 =	sadd.s32 $0x40, s3;
	[tilespmem:s17+$0x5000] =	vst v2;
	v2 =	vadd.s32 $0x2710, v2  }
0x24: {  	s4 =	sadd.s32 $0x10, s4;
	[tilespmem:s0+$0x2800] =	vst v2;
	s0 =	sshra.s32 s3, $0x2  }
0x25: {  	v2 =	vld [tilespmem:s0+$0x2800];
	_ =	sdelay $0x1  }
0x26: {  	s3 =	sand.u32 $0xFE00, s3  }
0x27: {  	s4 =	sand.u32 $0x70, s16;
	s3 =	sshrl.u32 s3, $0x2  }
0x28: {  	s3 =	sor.u32 s4, s3  }
0x29: {  	s23 =	rddreg [dreg:$0x4];
	[tilespmem:s3+$0x5000] =	vst v2;
	v2 =	vadd.s32 $0x2710, v2  }
0x2a: {  	s25 =	simm.s32 $0x5000;
	s7 =	simm.s32 $0x7800;
	[tilespmem:s0+$0x2800] =	vst v2;
	s0 =	simm.s32 $0x0  }
0x2b: {  	[tilespmem:s7], [sflag:$0x1] =	stream.indirect.gather [hbm4b:s23+s25], $0x1, s0, s25, $0xb8;
	[tilespmem:$0x1E298] =	vst v63  }
0x2c: {  	_ =	swait.ge [sflag:s24], $0x5000  }
0x2d: {  	[sflag:s24] =	ssyncset.done $0x0  }
0x2e: {  	s17 =	simm.s32 $0x0;
	[sflag:s24] =	ssyncadd.s32 $0xFFFFB000  }
0x2f: {  	v2 =	vld [tilespmem:s17+$0x7800]  }
0x30: {  	v3 =	vld [tilespmem:s17+$0xA000];
	_ =	sdelay $0x4  }
0x31: {  	v2 =	vadd.f32 v3, v2  }
0x32: {  	s3 =	simm.s32 $0x10  }
0x33: {  	v4 =	vld [tilespmem:s3+$0x7800];
	v3 =	vmul.f32 $2.000000030e-01, v2  }
0x34: {  	v5 =	vld [tilespmem:s3+$0xA000];
	vm0 =	vgt.f32 v2, $0.0e+00  }
0x35: {  	v2 =	vsel vm0, v2, v3  }
0x36: {  	s16 =	simm.s32 $0x20;
	v2 =	vmul.f32 $1.442695020e+00, v2  }
0x37: {  	v3 =	vld [tilespmem:s16+$0x7800]  }
0x38: {  	(erf) = vpow2.f32 v2;
	v2 =	vld [tilespmem:s16+$0xA000]  }
0x39: {  	v4 =	vadd.f32 v5, v4;
	_ =	sdelay $0x1  }
0x3a: {  	v5 =	vmul.f32 $2.000000030e-01, v4  }
0x3b: {  	vm14 =	vgt.f32 v4, $0.0e+00  }
0x3c: {  	v6 =	vadd.f32 v2, v3;
	v2 =	vsel vm14, v4, v5  }
0x3d: {  	s18 =	simm.s32 $0x30;
	v3 =	vmul.f32 $1.442695020e+00, v2  }
0x3e: {  	v2 =	vld [tilespmem:s18+$0x7800];
	v4 =	vmul.f32 $2.000000030e-01, v6  }
0x3f: {  	(erf) = vpow2.f32 v3;
	v3 =	vld [tilespmem:s18+$0xA000];
	_ =	sdelay $0x1  }
0x40: {  	s21 =	simm.s32 $0x100;
	vm15 =	vgt.f32 v6, $0.0e+00  }
0x41: {  	p4 =	slt.u32 s5, $0x27100;
	s19 =	smov.u32 s5;
	s4 =	simm.s32 $0x40;
	v5 =	vsel vm15, v6, v4;
	v4 =	vpop (erf)  }
.LBB2_4:
0x42: {  	s22 =	sshra.s32 s21, $0x2;
	v5 =	vmul.f32 $1.442695020e+00, v5;
	v4 =	vpsel !p4, $0x0, v4;
	p5 =	sne.s32 s21, $0x9FC0  }
.Ltmp1:
0x43: {  	s21 =	sadd.s32 $0x40, s21;
	v6 =	vadd.f32 v3, v2;
	v2 =	vld [tilespmem:s22+$0x7800];
	[tilespmem:s17+$0xC800] =	vst v4;
	(pc) =	sbr.rel @p5 .LBB2_4-.Ltmp1, $4  }
0x44: {  	s17 =	smov.u32 s3;
	s3 =	smov.u32 s16;
	s16 =	smov.u32 s18;
	v3 =	vld [tilespmem:s22+$0xA000];
	(erf) = vpow2.f32 v5  }
0x45: {  	s18 =	smov.u32 s22;
	v7 =	vmul.f32 $2.000000030e-01, v6  }
0x46: {  	s19 =	sadd.s32 $0x10, s19;
	vm0 =	vgt.f32 v6, $0.0e+00  }
0x47: {  	p4 =	slt.u32 s19, $0x27100;
	v5 =	vsel vm0, v6, v7;
	v4 =	vpop (erf)  }
0x48: {  	_ = 	snop  }
0x49: {  	v2 =	vadd.f32 v3, v2;
	_ =	sdelay $0x1  }
0x4a: {  	v3 =	vmul.f32 $2.000000030e-01, v2  }
0x4b: {  	vm0 =	vgt.f32 v2, $0.0e+00  }
0x4c: {  	v2 =	vsel vm0, v2, v3;
	v3 =	vmul.f32 $1.442695020e+00, v5  }
0x4d: {  	v2 =	vmul.f32 $1.442695020e+00, v2  }
0x4e: {  	(erf) = vpow2.f32 v3  }
0x4f: {  	(erf) = vpow2.f32 v2;
	_ =	sdelay $0x4  }
0x50: {  	v3 =	vpsel !p4, $0x0, v4  }
0x51: {  	s19 =	sadd.s32 $0x10, s19  }
0x52: {  	p6 =	slt.u32 s19, $0x27100;
	s19 =	sadd.s32 $0x10, s19;
	v2 =	vpop (erf)  }
0x53: {  	p5 =	slt.u32 s19, $0x27100;
	s22 =	sadd.s32 $0x10, s19;
	[tilespmem:s17+$0xC800] =	vst v3;
	v2 =	vpsel !p6, $0x0, v2;
	v3 =	vpop (erf)  }
0x54: {  	s23 =	sand.u32 $0xF00, s0;
	p6 =	slt.u32 s22, $0x27100;
	[tilespmem:s3+$0xC800] =	vst v2;
	v2 =	vpsel !p5, $0x0, v3;
	v3 =	vpop (erf)  }
0x55: {  	s25 =	sand.u32 $0x30, s0;
	s3 =	sshrl.u32 s23, $0x2;
	[tilespmem:s16+$0xC800] =	vst v2;
	v2 =	vpsel !p6, $0x0, v3  }
0x56: {  	s3 =	sor.u32 s25, s3;
	[tilespmem:s18+$0xC800] =	vst v2  }
.LBB2_6:
0x57: {  	p4 =	sne.s32 s4, $0xFC0  }
0x58: {  	[tilespmem:s3+$0x13810] =	vst v1;
	s0 =	sadd.s32 $0x10, s0;
	s3 =	smov.u32 s4;
	s4 =	sadd.s32 $0x40, s4  }
.Ltmp2:
0x59: {  	(pc) =	sbr.rel @p4 .LBB2_6-.Ltmp2, $4  }
0x5a: {  	_ = 	snop  }
0x5b: {  	s3 =	sand.u32 $0xF00, s3  }
0x5c: {  	s16 =	sand.u32 $0x30, s0;
	s3 =	sshrl.u32 s3, $0x2  }
0x5d: {  	s3 =	sor.u32 s16, s3  }
.Ltmp3:
0x5e: {  	(pc) =	sbr.rel @p0 .LBB2_11-.Ltmp3, $2  }
0x5f: {  	_ =	sdelay $0x2  }
0x60: {  	[tilespmem:s3+$0x13810] =	vst v1  }
0x61: {  	s0 =	simm.s32 $0x40;
	s3 =	simm.s32 $0x0  }
.LBB2_9:
0x62: {  	p4 =	sne.s32 s0, $0x1F00;
	[tilespmem:s3+$0x13C10] =	vst v1;
	s3 =	smov.u32 s0;
	s0 =	sadd.s32 $0x40, s0  }
.Ltmp4:
0x63: {  	(pc) =	sbr.rel @p4 .LBB2_9-.Ltmp4, $2  }
0x64: {  	_ =	sdelay $0x2  }
0x65: {  	s3 =	sshra.s32 s3, $0x2  }
0x66: {  	[tilespmem:s3+$0x13C10] =	vst v1;
	s21 =	simm.s32 $0x13C10  }
0x67: {  	[spmem:s1] =	stream.linear.scatter [tilespmem:s21], [sflag:$0x2], $0x7D0, $0x38;
	[tilespmem:$0x1E298] =	vst v63  }
0x68: {  	_ =	swait.ge [sflag:s20], $0x7D0  }
0x69: {  	[sflag:s20] =	ssyncset.done $0x0  }
0x6a: {  	s0 =	rddreg [dreg:$0x5];
	[sflag:s20] =	ssyncadd.s32 $0xFFFFF830  }
0x6b: {  	[spmem:s0] =	stream.linear.scatter [tilespmem:s21], [sflag:$0x2], $0x7D0, $0x38;
	[tilespmem:$0x1E298] =	vst v63  }
0x6c: {  	_ =	swait.ge [sflag:s20], $0x7D0  }
0x6d: {  	[sflag:s20] =	ssyncset.done $0x0  }
0x6e: {  	s22 =	rddreg [dreg:$0x6];
	[sflag:s20] =	ssyncadd.s32 $0xFFFFF830  }
0x6f: {  	[spmem:s22] =	stream.linear.scatter [tilespmem:s21], [sflag:$0x2], $0x7D0, $0x38;
	[tilespmem:$0x1E298] =	vst v63  }
0x70: {  	_ =	swait.ge [sflag:s20], $0x7D0  }
0x71: {  	[sflag:s20] =	ssyncset.done $0x0  }
0x72: {  	s23 =	rddreg [dreg:$0x7];
	[sflag:s20] =	ssyncadd.s32 $0xFFFFF830  }
0x73: {  	[spmem:s23] =	stream.linear.scatter [tilespmem:s21], [sflag:$0x2], $0x7D0, $0x38;
	[tilespmem:$0x1E298] =	vst v63  }
0x74: {  	_ =	swait.ge [sflag:s20], $0x7D0  }
0x75: {  	[sflag:s20] =	ssyncset.done $0x0  }
0x76: {  	s25 =	rddreg [dreg:$0x8];
	[sflag:s20] =	ssyncadd.s32 $0xFFFFF830  }
0x77: {  	[spmem:s25] =	stream.linear.scatter [tilespmem:s21], [sflag:$0x2], $0x7D0, $0x38;
	[tilespmem:$0x1E298] =	vst v63  }
0x78: {  	_ =	swait.ge [sflag:s20], $0x7D0  }
0x79: {  	[sflag:s20] =	ssyncset.done $0x0  }
0x7a: {  	[sflag:s20] =	ssyncadd.s32 $0xFFFFF830  }
.LBB2_11:
0x7b: {  	s0 =	simm.s32 $0x0  }
0x7c: {  	s16 =	simm.s32 $0x0;
	s4 =	simm.s32 $0x10;
	s3 =	simm.s32 $0x0  }
.LBB2_12:
0x7d: {  	p4 =	sne.s32 s4, $0x27F0;
	v2 =	vld [tilespmem:s16+$0x0];
	_ =	sdelay $0x2  }
.Ltmp5:
0x7e: {  	(pc) =	sbr.rel @p4 .LBB2_12-.Ltmp5, $4  }
0x7f: {  	s16 =	sand.u32 $0xFE00, s0  }
0x80: {  	s17 =	sand.u32 $0x70, s3;
	s3 =	smov.u32 s4;
	s16 =	sshrl.u32 s16, $0x2;
	v2 =	vshll.u32 v2, $0x1  }
0x81: {  	s0 =	sadd.s32 $0x40, s0;
	s17 =	sor.u32 s17, s16;
	v2 =	vor.u32 v0, v2  }
0x82: {  	s4 =	sadd.s32 $0x10, s4;
	s16 =	sshra.s32 s0, $0x2;
	[tilespmem:s17+$0xF010] =	vst v2  }
0x83: {  	v2 =	vld [tilespmem:s16+$0x0];
	_ =	sdelay $0x3  }
0x84: {  	s0 =	sand.u32 $0xFE00, s0  }
0x85: {  	s3 =	sand.u32 $0x70, s3;
	s0 =	sshrl.u32 s0, $0x2;
	v2 =	vshll.u32 v2, $0x1  }
0x86: {  	s0 =	sor.u32 s3, s0;
	v2 =	vor.u32 v0, v2  }
0x87: {  	s25 =	sadd.s32 $0x0, s10;
	[tilespmem:s0+$0xF010] =	vst v2  }
0x88: {  	[spmem:s25] =	stream.linear.scatter [tilespmem:s26], [sflag:$0x2], $0x400, $0x38;
	[tilespmem:$0x1E298] =	vst v63  }
0x89: {  	s0 =	simm.s32 $0x1000;
	_ =	swait.ge [sflag:s20], $0x400  }
.LBB2_14:
0x8a: {  	s3 =	sshra.s32 s0, $0x2;
	[sflag:s20] =	ssyncset.done $0x0;
	p4 =	sne.s32 s0, $0x26000  }
.Ltmp6:
0x8b: {  	s3 =	sadd.s32 s3, s10;
	[sflag:s20] =	ssyncadd.s32 $0xFFFFFC00;
	(pc) =	sbr.rel @p4 .LBB2_14-.Ltmp6, $3  }
0x8c: {  	[spmem:s3] =	stream.linear.scatter [tilespmem:s26], [sflag:$0x2], $0x400, $0x38;
	[tilespmem:$0x1E298] =	vst v63  }
0x8d: {  	s0 =	sadd.s32 $0x1000, s0;
	_ =	sdelay $0x1  }
0x8e: {  	_ =	swait.ge [sflag:s20], $0x400  }
0x8f: {  	[sflag:s20] =	ssyncset.done $0x0  }
0x90: {  	s0 =	simm.s32 @!p2 $0x13810;
	[sflag:s20] =	ssyncadd.s32 $0xFFFFFC00  }
0x91: {  	[spmem:s11] =	stream.linear.scatter @!p2 [tilespmem:s0], [sflag:$0x2], $0x400, $0x38;
	[tilespmem:$0x1E298] =	vst v63  }
0x92: {  	s0 =	simm.s32 @!p2 $0x2  }
0x93: {  	_ =	swait.ge @!p2 [sflag:s0], $0x400  }
0x94: {  	[sflag:s0] =	ssyncset.done @!p2 $0x0  }
0x95: {  	[sflag:s0] =	ssyncadd.s32 @!p2 $0xFFFFFC00  }
0x96: {  	s23 =	simm.s32 $0xC803;
	s16 =	simm.s32 $0x0;
	[bflag:$0x0] =	sbarrier.arrive $0xFFFF  }
.LBB2_16:
0x97: {  	s0 =	sshll.u32 s16, $0x7  }
0x98: {  	s3 =	sadd.s32 $0xF010, s0  }
0x99: {  	[tilespmem:s29], [sflag:$0x1] =	stream.indirect.gather [hbm4b:s6+s28], $0x40, s3, s28, $0xb8;
	[tilespmem:$0x1E298] =	vst v63  }
0x9a: {  	s19 =	sadd.s32 $0xC800, s0;
	s17 =	sadd.s32 $0x5000, s0  }
0x9b: {  	[spmem:s1] =	stream.indirect.scatter.add.f32 [tilespmem:s19], [sflag:$0x2], $0x1, s17, s28, $0xb8;
	[tilespmem:$0x1E298] =	vst v63  }
0x9c: {  	_ =	swait.ge [sflag:s20], $0x80  }
0x9d: {  	[sflag:s20] =	ssyncset.done $0x0  }
0x9e: {  	[sflag:s20] =	ssyncadd.s32 $0xFFFFFF80  }
0x9f: {  	_ =	swait.ge [sflag:s24], $0x2000  }
0xa0: {  	s7 =	sand.u32 $0x78, s31;
	s18 =	simm.s32 $0x11890;
	[sflag:s24] =	ssyncset.done $0x0  }
0xa1: {  	s21 =	sand.u32 $0x4, s31;
	s0 =	sadd.s32 s7, s19;
	[sflag:s24] =	ssyncadd.s32 $0xFFFFE000  }
0xa2: {  	s3 =	sadd.s32 s21, s0;
	v2 =	vld [tilespmem:s18+$0xFFFFFFB0]  }
0xa3: {  	v3 =	vld.msk [tilespmem:s3+$0x0 ss:$0x0], $0xffff  }
0xa4: {  	v4 =	vld [tilespmem:s18+$0xFFFFFF80]  }
0xa5: {  	v5 =	vld [tilespmem:s18+$0xFFFFFF90]  }
0xa6: {  	v6 =	vld [tilespmem:s18+$0xFFFFFFA0];
	_ =	sdelay $0x1  }
0xa7: {  	v2 =	vmul.f32 v2, v3  }
0xa8: {  	v4 =	vmul.f32 v3, v4  }
0xa9: {  	v5 =	vmul.f32 v5, v3;
	[tilespmem:s18+$0xFFFFFFB0] =	vst v2  }
0xaa: {  	s22 =	simm.s32 $0x1;
	v2 =	vmul.f32 v6, v3;
	[tilespmem:s18+$0xFFFFFF80] =	vst v4  }
0xab: {  	s3 =	sand.u32 $0x5, s22;
	[tilespmem:s18+$0xFFFFFF90] =	vst v5  }
0xac: {  	s3 =	sadd.s32 s3, s0;
	v3 =	vld [tilespmem:s18+$0xFFFFFFC0];
	[tilespmem:s18+$0xFFFFFFA0] =	vst v2  }
0xad: {  	v2 =	vld.msk [tilespmem:s3+$0x0 ss:$0x0], $0xffff  }
0xae: {  	v4 =	vld [tilespmem:s18+$0xFFFFFFF0]  }
0xaf: {  	v5 =	vld [tilespmem:s18+$0xFFFFFFD0]  }
0xb0: {  	v62 =	vld [tilespmem:s18+$0xFFFFFFE0];
	_ =	sdelay $0x1  }
0xb1: {  	v3 =	vmul.f32 v2, v3  }
0xb2: {  	v4 =	vmul.f32 v4, v2  }
0xb3: {  	v5 =	vmul.f32 v5, v2;
	[tilespmem:s18+$0xFFFFFFC0] =	vst v3  }
0xb4: {  	s25 =	simm.s32 $0x2;
	v2 =	vmul.f32 v62, v2;
	[tilespmem:s18+$0xFFFFFFF0] =	vst v4  }
0xb5: {  	s3 =	sand.u32 $0x6, s25;
	[tilespmem:s18+$0xFFFFFFD0] =	vst v5  }
0xb6: {  	s0 =	sadd.s32 s3, s0;
	[tilespmem:s18+$0xFFFFFFE0] =	vst v2;
	v2 =	vld [tilespmem:s18+$0x0]  }
0xb7: {  	v3 =	vld.msk [tilespmem:s0+$0x0 ss:$0x0], $0xffff  }
0xb8: {  	v4 =	vld [tilespmem:s18+$0x30]  }
0xb9: {  	v5 =	vld [tilespmem:s18+$0x20]  }
0xba: {  	v63 =	vld [tilespmem:s18+$0x10];
	_ =	sdelay $0x1  }
0xbb: {  	v2 =	vmul.f32 v3, v2  }
0xbc: {  	v4 =	vmul.f32 v4, v3  }
0xbd: {  	v5 =	vmul.f32 v5, v3;
	[tilespmem:s18+$0x0] =	vst v2  }
0xbe: {  	s4 =	simm.s32 $0x11890;
	v3 =	vmul.f32 v63, v3;
	[tilespmem:s18+$0x30] =	vst v4  }
0xbf: {  	s21 =	simm.s32 $0x4;
	s22 =	smov.u32 s23;
	s0 =	smov.u32 s23;
	[tilespmem:s18+$0x20] =	vst v5;
	v2 =	vld [tilespmem:s18+$0x40]  }
.LBB2_17:
0xc0: {  	p4 =	sne.s32 s21, $0x7C;
	[tilespmem:s18+$0x10] =	vst v3;
	v3 =	vld [tilespmem:s18+$0x70];
	s0 =	sadd.s32 $0x4, s0;
	s4 =	sadd.s32 $0x100, s4  }
0xc1: {  	s3 =	smov.u32 s21;
	s21 =	sadd.s32 $0x4, s21;
	v4 =	vld.msk [tilespmem:s22+$0x0 ss:$0x0], $0xffff;
	s22 =	smov.u32 s0  }
0xc2: {  	v5 =	vld [tilespmem:s18+$0x50]  }
0xc3: {  	v6 =	vld [tilespmem:s18+$0x60];
	_ =	sdelay $0x3  }
0xc4: {  	v2 =	vmul.f32 v4, v2;
	v5 =	vmul.f32 v5, v4  }
0xc5: {  	v3 =	vmul.f32 v3, v4;
	v6 =	vmul.f32 v6, v4  }
0xc6: {  	[tilespmem:s18+$0x40] =	vst v2  }
0xc7: {  	s25 =	sand.u32 $0x78, s3;
	[tilespmem:s18+$0x50] =	vst v5  }
0xc8: {  	s7 =	sand.u32 $0x4, s3;
	s25 =	sadd.s32 s25, s19;
	v2 =	vld [tilespmem:s4+$0xFFFFFFA0];
	[tilespmem:s18+$0x70] =	vst v3  }
0xc9: {  	s7 =	sadd.s32 s7, s25;
	v3 =	vld [tilespmem:s4+$0xFFFFFFB0];
	[tilespmem:s18+$0x60] =	vst v6;
	s18 =	smov.u32 s4  }
0xca: {  	v4 =	vld.msk [tilespmem:s7+$0x0 ss:$0x0], $0xffff  }
0xcb: {  	v5 =	vld [tilespmem:s4+$0xFFFFFF80]  }
0xcc: {  	v6 =	vld [tilespmem:s4+$0xFFFFFF90];
	_ =	sdelay $0x3  }
0xcd: {  	v3 =	vmul.f32 v3, v4;
	v5 =	vmul.f32 v4, v5  }
0xce: {  	v2 =	vmul.f32 v2, v4;
	v6 =	vmul.f32 v6, v4  }
0xcf: {  	[tilespmem:s4+$0xFFFFFFB0] =	vst v3  }
0xd0: {  	s7 =	sadd.s32 $0x1, s3;
	[tilespmem:s4+$0xFFFFFF80] =	vst v5  }
0xd1: {  	s7 =	sand.u32 $0x5, s7;
	[tilespmem:s4+$0xFFFFFF90] =	vst v6;
	v3 =	vld [tilespmem:s4+$0xFFFFFFF0]  }
0xd2: {  	s7 =	sadd.s32 s7, s25;
	[tilespmem:s4+$0xFFFFFFA0] =	vst v2;
	v2 =	vld [tilespmem:s4+$0xFFFFFFD0]  }
0xd3: {  	v4 =	vld.msk [tilespmem:s7+$0x0 ss:$0x0], $0xffff  }
0xd4: {  	v5 =	vld [tilespmem:s4+$0xFFFFFFC0]  }
0xd5: {  	v6 =	vld [tilespmem:s4+$0xFFFFFFE0];
	_ =	sdelay $0x3  }
0xd6: {  	v2 =	vmul.f32 v2, v4;
	v5 =	vmul.f32 v4, v5  }
0xd7: {  	v3 =	vmul.f32 v3, v4;
	v6 =	vmul.f32 v6, v4  }
0xd8: {  	[tilespmem:s4+$0xFFFFFFC0] =	vst v5  }
0xd9: {  	s3 =	sadd.s32 $0x2, s3;
	[tilespmem:s4+$0xFFFFFFF0] =	vst v3  }
0xda: {  	s3 =	sand.u32 $0x6, s3;
	[tilespmem:s4+$0xFFFFFFD0] =	vst v2;
	v2 =	vld [tilespmem:s4+$0x30]  }
0xdb: {  	s3 =	sadd.s32 s3, s25;
	[tilespmem:s4+$0xFFFFFFE0] =	vst v6;
	v3 =	vld [tilespmem:s4+$0x0]  }
0xdc: {  	v4 =	vld.msk [tilespmem:s3+$0x0 ss:$0x0], $0xffff  }
0xdd: {  	v5 =	vld [tilespmem:s4+$0x10]  }
0xde: {  	v6 =	vld [tilespmem:s4+$0x20];
	_ =	sdelay $0x3  }
.Ltmp7:
0xdf: {  	v7 =	vmul.f32 v4, v3;
	v3 =	vmul.f32 v5, v4;
	(pc) =	sbr.rel @p4 .LBB2_17-.Ltmp7, $4  }
0xe0: {  	v2 =	vmul.f32 v2, v4;
	v5 =	vmul.f32 v6, v4  }
0xe1: {  	[tilespmem:s4+$0x0] =	vst v7  }
0xe2: {  	[tilespmem:s4+$0x30] =	vst v2  }
0xe3: {  	[tilespmem:s4+$0x20] =	vst v5;
	v2 =	vld [tilespmem:s4+$0x40]  }
0xe4: {  	[tilespmem:s18+$0x10] =	vst v3  }
0xe5: {  	v3 =	vld.msk [tilespmem:s22+$0x0 ss:$0x0], $0xffff  }
0xe6: {  	v4 =	vld [tilespmem:s18+$0x50]  }
0xe7: {  	v5 =	vld [tilespmem:s18+$0x70]  }
0xe8: {  	v6 =	vld [tilespmem:s18+$0x60];
	_ =	sdelay $0x1  }
0xe9: {  	v2 =	vmul.f32 v3, v2  }
0xea: {  	v4 =	vmul.f32 v4, v3  }
0xeb: {  	v5 =	vmul.f32 v5, v3;
	[tilespmem:s18+$0x40] =	vst v2  }
0xec: {  	s16 =	sadd.s32 $0x1, s16;
	v2 =	vmul.f32 v6, v3;
	[tilespmem:s18+$0x50] =	vst v4  }
0xed: {  	p4 =	sne.s32 s16, $0x50;
	[tilespmem:s18+$0x70] =	vst v5  }
.Ltmp8:
0xee: {  	[tilespmem:s18+$0x60] =	vst v2;
	(pc) =	sbr.rel @p4 .LBB2_16-.Ltmp8, $4  }
0xef: {  	[spmem:s2] =	stream.indirect.scatter.add.f32 [tilespmem:s29], [sflag:$0x2], $0x40, s17, s28, $0xb8;
	[tilespmem:$0x1E298] =	vst v63  }
0xf0: {  	_ =	swait.ge [sflag:s20], $0x2000  }
0xf1: {  	[sflag:s20] =	ssyncset.done $0x0  }
0xf2: {  	s23 =	sadd.s32 $0x80, s23;
	[sflag:s20] =	ssyncadd.s32 $0xFFFFE000  }
0xf3: {  	s0 =	stileid.u32  }
0xf4: {  	s0 =	sshll.u32 s0, $0x6  }
0xf5: {  	[bflag:$0x0] =	sbarrier.arrive $0xFFFF;
	s3 =	sshrl.u32 s10, $0x3;
	s0 =	sor.u32 $0x1C02, s0  }
0xf6: {  	[hbm:s12], [sflag:s0] =	dma.local [spmem:s3], $0x1380  }
0xf7: {  	_ =	swait.ge [sflag:s20], $0x1380  }
0xf8: {  	[sflag:s20] =	ssyncset.done $0x0  }
0xf9: {  	s3 =	sshrl.u32 @p1 s1, $0x3;
	[sflag:s20] =	ssyncadd.s32 $0xFFFFEC80  }
0xfa: {  	[hbm:s13], [sflag:s0] =	dma.local @p1 [spmem:s3], $0x4E2  }
0xfb: {  	s3 =	simm.s32 @p1 $0x2  }
0xfc: {  	_ =	swait.ge @p1 [sflag:s3], $0x4E2  }
0xfd: {  	s30 =	sadd.s32 $0x1, s30;
	[sflag:s3] =	ssyncset.done @p1 $0x0  }
0xfe: {  	p4 =	sne.s32 s30, s15;
	[sflag:s3] =	ssyncadd.s32 @p1 $0xFFFFFB1E;
	s3 =	sshrl.u32 @!p3 s11, $0x3  }
0xff: {  	[hbm:s14], [sflag:s0] =	dma.local @!p3 [spmem:s3], $0x80  }
.Ltmp9:
0x100: {  	_ = 	snop;
	(pc) =	sbr.rel @p4 .LBB2_1-.Ltmp9, $4  }
0x101: {  	s0 =	simm.s32 @!p3 $0x2  }
0x102: {  	_ =	swait.ge @!p3 [sflag:s0], $0x80  }
0x103: {  	[sflag:s0] =	ssyncset.done @!p3 $0x0  }
0x104: {  	[sflag:s0] =	ssyncadd.s32 @!p3 $0xFFFFFF80  }
0x105: {  	_ =	sfence.sel $0x180000  }
0x106: {  	[bflag:$0x0] =	sbarrier.arrive $0xFFFF  }
0x107: {  	_ =	strace $0x9000004D  }
0x108: {  	[bflag:$0x2] =	sbarrier.arrive $0xFFFF  }
0x109: {  	s0 =	rddreg [dreg:$0x3]  }
0x10a: {  	s0 =	sadd.s32 @!p0 $0x100000, s0  }
0x10b: {  	[sflag:s0] =	ssyncadd.tile.s32 @!p0 $0x1;
	_ =	shalt  }
.Lfunc_end2:
_tile_overlayer_lowered:
.L_overlay_start_2:
0x10c: {  	(tag) =	ssettag $0x2  }
0x10d: {  	s0 =	rddreg [dreg:$0x0];
	s2 =	stileid.u32  }
0x10e: {  	s1 =	rddreg [dreg:$0x1];
	p0 =	sne.s32 s2, $0x0  }
0x10f: {  	s3 =	rddreg [dreg:$0x2];
	[bflag:$0x3] =	sbarrier.arrive $0xFFFF;
	s2 =	simm.s32 @!p0 $0x1C02  }
0x110: {  	[timem:s3], [sflag:s2] =	dma.local @!p0 [hbm:s0], s1  }
0x111: {  	s0 =	simm.s32 @!p0 $0x2  }
0x112: {  	_ =	swait.ge @!p0 [sflag:s0], s1  }
0x113: {  	s1 =	ssub.s32 @!p0 $0x0, s1;
	[sflag:s0] =	ssyncset.done @!p0 $0x0  }
0x114: {  	[sflag:s0] =	ssyncadd.s32 @!p0 s1  }
0x115: {  	[bflag:$0x3] =	sbarrier.arrive $0xFFFF  }
0x116: {  	_ =	shalt  }

// kernel: kernel.15.cloned.1.call-start
scs
__scs_entry_jumppad:
0x0: {  	(pc) =	sbr.rel $0x88, $3  }
0x1: {  	(tag) =	ssettag $0x0;
	lr =	simm.s32 $0x1  }
0x2: {  	[smem:$0x3F8F] =	sst lr;
	_ =	strace $0xD0000000  }
0x3: {  	_ = 	snop  }
0x4: {  	_ = 	snop  }
0x5: {  	_ = 	snop  }
0x6: {  	_ = 	snop  }
0x7: {  	_ = 	snop  }
__scs_overlays_trampoline_lowered:
0x8: {  	[smem:$0x3F9E] =	sst s0  }
0x9: {  	[smem:$0x3F9F] =	sst s1  }
0xa: {  	[smem:$0x3FA0] =	sst s2  }
0xb: {  	[smem:$0x3FA1] =	sst s3  }
0xc: {  	[smem:$0x3FA2] =	sst s4  }
0xd: {  	[smem:$0x3FA3] =	sst s5  }
0xe: {  	[smem:$0x3FA4] =	sst s6  }
0xf: {  	[smem:$0x3FA5] =	sst s7  }
0x10: {  	[smem:$0x3FA6] =	sst s8  }
0x11: {  	[smem:$0x3FA7] =	sst s9;
	s0 =	simm.s32 @!p0 $0x0  }
0x12: {  	s1 =	sld [smem:$0x3F8D];
	s0 =	simm.s32 @p0 $0x1  }
0x13: {  	[smem:$0x3FA8] =	sst s0;
	s0 =	simm.s32 @!p1 $0x0  }
0x14: {  	s2 =	sld [smem:$0x3F8C];
	s0 =	simm.s32 @p1 $0x1  }
0x15: {  	[smem:$0x3FA9] =	sst s0;
	s0 =	simm.s32 @!p2 $0x0  }
0x16: {  	s3 =	sld [smem:$0x3FDB];
	s0 =	simm.s32 @p2 $0x1  }
0x17: {  	s4 =	simm.s32 $0x1BF5;
	[smem:$0x3FAB] =	sst s0  }
0x18: {  	s0 =	sld [smem:$0x3F8E];
	_ =	swait.ge [sflag:s4], $0x0  }
0x19: {  	s7 =	sld [smem:$0x3F8F]  }
0x1a: {  	s8 =	sadd.s32 $0xFFFFE003, lr  }
0x1b: {  	s9 =	sadd.s32 $0xFFFFFEF7, lr;
	s5 =	simm.s32 $0xFFFFFFFF;
	p2 =	slt.u32 s8, $0xFFFFF086  }
0x1c: {  	p1 =	slt.u32 s9, $0xF7A;
	s5 =	simm.s32 @!p2 $0x0  }
0x1d: {  	s5 =	simm.s32 @p1 $0x1;
	p0 =	seq.s32 s7, s2  }
0x1e: {  	s7 =	smul.u32 @!p0 $0xF7A, s2;
	p2 =	seq.s32 @!p0 s5, $0x0  }
0x1f: {  	s9 =	smul.u32 $0xF7A, s1;
	s8 =	simm.s32 @!p0 $0x1BF5;
	p2 =	por !p2, p0  }
0x20: {  	[sflag:s8] =	ssyncset.s32 @!p0 $0xFFFFF086;
	s6 =	sadd.s32 @!p0 s3, s7;
	s7 =	simm.s32 @!p0 $0x108  }
0x21: {  	s3 =	sadd.s32 s3, s9;
	s6 =	sadd.s32 @!p0 $0x88, s6;
	s7 =	simm.s32 @p2 $0x1082  }
0x22: {  	[simem:s7], [sflag:s8] =	dma.local @!p0 [hbm:s6], $0xF7A  }
0x23: {  	s9 =	sor.u32 $0xD0000000, s2;
	s6 =	simm.s32 $0x108;
	_ =	swait.ge @!p0 [sflag:s8], $0x0  }
0x24: {  	s3 =	sadd.s32 $0x88, s3;
	s6 =	simm.s32 @!p1 $0x1082;
	[sflag:s4] =	ssyncset.s32 $0xFFFFF086  }
0x25: {  	[simem:s6], [sflag:s4] =	dma.local [hbm:s3], $0xF7A  }
0x26: {  	[smem:$0x3F8F] =	sst s1;
	(tag) =	ssettag s2;
	_ =	strace s9  }
0x27: {  	s1 =	sld [smem:$0x3F9F]  }
0x28: {  	s2 =	sld [smem:$0x3FA0]  }
0x29: {  	s4 =	sld [smem:$0x3FA2]  }
0x2a: {  	p0 =	seq.s32 s5, $0x0;
	s5 =	sld [smem:$0x3FA3]  }
0x2b: {  	s6 =	sld [smem:$0x3FA4]  }
0x2c: {  	s7 =	sld [smem:$0x3FA5]  }
0x2d: {  	s3 =	simm.s32 $0x108;
	s8 =	sld [smem:$0x3FA6]  }
0x2e: {  	s3 =	simm.s32 @!p0 $0x1082;
	s9 =	sld [smem:$0x3FA7]  }
0x2f: {  	lr =	sadd.s32 s0, s3;
	s0 =	sld [smem:$0x3F9E]  }
0x30: {  	s3 =	sld [smem:$0x3FA1]  }
0x31: {  	[smem:$0x3FAA] =	sst s10  }
0x32: {  	s10 =	sld [smem:$0x3FA8];
	_ =	sdelay $0x3  }
0x33: {  	p0 =	seq.s32 s10, $0x1;
	s10 =	sld [smem:$0x3FAA];
	_ =	sdelay $0x3  }
0x34: {  	[smem:$0x3FAA] =	sst s10  }
0x35: {  	s10 =	sld [smem:$0x3FA9];
	_ =	sdelay $0x3  }
0x36: {  	p1 =	seq.s32 s10, $0x1;
	s10 =	sld [smem:$0x3FAA];
	_ =	sdelay $0x3  }
0x37: {  	[smem:$0x3FAA] =	sst s10  }
0x38: {  	s10 =	sld [smem:$0x3FAB]  }
0x39: {  	_ = 	snop;
	(pc) =	sbr.ind lr, $3  }
0x3a: {  	_ = 	snop  }
0x3b: {  	_ = 	snop  }
0x3c: {  	p2 =	seq.s32 s10, $0x1;
	s10 =	sld [smem:$0x3FAA]  }
0x3d: {  	_ =	shalt  }
0x3e: {  	_ =	shalt  }
0x3f: {  	_ =	shalt  }
0x40: {  	_ =	shalt  }
0x41: {  	_ =	shalt  }
0x42: {  	_ =	shalt  }
0x43: {  	_ =	shalt  }
0x44: {  	_ =	shalt  }
0x45: {  	_ =	shalt  }
0x46: {  	_ =	shalt  }
0x47: {  	_ =	shalt  }
0x48: {  	_ =	shalt  }
0x49: {  	_ =	shalt  }
0x4a: {  	_ =	shalt  }
0x4b: {  	_ =	shalt  }
0x4c: {  	_ =	shalt  }
0x4d: {  	_ =	shalt  }
0x4e: {  	_ =	shalt  }
0x4f: {  	_ =	shalt  }
0x50: {  	_ =	shalt  }
0x51: {  	_ =	shalt  }
0x52: {  	_ =	shalt  }
0x53: {  	_ =	shalt  }
0x54: {  	_ =	shalt  }
0x55: {  	_ =	shalt  }
0x56: {  	_ =	shalt  }
0x57: {  	_ =	shalt  }
0x58: {  	_ =	shalt  }
0x59: {  	_ =	shalt  }
0x5a: {  	_ =	shalt  }
0x5b: {  	_ =	shalt  }
0x5c: {  	_ =	shalt  }
0x5d: {  	_ =	shalt  }
0x5e: {  	_ =	shalt  }
0x5f: {  	_ =	shalt  }
0x60: {  	_ =	shalt  }
0x61: {  	_ =	shalt  }
0x62: {  	_ =	shalt  }
0x63: {  	_ =	shalt  }
0x64: {  	_ =	shalt  }
0x65: {  	_ =	shalt  }
0x66: {  	_ =	shalt  }
0x67: {  	_ =	shalt  }
0x68: {  	_ =	shalt  }
0x69: {  	_ =	shalt  }
0x6a: {  	_ =	shalt  }
0x6b: {  	_ =	shalt  }
0x6c: {  	_ =	shalt  }
0x6d: {  	_ =	shalt  }
0x6e: {  	_ =	shalt  }
0x6f: {  	_ =	shalt  }
0x70: {  	_ =	shalt  }
0x71: {  	_ =	shalt  }
0x72: {  	_ =	shalt  }
0x73: {  	_ =	shalt  }
0x74: {  	_ =	shalt  }
0x75: {  	_ =	shalt  }
0x76: {  	_ =	shalt  }
0x77: {  	_ =	shalt  }
0x78: {  	_ =	shalt  }
0x79: {  	_ =	shalt  }
0x7a: {  	_ =	shalt  }
0x7b: {  	_ =	shalt  }
0x7c: {  	_ =	shalt  }
0x7d: {  	_ =	shalt  }
0x7e: {  	_ =	shalt  }
0x7f: {  	_ =	shalt  }
0x80: {  	_ =	shalt  }
0x81: {  	_ =	shalt  }
0x82: {  	_ =	shalt  }
0x83: {  	_ =	shalt  }
0x84: {  	_ =	shalt  }
0x85: {  	_ =	shalt  }
0x86: {  	_ =	shalt  }
0x87: {  	_ =	shalt  }
.Lfunc_end0:
.L_simem_size_0:
called_computation.3_lowered:
.L_overlay_start_0:
0x88: {  	s2 =	sld [smem:$0x3FD9]  }
0x89: {  	s3 =	sld [smem:$0x3FFE];
	_ =	sdelay $0x1  }
0x8a: {  	s1 =	srdreg.scid  }
0x8b: {  	s0 =	sand.u32 $0x1, s1  }
0x8c: {  	s17 =	sshll.u32 s0, $0xA;
	s2 =	sadd.s32 s3, s2  }
0x8d: {  	s2 =	sadd.s32 s2, s17  }
0x8e: {  	[smem:$0x3FB6] =	sst s2  }
0x8f: {  	_ = 	snop  }
0x90: {  	s18 =	sld [smem:$0x3FC9]  }
0x91: {  	s4 =	sld [smem:$0x3FC5];
	(tm) =	ssettm $0x1  }
0x92: {  	s19 =	sld [smem:$0x3FFB];
	_ =	sdelay $0x3  }
0x93: {  	_ =	strace s19  }
0x94: {  	s2 =	sld [smem:$0x3FFC];
	_ =	sdelay $0x3  }
0x95: {  	_ =	strace s2  }
0x96: {  	s2 =	sld [smem:$0x3FFD];
	_ =	sdelay $0x3  }
0x97: {  	_ =	strace s2  }
0x98: {  	_ =	strace $0x8FFFFFFF  }
0x99: {  	s20 =	sld [smem:$0x3FDB];
	_ =	sdelay $0x1  }
0x9a: {  	s5 =	simm.s32 $_scs_section_size  }
0x9b: {  	s6 =	simm.s32 $_size__tile_overlayer_lowered;
	s7 =	simm.s32 $_tile_overlayer_lowered  }
0x9c: {  	s8 =	simm.s32 $0x1BFF;
	s21 =	sshll.u32 s7, $0x1;
	s5 =	sadd.s32 s5, s20  }
0x9d: {  	s22 =	simm.s32 $0x0;
	s6 =	sshll.u32 s6, $0x1;
	s7 =	sadd.s32 s21, s5  }
0x9e: {  	[timem:s22], [sflag:s8] =	dma.local [hbm:s7], s6  }
0x9f: {  	_ =	swait.ge [sflag:s8], s6  }
0xa0: {  	s6 =	ssub.s32 $0x0, s6;
	[sflag:s8] =	ssyncset.done $0x0  }
0xa1: {  	[sflag:s8] =	ssyncadd.s32 s6;
	_ =	sdelay $0x1  }
0xa2: {  	s23 =	simm.s32 $0x1B8B  }
0xa3: {  	_ =	swait.ge [sflag:s23], $0x1  }
0xa4: {  	[sflag:s23] =	ssyncset.done $0x0  }
0xa5: {  	[sflag:s23] =	ssyncadd.s32 $0xFFFFFFFF  }
0xa6: {  	s6 =	sld [smem:$0x0]  }
0xa7: {  	s7 =	sand.u32 $0xFFFFFFFE, s1  }
0xa8: {  	p0 =	sne.s32 s1, s7  }
0xa9: {  	s7 =	sshll.u32 @p0 s7, $0xE  }
0xaa: {  	s7 =	sadd.s32 @p0 $0x11B8D, s7;
	s8 =	sshll.u32 @p0 s6, $0x11  }
0xab: {  	s7 =	sor.u32 @p0 s8, s7  }
0xac: {  	[sflag:s7] =	ssyncadd.remote.s32 @p0 $0x1;
	_ =	sdelay $0x1  }
0xad: {  	s7 =	simm.s32 @p0 $0x1B8D  }
0xae: {  	_ =	swait.eq @p0 [sflag:s7], $0x1  }
0xaf: {  	[sflag:s7] =	ssyncadd.s32 @p0 $0xFFFFFFFF  }
0xb0: {  	s8 =	sshll.u32 @!p0 s1, $0xE  }
0xb1: {  	s8 =	sor.u32 @!p0 $0x4000, s8;
	s7 =	simm.s32 @!p0 $0x1B8D  }
0xb2: {  	s6 =	sshll.u32 @!p0 s6, $0x11;
	s8 =	sadd.s32 @!p0 $0x11B8D, s8;
	_ =	swait.eq @!p0 [sflag:s7], $0x1  }
0xb3: {  	s6 =	sor.u32 @!p0 s6, s8;
	[sflag:s7] =	ssyncadd.s32 @!p0 $0xFFFFFFFF  }
0xb4: {  	s25 =	simm.s32 $0x1B8E;
	s24 =	sld [smem:$0x3FFE];
	[sflag:s6] =	ssyncadd.remote.s32 @!p0 $0x1  }
0xb5: {  	s26 =	simm.s32 $execute0_lowered;
	[smem:$0x3FD2] =	sst s25  }
0xb6: {  	s7 =	sshll.u32 s26, $0x1;
	_ =	strace $0x8000004F;
	[dreg:$0x1] =	wrdreg $0xFFFFFFFF  }
0xb7: {  	s28 =	simm.s32 $_size_execute0_lowered;
	s5 =	sadd.s32 s5, s7;
	[dreg:$0x0] =	wrdreg $0x0  }
0xb8: {  	s7 =	sshll.u32 s28, $0x1;
	[dreg:$0x2] =	wrdreg s5  }
0xb9: {  	[dreg:$0x3] =	wrdreg s7  }
0xba: {  	[dreg:$0x4] =	wrdreg $0xC0  }
0xbb: {  	_ =	task [dreg:s22], $0x5FFFF  }
0xbc: {  	[dreg:$0x1] =	wrdreg $0xFFFFFFFF  }
0xbd: {  	[dreg:$0x0] =	wrdreg $0x60  }
0xbe: {  	[dreg:$0x2] =	wrdreg s4  }
0xbf: {  	[dreg:$0x3] =	wrdreg s18  }
0xc0: {  	[dreg:$0x4] =	wrdreg s24  }
0xc1: {  	[dreg:$0x5] =	wrdreg $0xA  }
0xc2: {  	_ =	task.clear_ibuf [dreg:s22], $0x6FFFF;
	_ =	strace $0x9000004F  }
0xc3: {  	s29 =	simm.s32 $0xA;
	_ =	strace $0x80000051  }
0xc4: {  	_ =	swait.ge [sflag:s29], $0x1  }
0xc5: {  	[sflag:s29] =	ssyncadd.s32 $0xFFFFFFFF  }
0xc6: {  	_ =	strace $0x90000051  }
0xc7: {  	_ =	sfence  }
0xc8: {  	s30 =	sld [smem:$0x0];
	_ =	sdelay $0x2  }
0xc9: {  	s31 =	sshll.u32 s1, $0xD;
	s1 =	sshrl.u32 s1, $0x2  }
0xca: {  	s4 =	sand.u32 $0x4000, s31;
	s1 =	sadd.s32 s1, s30  }
0xcb: {  	s0 =	sor.u32 s4, s0;
	s1 =	sshll.u32 s1, $0x11  }
0xcc: {  	s0 =	sor.u32 s1, s0  }
0xcd: {  	s0 =	sadd.s32 $0x8F2B, s0  }
0xce: {  	[sflag:s0] =	ssyncadd.remote.s32 $0x1  }
0xcf: {  	_ =	sfence.sel $0xFFFF  }
0xd0: {  	[dreg:$0x0] =	wrdreg $0xFFFFFFFF;
	(pc) =	sbr.abs _section_cstart, $3  }
0xd1: {  	[dreg:$0x1] =	wrdreg $0xFFFFFFFF  }
0xd2: {  	_ =	task.clear_ibuf [dreg:s22], $0x2FFFF;
	_ =	strace $0x9FFFFFFF  }
0xd3: {  	(tm) =	ssettm $0x7FFFFFFF  }
tec
execute0_lowered:
.L_overlay_start_1:
0x0: {  	(tag) =	ssettag $0x1  }
0x1: {  	s1 =	rddreg [dreg:$0x0];
	s2 =	srdreg.scid  }
0x2: {  	s4 =	rddreg [dreg:$0x1];
	s0 =	stileid.u32  }
0x3: {  	s9 =	rddreg [dreg:$0x2];
	s3 =	simm.s32 $0x0;
	s6 =	sand.u32 $0x1, s2  }
0x4: {  	s5 =	sshll.u32 s0, $0x6;
	s2 =	rddreg [dreg:$0x3];
	s7 =	sshll.u32 s6, $0x5  }
0x5: {  	s8 =	simm.s32 $0x1;
	[smem:$0x7FF] =	sst s3;
	s10 =	sor.u32 s7, s5  }
0x6: {  	_ =	strace $0x80000050;
	s11 =	ssub.s32 $0x2, s6;
	s5 =	sshrl.u32 s10, $0x3  }
0x7: {  	s6 =	simm.s32 $0x20;
	s5 =	sadd.s32 s4, s5;
	s4 =	simm.s32 $0x2  }
0x8: {  	[tilespmem:s3], [sflag:$0x2] =	stream.linear.gather [hbm4b:s5+s3], $0x20, $0x38;
	[tilespmem:$0x1080] =	vst v63  }
0x9: {  	s7 =	simm.s32 $0x80;
	s12 =	sshrl.u32 s11, $0x1;
	_ =	swait.ge [sflag:s4], $0x20  }
0xa: {  	s10 =	sshll.u32 s10, $0x4;
	s31 =	ssub.s32 s11, s12;
	[sflag:s4] =	ssyncset.done $0x0  }
0xb: {  	s9 =	sadd.s32 s10, s9;
	s10 =	smax.u32 s31, $0x1;
	[sflag:s4] =	ssyncadd.s32 $0xFFFFFFE0  }
0xc: {  	[tilespmem:s7], [sflag:$0x1] =	stream.indirect.gather [hbm4b:s1+s6], $0x80, s3, s6, $0xb8;
	[tilespmem:$0x1080] =	vst v63  }
0xd: {  	p0 =	sne.s32 s10, $0x1;
	_ =	swait.ge [sflag:s8], $0x1000  }
.Ltmp0:
0xe: {  	[sflag:s8] =	ssyncset.done $0x0;
	(pc) =	sbr.rel @!p0 .LBB2_2-.Ltmp0, $4  }
0xf: {  	s9 =	sadd.s32 $0x2A000, s9;
	[sflag:s8] =	ssyncadd.s32 $0xFFFFF000  }
0x10: {  	[hbm4b:s9+s3] =	stream.linear.scatter [tilespmem:s7], [sflag:$0x2], $0x1000, $0x38;
	[tilespmem:$0x1080] =	vst v63  }
0x11: {  	_ =	swait.ge [sflag:s4], $0x1000  }
0x12: {  	s10 =	sadd.s32 $0xFFFFFFFF, s10;
	[sflag:s4] =	ssyncset.done $0x0  }
.LBB2_1:
0x13: {  	p0 =	sne.s32 s10, $0x1;
	s10 =	sadd.s32 $0xFFFFFFFF, s10;
	[sflag:s4] =	ssyncadd.s32 $0xFFFFF000  }
0x14: {  	[tilespmem:s3], [sflag:$0x2] =	stream.linear.gather [hbm4b:s5+s3], $0x20, $0x38;
	[tilespmem:$0x1080] =	vst v63  }
0x15: {  	_ =	swait.ge [sflag:s4], $0x20  }
0x16: {  	[sflag:s4] =	ssyncset.done $0x0  }
0x17: {  	[sflag:s4] =	ssyncadd.s32 $0xFFFFFFE0  }
0x18: {  	[tilespmem:s7], [sflag:$0x1] =	stream.indirect.gather [hbm4b:s1+s6], $0x80, s3, s6, $0xb8;
	[tilespmem:$0x1080] =	vst v63  }
0x19: {  	_ =	swait.ge [sflag:s8], $0x1000  }
.Ltmp1:
0x1a: {  	[sflag:s8] =	ssyncset.done $0x0;
	(pc) =	sbr.rel @p0 .LBB2_1-.Ltmp1, $4  }
0x1b: {  	[sflag:s8] =	ssyncadd.s32 $0xFFFFF000  }
0x1c: {  	[hbm4b:s9+s3] =	stream.linear.scatter [tilespmem:s7], [sflag:$0x2], $0x1000, $0x38;
	[tilespmem:$0x1080] =	vst v63  }
0x1d: {  	_ =	swait.ge [sflag:s4], $0x1000  }
0x1e: {  	[sflag:s4] =	ssyncset.done $0x0  }
.LBB2_2:
0x1f: {  	[sflag:s4] =	ssyncadd.s32 $0xFFFFF000  }
0x20: {  	_ =	sfence.sel $0x180000  }
0x21: {  	[bflag:$0x0] =	sbarrier.arrive $0xFFFF  }
0x22: {  	p0 =	sne.s32 s0, $0x0;
	_ =	strace $0x90000050  }
0x23: {  	s0 =	sadd.s32 @!p0 $0x100000, s2;
	[bflag:$0x2] =	sbarrier.arrive $0xFFFF  }
0x24: {  	[sflag:s0] =	ssyncadd.tile.s32 @!p0 $0x1;
	_ =	shalt  }
.Lfunc_end2:
_tile_overlayer_lowered:
.L_overlay_start_2:
0x25: {  	(tag) =	ssettag $0x2  }
0x26: {  	s0 =	rddreg [dreg:$0x0];
	s2 =	stileid.u32  }
0x27: {  	s1 =	rddreg [dreg:$0x1];
	p0 =	sne.s32 s2, $0x0  }
0x28: {  	s3 =	rddreg [dreg:$0x2];
	[bflag:$0x3] =	sbarrier.arrive $0xFFFF;
	s2 =	simm.s32 @!p0 $0x1C02  }
0x29: {  	[timem:s3], [sflag:s2] =	dma.local @!p0 [hbm:s0], s1  }
0x2a: {  	s0 =	simm.s32 @!p0 $0x2  }
0x2b: {  	_ =	swait.ge @!p0 [sflag:s0], s1  }
0x2c: {  	s1 =	ssub.s32 @!p0 $0x0, s1;
	[sflag:s0] =	ssyncset.done @!p0 $0x0  }
0x2d: {  	[sflag:s0] =	ssyncadd.s32 @!p0 s1  }
0x2e: {  	[bflag:$0x3] =	sbarrier.arrive $0xFFFF  }
0x2f: {  	_ =	shalt  }

// kernel: kernel.9.cloned.1.call-start
scs
__scs_entry_jumppad:
0x0: {  	(pc) =	sbr.rel $0x88, $3  }
0x1: {  	(tag) =	ssettag $0x0;
	lr =	simm.s32 $0x1  }
0x2: {  	[smem:$0x3F8F] =	sst lr;
	_ =	strace $0xD0000000  }
0x3: {  	_ = 	snop  }
0x4: {  	_ = 	snop  }
0x5: {  	_ = 	snop  }
0x6: {  	_ = 	snop  }
0x7: {  	_ = 	snop  }
__scs_overlays_trampoline_lowered:
0x8: {  	[smem:$0x3F9E] =	sst s0  }
0x9: {  	[smem:$0x3F9F] =	sst s1  }
0xa: {  	[smem:$0x3FA0] =	sst s2  }
0xb: {  	[smem:$0x3FA1] =	sst s3  }
0xc: {  	[smem:$0x3FA2] =	sst s4  }
0xd: {  	[smem:$0x3FA3] =	sst s5  }
0xe: {  	[smem:$0x3FA4] =	sst s6  }
0xf: {  	[smem:$0x3FA5] =	sst s7  }
0x10: {  	[smem:$0x3FA6] =	sst s8  }
0x11: {  	[smem:$0x3FA7] =	sst s9;
	s0 =	simm.s32 @!p0 $0x0  }
0x12: {  	s1 =	sld [smem:$0x3F8D];
	s0 =	simm.s32 @p0 $0x1  }
0x13: {  	[smem:$0x3FA8] =	sst s0;
	s0 =	simm.s32 @!p1 $0x0  }
0x14: {  	s2 =	sld [smem:$0x3F8C];
	s0 =	simm.s32 @p1 $0x1  }
0x15: {  	[smem:$0x3FA9] =	sst s0;
	s0 =	simm.s32 @!p2 $0x0  }
0x16: {  	s3 =	sld [smem:$0x3FDB];
	s0 =	simm.s32 @p2 $0x1  }
0x17: {  	s4 =	simm.s32 $0x1BF5;
	[smem:$0x3FAB] =	sst s0  }
0x18: {  	s0 =	sld [smem:$0x3F8E];
	_ =	swait.ge [sflag:s4], $0x0  }
0x19: {  	s7 =	sld [smem:$0x3F8F]  }
0x1a: {  	s8 =	sadd.s32 $0xFFFFE003, lr  }
0x1b: {  	s9 =	sadd.s32 $0xFFFFFEF7, lr;
	s5 =	simm.s32 $0xFFFFFFFF;
	p2 =	slt.u32 s8, $0xFFFFF086  }
0x1c: {  	p1 =	slt.u32 s9, $0xF7A;
	s5 =	simm.s32 @!p2 $0x0  }
0x1d: {  	s5 =	simm.s32 @p1 $0x1;
	p0 =	seq.s32 s7, s2  }
0x1e: {  	s7 =	smul.u32 @!p0 $0xF7A, s2;
	p2 =	seq.s32 @!p0 s5, $0x0  }
0x1f: {  	s9 =	smul.u32 $0xF7A, s1;
	s8 =	simm.s32 @!p0 $0x1BF5;
	p2 =	por !p2, p0  }
0x20: {  	[sflag:s8] =	ssyncset.s32 @!p0 $0xFFFFF086;
	s6 =	sadd.s32 @!p0 s3, s7;
	s7 =	simm.s32 @!p0 $0x108  }
0x21: {  	s3 =	sadd.s32 s3, s9;
	s6 =	sadd.s32 @!p0 $0x88, s6;
	s7 =	simm.s32 @p2 $0x1082  }
0x22: {  	[simem:s7], [sflag:s8] =	dma.local @!p0 [hbm:s6], $0xF7A  }
0x23: {  	s9 =	sor.u32 $0xD0000000, s2;
	s6 =	simm.s32 $0x108;
	_ =	swait.ge @!p0 [sflag:s8], $0x0  }
0x24: {  	s3 =	sadd.s32 $0x88, s3;
	s6 =	simm.s32 @!p1 $0x1082;
	[sflag:s4] =	ssyncset.s32 $0xFFFFF086  }
0x25: {  	[simem:s6], [sflag:s4] =	dma.local [hbm:s3], $0xF7A  }
0x26: {  	[smem:$0x3F8F] =	sst s1;
	(tag) =	ssettag s2;
	_ =	strace s9  }
0x27: {  	s1 =	sld [smem:$0x3F9F]  }
0x28: {  	s2 =	sld [smem:$0x3FA0]  }
0x29: {  	s4 =	sld [smem:$0x3FA2]  }
0x2a: {  	p0 =	seq.s32 s5, $0x0;
	s5 =	sld [smem:$0x3FA3]  }
0x2b: {  	s6 =	sld [smem:$0x3FA4]  }
0x2c: {  	s7 =	sld [smem:$0x3FA5]  }
0x2d: {  	s3 =	simm.s32 $0x108;
	s8 =	sld [smem:$0x3FA6]  }
0x2e: {  	s3 =	simm.s32 @!p0 $0x1082;
	s9 =	sld [smem:$0x3FA7]  }
0x2f: {  	lr =	sadd.s32 s0, s3;
	s0 =	sld [smem:$0x3F9E]  }
0x30: {  	s3 =	sld [smem:$0x3FA1]  }
0x31: {  	[smem:$0x3FAA] =	sst s10  }
0x32: {  	s10 =	sld [smem:$0x3FA8];
	_ =	sdelay $0x3  }
0x33: {  	p0 =	seq.s32 s10, $0x1;
	s10 =	sld [smem:$0x3FAA];
	_ =	sdelay $0x3  }
0x34: {  	[smem:$0x3FAA] =	sst s10  }
0x35: {  	s10 =	sld [smem:$0x3FA9];
	_ =	sdelay $0x3  }
0x36: {  	p1 =	seq.s32 s10, $0x1;
	s10 =	sld [smem:$0x3FAA];
	_ =	sdelay $0x3  }
0x37: {  	[smem:$0x3FAA] =	sst s10  }
0x38: {  	s10 =	sld [smem:$0x3FAB]  }
0x39: {  	_ = 	snop;
	(pc) =	sbr.ind lr, $3  }
0x3a: {  	_ = 	snop  }
0x3b: {  	_ = 	snop  }
0x3c: {  	p2 =	seq.s32 s10, $0x1;
	s10 =	sld [smem:$0x3FAA]  }
0x3d: {  	_ =	shalt  }
0x3e: {  	_ =	shalt  }
0x3f: {  	_ =	shalt  }
0x40: {  	_ =	shalt  }
0x41: {  	_ =	shalt  }
0x42: {  	_ =	shalt  }
0x43: {  	_ =	shalt  }
0x44: {  	_ =	shalt  }
0x45: {  	_ =	shalt  }
0x46: {  	_ =	shalt  }
0x47: {  	_ =	shalt  }
0x48: {  	_ =	shalt  }
0x49: {  	_ =	shalt  }
0x4a: {  	_ =	shalt  }
0x4b: {  	_ =	shalt  }
0x4c: {  	_ =	shalt  }
0x4d: {  	_ =	shalt  }
0x4e: {  	_ =	shalt  }
0x4f: {  	_ =	shalt  }
0x50: {  	_ =	shalt  }
0x51: {  	_ =	shalt  }
0x52: {  	_ =	shalt  }
0x53: {  	_ =	shalt  }
0x54: {  	_ =	shalt  }
0x55: {  	_ =	shalt  }
0x56: {  	_ =	shalt  }
0x57: {  	_ =	shalt  }
0x58: {  	_ =	shalt  }
0x59: {  	_ =	shalt  }
0x5a: {  	_ =	shalt  }
0x5b: {  	_ =	shalt  }
0x5c: {  	_ =	shalt  }
0x5d: {  	_ =	shalt  }
0x5e: {  	_ =	shalt  }
0x5f: {  	_ =	shalt  }
0x60: {  	_ =	shalt  }
0x61: {  	_ =	shalt  }
0x62: {  	_ =	shalt  }
0x63: {  	_ =	shalt  }
0x64: {  	_ =	shalt  }
0x65: {  	_ =	shalt  }
0x66: {  	_ =	shalt  }
0x67: {  	_ =	shalt  }
0x68: {  	_ =	shalt  }
0x69: {  	_ =	shalt  }
0x6a: {  	_ =	shalt  }
0x6b: {  	_ =	shalt  }
0x6c: {  	_ =	shalt  }
0x6d: {  	_ =	shalt  }
0x6e: {  	_ =	shalt  }
0x6f: {  	_ =	shalt  }
0x70: {  	_ =	shalt  }
0x71: {  	_ =	shalt  }
0x72: {  	_ =	shalt  }
0x73: {  	_ =	shalt  }
0x74: {  	_ =	shalt  }
0x75: {  	_ =	shalt  }
0x76: {  	_ =	shalt  }
0x77: {  	_ =	shalt  }
0x78: {  	_ =	shalt  }
0x79: {  	_ =	shalt  }
0x7a: {  	_ =	shalt  }
0x7b: {  	_ =	shalt  }
0x7c: {  	_ =	shalt  }
0x7d: {  	_ =	shalt  }
0x7e: {  	_ =	shalt  }
0x7f: {  	_ =	shalt  }
0x80: {  	_ =	shalt  }
0x81: {  	_ =	shalt  }
0x82: {  	_ =	shalt  }
0x83: {  	_ =	shalt  }
0x84: {  	_ =	shalt  }
0x85: {  	_ =	shalt  }
0x86: {  	_ =	shalt  }
0x87: {  	_ =	shalt  }
.Lfunc_end0:
.L_simem_size_0:
called_computation.1_lowered:
.L_overlay_start_0:
0x88: {  	s2 =	sld [smem:$0x3FD9]  }
0x89: {  	s3 =	sld [smem:$0x3FFE];
	_ =	sdelay $0x1  }
0x8a: {  	s1 =	srdreg.scid  }
0x8b: {  	s0 =	sand.u32 $0x1, s1  }
0x8c: {  	s16 =	sshll.u32 s0, $0xA;
	s2 =	sadd.s32 s3, s2  }
0x8d: {  	s2 =	sadd.s32 s2, s16  }
0x8e: {  	[smem:$0x3FB6] =	sst s2  }
0x8f: {  	_ = 	snop  }
0x90: {  	(tm) =	ssettm $0x1  }
0x91: {  	s17 =	sld [smem:$0x3FFB];
	_ =	sdelay $0x3  }
0x92: {  	_ =	strace s17  }
0x93: {  	s2 =	sld [smem:$0x3FFC];
	_ =	sdelay $0x3  }
0x94: {  	_ =	strace s2  }
0x95: {  	s2 =	sld [smem:$0x3FFD];
	_ =	sdelay $0x3  }
0x96: {  	_ =	strace s2  }
0x97: {  	_ =	strace $0x8FFFFFFF  }
0x98: {  	s18 =	sld [smem:$0x3FDB];
	_ =	sdelay $0x1  }
0x99: {  	s19 =	simm.s32 $_scs_section_size  }
0x9a: {  	s4 =	simm.s32 $_size__tile_overlayer_lowered;
	s5 =	simm.s32 $_tile_overlayer_lowered  }
0x9b: {  	s22 =	simm.s32 $0x1BFF;
	s21 =	sshll.u32 s5, $0x1;
	s2 =	sadd.s32 s19, s18  }
0x9c: {  	s6 =	simm.s32 $0x0;
	s20 =	sshll.u32 s4, $0x1;
	s4 =	sadd.s32 s21, s2  }
0x9d: {  	[timem:s6], [sflag:s22] =	dma.local [hbm:s4], s20  }
0x9e: {  	_ =	swait.ge [sflag:s22], s20  }
0x9f: {  	s3 =	ssub.s32 $0x0, s20;
	[sflag:s22] =	ssyncset.done $0x0  }
0xa0: {  	[sflag:s22] =	ssyncadd.s32 s3;
	_ =	sdelay $0x1  }
0xa1: {  	s23 =	simm.s32 $0x1B8B  }
0xa2: {  	_ =	swait.ge [sflag:s23], $0x1  }
0xa3: {  	[sflag:s23] =	ssyncset.done $0x0  }
0xa4: {  	s25 =	simm.s32 $0x1B8E;
	s24 =	sld [smem:$0x3FFE];
	[sflag:s23] =	ssyncadd.s32 $0xFFFFFFFF  }
0xa5: {  	s26 =	simm.s32 $execute0_lowered;
	[smem:$0x3FD2] =	sst s25  }
0xa6: {  	s4 =	sshll.u32 s26, $0x1;
	_ =	strace $0x80000049;
	[dreg:$0x1] =	wrdreg $0xFFFFFFFF  }
0xa7: {  	s28 =	simm.s32 $_size_execute0_lowered;
	s2 =	sadd.s32 s2, s4;
	[dreg:$0x0] =	wrdreg $0x0  }
0xa8: {  	s4 =	sshll.u32 s28, $0x1;
	[dreg:$0x2] =	wrdreg s2  }
0xa9: {  	[dreg:$0x3] =	wrdreg s4  }
0xaa: {  	[dreg:$0x4] =	wrdreg $0xC0  }
0xab: {  	_ =	task [dreg:s6], $0x5FFFF  }
0xac: {  	[dreg:$0x1] =	wrdreg $0xFFFFFFFF  }
0xad: {  	[dreg:$0x0] =	wrdreg $0x60  }
0xae: {  	[dreg:$0x2] =	wrdreg s24  }
0xaf: {  	[dreg:$0x3] =	wrdreg $0x1E0200  }
0xb0: {  	[dreg:$0x4] =	wrdreg $0x143E00  }
0xb1: {  	[dreg:$0x5] =	wrdreg $0x9  }
0xb2: {  	_ =	task.clear_ibuf [dreg:s6], $0x6FFFF;
	_ =	strace $0x90000049  }
0xb3: {  	s29 =	simm.s32 $0x9;
	_ =	strace $0x8000004B  }
0xb4: {  	_ =	swait.ge [sflag:s29], $0x1  }
0xb5: {  	[sflag:s29] =	ssyncadd.s32 $0xFFFFFFFF  }
0xb6: {  	_ =	strace $0x9000004B  }
0xb7: {  	_ =	sfence  }
0xb8: {  	s30 =	sld [smem:$0x0];
	_ =	sdelay $0x2  }
0xb9: {  	s31 =	sshll.u32 s1, $0xD;
	s1 =	sshrl.u32 s1, $0x2  }
0xba: {  	s3 =	sand.u32 $0x4000, s31;
	s1 =	sadd.s32 s1, s30  }
0xbb: {  	s0 =	sor.u32 s3, s0;
	s1 =	sshll.u32 s1, $0x11  }
0xbc: {  	s0 =	sor.u32 s1, s0  }
0xbd: {  	s0 =	sadd.s32 $0x8F2B, s0  }
0xbe: {  	[sflag:s0] =	ssyncadd.remote.s32 $0x1  }
0xbf: {  	_ =	sfence.sel $0xFFFF  }
0xc0: {  	[dreg:$0x0] =	wrdreg $0xFFFFFFFF;
	(pc) =	sbr.abs _section_cstart, $3  }
0xc1: {  	[dreg:$0x1] =	wrdreg $0xFFFFFFFF  }
0xc2: {  	_ =	task.clear_ibuf [dreg:s6], $0x2FFFF;
	_ =	strace $0x9FFFFFFF  }
0xc3: {  	(tm) =	ssettm $0x7FFFFFFF  }
tec
execute0_lowered:
.L_overlay_start_1:
0x0: {  	(tag) =	ssettag $0x1  }
0x1: {  	s0 =	rddreg [dreg:$0x0]  }
0x2: {  	s1 =	rddreg [dreg:$0x1]  }
0x3: {  	s2 =	rddreg [dreg:$0x2];
	s3 =	simm.s32 $0x0;
	s19 =	stileid.u32  }
0x4: {  	s25 =	srdreg.scid;
	s29 =	simm.s32 $0x13810;
	s30 =	simm.s32 $0x80  }
0x5: {  	s31 =	simm.s32 $0x11810;
	[smem:$0x7FF] =	sst s3;
	s5 =	smul.u32 $0x2800, s19  }
0x6: {  	s6 =	sadd.s32 $0x1A00, s0;
	s4 =	sadd.s32 $0x5A200, s0;
	s17 =	smul.u32 $0x27000, s19  }
0x7: {  	s3 =	sand.u32 $0x1, s25;
	s9 =	sadd.s32 $0x5B600, s0;
	s20 =	smul.u32 $0x270, s19  }
0x8: {  	s11 =	sadd.s32 $0x9C000, s2;
	s24 =	sadd.s32 $0x7D0, s1;
	s25 =	sadd.s32 $0xFA0, s1  }
0x9: {  	p1 =	seq.s32 s19, $0x0;
	p0 =	sne.s32 s19, $0x0;
	p2 =	sne.s32 s19, $0xF  }
0xa: {  	_ =	strace $0x8000004A;
	[dreg:$0x4] =	wrdreg s4;
	s7 =	smul.u32 $0x4E2, s3  }
0xb: {  	s8 =	ssub.s32 $0x2, s3;
	s12 =	smul.u32 $0x4E20, s3;
	[dreg:$0x9] =	wrdreg s24  }
0xc: {  	s21 =	smul.u32 $0x138800, s3;
	[dreg:$0xa] =	wrdreg s25;
	p3 =	sne.s32 @!p1 s19, $0xF  }
0xd: {  	s26 =	sshrl.u32 s5, $0x3;
	s10 =	sshrl.u32 s8, $0x1;
	p3 =	por p3, p1  }
0xe: {  	s4 =	sadd.s32 s26, s0;
	s0 =	sadd.s32 s7, s0;
	s28 =	ssub.s32 s8, s10  }
0xf: {  	s8 =	sshrl.u32 s17, $0x2;
	s12 =	sadd.s32 s20, s12;
	s26 =	sadd.s32 $0x1770, s1  }
0x10: {  	s18 =	sadd.s32 $0x55200, s4;
	s4 =	sadd.s32 $0x50200, s4;
	s10 =	sadd.s32 s8, s2  }
0x11: {  	s12 =	sshll.u32 s12, $0x3;
	s8 =	sshrl.u32 s21, $0x3;
	s15 =	sadd.s32 $0x5AC00, s0  }
0x12: {  	s17 =	smax.u32 s28, $0x1;
	[dreg:$0xb] =	wrdreg s26;
	s28 =	sadd.s32 $0x1F40, s1  }
0x13: {  	[dreg:$0x5] =	wrdreg s18;
	s18 =	sshll.u32 s3, $0x1;
	s3 =	sshllo.u32 s3, $0x1  }
0x14: {  	s26 =	simm.s32 $0x1;
	[dreg:$0x6] =	wrdreg s4;
	s13 =	smul.u32 $0x2710, s3  }
0x15: {  	s12 =	sadd.s32 s9, s12;
	[dreg:$0xc] =	wrdreg s28;
	s14 =	smul.u32 $0x9C400, s3  }
0x16: {  	s0 =	simm.s32 $0x0;
	s8 =	sadd.s32 s9, s8;
	[dreg:$0x7] =	wrdreg s12  }
0x17: {  	s8 =	sadd.s32 $0x13800, s8;
	s4 =	sadd.s32 s20, s13;
	s22 =	sshrl.u32 s14, $0x3  }
0x18: {  	[dreg:$0x8] =	wrdreg s8;
	s4 =	sshll.u32 s4, $0x3;
	s23 =	sadd.s32 s9, s22  }
0x19: {  	v2 =	vimm.f32 $0.0e+00;
	v0 =	vmov s18;
	v1 =	vmov s3;
	s22 =	simm.s32 $0x2;
	s14 =	sadd.s32 s9, s4;
	s16 =	sadd.s32 $0x13800, s23  }
.LBB2_1:
0x1a: {  	s3 =	simm.s32 $0x0;
	s4 =	rddreg [dreg:$0x5]  }
0x1b: {  	[tilespmem:s3], [sflag:$0x2] =	stream.linear.gather [hbm4b:s4+s3], $0x2800, $0x38;
	[tilespmem:$0x1E298] =	vst v63  }
0x1c: {  	_ =	swait.ge [sflag:s22], $0x2800  }
0x1d: {  	[sflag:s22] =	ssyncset.done $0x0  }
0x1e: {  	s7 =	simm.s32 $0x2800;
	s28 =	rddreg [dreg:$0x6];
	[sflag:s22] =	ssyncadd.s32 $0xFFFFD800  }
0x1f: {  	[tilespmem:s7], [sflag:$0x2] =	stream.linear.gather [hbm4b:s28+s3], $0x2800, $0x38;
	[tilespmem:$0x1E298] =	vst v63  }
0x20: {  	_ =	swait.ge [sflag:s22], $0x2800  }
0x21: {  	s8 =	simm.s32 $0x0;
	s4 =	simm.s32 $0x0;
	[sflag:s22] =	ssyncset.done $0x0  }
0x22: {  	s3 =	simm.s32 $0x0;
	s7 =	simm.s32 $0x10;
	[sflag:s22] =	ssyncadd.s32 $0xFFFFD800  }
.LBB2_2:
0x23: {  	p4 =	sne.s32 s7, $0x27F0;
	v3 =	vld [tilespmem:s3+$0x2800];
	_ =	sdelay $0x1  }
.Ltmp0:
0x24: {  	s9 =	sand.u32 $0xFE00, s4;
	(pc) =	sbr.rel @p4 .LBB2_2-.Ltmp0, $4  }
0x25: {  	s18 =	sand.u32 $0x70, s8;
	s8 =	smov.u32 s7;
	s9 =	sshrl.u32 s9, $0x2  }
0x26: {  	s9 =	sor.u32 s18, s9  }
0x27: {  	s4 =	sadd.s32 $0x40, s4;
	[tilespmem:s9+$0x5000] =	vst v3;
	v3 =	vadd.s32 $0x2710, v3  }
0x28: {  	s7 =	sadd.s32 $0x10, s7;
	[tilespmem:s3+$0x2800] =	vst v3;
	s3 =	sshra.s32 s4, $0x2  }
0x29: {  	v3 =	vld [tilespmem:s3+$0x2800];
	_ =	sdelay $0x1  }
0x2a: {  	s4 =	sand.u32 $0xFE00, s4  }
0x2b: {  	s7 =	sand.u32 $0x70, s8;
	s4 =	sshrl.u32 s4, $0x2  }
0x2c: {  	s4 =	sor.u32 s7, s4  }
0x2d: {  	s24 =	rddreg [dreg:$0x4];
	[tilespmem:s4+$0x5000] =	vst v3;
	v3 =	vadd.s32 $0x2710, v3  }
0x2e: {  	s25 =	simm.s32 $0x5000;
	s28 =	simm.s32 $0x7800;
	[tilespmem:s3+$0x2800] =	vst v3;
	s3 =	simm.s32 $0x0  }
0x2f: {  	[tilespmem:s28], [sflag:$0x1] =	stream.indirect.gather [hbm4b:s24+s25], $0x1, s3, s25, $0xb8;
	[tilespmem:$0x1E298] =	vst v63  }
0x30: {  	_ =	swait.ge [sflag:s26], $0x5000  }
0x31: {  	[sflag:s26] =	ssyncset.done $0x0  }
0x32: {  	s9 =	simm.s32 $0x0;
	[sflag:s26] =	ssyncadd.s32 $0xFFFFB000  }
0x33: {  	v3 =	vld [tilespmem:s9+$0x7800]  }
0x34: {  	v4 =	vld [tilespmem:s9+$0xA000];
	_ =	sdelay $0x4  }
0x35: {  	v3 =	vadd.f32 v4, v3  }
0x36: {  	s7 =	simm.s32 $0x10  }
0x37: {  	v5 =	vld [tilespmem:s7+$0x7800];
	v4 =	vmul.f32 $2.000000030e-01, v3  }
0x38: {  	v6 =	vld [tilespmem:s7+$0xA000];
	vm0 =	vgt.f32 v3, $0.0e+00  }
0x39: {  	v3 =	vsel vm0, v3, v4  }
0x3a: {  	s8 =	simm.s32 $0x20;
	v3 =	vmul.f32 $1.442695020e+00, v3  }
0x3b: {  	v4 =	vld [tilespmem:s8+$0x7800]  }
0x3c: {  	(erf) = vpow2.f32 v3;
	v3 =	vld [tilespmem:s8+$0xA000]  }
0x3d: {  	v5 =	vadd.f32 v6, v5;
	_ =	sdelay $0x1  }
0x3e: {  	v6 =	vmul.f32 $2.000000030e-01, v5  }
0x3f: {  	vm14 =	vgt.f32 v5, $0.0e+00  }
0x40: {  	v7 =	vadd.f32 v3, v4;
	v3 =	vsel vm14, v5, v6  }
0x41: {  	s18 =	simm.s32 $0x30;
	v4 =	vmul.f32 $1.442695020e+00, v3  }
0x42: {  	v3 =	vld [tilespmem:s18+$0x7800];
	v5 =	vmul.f32 $2.000000030e-01, v7  }
0x43: {  	(erf) = vpow2.f32 v4;
	v4 =	vld [tilespmem:s18+$0xA000];
	_ =	sdelay $0x1  }
0x44: {  	s20 =	simm.s32 $0x100;
	vm15 =	vgt.f32 v7, $0.0e+00  }
0x45: {  	p4 =	slt.u32 s5, $0x27100;
	s19 =	smov.u32 s5;
	s4 =	simm.s32 $0x40;
	v6 =	vsel vm15, v7, v5;
	v5 =	vpop (erf)  }
.LBB2_4:
0x46: {  	s21 =	sshra.s32 s20, $0x2;
	v6 =	vmul.f32 $1.442695020e+00, v6;
	v5 =	vpsel !p4, $0x0, v5;
	p5 =	sne.s32 s20, $0x9FC0  }
.Ltmp1:
0x47: {  	s20 =	sadd.s32 $0x40, s20;
	v7 =	vadd.f32 v4, v3;
	v3 =	vld [tilespmem:s21+$0x7800];
	[tilespmem:s9+$0xC800] =	vst v5;
	(pc) =	sbr.rel @p5 .LBB2_4-.Ltmp1, $4  }
0x48: {  	s9 =	smov.u32 s7;
	s7 =	smov.u32 s8;
	s8 =	smov.u32 s18;
	v4 =	vld [tilespmem:s21+$0xA000];
	(erf) = vpow2.f32 v6  }
0x49: {  	s18 =	smov.u32 s21;
	v8 =	vmul.f32 $2.000000030e-01, v7  }
0x4a: {  	s19 =	sadd.s32 $0x10, s19;
	vm0 =	vgt.f32 v7, $0.0e+00  }
0x4b: {  	p4 =	slt.u32 s19, $0x27100;
	v6 =	vsel vm0, v7, v8;
	v5 =	vpop (erf)  }
0x4c: {  	_ = 	snop  }
0x4d: {  	v3 =	vadd.f32 v4, v3;
	_ =	sdelay $0x1  }
0x4e: {  	v4 =	vmul.f32 $2.000000030e-01, v3  }
0x4f: {  	vm0 =	vgt.f32 v3, $0.0e+00  }
0x50: {  	v60 =	vmul.f32 $1.442695020e+00, v6;
	v3 =	vsel vm0, v3, v4  }
0x51: {  	v3 =	vmul.f32 $1.442695020e+00, v3  }
0x52: {  	(erf) = vpow2.f32 v60  }
0x53: {  	(erf) = vpow2.f32 v3;
	_ =	sdelay $0x5  }
0x54: {  	s19 =	sadd.s32 $0x10, s19  }
0x55: {  	v61 =	vpsel !p4, $0x0, v5;
	p6 =	slt.u32 s19, $0x27100;
	s19 =	sadd.s32 $0x10, s19;
	v3 =	vpop (erf)  }
0x56: {  	[tilespmem:s9+$0xC800] =	vst v61;
	p5 =	slt.u32 s19, $0x27100;
	s24 =	sadd.s32 $0x10, s19;
	v3 =	vpsel !p6, $0x0, v3;
	v62 =	vpop (erf)  }
0x57: {  	s25 =	sand.u32 $0xF00, s3;
	p6 =	slt.u32 s24, $0x27100;
	[tilespmem:s7+$0xC800] =	vst v3;
	v3 =	vpsel !p5, $0x0, v62;
	v63 =	vpop (erf)  }
0x58: {  	s28 =	sand.u32 $0x30, s3;
	s7 =	sshrl.u32 s25, $0x2;
	[tilespmem:s8+$0xC800] =	vst v3;
	v3 =	vpsel !p6, $0x0, v63  }
0x59: {  	s7 =	sor.u32 s28, s7;
	[tilespmem:s18+$0xC800] =	vst v3  }
.LBB2_6:
0x5a: {  	p4 =	sne.s32 s4, $0xFC0  }
0x5b: {  	[tilespmem:s7+$0x13810] =	vst v2;
	s3 =	sadd.s32 $0x10, s3;
	s7 =	smov.u32 s4;
	s4 =	sadd.s32 $0x40, s4  }
.Ltmp2:
0x5c: {  	(pc) =	sbr.rel @p4 .LBB2_6-.Ltmp2, $4  }
0x5d: {  	_ = 	snop  }
0x5e: {  	s7 =	sand.u32 $0xF00, s7  }
0x5f: {  	s8 =	sand.u32 $0x30, s3;
	s7 =	sshrl.u32 s7, $0x2  }
0x60: {  	s7 =	sor.u32 s8, s7  }
.Ltmp3:
0x61: {  	(pc) =	sbr.rel @p0 .LBB2_11-.Ltmp3, $2  }
0x62: {  	_ =	sdelay $0x2  }
0x63: {  	[tilespmem:s7+$0x13810] =	vst v2  }
0x64: {  	s3 =	simm.s32 $0x40;
	s4 =	simm.s32 $0x0  }
.LBB2_9:
0x65: {  	p4 =	sne.s32 s3, $0x1F00;
	[tilespmem:s4+$0x13C10] =	vst v2;
	s4 =	smov.u32 s3;
	s3 =	sadd.s32 $0x40, s3  }
.Ltmp4:
0x66: {  	(pc) =	sbr.rel @p4 .LBB2_9-.Ltmp4, $2  }
0x67: {  	_ =	sdelay $0x2  }
0x68: {  	s4 =	sshra.s32 s4, $0x2  }
0x69: {  	[tilespmem:s4+$0x13C10] =	vst v2;
	s23 =	simm.s32 $0x13C10  }
0x6a: {  	[spmem:s1] =	stream.linear.scatter [tilespmem:s23], [sflag:$0x2], $0x7D0, $0x38;
	[tilespmem:$0x1E298] =	vst v63  }
0x6b: {  	_ =	swait.ge [sflag:s22], $0x7D0  }
0x6c: {  	[sflag:s22] =	ssyncset.done $0x0  }
0x6d: {  	s3 =	rddreg [dreg:$0x9];
	[sflag:s22] =	ssyncadd.s32 $0xFFFFF830  }
0x6e: {  	[spmem:s3] =	stream.linear.scatter [tilespmem:s23], [sflag:$0x2], $0x7D0, $0x38;
	[tilespmem:$0x1E298] =	vst v63  }
0x6f: {  	_ =	swait.ge [sflag:s22], $0x7D0  }
0x70: {  	[sflag:s22] =	ssyncset.done $0x0  }
0x71: {  	s24 =	rddreg [dreg:$0xa];
	[sflag:s22] =	ssyncadd.s32 $0xFFFFF830  }
0x72: {  	[spmem:s24] =	stream.linear.scatter [tilespmem:s23], [sflag:$0x2], $0x7D0, $0x38;
	[tilespmem:$0x1E298] =	vst v63  }
0x73: {  	_ =	swait.ge [sflag:s22], $0x7D0  }
0x74: {  	[sflag:s22] =	ssyncset.done $0x0  }
0x75: {  	s25 =	rddreg [dreg:$0xb];
	[sflag:s22] =	ssyncadd.s32 $0xFFFFF830  }
0x76: {  	[spmem:s25] =	stream.linear.scatter [tilespmem:s23], [sflag:$0x2], $0x7D0, $0x38;
	[tilespmem:$0x1E298] =	vst v63  }
0x77: {  	_ =	swait.ge [sflag:s22], $0x7D0  }
0x78: {  	[sflag:s22] =	ssyncset.done $0x0  }
0x79: {  	s28 =	rddreg [dreg:$0xc];
	[sflag:s22] =	ssyncadd.s32 $0xFFFFF830  }
0x7a: {  	[spmem:s28] =	stream.linear.scatter [tilespmem:s23], [sflag:$0x2], $0x7D0, $0x38;
	[tilespmem:$0x1E298] =	vst v63  }
0x7b: {  	_ =	swait.ge [sflag:s22], $0x7D0  }
0x7c: {  	[sflag:s22] =	ssyncset.done $0x0  }
0x7d: {  	[sflag:s22] =	ssyncadd.s32 $0xFFFFF830  }
.LBB2_11:
0x7e: {  	s3 =	simm.s32 $0x0  }
0x7f: {  	s8 =	simm.s32 $0x0;
	s7 =	simm.s32 $0x10;
	s4 =	simm.s32 $0x0  }
.LBB2_12:
0x80: {  	p4 =	sne.s32 s7, $0x27F0;
	v3 =	vld [tilespmem:s8+$0x0];
	_ =	sdelay $0x2  }
.Ltmp5:
0x81: {  	(pc) =	sbr.rel @p4 .LBB2_12-.Ltmp5, $4  }
0x82: {  	s8 =	sand.u32 $0xFE00, s3  }
0x83: {  	s9 =	sand.u32 $0x70, s4;
	s4 =	smov.u32 s7;
	s8 =	sshrl.u32 s8, $0x2;
	v3 =	vshll.u32 v3, $0x2  }
0x84: {  	s3 =	sadd.s32 $0x40, s3;
	s9 =	sor.u32 s9, s8;
	v3 =	vor.u32 v0, v3  }
0x85: {  	s7 =	sadd.s32 $0x10, s7;
	s8 =	sshra.s32 s3, $0x2;
	[tilespmem:s9+$0xF010] =	vst v3  }
0x86: {  	v3 =	vld [tilespmem:s8+$0x0];
	_ =	sdelay $0x3  }
0x87: {  	s3 =	sand.u32 $0xFE00, s3  }
0x88: {  	s4 =	sand.u32 $0x70, s4;
	s3 =	sshrl.u32 s3, $0x2;
	v3 =	vshll.u32 v3, $0x2  }
0x89: {  	s3 =	sor.u32 s4, s3;
	v3 =	vor.u32 v0, v3  }
0x8a: {  	s28 =	sadd.s32 $0x0, s10;
	[tilespmem:s3+$0xF010] =	vst v3  }
0x8b: {  	[spmem:s28] =	stream.linear.scatter [tilespmem:s29], [sflag:$0x2], $0x400, $0x38;
	[tilespmem:$0x1E298] =	vst v63  }
0x8c: {  	s3 =	simm.s32 $0x1000;
	_ =	swait.ge [sflag:s22], $0x400  }
.LBB2_14:
0x8d: {  	s4 =	sshra.s32 s3, $0x2;
	[sflag:s22] =	ssyncset.done $0x0;
	p4 =	sne.s32 s3, $0x26000  }
.Ltmp6:
0x8e: {  	s4 =	sadd.s32 s4, s10;
	[sflag:s22] =	ssyncadd.s32 $0xFFFFFC00;
	(pc) =	sbr.rel @p4 .LBB2_14-.Ltmp6, $3  }
0x8f: {  	[spmem:s4] =	stream.linear.scatter [tilespmem:s29], [sflag:$0x2], $0x400, $0x38;
	[tilespmem:$0x1E298] =	vst v63  }
0x90: {  	s3 =	sadd.s32 $0x1000, s3;
	_ =	sdelay $0x1  }
0x91: {  	_ =	swait.ge [sflag:s22], $0x400  }
0x92: {  	[sflag:s22] =	ssyncset.done $0x0  }
0x93: {  	s3 =	simm.s32 @!p2 $0x13810;
	[sflag:s22] =	ssyncadd.s32 $0xFFFFFC00  }
0x94: {  	[spmem:s11] =	stream.linear.scatter @!p2 [tilespmem:s3], [sflag:$0x2], $0x400, $0x38;
	[tilespmem:$0x1E298] =	vst v63  }
0x95: {  	s3 =	simm.s32 @!p2 $0x2  }
0x96: {  	_ =	swait.ge @!p2 [sflag:s3], $0x400  }
0x97: {  	[sflag:s3] =	ssyncset.done @!p2 $0x0  }
0x98: {  	s18 =	simm.s32 $0x0;
	[sflag:s3] =	ssyncadd.s32 @!p2 $0xFFFFFC00  }
0x99: {  	s19 =	simm.s32 $0xC803;
	s20 =	simm.s32 $0x0;
	[bflag:$0x0] =	sbarrier.arrive $0xFFFF  }
.LBB2_16:
0x9a: {  	s3 =	sshll.u32 s20, $0x7  }
0x9b: {  	s4 =	sadd.s32 $0xF010, s3  }
0x9c: {  	[tilespmem:s31], [sflag:$0x1] =	stream.indirect.gather [hbm4b:s6+s30], $0x40, s4, s30, $0xb8;
	[tilespmem:$0x1E298] =	vst v63  }
0x9d: {  	s24 =	sadd.s32 $0xC800, s3;
	s21 =	sadd.s32 $0x5000, s3  }
0x9e: {  	[spmem:s1] =	stream.indirect.scatter.add.f32 [tilespmem:s24], [sflag:$0x2], $0x1, s21, s30, $0xb8;
	[tilespmem:$0x1E298] =	vst v63  }
0x9f: {  	_ =	swait.ge [sflag:s22], $0x80  }
0xa0: {  	[sflag:s22] =	ssyncset.done $0x0  }
0xa1: {  	[sflag:s22] =	ssyncadd.s32 $0xFFFFFF80  }
0xa2: {  	_ =	swait.ge [sflag:s26], $0x2000  }
0xa3: {  	s12 =	sand.u32 $0x78, s18;
	s23 =	simm.s32 $0x11890;
	[sflag:s26] =	ssyncset.done $0x0  }
0xa4: {  	s13 =	sand.u32 $0x4, s18;
	s3 =	sadd.s32 s12, s24;
	[sflag:s26] =	ssyncadd.s32 $0xFFFFE000  }
0xa5: {  	s4 =	sadd.s32 s13, s3;
	v3 =	vld [tilespmem:s23+$0xFFFFFFB0]  }
0xa6: {  	v4 =	vld.msk [tilespmem:s4+$0x0 ss:$0x0], $0xffff  }
0xa7: {  	v5 =	vld [tilespmem:s23+$0xFFFFFF80]  }
0xa8: {  	v6 =	vld [tilespmem:s23+$0xFFFFFF90]  }
0xa9: {  	v7 =	vld [tilespmem:s23+$0xFFFFFFA0];
	_ =	sdelay $0x1  }
0xaa: {  	v3 =	vmul.f32 v3, v4  }
0xab: {  	v5 =	vmul.f32 v4, v5  }
0xac: {  	v6 =	vmul.f32 v6, v4;
	[tilespmem:s23+$0xFFFFFFB0] =	vst v3  }
0xad: {  	s25 =	simm.s32 $0x1;
	v3 =	vmul.f32 v7, v4;
	[tilespmem:s23+$0xFFFFFF80] =	vst v5  }
0xae: {  	s4 =	sand.u32 $0x5, s25;
	[tilespmem:s23+$0xFFFFFF90] =	vst v6  }
0xaf: {  	s4 =	sadd.s32 s4, s3;
	v4 =	vld [tilespmem:s23+$0xFFFFFFC0];
	[tilespmem:s23+$0xFFFFFFA0] =	vst v3  }
0xb0: {  	v3 =	vld.msk [tilespmem:s4+$0x0 ss:$0x0], $0xffff  }
0xb1: {  	v5 =	vld [tilespmem:s23+$0xFFFFFFF0]  }
0xb2: {  	v6 =	vld [tilespmem:s23+$0xFFFFFFD0]  }
0xb3: {  	v7 =	vld [tilespmem:s23+$0xFFFFFFE0];
	_ =	sdelay $0x1  }
0xb4: {  	v4 =	vmul.f32 v3, v4  }
0xb5: {  	v5 =	vmul.f32 v5, v3  }
0xb6: {  	v6 =	vmul.f32 v6, v3;
	[tilespmem:s23+$0xFFFFFFC0] =	vst v4  }
0xb7: {  	s28 =	simm.s32 $0x2;
	v3 =	vmul.f32 v7, v3;
	[tilespmem:s23+$0xFFFFFFF0] =	vst v5  }
0xb8: {  	s4 =	sand.u32 $0x6, s28;
	[tilespmem:s23+$0xFFFFFFD0] =	vst v6  }
0xb9: {  	s3 =	sadd.s32 s4, s3;
	[tilespmem:s23+$0xFFFFFFE0] =	vst v3;
	v3 =	vld [tilespmem:s23+$0x0]  }
0xba: {  	v4 =	vld.msk [tilespmem:s3+$0x0 ss:$0x0], $0xffff  }
0xbb: {  	v5 =	vld [tilespmem:s23+$0x30]  }
0xbc: {  	v6 =	vld [tilespmem:s23+$0x20]  }
0xbd: {  	v7 =	vld [tilespmem:s23+$0x10];
	_ =	sdelay $0x1  }
0xbe: {  	v3 =	vmul.f32 v4, v3  }
0xbf: {  	v5 =	vmul.f32 v5, v4  }
0xc0: {  	v6 =	vmul.f32 v6, v4;
	[tilespmem:s23+$0x0] =	vst v3  }
0xc1: {  	s7 =	simm.s32 $0x11890;
	v4 =	vmul.f32 v7, v4;
	[tilespmem:s23+$0x30] =	vst v5  }
0xc2: {  	s25 =	smov.u32 s19;
	s4 =	simm.s32 $0x4;
	s3 =	smov.u32 s19;
	[tilespmem:s23+$0x20] =	vst v6;
	v3 =	vld [tilespmem:s23+$0x40]  }
.LBB2_17:
0xc3: {  	p4 =	sne.s32 s4, $0x7C;
	[tilespmem:s23+$0x10] =	vst v4;
	v4 =	vld [tilespmem:s23+$0x70];
	s25 =	sadd.s32 $0x4, s25;
	s7 =	sadd.s32 $0x100, s7  }
0xc4: {  	s8 =	smov.u32 s4;
	s4 =	sadd.s32 $0x4, s4;
	v5 =	vld.msk [tilespmem:s3+$0x0 ss:$0x0], $0xffff;
	s3 =	smov.u32 s25  }
0xc5: {  	v6 =	vld [tilespmem:s23+$0x50]  }
0xc6: {  	v7 =	vld [tilespmem:s23+$0x60];
	_ =	sdelay $0x3  }
0xc7: {  	v3 =	vmul.f32 v5, v3;
	v6 =	vmul.f32 v6, v5  }
0xc8: {  	v4 =	vmul.f32 v4, v5;
	v7 =	vmul.f32 v7, v5  }
0xc9: {  	[tilespmem:s23+$0x40] =	vst v3  }
0xca: {  	s9 =	sand.u32 $0x78, s8;
	[tilespmem:s23+$0x50] =	vst v6  }
0xcb: {  	s28 =	sand.u32 $0x4, s8;
	s9 =	sadd.s32 s9, s24;
	v3 =	vld [tilespmem:s7+$0xFFFFFFA0];
	[tilespmem:s23+$0x70] =	vst v4  }
0xcc: {  	s28 =	sadd.s32 s28, s9;
	v4 =	vld [tilespmem:s7+$0xFFFFFFB0];
	[tilespmem:s23+$0x60] =	vst v7;
	s23 =	smov.u32 s7  }
0xcd: {  	v5 =	vld.msk [tilespmem:s28+$0x0 ss:$0x0], $0xffff  }
0xce: {  	v6 =	vld [tilespmem:s7+$0xFFFFFF80]  }
0xcf: {  	v7 =	vld [tilespmem:s7+$0xFFFFFF90];
	_ =	sdelay $0x3  }
0xd0: {  	v4 =	vmul.f32 v4, v5;
	v6 =	vmul.f32 v5, v6  }
0xd1: {  	v3 =	vmul.f32 v3, v5;
	v7 =	vmul.f32 v7, v5  }
0xd2: {  	[tilespmem:s7+$0xFFFFFFB0] =	vst v4  }
0xd3: {  	s28 =	sadd.s32 $0x1, s8;
	[tilespmem:s7+$0xFFFFFF80] =	vst v6  }
0xd4: {  	s28 =	sand.u32 $0x5, s28;
	[tilespmem:s7+$0xFFFFFF90] =	vst v7;
	v4 =	vld [tilespmem:s7+$0xFFFFFFF0]  }
0xd5: {  	s28 =	sadd.s32 s28, s9;
	[tilespmem:s7+$0xFFFFFFA0] =	vst v3;
	v3 =	vld [tilespmem:s7+$0xFFFFFFD0]  }
0xd6: {  	v5 =	vld.msk [tilespmem:s28+$0x0 ss:$0x0], $0xffff  }
0xd7: {  	v6 =	vld [tilespmem:s7+$0xFFFFFFC0]  }
0xd8: {  	v7 =	vld [tilespmem:s7+$0xFFFFFFE0];
	_ =	sdelay $0x3  }
0xd9: {  	v3 =	vmul.f32 v3, v5;
	v6 =	vmul.f32 v5, v6  }
0xda: {  	v4 =	vmul.f32 v4, v5;
	v7 =	vmul.f32 v7, v5  }
0xdb: {  	[tilespmem:s7+$0xFFFFFFC0] =	vst v6  }
0xdc: {  	s8 =	sadd.s32 $0x2, s8;
	[tilespmem:s7+$0xFFFFFFF0] =	vst v4  }
0xdd: {  	s8 =	sand.u32 $0x6, s8;
	[tilespmem:s7+$0xFFFFFFD0] =	vst v3;
	v3 =	vld [tilespmem:s7+$0x30]  }
0xde: {  	s8 =	sadd.s32 s8, s9;
	[tilespmem:s7+$0xFFFFFFE0] =	vst v7;
	v4 =	vld [tilespmem:s7+$0x0]  }
0xdf: {  	v5 =	vld.msk [tilespmem:s8+$0x0 ss:$0x0], $0xffff  }
0xe0: {  	v6 =	vld [tilespmem:s7+$0x10]  }
0xe1: {  	v7 =	vld [tilespmem:s7+$0x20];
	_ =	sdelay $0x3  }
.Ltmp7:
0xe2: {  	v8 =	vmul.f32 v5, v4;
	v4 =	vmul.f32 v6, v5;
	(pc) =	sbr.rel @p4 .LBB2_17-.Ltmp7, $4  }
0xe3: {  	v3 =	vmul.f32 v3, v5;
	v6 =	vmul.f32 v7, v5  }
0xe4: {  	[tilespmem:s7+$0x0] =	vst v8  }
0xe5: {  	[tilespmem:s7+$0x30] =	vst v3  }
0xe6: {  	[tilespmem:s7+$0x20] =	vst v6;
	v3 =	vld [tilespmem:s7+$0x40]  }
0xe7: {  	[tilespmem:s23+$0x10] =	vst v4  }
0xe8: {  	v4 =	vld.msk [tilespmem:s3+$0x0 ss:$0x0], $0xffff  }
0xe9: {  	v5 =	vld [tilespmem:s23+$0x50]  }
0xea: {  	v6 =	vld [tilespmem:s23+$0x70]  }
0xeb: {  	v7 =	vld [tilespmem:s23+$0x60];
	_ =	sdelay $0x1  }
0xec: {  	v3 =	vmul.f32 v4, v3  }
0xed: {  	v5 =	vmul.f32 v5, v4  }
0xee: {  	v6 =	vmul.f32 v6, v4;
	[tilespmem:s23+$0x40] =	vst v3  }
0xef: {  	s20 =	sadd.s32 $0x1, s20;
	v3 =	vmul.f32 v7, v4;
	[tilespmem:s23+$0x50] =	vst v5  }
0xf0: {  	p4 =	sne.s32 s20, $0x50;
	[tilespmem:s23+$0x70] =	vst v6  }
.Ltmp8:
0xf1: {  	[tilespmem:s23+$0x60] =	vst v3;
	(pc) =	sbr.rel @p4 .LBB2_16-.Ltmp8, $4  }
0xf2: {  	[spmem:s2] =	stream.indirect.scatter.add.f32 [tilespmem:s31], [sflag:$0x2], $0x40, s21, s30, $0xb8;
	[tilespmem:$0x1E298] =	vst v63  }
0xf3: {  	_ =	swait.ge [sflag:s22], $0x2000  }
0xf4: {  	[sflag:s22] =	ssyncset.done $0x0  }
0xf5: {  	s19 =	sadd.s32 $0x80, s19;
	[sflag:s22] =	ssyncadd.s32 $0xFFFFE000  }
0xf6: {  	s3 =	stileid.u32  }
0xf7: {  	[bflag:$0x0] =	sbarrier.arrive $0xFFFF;
	s3 =	sshll.u32 s3, $0x6  }
0xf8: {  	s19 =	sshrl.u32 s10, $0x3;
	s28 =	rddreg [dreg:$0x7];
	s18 =	sor.u32 $0x1C02, s3  }
0xf9: {  	[hbm:s28], [sflag:s18] =	dma.local [spmem:s19], $0x1380  }
0xfa: {  	_ =	swait.ge [sflag:s22], $0x1380  }
0xfb: {  	[sflag:s22] =	ssyncset.done $0x0  }
0xfc: {  	s3 =	sshrl.u32 @!p2 s11, $0x3;
	s4 =	rddreg [dreg:$0x8];
	[sflag:s22] =	ssyncadd.s32 $0xFFFFEC80  }
0xfd: {  	[hbm:s4], [sflag:s18] =	dma.local @!p2 [spmem:s3], $0x80  }
0xfe: {  	s3 =	simm.s32 @!p2 $0x2  }
0xff: {  	_ =	swait.ge @!p2 [sflag:s3], $0x80  }
0x100: {  	s8 =	simm.s32 $0x0;
	s7 =	simm.s32 $0x10;
	[sflag:s3] =	ssyncset.done @!p2 $0x0  }
0x101: {  	s4 =	simm.s32 $0x0;
	[sflag:s3] =	ssyncadd.s32 @!p2 $0xFFFFFF80;
	s3 =	simm.s32 $0x0  }
.LBB2_20:
0x102: {  	p4 =	sne.s32 s7, $0x27F0;
	v3 =	vld [tilespmem:s8+$0x0];
	_ =	sdelay $0x2  }
.Ltmp9:
0x103: {  	(pc) =	sbr.rel @p4 .LBB2_20-.Ltmp9, $4  }
0x104: {  	s8 =	sand.u32 $0xFE00, s3  }
0x105: {  	s9 =	sand.u32 $0x70, s4;
	s4 =	smov.u32 s7;
	s8 =	sshrl.u32 s8, $0x2;
	v3 =	vshll.u32 v3, $0x2  }
0x106: {  	s3 =	sadd.s32 $0x40, s3;
	s9 =	sor.u32 s9, s8;
	v3 =	vor.u32 v1, v3  }
0x107: {  	s7 =	sadd.s32 $0x10, s7;
	s8 =	sshra.s32 s3, $0x2;
	[tilespmem:s9+$0xF010] =	vst v3  }
0x108: {  	v3 =	vld [tilespmem:s8+$0x0];
	_ =	sdelay $0x3  }
0x109: {  	s3 =	sand.u32 $0xFE00, s3  }
0x10a: {  	s4 =	sand.u32 $0x70, s4;
	s3 =	sshrl.u32 s3, $0x2;
	v3 =	vshll.u32 v3, $0x2  }
0x10b: {  	s3 =	sor.u32 s4, s3;
	v3 =	vor.u32 v1, v3  }
0x10c: {  	s28 =	sadd.s32 $0x0, s10;
	[tilespmem:s3+$0xF010] =	vst v3  }
0x10d: {  	[spmem:s28] =	stream.linear.scatter [tilespmem:s29], [sflag:$0x2], $0x400, $0x38;
	[tilespmem:$0x1E298] =	vst v63  }
0x10e: {  	s3 =	simm.s32 $0x1000;
	_ =	swait.ge [sflag:s22], $0x400  }
.LBB2_22:
0x10f: {  	s4 =	sshra.s32 s3, $0x2;
	[sflag:s22] =	ssyncset.done $0x0;
	p4 =	sne.s32 s3, $0x26000  }
.Ltmp10:
0x110: {  	s4 =	sadd.s32 s4, s10;
	[sflag:s22] =	ssyncadd.s32 $0xFFFFFC00;
	(pc) =	sbr.rel @p4 .LBB2_22-.Ltmp10, $3  }
0x111: {  	[spmem:s4] =	stream.linear.scatter [tilespmem:s29], [sflag:$0x2], $0x400, $0x38;
	[tilespmem:$0x1E298] =	vst v63  }
0x112: {  	s3 =	sadd.s32 $0x1000, s3;
	_ =	sdelay $0x1  }
0x113: {  	_ =	swait.ge [sflag:s22], $0x400  }
0x114: {  	[sflag:s22] =	ssyncset.done $0x0  }
0x115: {  	s3 =	simm.s32 @!p2 $0x13810;
	[sflag:s22] =	ssyncadd.s32 $0xFFFFFC00  }
0x116: {  	[spmem:s11] =	stream.linear.scatter @!p2 [tilespmem:s3], [sflag:$0x2], $0x400, $0x38;
	[tilespmem:$0x1E298] =	vst v63  }
0x117: {  	s3 =	simm.s32 @!p2 $0x2  }
0x118: {  	_ =	swait.ge @!p2 [sflag:s3], $0x400  }
0x119: {  	[sflag:s3] =	ssyncset.done @!p2 $0x0  }
0x11a: {  	s20 =	simm.s32 $0x0;
	[sflag:s3] =	ssyncadd.s32 @!p2 $0xFFFFFC00  }
0x11b: {  	s7 =	simm.s32 $0xC803;
	s23 =	simm.s32 $0x0;
	[bflag:$0x0] =	sbarrier.arrive $0xFFFF  }
.LBB2_24:
0x11c: {  	s24 =	sshll.u32 s23, $0x7  }
0x11d: {  	s3 =	sadd.s32 $0xF010, s24  }
0x11e: {  	[tilespmem:s31], [sflag:$0x1] =	stream.indirect.gather [hbm4b:s6+s30], $0x40, s3, s30, $0xb8;
	[tilespmem:$0x1E298] =	vst v63  }
0x11f: {  	s12 =	sand.u32 $0x78, s20;
	_ =	swait.ge [sflag:s26], $0x2000  }
0x120: {  	s25 =	simm.s32 $0x11890;
	s4 =	sadd.s32 $0xC800, s24;
	[sflag:s26] =	ssyncset.done $0x0  }
0x121: {  	s8 =	sand.u32 $0x4, s20;
	s3 =	sadd.s32 s12, s4;
	[sflag:s26] =	ssyncadd.s32 $0xFFFFE000  }
0x122: {  	s8 =	sadd.s32 s8, s3;
	v3 =	vld [tilespmem:s25+$0xFFFFFFB0]  }
0x123: {  	v4 =	vld.msk [tilespmem:s8+$0x0 ss:$0x0], $0xffff  }
0x124: {  	v5 =	vld [tilespmem:s25+$0xFFFFFF80]  }
0x125: {  	v6 =	vld [tilespmem:s25+$0xFFFFFF90]  }
0x126: {  	v7 =	vld [tilespmem:s25+$0xFFFFFFA0];
	_ =	sdelay $0x1  }
0x127: {  	v3 =	vmul.f32 v3, v4  }
0x128: {  	v5 =	vmul.f32 v4, v5  }
0x129: {  	v6 =	vmul.f32 v6, v4;
	[tilespmem:s25+$0xFFFFFFB0] =	vst v3  }
0x12a: {  	s13 =	simm.s32 $0x1;
	v3 =	vmul.f32 v7, v4;
	[tilespmem:s25+$0xFFFFFF80] =	vst v5  }
0x12b: {  	s8 =	sand.u32 $0x5, s13;
	[tilespmem:s25+$0xFFFFFF90] =	vst v6  }
0x12c: {  	s8 =	sadd.s32 s8, s3;
	v4 =	vld [tilespmem:s25+$0xFFFFFFC0];
	[tilespmem:s25+$0xFFFFFFA0] =	vst v3  }
0x12d: {  	v3 =	vld.msk [tilespmem:s8+$0x0 ss:$0x0], $0xffff  }
0x12e: {  	v5 =	vld [tilespmem:s25+$0xFFFFFFF0]  }
0x12f: {  	v6 =	vld [tilespmem:s25+$0xFFFFFFD0]  }
0x130: {  	v7 =	vld [tilespmem:s25+$0xFFFFFFE0];
	_ =	sdelay $0x1  }
0x131: {  	v4 =	vmul.f32 v3, v4  }
0x132: {  	v5 =	vmul.f32 v5, v3  }
0x133: {  	v6 =	vmul.f32 v6, v3;
	[tilespmem:s25+$0xFFFFFFC0] =	vst v4  }
0x134: {  	s21 =	simm.s32 $0x2;
	v3 =	vmul.f32 v7, v3;
	[tilespmem:s25+$0xFFFFFFF0] =	vst v5  }
0x135: {  	s8 =	sand.u32 $0x6, s21;
	[tilespmem:s25+$0xFFFFFFD0] =	vst v6  }
0x136: {  	s3 =	sadd.s32 s8, s3;
	[tilespmem:s25+$0xFFFFFFE0] =	vst v3;
	v3 =	vld [tilespmem:s25+$0x0]  }
0x137: {  	v4 =	vld.msk [tilespmem:s3+$0x0 ss:$0x0], $0xffff  }
0x138: {  	v5 =	vld [tilespmem:s25+$0x30]  }
0x139: {  	v6 =	vld [tilespmem:s25+$0x20]  }
0x13a: {  	v7 =	vld [tilespmem:s25+$0x10];
	_ =	sdelay $0x1  }
0x13b: {  	v3 =	vmul.f32 v4, v3  }
0x13c: {  	v5 =	vmul.f32 v5, v4  }
0x13d: {  	v6 =	vmul.f32 v6, v4;
	[tilespmem:s25+$0x0] =	vst v3  }
0x13e: {  	s28 =	simm.s32 $0x4;
	v4 =	vmul.f32 v7, v4;
	[tilespmem:s25+$0x30] =	vst v5  }
0x13f: {  	s21 =	smov.u32 s7;
	s8 =	simm.s32 $0x11890;
	s3 =	smov.u32 s7;
	[tilespmem:s25+$0x20] =	vst v6;
	v3 =	vld [tilespmem:s25+$0x40]  }
.LBB2_25:
0x140: {  	p4 =	sne.s32 s28, $0x7C;
	[tilespmem:s25+$0x10] =	vst v4;
	v4 =	vld [tilespmem:s25+$0x70];
	s21 =	sadd.s32 $0x4, s21;
	s8 =	sadd.s32 $0x100, s8  }
0x141: {  	s9 =	smov.u32 s28;
	s28 =	sadd.s32 $0x4, s28;
	v5 =	vld.msk [tilespmem:s3+$0x0 ss:$0x0], $0xffff;
	s3 =	smov.u32 s21  }
0x142: {  	v6 =	vld [tilespmem:s25+$0x50]  }
0x143: {  	v7 =	vld [tilespmem:s25+$0x60];
	_ =	sdelay $0x3  }
0x144: {  	v3 =	vmul.f32 v5, v3;
	v6 =	vmul.f32 v6, v5  }
0x145: {  	v4 =	vmul.f32 v4, v5;
	v7 =	vmul.f32 v7, v5  }
0x146: {  	[tilespmem:s25+$0x40] =	vst v3  }
0x147: {  	s12 =	sand.u32 $0x78, s9;
	[tilespmem:s25+$0x50] =	vst v6  }
0x148: {  	s13 =	sand.u32 $0x4, s9;
	s12 =	sadd.s32 s12, s4;
	v3 =	vld [tilespmem:s8+$0xFFFFFFA0];
	[tilespmem:s25+$0x70] =	vst v4  }
0x149: {  	s13 =	sadd.s32 s13, s12;
	v4 =	vld [tilespmem:s8+$0xFFFFFFB0];
	[tilespmem:s25+$0x60] =	vst v7;
	s25 =	smov.u32 s8  }
0x14a: {  	v5 =	vld.msk [tilespmem:s13+$0x0 ss:$0x0], $0xffff  }
0x14b: {  	v6 =	vld [tilespmem:s8+$0xFFFFFF80]  }
0x14c: {  	v7 =	vld [tilespmem:s8+$0xFFFFFF90];
	_ =	sdelay $0x3  }
0x14d: {  	v4 =	vmul.f32 v4, v5;
	v6 =	vmul.f32 v5, v6  }
0x14e: {  	v3 =	vmul.f32 v3, v5;
	v7 =	vmul.f32 v7, v5  }
0x14f: {  	[tilespmem:s8+$0xFFFFFFB0] =	vst v4  }
0x150: {  	s13 =	sadd.s32 $0x1, s9;
	[tilespmem:s8+$0xFFFFFF80] =	vst v6  }
0x151: {  	s13 =	sand.u32 $0x5, s13;
	[tilespmem:s8+$0xFFFFFF90] =	vst v7;
	v4 =	vld [tilespmem:s8+$0xFFFFFFF0]  }
0x152: {  	s13 =	sadd.s32 s13, s12;
	[tilespmem:s8+$0xFFFFFFA0] =	vst v3;
	v3 =	vld [tilespmem:s8+$0xFFFFFFD0]  }
0x153: {  	v5 =	vld.msk [tilespmem:s13+$0x0 ss:$0x0], $0xffff  }
0x154: {  	v6 =	vld [tilespmem:s8+$0xFFFFFFC0]  }
0x155: {  	v7 =	vld [tilespmem:s8+$0xFFFFFFE0];
	_ =	sdelay $0x3  }
0x156: {  	v3 =	vmul.f32 v3, v5;
	v6 =	vmul.f32 v5, v6  }
0x157: {  	v4 =	vmul.f32 v4, v5;
	v7 =	vmul.f32 v7, v5  }
0x158: {  	[tilespmem:s8+$0xFFFFFFC0] =	vst v6  }
0x159: {  	s9 =	sadd.s32 $0x2, s9;
	[tilespmem:s8+$0xFFFFFFF0] =	vst v4  }
0x15a: {  	s9 =	sand.u32 $0x6, s9;
	[tilespmem:s8+$0xFFFFFFD0] =	vst v3;
	v3 =	vld [tilespmem:s8+$0x30]  }
0x15b: {  	s9 =	sadd.s32 s9, s12;
	[tilespmem:s8+$0xFFFFFFE0] =	vst v7;
	v4 =	vld [tilespmem:s8+$0x0]  }
0x15c: {  	v5 =	vld.msk [tilespmem:s9+$0x0 ss:$0x0], $0xffff  }
0x15d: {  	v6 =	vld [tilespmem:s8+$0x10]  }
0x15e: {  	v7 =	vld [tilespmem:s8+$0x20];
	_ =	sdelay $0x3  }
.Ltmp11:
0x15f: {  	v8 =	vmul.f32 v5, v4;
	v4 =	vmul.f32 v6, v5;
	(pc) =	sbr.rel @p4 .LBB2_25-.Ltmp11, $4  }
0x160: {  	v3 =	vmul.f32 v3, v5;
	v6 =	vmul.f32 v7, v5  }
0x161: {  	[tilespmem:s8+$0x0] =	vst v8  }
0x162: {  	[tilespmem:s8+$0x30] =	vst v3  }
0x163: {  	[tilespmem:s8+$0x20] =	vst v6;
	v3 =	vld [tilespmem:s8+$0x40]  }
0x164: {  	[tilespmem:s25+$0x10] =	vst v4  }
0x165: {  	v4 =	vld.msk [tilespmem:s3+$0x0 ss:$0x0], $0xffff  }
0x166: {  	v5 =	vld [tilespmem:s25+$0x50]  }
0x167: {  	v6 =	vld [tilespmem:s25+$0x70]  }
0x168: {  	v7 =	vld [tilespmem:s25+$0x60];
	_ =	sdelay $0x1  }
0x169: {  	v3 =	vmul.f32 v4, v3  }
0x16a: {  	v5 =	vmul.f32 v5, v4  }
0x16b: {  	v6 =	vmul.f32 v6, v4;
	[tilespmem:s25+$0x40] =	vst v3  }
0x16c: {  	s23 =	sadd.s32 $0x1, s23;
	v3 =	vmul.f32 v7, v4;
	[tilespmem:s25+$0x50] =	vst v5  }
0x16d: {  	p4 =	sne.s32 s23, $0x50;
	[tilespmem:s25+$0x70] =	vst v6  }
.Ltmp12:
0x16e: {  	s28 =	sadd.s32 $0x5000, s24;
	[tilespmem:s25+$0x60] =	vst v3;
	(pc) =	sbr.rel @p4 .LBB2_24-.Ltmp12, $4  }
0x16f: {  	[spmem:s2] =	stream.indirect.scatter.add.f32 [tilespmem:s31], [sflag:$0x2], $0x40, s28, s30, $0xb8;
	[tilespmem:$0x1E298] =	vst v63  }
0x170: {  	_ =	swait.ge [sflag:s22], $0x2000  }
0x171: {  	[sflag:s22] =	ssyncset.done $0x0  }
0x172: {  	s7 =	sadd.s32 $0x80, s7;
	[sflag:s22] =	ssyncadd.s32 $0xFFFFE000  }
0x173: {  	[bflag:$0x0] =	sbarrier.arrive $0xFFFF  }
0x174: {  	[hbm:s14], [sflag:s18] =	dma.local [spmem:s19], $0x1380  }
0x175: {  	_ =	swait.ge [sflag:s22], $0x1380  }
0x176: {  	[sflag:s22] =	ssyncset.done $0x0  }
0x177: {  	s3 =	sshrl.u32 @p1 s1, $0x3;
	[sflag:s22] =	ssyncadd.s32 $0xFFFFEC80  }
0x178: {  	[hbm:s15], [sflag:s18] =	dma.local @p1 [spmem:s3], $0x4E2  }
0x179: {  	s3 =	simm.s32 @p1 $0x2  }
0x17a: {  	_ =	swait.ge @p1 [sflag:s3], $0x4E2  }
0x17b: {  	s0 =	sadd.s32 $0x1, s0;
	[sflag:s3] =	ssyncset.done @p1 $0x0  }
0x17c: {  	p4 =	sne.s32 s0, s17;
	[sflag:s3] =	ssyncadd.s32 @p1 $0xFFFFFB1E;
	s3 =	sshrl.u32 @!p3 s11, $0x3  }
0x17d: {  	[hbm:s16], [sflag:s18] =	dma.local @!p3 [spmem:s3], $0x80  }
.Ltmp13:
0x17e: {  	_ = 	snop;
	(pc) =	sbr.rel @p4 .LBB2_1-.Ltmp13, $4  }
0x17f: {  	s3 =	simm.s32 @!p3 $0x2  }
0x180: {  	_ =	swait.ge @!p3 [sflag:s3], $0x80  }
0x181: {  	[sflag:s3] =	ssyncset.done @!p3 $0x0  }
0x182: {  	[sflag:s3] =	ssyncadd.s32 @!p3 $0xFFFFFF80  }
0x183: {  	_ =	sfence.sel $0x180000  }
0x184: {  	[bflag:$0x0] =	sbarrier.arrive $0xFFFF  }
0x185: {  	_ =	strace $0x9000004A  }
0x186: {  	[bflag:$0x2] =	sbarrier.arrive $0xFFFF  }
0x187: {  	s0 =	rddreg [dreg:$0x3]  }
0x188: {  	s0 =	sadd.s32 @!p0 $0x100000, s0  }
0x189: {  	[sflag:s0] =	ssyncadd.tile.s32 @!p0 $0x1;
	_ =	shalt  }
.Lfunc_end2:
_tile_overlayer_lowered:
.L_overlay_start_2:
0x18a: {  	(tag) =	ssettag $0x2  }
0x18b: {  	s0 =	rddreg [dreg:$0x0];
	s2 =	stileid.u32  }
0x18c: {  	s1 =	rddreg [dreg:$0x1];
	p0 =	sne.s32 s2, $0x0  }
0x18d: {  	s3 =	rddreg [dreg:$0x2];
	[bflag:$0x3] =	sbarrier.arrive $0xFFFF;
	s2 =	simm.s32 @!p0 $0x1C02  }
0x18e: {  	[timem:s3], [sflag:s2] =	dma.local @!p0 [hbm:s0], s1  }
0x18f: {  	s0 =	simm.s32 @!p0 $0x2  }
0x190: {  	_ =	swait.ge @!p0 [sflag:s0], s1  }
0x191: {  	s1 =	ssub.s32 @!p0 $0x0, s1;
	[sflag:s0] =	ssyncset.done @!p0 $0x0  }
0x192: {  	[sflag:s0] =	ssyncadd.s32 @!p0 s1  }
0x193: {  	[bflag:$0x3] =	sbarrier.arrive $0xFFFF  }
0x194: {  	_ =	shalt  }

</sc_bundles>
